<compile_context>
chip_gen: v7x
topology: tpu7x:2x2x1
jax: 0.10.2.dev20260603
libtpu: 0.0.44.dev20260713+nightly
codegen_flags: <defaults>
</compile_context>

<pallas_src>
import functools

import jax
import jax.numpy as jnp
from jax import lax
from jax.experimental import pallas as pl
from jax.experimental.pallas import tpu as pltpu
from jax.experimental.pallas import tpu_sc as plsc

MAX_DISTANCE = 128
NUM_HEADS = 12
EMBEDDING_DIM = 32
SEQ_LEN = 512

_ROWS = 2 * MAX_DISTANCE + 1
_D = NUM_HEADS * EMBEDDING_DIM
_Q_COLS = 2 * SEQ_LEN
_SLAB = _Q_COLS // 16
_SHIFTS_PER_CORE = 4
_TBAND = 72
_HD_BLK = 48


def _make_sc_call():
    info = plsc.get_sparse_core_info()
    nc, ns = info.num_cores, info.num_subcores
    mesh = plsc.VectorSubcoreMesh(core_axis_name="c", subcore_axis_name="s")

    @functools.partial(
        pl.kernel,
        mesh=mesh,
        compiler_params=pltpu.CompilerParams(
            use_tc_tiling_on_sc=False, needs_layout_passes=False
        ),
        out_type=jax.ShapeDtypeStruct((SEQ_LEN, _D, SEQ_LEN), jnp.float32),
        scratch_types=[
            pltpu.VMEM((_TBAND, NUM_HEADS, EMBEDDING_DIM), jnp.float32),
            pltpu.VMEM((_HD_BLK, _SLAB), jnp.float32),
            pltpu.VMEM_SHARED((_SHIFTS_PER_CORE, _D, _Q_COLS), jnp.float32),
            pltpu.SemaphoreType.DMA,
        ],
    )
    def call(table, out, tbuf, qbuf, q_sh, wsem):
        cid = lax.axis_index("c")
        sid = lax.axis_index("s")
        iota = lax.iota(jnp.int32, 16)

        k0 = sid * _SLAB
        lo = jnp.clip(569 - k0, 0, _ROWS - _TBAND)
        pltpu.sync_copy(table.at[pl.ds(lo, _TBAND)], tbuf)
        for u in range(_SHIFTS_PER_CORE):
            base = 639 - (_SHIFTS_PER_CORE * cid + u) - k0
            rowvs = [
                jnp.clip(base - (16 * v + iota), 0, _ROWS - 1) - lo
                for v in range(_SLAB // 16)
            ]
            for blk in range(_D // _HD_BLK):

                def build(hdl, acc, rowvs=rowvs, blk=blk):
                    hd = blk * _HD_BLK + hdl
                    hv = jnp.broadcast_to(hd // EMBEDDING_DIM, (16,))
                    dv = jnp.broadcast_to(hd % EMBEDDING_DIM, (16,))
                    for v, rowv in enumerate(rowvs):
                        qbuf[hdl, pl.ds(16 * v, 16)] = plsc.load_gather(
                            tbuf, [rowv, hv, dv]
                        )
                    return acc

                lax.fori_loop(0, _HD_BLK, build, 0)
                pltpu.sync_copy(
                    qbuf,
                    q_sh.at[u, pl.ds(blk * _HD_BLK, _HD_BLK), pl.ds(k0, _SLAB)],
                )
        plsc.subcore_barrier()

        writes = []
        for t1 in range(4):
            g = 4 * sid + t1
            s_off = pl.multiple_of(504 - 8 * g, 8)
            for t2 in range(4):
                i = 8 * g + t2 + 4 * (1 - cid)
                writes.append(
                    pltpu.async_copy(
                        q_sh.at[3 - t2, :, pl.ds(s_off, SEQ_LEN)],
                        out.at[i],
                        wsem,
                    )
                )
        for w in writes:
            w.wait()

    return call


def kernel(rel_embeddings, seq_len):
    del seq_len
    out_t = _make_sc_call()(rel_embeddings)
    out_t = out_t.reshape(SEQ_LEN, NUM_HEADS, EMBEDDING_DIM, SEQ_LEN)
    return out_t.transpose(0, 3, 1, 2)

# --- scband reference (transcript-rebuilt; emitter-appended) ---
"""Pipeline reference for scband-relative-position-encoding-76115410420412 (READ-ONLY COPY).

The authoritative reference and input builder live on the scoring server;
editing this copy changes nothing except your own understanding.
"""

import jax, jax.numpy as jnp
import numpy as np

MAX_DISTANCE = 128
NUM_HEADS = 12
EMBEDDING_DIM = 32
SEQ_LEN = 512


def setup_inputs(seed: int = 0) -> dict:
    key = jax.random.key(seed)
    k1, _ = jax.random.split(key)
    # Learned relative embedding table, xavier_uniform with gain=0.1 approximated
    # faithfully: xavier_uniform bound = gain * sqrt(6/(fan_in+fan_out)).
    # torch treats the param as (2*max_distance+1, num_heads, embedding_dim);
    # fan_in = num_heads*embedding_dim, fan_out computed over last dims by torch's
    # _calculate_fan_in_and_fan_out: fan_in = num_heads*embedding_dim (receptive field
    # = embedding_dim, in = num_heads), fan_out = (2*max_distance+1)*embedding_dim.
    rows = 2 * MAX_DISTANCE + 1
    fan_in = NUM_HEADS * EMBEDDING_DIM
    fan_out = rows * EMBEDDING_DIM
    bound = 0.1 * np.sqrt(6.0 / (fan_in + fan_out))
    rel_embeddings = jax.random.uniform(
        k1, (rows, NUM_HEADS, EMBEDDING_DIM), dtype=jnp.float32,
        minval=-bound, maxval=bound)
    return {"rel_embeddings": rel_embeddings, "seq_len": SEQ_LEN}


def reference(rel_embeddings, seq_len):
    positions = jnp.arange(SEQ_LEN) + jnp.asarray(seq_len) * 0
    relative_positions = positions[:, None] - positions[None, :]
    relative_positions = jnp.clip(relative_positions, -MAX_DISTANCE, MAX_DISTANCE)
    relative_positions = relative_positions + MAX_DISTANCE
    # Gather: [seq_len, seq_len] indices into [2*max_distance+1, H, D] table
    return jnp.take(rel_embeddings, relative_positions, axis=0)

if __name__ == "__main__":
    import jax
    _d = setup_inputs()
    print(jax.jit(kernel)(*tuple(_d.values())))

</pallas_src>

<mosaic_0001>
#map = affine_map<(d0, d1) -> (0, 0, 0)>
module attributes {stable_mosaic.version = 14 : i64} {
  func.func @call(%arg0: i32, %arg1: i32, %arg2: memref<257x12x32xf32, #tpu.memory_space<hbm>>, %arg3: memref<512x384x512xf32, #tpu.memory_space<hbm>>, %arg4: memref<72x12x32xf32, #tpu.memory_space<vmem>>, %arg5: memref<48x64xf32, #tpu.memory_space<vmem>>, %arg6: memref<4x384x1024xf32, #tpu.memory_space<vmem_shared>>, %arg7: memref<!tpu.dma_semaphore, #tpu.memory_space<semaphore_mem>>) attributes {dimension_semantics = [#tpu.dimension_semantics<core_parallel>, #tpu.dimension_semantics<subcore_parallel>], iteration_bounds = array<i64: 2, 16>, scalar_prefetch = 0 : i64, scratch_operands = 4 : i64, tpu.core_type = #tpu.core_type<sc_vector_subcore>, window_params = [{transform_indices = #map}, {transform_indices = #map}]} {
    %iota3A = tpu.iota {dimensions = array<i32: 0>} : vector<16xi32>
    %mul3A = arith.constant 64 : i32
    %mul3A_0 = arith.muli %arg1, %mul3A : i32
    %sub3A = arith.constant 569 : i32
    %sub3A_1 = arith.subi %sub3A, %mul3A_0 : i32
    %jit3A = arith.constant 0 : i32
    %jit3A_2 = arith.constant 185 : i32
    %max3A = arith.maxsi %jit3A, %sub3A_1 : i32
    %min3A = arith.minsi %jit3A_2, %max3A : i32
    "tpu.region"() ({
      %run_scoped3A_893 = tpu.sem_alloc : memref<!tpu.dma_semaphore, #tpu.memory_space<semaphore_mem>>
      %dma_start3A_894 = arith.constant 0 : i32
      %dma_start3A_895 = arith.constant 0 : i32
      %dma_start3A_896 = tpu.memref_slice %arg2[%min3A, %dma_start3A_894, %dma_start3A_895] : memref<257x12x32xf32, #tpu.memory_space<hbm>> -> memref<72x12x32xf32, #tpu.memory_space<hbm>>
      %dma_start3A_897 = arith.constant 0 : i32
      %dma_start3A_898 = arith.constant 0 : i32
      %dma_start3A_899 = tpu.memref_slice %arg2[%min3A, %dma_start3A_897, %dma_start3A_898] : memref<257x12x32xf32, #tpu.memory_space<hbm>> -> memref<72x12x32xf32, #tpu.memory_space<hbm>>
      tpu.enqueue_dma source(%dma_start3A_899 : memref<72x12x32xf32, #tpu.memory_space<hbm>>) target(%arg4 : memref<72x12x32xf32, #tpu.memory_space<vmem>>) target_semaphore(%run_scoped3A_893 : memref<!tpu.dma_semaphore, #tpu.memory_space<semaphore_mem>>)
      %dma_wait3A_900 = arith.constant 0 : i32
      %dma_wait3A_901 = arith.constant 0 : i32
      %dma_wait3A_902 = tpu.memref_slice %arg2[%min3A, %dma_wait3A_900, %dma_wait3A_901] : memref<257x12x32xf32, #tpu.memory_space<hbm>> -> memref<72x12x32xf32, #tpu.memory_space<hbm>>
      %dma_wait3A_903 = arith.constant 0 : i32
      %dma_wait3A_904 = arith.constant 0 : i32
      %dma_wait3A_905 = tpu.memref_slice %arg2[%min3A, %dma_wait3A_903, %dma_wait3A_904] : memref<257x12x32xf32, #tpu.memory_space<hbm>> -> memref<72x12x32xf32, #tpu.memory_space<hbm>>
      tpu.wait_dma2 semaphore(%run_scoped3A_893 : memref<!tpu.dma_semaphore, #tpu.memory_space<semaphore_mem>>) src(%dma_wait3A_905 : memref<72x12x32xf32, #tpu.memory_space<hbm>>) dst(%arg4 : memref<72x12x32xf32, #tpu.memory_space<vmem>>)
      tpu.yield
    }) : () -> ()
    %mul3A_3 = arith.constant 4 : i32
    %mul3A_4 = arith.muli %mul3A_3, %arg0 : i32
    %add3A = arith.constant 0 : i32
    %add3A_5 = arith.addi %mul3A_4, %add3A : i32
    %sub3A_6 = arith.constant 639 : i32
    %sub3A_7 = arith.subi %sub3A_6, %add3A_5 : i32
    %sub3A_8 = arith.subi %sub3A_7, %mul3A_0 : i32
    %add3A_9 = arith.constant 0 : i32
    %add3A_10 = vector.broadcast %add3A_9 : i32 to vector<16xi32>
    %add3A_11 = arith.addi %add3A_10, %iota3A : vector<16xi32>
    %sub3A_12 = vector.broadcast %sub3A_8 : i32 to vector<16xi32>
    %sub3A_13 = arith.subi %sub3A_12, %add3A_11 : vector<16xi32>
    %jit3A_14 = arith.constant 0 : i32
    %jit3A_15 = arith.constant 256 : i32
    %max3A_16 = vector.broadcast %jit3A_14 : i32 to vector<16xi32>
    %max3A_17 = arith.maxsi %max3A_16, %sub3A_13 : vector<16xi32>
    %min3A_18 = vector.broadcast %jit3A_15 : i32 to vector<16xi32>
    %min3A_19 = arith.minsi %min3A_18, %max3A_17 : vector<16xi32>
    %sub3A_20 = vector.broadcast %min3A : i32 to vector<16xi32>
    %sub3A_21 = arith.subi %min3A_19, %sub3A_20 : vector<16xi32>
    %add3A_22 = arith.constant 16 : i32
    %add3A_23 = vector.broadcast %add3A_22 : i32 to vector<16xi32>
    %add3A_24 = arith.addi %add3A_23, %iota3A : vector<16xi32>
    %sub3A_25 = vector.broadcast %sub3A_8 : i32 to vector<16xi32>
    %sub3A_26 = arith.subi %sub3A_25, %add3A_24 : vector<16xi32>
    %jit3A_27 = arith.constant 0 : i32
    %jit3A_28 = arith.constant 256 : i32
    %max3A_29 = vector.broadcast %jit3A_27 : i32 to vector<16xi32>
    %max3A_30 = arith.maxsi %max3A_29, %sub3A_26 : vector<16xi32>
    %min3A_31 = vector.broadcast %jit3A_28 : i32 to vector<16xi32>
    %min3A_32 = arith.minsi %min3A_31, %max3A_30 : vector<16xi32>
    %sub3A_33 = vector.broadcast %min3A : i32 to vector<16xi32>
    %sub3A_34 = arith.subi %min3A_32, %sub3A_33 : vector<16xi32>
    %add3A_35 = arith.constant 32 : i32
    %add3A_36 = vector.broadcast %add3A_35 : i32 to vector<16xi32>
    %add3A_37 = arith.addi %add3A_36, %iota3A : vector<16xi32>
    %sub3A_38 = vector.broadcast %sub3A_8 : i32 to vector<16xi32>
    %sub3A_39 = arith.subi %sub3A_38, %add3A_37 : vector<16xi32>
    %jit3A_40 = arith.constant 0 : i32
    %jit3A_41 = arith.constant 256 : i32
    %max3A_42 = vector.broadcast %jit3A_40 : i32 to vector<16xi32>
    %max3A_43 = arith.maxsi %max3A_42, %sub3A_39 : vector<16xi32>
    %min3A_44 = vector.broadcast %jit3A_41 : i32 to vector<16xi32>
    %min3A_45 = arith.minsi %min3A_44, %max3A_43 : vector<16xi32>
    %sub3A_46 = vector.broadcast %min3A : i32 to vector<16xi32>
    %sub3A_47 = arith.subi %min3A_45, %sub3A_46 : vector<16xi32>
    %add3A_48 = arith.constant 48 : i32
    %add3A_49 = vector.broadcast %add3A_48 : i32 to vector<16xi32>
    %add3A_50 = arith.addi %add3A_49, %iota3A : vector<16xi32>
    %sub3A_51 = vector.broadcast %sub3A_8 : i32 to vector<16xi32>
    %sub3A_52 = arith.subi %sub3A_51, %add3A_50 : vector<16xi32>
    %jit3A_53 = arith.constant 0 : i32
    %jit3A_54 = arith.constant 256 : i32
    %max3A_55 = vector.broadcast %jit3A_53 : i32 to vector<16xi32>
    %max3A_56 = arith.maxsi %max3A_55, %sub3A_52 : vector<16xi32>
    %min3A_57 = vector.broadcast %jit3A_54 : i32 to vector<16xi32>
    %min3A_58 = arith.minsi %min3A_57, %max3A_56 : vector<16xi32>
    %sub3A_59 = vector.broadcast %min3A : i32 to vector<16xi32>
    %sub3A_60 = arith.subi %min3A_58, %sub3A_59 : vector<16xi32>
    %scan3A = arith.constant 0 : i32
    %scan3A_61 = arith.constant 0 : i32
    %scan3A_62 = arith.constant 48 : i32
    %scan3A_63 = arith.addi %scan3A_61, %scan3A_62 : i32
    %scan3A_64 = arith.constant 1 : i32
    scf.for %scan3A_893 = %scan3A_61 to %scan3A_63 step %scan3A_64  : i32 {
      %add3A_894 = arith.constant 0 : i32
      %add3A_895 = arith.addi %add3A_894, %scan3A_893 : i32
      %jit3A_896 = arith.constant 32 : i32
      %div3A = arith.divsi %add3A_895, %jit3A_896 : i32
      %sign3A = arith.constant 0 : i32
      %sign3A_897 = arith.cmpi sgt, %add3A_895, %sign3A : i32
      %sign3A_898 = arith.extui %sign3A_897 : i1 to i32
      %sign3A_899 = arith.constant 0 : i32
      %sign3A_900 = arith.cmpi slt, %add3A_895, %sign3A_899 : i32
      %sign3A_901 = arith.extui %sign3A_900 : i1 to i32
      %sign3A_902 = arith.subi %sign3A_898, %sign3A_901 : i32
      %sign3A_903 = arith.constant 0 : i32
      %sign3A_904 = arith.cmpi sgt, %jit3A_896, %sign3A_903 : i32
      %sign3A_905 = arith.extui %sign3A_904 : i1 to i32
      %sign3A_906 = arith.constant 0 : i32
      %sign3A_907 = arith.cmpi slt, %jit3A_896, %sign3A_906 : i32
      %sign3A_908 = arith.extui %sign3A_907 : i1 to i32
      %sign3A_909 = arith.subi %sign3A_905, %sign3A_908 : i32
      %ne3A = arith.cmpi ne, %sign3A_902, %sign3A_909 : i32
      %rem3A = arith.remsi %add3A_895, %jit3A_896 : i32
      %ne3A_910 = arith.constant 0 : i32
      %ne3A_911 = arith.cmpi ne, %rem3A, %ne3A_910 : i32
      %and3A = arith.andi %ne3A, %ne3A_911 : i1
      %sub3A_912 = arith.constant 1 : i32
      %sub3A_913 = arith.subi %div3A, %sub3A_912 : i32
      %select_n3A = arith.select %and3A, %sub3A_913, %div3A : i32
      %broadcast_in_dim3A = vector.broadcast %select_n3A : i32 to vector<16xi32>
      %jit3A_914 = arith.constant 32 : i32
      %eq3A = arith.constant 0 : i32
      %eq3A_915 = arith.cmpi eq, %jit3A_914, %eq3A : i32
      %jit3A_916 = arith.constant 1 : i32
      %select_n3A_917 = arith.select %eq3A_915, %jit3A_916, %jit3A_914 : i32
      %rem3A_918 = arith.remsi %add3A_895, %select_n3A_917 : i32
      %ne3A_919 = arith.constant 0 : i32
      %ne3A_920 = arith.cmpi ne, %rem3A_918, %ne3A_919 : i32
      %lt3A = arith.constant 0 : i32
      %lt3A_921 = arith.cmpi slt, %rem3A_918, %lt3A : i32
      %lt3A_922 = arith.constant 0 : i32
      %lt3A_923 = arith.cmpi slt, %select_n3A_917, %lt3A_922 : i32
      %ne3A_924 = arith.xori %lt3A_921, %lt3A_923 : i1
      %and3A_925 = arith.andi %ne3A_924, %ne3A_920 : i1
      %add3A_926 = arith.addi %rem3A_918, %select_n3A_917 : i32
      %select_n3A_927 = arith.select %and3A_925, %add3A_926, %rem3A_918 : i32
      %broadcast_in_dim3A_928 = vector.broadcast %select_n3A_927 : i32 to vector<16xi32>
      %gather3A = tpu.vector_load_idx %arg4[%sub3A_21, %broadcast_in_dim3A, %broadcast_in_dim3A_928] : memref<72x12x32xf32, #tpu.memory_space<vmem>>[vector<16xi32>, vector<16xi32>, vector<16xi32>], vector<16xf32>,
      %swap3A = arith.index_cast %scan3A_893 : i32 to index
      %swap3A_929 = arith.constant 0 : index
      %swap3A_930 = tpu.vector_load %arg5[%swap3A, %swap3A_929] {strides = array<i32>} : memref<48x64xf32, #tpu.memory_space<vmem>>, vector<16xf32>,
      tpu.vector_store %arg5[%swap3A, %swap3A_929], %gather3A {strides = array<i32>} : memref<48x64xf32, #tpu.memory_space<vmem>>, vector<16xf32>,
      %gather3A_931 = tpu.vector_load_idx %arg4[%sub3A_34, %broadcast_in_dim3A, %broadcast_in_dim3A_928] : memref<72x12x32xf32, #tpu.memory_space<vmem>>[vector<16xi32>, vector<16xi32>, vector<16xi32>], vector<16xf32>,
      %swap3A_932 = arith.index_cast %scan3A_893 : i32 to index
      %swap3A_933 = arith.constant 16 : index
      %swap3A_934 = tpu.vector_load %arg5[%swap3A_932, %swap3A_933] {strides = array<i32>} : memref<48x64xf32, #tpu.memory_space<vmem>>, vector<16xf32>,
      tpu.vector_store %arg5[%swap3A_932, %swap3A_933], %gather3A_931 {strides = array<i32>} : memref<48x64xf32, #tpu.memory_space<vmem>>, vector<16xf32>,
      %gather3A_935 = tpu.vector_load_idx %arg4[%sub3A_47, %broadcast_in_dim3A, %broadcast_in_dim3A_928] : memref<72x12x32xf32, #tpu.memory_space<vmem>>[vector<16xi32>, vector<16xi32>, vector<16xi32>], vector<16xf32>,
      %swap3A_936 = arith.index_cast %scan3A_893 : i32 to index
      %swap3A_937 = arith.constant 32 : index
      %swap3A_938 = tpu.vector_load %arg5[%swap3A_936, %swap3A_937] {strides = array<i32>} : memref<48x64xf32, #tpu.memory_space<vmem>>, vector<16xf32>,
      tpu.vector_store %arg5[%swap3A_936, %swap3A_937], %gather3A_935 {strides = array<i32>} : memref<48x64xf32, #tpu.memory_space<vmem>>, vector<16xf32>,
      %gather3A_939 = tpu.vector_load_idx %arg4[%sub3A_60, %broadcast_in_dim3A, %broadcast_in_dim3A_928] : memref<72x12x32xf32, #tpu.memory_space<vmem>>[vector<16xi32>, vector<16xi32>, vector<16xi32>], vector<16xf32>,
      %swap3A_940 = arith.index_cast %scan3A_893 : i32 to index
      %swap3A_941 = arith.constant 48 : index
      %swap3A_942 = tpu.vector_load %arg5[%swap3A_940, %swap3A_941] {strides = array<i32>} : memref<48x64xf32, #tpu.memory_space<vmem>>, vector<16xf32>,
      tpu.vector_store %arg5[%swap3A_940, %swap3A_941], %gather3A_939 {strides = array<i32>} : memref<48x64xf32, #tpu.memory_space<vmem>>, vector<16xf32>,
    }
    %scan3A_65 = arith.constant 48 : i32
    %run_scoped3A = arith.constant 0 : i32
    "tpu.region"() ({
      %run_scoped3A_893 = tpu.sem_alloc : memref<!tpu.dma_semaphore, #tpu.memory_space<semaphore_mem>>
      %dma_start3A_894 = arith.constant 0 : i32
      %dma_start3A_895 = tpu.memref_slice %arg6[%run_scoped3A, %dma_start3A_894, %mul3A_0] : memref<4x384x1024xf32, #tpu.memory_space<vmem_shared>> -> memref<1x48x64xf32, #tpu.memory_space<vmem_shared>>
      %dma_start3A_896 = tpu.memref_squeeze %dma_start3A_895 : memref<1x48x64xf32, #tpu.memory_space<vmem_shared>> -> memref<48x64xf32, #tpu.memory_space<vmem_shared>>
      %dma_start3A_897 = arith.constant 0 : i32
      %dma_start3A_898 = tpu.memref_slice %arg6[%run_scoped3A, %dma_start3A_897, %mul3A_0] : memref<4x384x1024xf32, #tpu.memory_space<vmem_shared>> -> memref<1x48x64xf32, #tpu.memory_space<vmem_shared>>
      %dma_start3A_899 = tpu.memref_squeeze %dma_start3A_898 : memref<1x48x64xf32, #tpu.memory_space<vmem_shared>> -> memref<48x64xf32, #tpu.memory_space<vmem_shared>>
      tpu.enqueue_dma source(%arg5 : memref<48x64xf32, #tpu.memory_space<vmem>>) target(%dma_start3A_899 : memref<48x64xf32, #tpu.memory_space<vmem_shared>>) target_semaphore(%run_scoped3A_893 : memref<!tpu.dma_semaphore, #tpu.memory_space<semaphore_mem>>)
      %dma_wait3A_900 = arith.constant 0 : i32
      %dma_wait3A_901 = tpu.memref_slice %arg6[%run_scoped3A, %dma_wait3A_900, %mul3A_0] : memref<4x384x1024xf32, #tpu.memory_space<vmem_shared>> -> memref<1x48x64xf32, #tpu.memory_space<vmem_shared>>
      %dma_wait3A_902 = tpu.memref_squeeze %dma_wait3A_901 : memref<1x48x64xf32, #tpu.memory_space<vmem_shared>> -> memref<48x64xf32, #tpu.memory_space<vmem_shared>>
      %dma_wait3A_903 = arith.constant 0 : i32
      %dma_wait3A_904 = tpu.memref_slice %arg6[%run_scoped3A, %dma_wait3A_903, %mul3A_0] : memref<4x384x1024xf32, #tpu.memory_space<vmem_shared>> -> memref<1x48x64xf32, #tpu.memory_space<vmem_shared>>
      %dma_wait3A_905 = tpu.memref_squeeze %dma_wait3A_904 : memref<1x48x64xf32, #tpu.memory_space<vmem_shared>> -> memref<48x64xf32, #tpu.memory_space<vmem_shared>>
      tpu.wait_dma2 semaphore(%run_scoped3A_893 : memref<!tpu.dma_semaphore, #tpu.memory_space<semaphore_mem>>) src(%arg5 : memref<48x64xf32, #tpu.memory_space<vmem>>) dst(%dma_wait3A_905 : memref<48x64xf32, #tpu.memory_space<vmem_shared>>)
      tpu.yield
    }) : () -> ()
    %scan3A_66 = arith.constant 0 : i32
    %scan3A_67 = arith.constant 0 : i32
    %scan3A_68 = arith.constant 48 : i32
    %scan3A_69 = arith.addi %scan3A_67, %scan3A_68 : i32
    %scan3A_70 = arith.constant 1 : i32
    scf.for %scan3A_893 = %scan3A_67 to %scan3A_69 step %scan3A_70  : i32 {
      %add3A_894 = arith.constant 48 : i32
      %add3A_895 = arith.addi %add3A_894, %scan3A_893 : i32
      %jit3A_896 = arith.constant 32 : i32
      %div3A = arith.divsi %add3A_895, %jit3A_896 : i32
      %sign3A = arith.constant 0 : i32
      %sign3A_897 = arith.cmpi sgt, %add3A_895, %sign3A : i32
      %sign3A_898 = arith.extui %sign3A_897 : i1 to i32
      %sign3A_899 = arith.constant 0 : i32
      %sign3A_900 = arith.cmpi slt, %add3A_895, %sign3A_899 : i32
      %sign3A_901 = arith.extui %sign3A_900 : i1 to i32
      %sign3A_902 = arith.subi %sign3A_898, %sign3A_901 : i32
      %sign3A_903 = arith.constant 0 : i32
      %sign3A_904 = arith.cmpi sgt, %jit3A_896, %sign3A_903 : i32
      %sign3A_905 = arith.extui %sign3A_904 : i1 to i32
      %sign3A_906 = arith.constant 0 : i32
      %sign3A_907 = arith.cmpi slt, %jit3A_896, %sign3A_906 : i32
      %sign3A_908 = arith.extui %sign3A_907 : i1 to i32
      %sign3A_909 = arith.subi %sign3A_905, %sign3A_908 : i32
      %ne3A = arith.cmpi ne, %sign3A_902, %sign3A_909 : i32
      %rem3A = arith.remsi %add3A_895, %jit3A_896 : i32
      %ne3A_910 = arith.constant 0 : i32
      %ne3A_911 = arith.cmpi ne, %rem3A, %ne3A_910 : i32
      %and3A = arith.andi %ne3A, %ne3A_911 : i1
      %sub3A_912 = arith.constant 1 : i32
      %sub3A_913 = arith.subi %div3A, %sub3A_912 : i32
      %select_n3A = arith.select %and3A, %sub3A_913, %div3A : i32
      %broadcast_in_dim3A = vector.broadcast %select_n3A : i32 to vector<16xi32>
      %jit3A_914 = arith.constant 32 : i32
      %eq3A = arith.constant 0 : i32
      %eq3A_915 = arith.cmpi eq, %jit3A_914, %eq3A : i32
      %jit3A_916 = arith.constant 1 : i32
      %select_n3A_917 = arith.select %eq3A_915, %jit3A_916, %jit3A_914 : i32
      %rem3A_918 = arith.remsi %add3A_895, %select_n3A_917 : i32
      %ne3A_919 = arith.constant 0 : i32
      %ne3A_920 = arith.cmpi ne, %rem3A_918, %ne3A_919 : i32
      %lt3A = arith.constant 0 : i32
      %lt3A_921 = arith.cmpi slt, %rem3A_918, %lt3A : i32
      %lt3A_922 = arith.constant 0 : i32
      %lt3A_923 = arith.cmpi slt, %select_n3A_917, %lt3A_922 : i32
      %ne3A_924 = arith.xori %lt3A_921, %lt3A_923 : i1
      %and3A_925 = arith.andi %ne3A_924, %ne3A_920 : i1
      %add3A_926 = arith.addi %rem3A_918, %select_n3A_917 : i32
      %select_n3A_927 = arith.select %and3A_925, %add3A_926, %rem3A_918 : i32
      %broadcast_in_dim3A_928 = vector.broadcast %select_n3A_927 : i32 to vector<16xi32>
      %gather3A = tpu.vector_load_idx %arg4[%sub3A_21, %broadcast_in_dim3A, %broadcast_in_dim3A_928] : memref<72x12x32xf32, #tpu.memory_space<vmem>>[vector<16xi32>, vector<16xi32>, vector<16xi32>], vector<16xf32>,
      %swap3A = arith.index_cast %scan3A_893 : i32 to index
      %swap3A_929 = arith.constant 0 : index
      %swap3A_930 = tpu.vector_load %arg5[%swap3A, %swap3A_929] {strides = array<i32>} : memref<48x64xf32, #tpu.memory_space<vmem>>, vector<16xf32>,
      tpu.vector_store %arg5[%swap3A, %swap3A_929], %gather3A {strides = array<i32>} : memref<48x64xf32, #tpu.memory_space<vmem>>, vector<16xf32>,
      %gather3A_931 = tpu.vector_load_idx %arg4[%sub3A_34, %broadcast_in_dim3A, %broadcast_in_dim3A_928] : memref<72x12x32xf32, #tpu.memory_space<vmem>>[vector<16xi32>, vector<16xi32>, vector<16xi32>], vector<16xf32>,
      %swap3A_932 = arith.index_cast %scan3A_893 : i32 to index
      %swap3A_933 = arith.constant 16 : index
      %swap3A_934 = tpu.vector_load %arg5[%swap3A_932, %swap3A_933] {strides = array<i32>} : memref<48x64xf32, #tpu.memory_space<vmem>>, vector<16xf32>,
      tpu.vector_store %arg5[%swap3A_932, %swap3A_933], %gather3A_931 {strides = array<i32>} : memref<48x64xf32, #tpu.memory_space<vmem>>, vector<16xf32>,
      %gather3A_935 = tpu.vector_load_idx %arg4[%sub3A_47, %broadcast_in_dim3A, %broadcast_in_dim3A_928] : memref<72x12x32xf32, #tpu.memory_space<vmem>>[vector<16xi32>, vector<16xi32>, vector<16xi32>], vector<16xf32>,
      %swap3A_936 = arith.index_cast %scan3A_893 : i32 to index
      %swap3A_937 = arith.constant 32 : index
      %swap3A_938 = tpu.vector_load %arg5[%swap3A_936, %swap3A_937] {strides = array<i32>} : memref<48x64xf32, #tpu.memory_space<vmem>>, vector<16xf32>,
      tpu.vector_store %arg5[%swap3A_936, %swap3A_937], %gather3A_935 {strides = array<i32>} : memref<48x64xf32, #tpu.memory_space<vmem>>, vector<16xf32>,
      %gather3A_939 = tpu.vector_load_idx %arg4[%sub3A_60, %broadcast_in_dim3A, %broadcast_in_dim3A_928] : memref<72x12x32xf32, #tpu.memory_space<vmem>>[vector<16xi32>, vector<16xi32>, vector<16xi32>], vector<16xf32>,
      %swap3A_940 = arith.index_cast %scan3A_893 : i32 to index
      %swap3A_941 = arith.constant 48 : index
      %swap3A_942 = tpu.vector_load %arg5[%swap3A_940, %swap3A_941] {strides = array<i32>} : memref<48x64xf32, #tpu.memory_space<vmem>>, vector<16xf32>,
      tpu.vector_store %arg5[%swap3A_940, %swap3A_941], %gather3A_939 {strides = array<i32>} : memref<48x64xf32, #tpu.memory_space<vmem>>, vector<16xf32>,
    }
    %scan3A_71 = arith.constant 48 : i32
    %run_scoped3A_72 = arith.constant 0 : i32
    "tpu.region"() ({
      %run_scoped3A_893 = tpu.sem_alloc : memref<!tpu.dma_semaphore, #tpu.memory_space<semaphore_mem>>
      %dma_start3A_894 = arith.constant 48 : i32
      %dma_start3A_895 = tpu.memref_slice %arg6[%run_scoped3A_72, %dma_start3A_894, %mul3A_0] : memref<4x384x1024xf32, #tpu.memory_space<vmem_shared>> -> memref<1x48x64xf32, #tpu.memory_space<vmem_shared>>
      %dma_start3A_896 = tpu.memref_squeeze %dma_start3A_895 : memref<1x48x64xf32, #tpu.memory_space<vmem_shared>> -> memref<48x64xf32, #tpu.memory_space<vmem_shared>>
      %dma_start3A_897 = arith.constant 48 : i32
      %dma_start3A_898 = tpu.memref_slice %arg6[%run_scoped3A_72, %dma_start3A_897, %mul3A_0] : memref<4x384x1024xf32, #tpu.memory_space<vmem_shared>> -> memref<1x48x64xf32, #tpu.memory_space<vmem_shared>>
      %dma_start3A_899 = tpu.memref_squeeze %dma_start3A_898 : memref<1x48x64xf32, #tpu.memory_space<vmem_shared>> -> memref<48x64xf32, #tpu.memory_space<vmem_shared>>
      tpu.enqueue_dma source(%arg5 : memref<48x64xf32, #tpu.memory_space<vmem>>) target(%dma_start3A_899 : memref<48x64xf32, #tpu.memory_space<vmem_shared>>) target_semaphore(%run_scoped3A_893 : memref<!tpu.dma_semaphore, #tpu.memory_space<semaphore_mem>>)
      %dma_wait3A_900 = arith.constant 48 : i32
      %dma_wait3A_901 = tpu.memref_slice %arg6[%run_scoped3A_72, %dma_wait3A_900, %mul3A_0] : memref<4x384x1024xf32, #tpu.memory_space<vmem_shared>> -> memref<1x48x64xf32, #tpu.memory_space<vmem_shared>>
      %dma_wait3A_902 = tpu.memref_squeeze %dma_wait3A_901 : memref<1x48x64xf32, #tpu.memory_space<vmem_shared>> -> memref<48x64xf32, #tpu.memory_space<vmem_shared>>
      %dma_wait3A_903 = arith.constant 48 : i32
      %dma_wait3A_904 = tpu.memref_slice %arg6[%run_scoped3A_72, %dma_wait3A_903, %mul3A_0] : memref<4x384x1024xf32, #tpu.memory_space<vmem_shared>> -> memref<1x48x64xf32, #tpu.memory_space<vmem_shared>>
      %dma_wait3A_905 = tpu.memref_squeeze %dma_wait3A_904 : memref<1x48x64xf32, #tpu.memory_space<vmem_shared>> -> memref<48x64xf32, #tpu.memory_space<vmem_shared>>
      tpu.wait_dma2 semaphore(%run_scoped3A_893 : memref<!tpu.dma_semaphore, #tpu.memory_space<semaphore_mem>>) src(%arg5 : memref<48x64xf32, #tpu.memory_space<vmem>>) dst(%dma_wait3A_905 : memref<48x64xf32, #tpu.memory_space<vmem_shared>>)
      tpu.yield
    }) : () -> ()
    %scan3A_73 = arith.constant 0 : i32
    %scan3A_74 = arith.constant 0 : i32
    %scan3A_75 = arith.constant 48 : i32
    %scan3A_76 = arith.addi %scan3A_74, %scan3A_75 : i32
    %scan3A_77 = arith.constant 1 : i32
    scf.for %scan3A_893 = %scan3A_74 to %scan3A_76 step %scan3A_77  : i32 {
      %add3A_894 = arith.constant 96 : i32
      %add3A_895 = arith.addi %add3A_894, %scan3A_893 : i32
      %jit3A_896 = arith.constant 32 : i32
      %div3A = arith.divsi %add3A_895, %jit3A_896 : i32
      %sign3A = arith.constant 0 : i32
      %sign3A_897 = arith.cmpi sgt, %add3A_895, %sign3A : i32
      %sign3A_898 = arith.extui %sign3A_897 : i1 to i32
      %sign3A_899 = arith.constant 0 : i32
      %sign3A_900 = arith.cmpi slt, %add3A_895, %sign3A_899 : i32
      %sign3A_901 = arith.extui %sign3A_900 : i1 to i32
      %sign3A_902 = arith.subi %sign3A_898, %sign3A_901 : i32
      %sign3A_903 = arith.constant 0 : i32
      %sign3A_904 = arith.cmpi sgt, %jit3A_896, %sign3A_903 : i32
      %sign3A_905 = arith.extui %sign3A_904 : i1 to i32
      %sign3A_906 = arith.constant 0 : i32
      %sign3A_907 = arith.cmpi slt, %jit3A_896, %sign3A_906 : i32
      %sign3A_908 = arith.extui %sign3A_907 : i1 to i32
      %sign3A_909 = arith.subi %sign3A_905, %sign3A_908 : i32
      %ne3A = arith.cmpi ne, %sign3A_902, %sign3A_909 : i32
      %rem3A = arith.remsi %add3A_895, %jit3A_896 : i32
      %ne3A_910 = arith.constant 0 : i32
      %ne3A_911 = arith.cmpi ne, %rem3A, %ne3A_910 : i32
      %and3A = arith.andi %ne3A, %ne3A_911 : i1
      %sub3A_912 = arith.constant 1 : i32
      %sub3A_913 = arith.subi %div3A, %sub3A_912 : i32
      %select_n3A = arith.select %and3A, %sub3A_913, %div3A : i32
      %broadcast_in_dim3A = vector.broadcast %select_n3A : i32 to vector<16xi32>
      %jit3A_914 = arith.constant 32 : i32
      %eq3A = arith.constant 0 : i32
      %eq3A_915 = arith.cmpi eq, %jit3A_914, %eq3A : i32
      %jit3A_916 = arith.constant 1 : i32
      %select_n3A_917 = arith.select %eq3A_915, %jit3A_916, %jit3A_914 : i32
      %rem3A_918 = arith.remsi %add3A_895, %select_n3A_917 : i32
      %ne3A_919 = arith.constant 0 : i32
      %ne3A_920 = arith.cmpi ne, %rem3A_918, %ne3A_919 : i32
      %lt3A = arith.constant 0 : i32
      %lt3A_921 = arith.cmpi slt, %rem3A_918, %lt3A : i32
      %lt3A_922 = arith.constant 0 : i32
      %lt3A_923 = arith.cmpi slt, %select_n3A_917, %lt3A_922 : i32
      %ne3A_924 = arith.xori %lt3A_921, %lt3A_923 : i1
      %and3A_925 = arith.andi %ne3A_924, %ne3A_920 : i1
      %add3A_926 = arith.addi %rem3A_918, %select_n3A_917 : i32
      %select_n3A_927 = arith.select %and3A_925, %add3A_926, %rem3A_918 : i32
      %broadcast_in_dim3A_928 = vector.broadcast %select_n3A_927 : i32 to vector<16xi32>
      %gather3A = tpu.vector_load_idx %arg4[%sub3A_21, %broadcast_in_dim3A, %broadcast_in_dim3A_928] : memref<72x12x32xf32, #tpu.memory_space<vmem>>[vector<16xi32>, vector<16xi32>, vector<16xi32>], vector<16xf32>,
      %swap3A = arith.index_cast %scan3A_893 : i32 to index
      %swap3A_929 = arith.constant 0 : index
      %swap3A_930 = tpu.vector_load %arg5[%swap3A, %swap3A_929] {strides = array<i32>} : memref<48x64xf32, #tpu.memory_space<vmem>>, vector<16xf32>,
      tpu.vector_store %arg5[%swap3A, %swap3A_929], %gather3A {strides = array<i32>} : memref<48x64xf32, #tpu.memory_space<vmem>>, vector<16xf32>,
      %gather3A_931 = tpu.vector_load_idx %arg4[%sub3A_34, %broadcast_in_dim3A, %broadcast_in_dim3A_928] : memref<72x12x32xf32, #tpu.memory_space<vmem>>[vector<16xi32>, vector<16xi32>, vector<16xi32>], vector<16xf32>,
      %swap3A_932 = arith.index_cast %scan3A_893 : i32 to index
      %swap3A_933 = arith.constant 16 : index
      %swap3A_934 = tpu.vector_load %arg5[%swap3A_932, %swap3A_933] {strides = array<i32>} : memref<48x64xf32, #tpu.memory_space<vmem>>, vector<16xf32>,
      tpu.vector_store %arg5[%swap3A_932, %swap3A_933], %gather3A_931 {strides = array<i32>} : memref<48x64xf32, #tpu.memory_space<vmem>>, vector<16xf32>,
      %gather3A_935 = tpu.vector_load_idx %arg4[%sub3A_47, %broadcast_in_dim3A, %broadcast_in_dim3A_928] : memref<72x12x32xf32, #tpu.memory_space<vmem>>[vector<16xi32>, vector<16xi32>, vector<16xi32>], vector<16xf32>,
      %swap3A_936 = arith.index_cast %scan3A_893 : i32 to index
      %swap3A_937 = arith.constant 32 : index
      %swap3A_938 = tpu.vector_load %arg5[%swap3A_936, %swap3A_937] {strides = array<i32>} : memref<48x64xf32, #tpu.memory_space<vmem>>, vector<16xf32>,
      tpu.vector_store %arg5[%swap3A_936, %swap3A_937], %gather3A_935 {strides = array<i32>} : memref<48x64xf32, #tpu.memory_space<vmem>>, vector<16xf32>,
      %gather3A_939 = tpu.vector_load_idx %arg4[%sub3A_60, %broadcast_in_dim3A, %broadcast_in_dim3A_928] : memref<72x12x32xf32, #tpu.memory_space<vmem>>[vector<16xi32>, vector<16xi32>, vector<16xi32>], vector<16xf32>,
      %swap3A_940 = arith.index_cast %scan3A_893 : i32 to index
      %swap3A_941 = arith.constant 48 : index
      %swap3A_942 = tpu.vector_load %arg5[%swap3A_940, %swap3A_941] {strides = array<i32>} : memref<48x64xf32, #tpu.memory_space<vmem>>, vector<16xf32>,
      tpu.vector_store %arg5[%swap3A_940, %swap3A_941], %gather3A_939 {strides = array<i32>} : memref<48x64xf32, #tpu.memory_space<vmem>>, vector<16xf32>,
    }
    %scan3A_78 = arith.constant 48 : i32
    %run_scoped3A_79 = arith.constant 0 : i32
    "tpu.region"() ({
      %run_scoped3A_893 = tpu.sem_alloc : memref<!tpu.dma_semaphore, #tpu.memory_space<semaphore_mem>>
      %dma_start3A_894 = arith.constant 96 : i32
      %dma_start3A_895 = tpu.memref_slice %arg6[%run_scoped3A_79, %dma_start3A_894, %mul3A_0] : memref<4x384x1024xf32, #tpu.memory_space<vmem_shared>> -> memref<1x48x64xf32, #tpu.memory_space<vmem_shared>>
      %dma_start3A_896 = tpu.memref_squeeze %dma_start3A_895 : memref<1x48x64xf32, #tpu.memory_space<vmem_shared>> -> memref<48x64xf32, #tpu.memory_space<vmem_shared>>
      %dma_start3A_897 = arith.constant 96 : i32
      %dma_start3A_898 = tpu.memref_slice %arg6[%run_scoped3A_79, %dma_start3A_897, %mul3A_0] : memref<4x384x1024xf32, #tpu.memory_space<vmem_shared>> -> memref<1x48x64xf32, #tpu.memory_space<vmem_shared>>
      %dma_start3A_899 = tpu.memref_squeeze %dma_start3A_898 : memref<1x48x64xf32, #tpu.memory_space<vmem_shared>> -> memref<48x64xf32, #tpu.memory_space<vmem_shared>>
      tpu.enqueue_dma source(%arg5 : memref<48x64xf32, #tpu.memory_space<vmem>>) target(%dma_start3A_899 : memref<48x64xf32, #tpu.memory_space<vmem_shared>>) target_semaphore(%run_scoped3A_893 : memref<!tpu.dma_semaphore, #tpu.memory_space<semaphore_mem>>)
      %dma_wait3A_900 = arith.constant 96 : i32
      %dma_wait3A_901 = tpu.memref_slice %arg6[%run_scoped3A_79, %dma_wait3A_900, %mul3A_0] : memref<4x384x1024xf32, #tpu.memory_space<vmem_shared>> -> memref<1x48x64xf32, #tpu.memory_space<vmem_shared>>
      %dma_wait3A_902 = tpu.memref_squeeze %dma_wait3A_901 : memref<1x48x64xf32, #tpu.memory_space<vmem_shared>> -> memref<48x64xf32, #tpu.memory_space<vmem_shared>>
      %dma_wait3A_903 = arith.constant 96 : i32
      %dma_wait3A_904 = tpu.memref_slice %arg6[%run_scoped3A_79, %dma_wait3A_903, %mul3A_0] : memref<4x384x1024xf32, #tpu.memory_space<vmem_shared>> -> memref<1x48x64xf32, #tpu.memory_space<vmem_shared>>
      %dma_wait3A_905 = tpu.memref_squeeze %dma_wait3A_904 : memref<1x48x64xf32, #tpu.memory_space<vmem_shared>> -> memref<48x64xf32, #tpu.memory_space<vmem_shared>>
      tpu.wait_dma2 semaphore(%run_scoped3A_893 : memref<!tpu.dma_semaphore, #tpu.memory_space<semaphore_mem>>) src(%arg5 : memref<48x64xf32, #tpu.memory_space<vmem>>) dst(%dma_wait3A_905 : memref<48x64xf32, #tpu.memory_space<vmem_shared>>)
      tpu.yield
    }) : () -> ()
    %scan3A_80 = arith.constant 0 : i32
    %scan3A_81 = arith.constant 0 : i32
    %scan3A_82 = arith.constant 48 : i32
    %scan3A_83 = arith.addi %scan3A_81, %scan3A_82 : i32
    %scan3A_84 = arith.constant 1 : i32
    scf.for %scan3A_893 = %scan3A_81 to %scan3A_83 step %scan3A_84  : i32 {
      %add3A_894 = arith.constant 144 : i32
      %add3A_895 = arith.addi %add3A_894, %scan3A_893 : i32
      %jit3A_896 = arith.constant 32 : i32
      %div3A = arith.divsi %add3A_895, %jit3A_896 : i32
      %sign3A = arith.constant 0 : i32
      %sign3A_897 = arith.cmpi sgt, %add3A_895, %sign3A : i32
      %sign3A_898 = arith.extui %sign3A_897 : i1 to i32
      %sign3A_899 = arith.constant 0 : i32
      %sign3A_900 = arith.cmpi slt, %add3A_895, %sign3A_899 : i32
      %sign3A_901 = arith.extui %sign3A_900 : i1 to i32
      %sign3A_902 = arith.subi %sign3A_898, %sign3A_901 : i32
      %sign3A_903 = arith.constant 0 : i32
      %sign3A_904 = arith.cmpi sgt, %jit3A_896, %sign3A_903 : i32
      %sign3A_905 = arith.extui %sign3A_904 : i1 to i32
      %sign3A_906 = arith.constant 0 : i32
      %sign3A_907 = arith.cmpi slt, %jit3A_896, %sign3A_906 : i32
      %sign3A_908 = arith.extui %sign3A_907 : i1 to i32
      %sign3A_909 = arith.subi %sign3A_905, %sign3A_908 : i32
      %ne3A = arith.cmpi ne, %sign3A_902, %sign3A_909 : i32
      %rem3A = arith.remsi %add3A_895, %jit3A_896 : i32
      %ne3A_910 = arith.constant 0 : i32
      %ne3A_911 = arith.cmpi ne, %rem3A, %ne3A_910 : i32
      %and3A = arith.andi %ne3A, %ne3A_911 : i1
      %sub3A_912 = arith.constant 1 : i32
      %sub3A_913 = arith.subi %div3A, %sub3A_912 : i32
      %select_n3A = arith.select %and3A, %sub3A_913, %div3A : i32
      %broadcast_in_dim3A = vector.broadcast %select_n3A : i32 to vector<16xi32>
      %jit3A_914 = arith.constant 32 : i32
      %eq3A = arith.constant 0 : i32
      %eq3A_915 = arith.cmpi eq, %jit3A_914, %eq3A : i32
      %jit3A_916 = arith.constant 1 : i32
      %select_n3A_917 = arith.select %eq3A_915, %jit3A_916, %jit3A_914 : i32
      %rem3A_918 = arith.remsi %add3A_895, %select_n3A_917 : i32
      %ne3A_919 = arith.constant 0 : i32
      %ne3A_920 = arith.cmpi ne, %rem3A_918, %ne3A_919 : i32
      %lt3A = arith.constant 0 : i32
      %lt3A_921 = arith.cmpi slt, %rem3A_918, %lt3A : i32
      %lt3A_922 = arith.constant 0 : i32
      %lt3A_923 = arith.cmpi slt, %select_n3A_917, %lt3A_922 : i32
      %ne3A_924 = arith.xori %lt3A_921, %lt3A_923 : i1
      %and3A_925 = arith.andi %ne3A_924, %ne3A_920 : i1
      %add3A_926 = arith.addi %rem3A_918, %select_n3A_917 : i32
      %select_n3A_927 = arith.select %and3A_925, %add3A_926, %rem3A_918 : i32
      %broadcast_in_dim3A_928 = vector.broadcast %select_n3A_927 : i32 to vector<16xi32>
      %gather3A = tpu.vector_load_idx %arg4[%sub3A_21, %broadcast_in_dim3A, %broadcast_in_dim3A_928] : memref<72x12x32xf32, #tpu.memory_space<vmem>>[vector<16xi32>, vector<16xi32>, vector<16xi32>], vector<16xf32>,
      %swap3A = arith.index_cast %scan3A_893 : i32 to index
      %swap3A_929 = arith.constant 0 : index
      %swap3A_930 = tpu.vector_load %arg5[%swap3A, %swap3A_929] {strides = array<i32>} : memref<48x64xf32, #tpu.memory_space<vmem>>, vector<16xf32>,
      tpu.vector_store %arg5[%swap3A, %swap3A_929], %gather3A {strides = array<i32>} : memref<48x64xf32, #tpu.memory_space<vmem>>, vector<16xf32>,
      %gather3A_931 = tpu.vector_load_idx %arg4[%sub3A_34, %broadcast_in_dim3A, %broadcast_in_dim3A_928] : memref<72x12x32xf32, #tpu.memory_space<vmem>>[vector<16xi32>, vector<16xi32>, vector<16xi32>], vector<16xf32>,
      %swap3A_932 = arith.index_cast %scan3A_893 : i32 to index
      %swap3A_933 = arith.constant 16 : index
      %swap3A_934 = tpu.vector_load %arg5[%swap3A_932, %swap3A_933] {strides = array<i32>} : memref<48x64xf32, #tpu.memory_space<vmem>>, vector<16xf32>,
      tpu.vector_store %arg5[%swap3A_932, %swap3A_933], %gather3A_931 {strides = array<i32>} : memref<48x64xf32, #tpu.memory_space<vmem>>, vector<16xf32>,
      %gather3A_935 = tpu.vector_load_idx %arg4[%sub3A_47, %broadcast_in_dim3A, %broadcast_in_dim3A_928] : memref<72x12x32xf32, #tpu.memory_space<vmem>>[vector<16xi32>, vector<16xi32>, vector<16xi32>], vector<16xf32>,
      %swap3A_936 = arith.index_cast %scan3A_893 : i32 to index
      %swap3A_937 = arith.constant 32 : index
      %swap3A_938 = tpu.vector_load %arg5[%swap3A_936, %swap3A_937] {strides = array<i32>} : memref<48x64xf32, #tpu.memory_space<vmem>>, vector<16xf32>,
      tpu.vector_store %arg5[%swap3A_936, %swap3A_937], %gather3A_935 {strides = array<i32>} : memref<48x64xf32, #tpu.memory_space<vmem>>, vector<16xf32>,
      %gather3A_939 = tpu.vector_load_idx %arg4[%sub3A_60, %broadcast_in_dim3A, %broadcast_in_dim3A_928] : memref<72x12x32xf32, #tpu.memory_space<vmem>>[vector<16xi32>, vector<16xi32>, vector<16xi32>], vector<16xf32>,
      %swap3A_940 = arith.index_cast %scan3A_893 : i32 to index
      %swap3A_941 = arith.constant 48 : index
      %swap3A_942 = tpu.vector_load %arg5[%swap3A_940, %swap3A_941] {strides = array<i32>} : memref<48x64xf32, #tpu.memory_space<vmem>>, vector<16xf32>,
      tpu.vector_store %arg5[%swap3A_940, %swap3A_941], %gather3A_939 {strides = array<i32>} : memref<48x64xf32, #tpu.memory_space<vmem>>, vector<16xf32>,
    }
    %scan3A_85 = arith.constant 48 : i32
    %run_scoped3A_86 = arith.constant 0 : i32
    "tpu.region"() ({
      %run_scoped3A_893 = tpu.sem_alloc : memref<!tpu.dma_semaphore, #tpu.memory_space<semaphore_mem>>
      %dma_start3A_894 = arith.constant 144 : i32
      %dma_start3A_895 = tpu.memref_slice %arg6[%run_scoped3A_86, %dma_start3A_894, %mul3A_0] : memref<4x384x1024xf32, #tpu.memory_space<vmem_shared>> -> memref<1x48x64xf32, #tpu.memory_space<vmem_shared>>
      %dma_start3A_896 = tpu.memref_squeeze %dma_start3A_895 : memref<1x48x64xf32, #tpu.memory_space<vmem_shared>> -> memref<48x64xf32, #tpu.memory_space<vmem_shared>>
      %dma_start3A_897 = arith.constant 144 : i32
      %dma_start3A_898 = tpu.memref_slice %arg6[%run_scoped3A_86, %dma_start3A_897, %mul3A_0] : memref<4x384x1024xf32, #tpu.memory_space<vmem_shared>> -> memref<1x48x64xf32, #tpu.memory_space<vmem_shared>>
      %dma_start3A_899 = tpu.memref_squeeze %dma_start3A_898 : memref<1x48x64xf32, #tpu.memory_space<vmem_shared>> -> memref<48x64xf32, #tpu.memory_space<vmem_shared>>
      tpu.enqueue_dma source(%arg5 : memref<48x64xf32, #tpu.memory_space<vmem>>) target(%dma_start3A_899 : memref<48x64xf32, #tpu.memory_space<vmem_shared>>) target_semaphore(%run_scoped3A_893 : memref<!tpu.dma_semaphore, #tpu.memory_space<semaphore_mem>>)
      %dma_wait3A_900 = arith.constant 144 : i32
      %dma_wait3A_901 = tpu.memref_slice %arg6[%run_scoped3A_86, %dma_wait3A_900, %mul3A_0] : memref<4x384x1024xf32, #tpu.memory_space<vmem_shared>> -> memref<1x48x64xf32, #tpu.memory_space<vmem_shared>>
      %dma_wait3A_902 = tpu.memref_squeeze %dma_wait3A_901 : memref<1x48x64xf32, #tpu.memory_space<vmem_shared>> -> memref<48x64xf32, #tpu.memory_space<vmem_shared>>
      %dma_wait3A_903 = arith.constant 144 : i32
      %dma_wait3A_904 = tpu.memref_slice %arg6[%run_scoped3A_86, %dma_wait3A_903, %mul3A_0] : memref<4x384x1024xf32, #tpu.memory_space<vmem_shared>> -> memref<1x48x64xf32, #tpu.memory_space<vmem_shared>>
      %dma_wait3A_905 = tpu.memref_squeeze %dma_wait3A_904 : memref<1x48x64xf32, #tpu.memory_space<vmem_shared>> -> memref<48x64xf32, #tpu.memory_space<vmem_shared>>
      tpu.wait_dma2 semaphore(%run_scoped3A_893 : memref<!tpu.dma_semaphore, #tpu.memory_space<semaphore_mem>>) src(%arg5 : memref<48x64xf32, #tpu.memory_space<vmem>>) dst(%dma_wait3A_905 : memref<48x64xf32, #tpu.memory_space<vmem_shared>>)
      tpu.yield
    }) : () -> ()
    %scan3A_87 = arith.constant 0 : i32
    %scan3A_88 = arith.constant 0 : i32
    %scan3A_89 = arith.constant 48 : i32
    %scan3A_90 = arith.addi %scan3A_88, %scan3A_89 : i32
    %scan3A_91 = arith.constant 1 : i32
    scf.for %scan3A_893 = %scan3A_88 to %scan3A_90 step %scan3A_91  : i32 {
      %add3A_894 = arith.constant 192 : i32
      %add3A_895 = arith.addi %add3A_894, %scan3A_893 : i32
      %jit3A_896 = arith.constant 32 : i32
      %div3A = arith.divsi %add3A_895, %jit3A_896 : i32
      %sign3A = arith.constant 0 : i32
      %sign3A_897 = arith.cmpi sgt, %add3A_895, %sign3A : i32
      %sign3A_898 = arith.extui %sign3A_897 : i1 to i32
      %sign3A_899 = arith.constant 0 : i32
      %sign3A_900 = arith.cmpi slt, %add3A_895, %sign3A_899 : i32
      %sign3A_901 = arith.extui %sign3A_900 : i1 to i32
      %sign3A_902 = arith.subi %sign3A_898, %sign3A_901 : i32
      %sign3A_903 = arith.constant 0 : i32
      %sign3A_904 = arith.cmpi sgt, %jit3A_896, %sign3A_903 : i32
      %sign3A_905 = arith.extui %sign3A_904 : i1 to i32
      %sign3A_906 = arith.constant 0 : i32
      %sign3A_907 = arith.cmpi slt, %jit3A_896, %sign3A_906 : i32
      %sign3A_908 = arith.extui %sign3A_907 : i1 to i32
      %sign3A_909 = arith.subi %sign3A_905, %sign3A_908 : i32
      %ne3A = arith.cmpi ne, %sign3A_902, %sign3A_909 : i32
      %rem3A = arith.remsi %add3A_895, %jit3A_896 : i32
      %ne3A_910 = arith.constant 0 : i32
      %ne3A_911 = arith.cmpi ne, %rem3A, %ne3A_910 : i32
      %and3A = arith.andi %ne3A, %ne3A_911 : i1
      %sub3A_912 = arith.constant 1 : i32
      %sub3A_913 = arith.subi %div3A, %sub3A_912 : i32
      %select_n3A = arith.select %and3A, %sub3A_913, %div3A : i32
      %broadcast_in_dim3A = vector.broadcast %select_n3A : i32 to vector<16xi32>
      %jit3A_914 = arith.constant 32 : i32
      %eq3A = arith.constant 0 : i32
      %eq3A_915 = arith.cmpi eq, %jit3A_914, %eq3A : i32
      %jit3A_916 = arith.constant 1 : i32
      %select_n3A_917 = arith.select %eq3A_915, %jit3A_916, %jit3A_914 : i32
      %rem3A_918 = arith.remsi %add3A_895, %select_n3A_917 : i32
      %ne3A_919 = arith.constant 0 : i32
      %ne3A_920 = arith.cmpi ne, %rem3A_918, %ne3A_919 : i32
      %lt3A = arith.constant 0 : i32
      %lt3A_921 = arith.cmpi slt, %rem3A_918, %lt3A : i32
      %lt3A_922 = arith.constant 0 : i32
      %lt3A_923 = arith.cmpi slt, %select_n3A_917, %lt3A_922 : i32
      %ne3A_924 = arith.xori %lt3A_921, %lt3A_923 : i1
      %and3A_925 = arith.andi %ne3A_924, %ne3A_920 : i1
      %add3A_926 = arith.addi %rem3A_918, %select_n3A_917 : i32
      %select_n3A_927 = arith.select %and3A_925, %add3A_926, %rem3A_918 : i32
      %broadcast_in_dim3A_928 = vector.broadcast %select_n3A_927 : i32 to vector<16xi32>
      %gather3A = tpu.vector_load_idx %arg4[%sub3A_21, %broadcast_in_dim3A, %broadcast_in_dim3A_928] : memref<72x12x32xf32, #tpu.memory_space<vmem>>[vector<16xi32>, vector<16xi32>, vector<16xi32>], vector<16xf32>,
      %swap3A = arith.index_cast %scan3A_893 : i32 to index
      %swap3A_929 = arith.constant 0 : index
      %swap3A_930 = tpu.vector_load %arg5[%swap3A, %swap3A_929] {strides = array<i32>} : memref<48x64xf32, #tpu.memory_space<vmem>>, vector<16xf32>,
      tpu.vector_store %arg5[%swap3A, %swap3A_929], %gather3A {strides = array<i32>} : memref<48x64xf32, #tpu.memory_space<vmem>>, vector<16xf32>,
      %gather3A_931 = tpu.vector_load_idx %arg4[%sub3A_34, %broadcast_in_dim3A, %broadcast_in_dim3A_928] : memref<72x12x32xf32, #tpu.memory_space<vmem>>[vector<16xi32>, vector<16xi32>, vector<16xi32>], vector<16xf32>,
      %swap3A_932 = arith.index_cast %scan3A_893 : i32 to index
      %swap3A_933 = arith.constant 16 : index
      %swap3A_934 = tpu.vector_load %arg5[%swap3A_932, %swap3A_933] {strides = array<i32>} : memref<48x64xf32, #tpu.memory_space<vmem>>, vector<16xf32>,
      tpu.vector_store %arg5[%swap3A_932, %swap3A_933], %gather3A_931 {strides = array<i32>} : memref<48x64xf32, #tpu.memory_space<vmem>>, vector<16xf32>,
      %gather3A_935 = tpu.vector_load_idx %arg4[%sub3A_47, %broadcast_in_dim3A, %broadcast_in_dim3A_928] : memref<72x12x32xf32, #tpu.memory_space<vmem>>[vector<16xi32>, vector<16xi32>, vector<16xi32>], vector<16xf32>,
      %swap3A_936 = arith.index_cast %scan3A_893 : i32 to index
      %swap3A_937 = arith.constant 32 : index
      %swap3A_938 = tpu.vector_load %arg5[%swap3A_936, %swap3A_937] {strides = array<i32>} : memref<48x64xf32, #tpu.memory_space<vmem>>, vector<16xf32>,
      tpu.vector_store %arg5[%swap3A_936, %swap3A_937], %gather3A_935 {strides = array<i32>} : memref<48x64xf32, #tpu.memory_space<vmem>>, vector<16xf32>,
      %gather3A_939 = tpu.vector_load_idx %arg4[%sub3A_60, %broadcast_in_dim3A, %broadcast_in_dim3A_928] : memref<72x12x32xf32, #tpu.memory_space<vmem>>[vector<16xi32>, vector<16xi32>, vector<16xi32>], vector<16xf32>,
      %swap3A_940 = arith.index_cast %scan3A_893 : i32 to index
      %swap3A_941 = arith.constant 48 : index
      %swap3A_942 = tpu.vector_load %arg5[%swap3A_940, %swap3A_941] {strides = array<i32>} : memref<48x64xf32, #tpu.memory_space<vmem>>, vector<16xf32>,
      tpu.vector_store %arg5[%swap3A_940, %swap3A_941], %gather3A_939 {strides = array<i32>} : memref<48x64xf32, #tpu.memory_space<vmem>>, vector<16xf32>,
    }
    %scan3A_92 = arith.constant 48 : i32
    %run_scoped3A_93 = arith.constant 0 : i32
    "tpu.region"() ({
      %run_scoped3A_893 = tpu.sem_alloc : memref<!tpu.dma_semaphore, #tpu.memory_space<semaphore_mem>>
      %dma_start3A_894 = arith.constant 192 : i32
      %dma_start3A_895 = tpu.memref_slice %arg6[%run_scoped3A_93, %dma_start3A_894, %mul3A_0] : memref<4x384x1024xf32, #tpu.memory_space<vmem_shared>> -> memref<1x48x64xf32, #tpu.memory_space<vmem_shared>>
      %dma_start3A_896 = tpu.memref_squeeze %dma_start3A_895 : memref<1x48x64xf32, #tpu.memory_space<vmem_shared>> -> memref<48x64xf32, #tpu.memory_space<vmem_shared>>
      %dma_start3A_897 = arith.constant 192 : i32
      %dma_start3A_898 = tpu.memref_slice %arg6[%run_scoped3A_93, %dma_start3A_897, %mul3A_0] : memref<4x384x1024xf32, #tpu.memory_space<vmem_shared>> -> memref<1x48x64xf32, #tpu.memory_space<vmem_shared>>
      %dma_start3A_899 = tpu.memref_squeeze %dma_start3A_898 : memref<1x48x64xf32, #tpu.memory_space<vmem_shared>> -> memref<48x64xf32, #tpu.memory_space<vmem_shared>>
      tpu.enqueue_dma source(%arg5 : memref<48x64xf32, #tpu.memory_space<vmem>>) target(%dma_start3A_899 : memref<48x64xf32, #tpu.memory_space<vmem_shared>>) target_semaphore(%run_scoped3A_893 : memref<!tpu.dma_semaphore, #tpu.memory_space<semaphore_mem>>)
      %dma_wait3A_900 = arith.constant 192 : i32
      %dma_wait3A_901 = tpu.memref_slice %arg6[%run_scoped3A_93, %dma_wait3A_900, %mul3A_0] : memref<4x384x1024xf32, #tpu.memory_space<vmem_shared>> -> memref<1x48x64xf32, #tpu.memory_space<vmem_shared>>
      %dma_wait3A_902 = tpu.memref_squeeze %dma_wait3A_901 : memref<1x48x64xf32, #tpu.memory_space<vmem_shared>> -> memref<48x64xf32, #tpu.memory_space<vmem_shared>>
      %dma_wait3A_903 = arith.constant 192 : i32
      %dma_wait3A_904 = tpu.memref_slice %arg6[%run_scoped3A_93, %dma_wait3A_903, %mul3A_0] : memref<4x384x1024xf32, #tpu.memory_space<vmem_shared>> -> memref<1x48x64xf32, #tpu.memory_space<vmem_shared>>
      %dma_wait3A_905 = tpu.memref_squeeze %dma_wait3A_904 : memref<1x48x64xf32, #tpu.memory_space<vmem_shared>> -> memref<48x64xf32, #tpu.memory_space<vmem_shared>>
      tpu.wait_dma2 semaphore(%run_scoped3A_893 : memref<!tpu.dma_semaphore, #tpu.memory_space<semaphore_mem>>) src(%arg5 : memref<48x64xf32, #tpu.memory_space<vmem>>) dst(%dma_wait3A_905 : memref<48x64xf32, #tpu.memory_space<vmem_shared>>)
      tpu.yield
    }) : () -> ()
    %scan3A_94 = arith.constant 0 : i32
    %scan3A_95 = arith.constant 0 : i32
    %scan3A_96 = arith.constant 48 : i32
    %scan3A_97 = arith.addi %scan3A_95, %scan3A_96 : i32
    %scan3A_98 = arith.constant 1 : i32
    scf.for %scan3A_893 = %scan3A_95 to %scan3A_97 step %scan3A_98  : i32 {
      %add3A_894 = arith.constant 240 : i32
      %add3A_895 = arith.addi %add3A_894, %scan3A_893 : i32
      %jit3A_896 = arith.constant 32 : i32
      %div3A = arith.divsi %add3A_895, %jit3A_896 : i32
      %sign3A = arith.constant 0 : i32
      %sign3A_897 = arith.cmpi sgt, %add3A_895, %sign3A : i32
      %sign3A_898 = arith.extui %sign3A_897 : i1 to i32
      %sign3A_899 = arith.constant 0 : i32
      %sign3A_900 = arith.cmpi slt, %add3A_895, %sign3A_899 : i32
      %sign3A_901 = arith.extui %sign3A_900 : i1 to i32
      %sign3A_902 = arith.subi %sign3A_898, %sign3A_901 : i32
      %sign3A_903 = arith.constant 0 : i32
      %sign3A_904 = arith.cmpi sgt, %jit3A_896, %sign3A_903 : i32
      %sign3A_905 = arith.extui %sign3A_904 : i1 to i32
      %sign3A_906 = arith.constant 0 : i32
      %sign3A_907 = arith.cmpi slt, %jit3A_896, %sign3A_906 : i32
      %sign3A_908 = arith.extui %sign3A_907 : i1 to i32
      %sign3A_909 = arith.subi %sign3A_905, %sign3A_908 : i32
      %ne3A = arith.cmpi ne, %sign3A_902, %sign3A_909 : i32
      %rem3A = arith.remsi %add3A_895, %jit3A_896 : i32
      %ne3A_910 = arith.constant 0 : i32
      %ne3A_911 = arith.cmpi ne, %rem3A, %ne3A_910 : i32
      %and3A = arith.andi %ne3A, %ne3A_911 : i1
      %sub3A_912 = arith.constant 1 : i32
      %sub3A_913 = arith.subi %div3A, %sub3A_912 : i32
      %select_n3A = arith.select %and3A, %sub3A_913, %div3A : i32
      %broadcast_in_dim3A = vector.broadcast %select_n3A : i32 to vector<16xi32>
      %jit3A_914 = arith.constant 32 : i32
      %eq3A = arith.constant 0 : i32
      %eq3A_915 = arith.cmpi eq, %jit3A_914, %eq3A : i32
      %jit3A_916 = arith.constant 1 : i32
      %select_n3A_917 = arith.select %eq3A_915, %jit3A_916, %jit3A_914 : i32
      %rem3A_918 = arith.remsi %add3A_895, %select_n3A_917 : i32
      %ne3A_919 = arith.constant 0 : i32
      %ne3A_920 = arith.cmpi ne, %rem3A_918, %ne3A_919 : i32
      %lt3A = arith.constant 0 : i32
      %lt3A_921 = arith.cmpi slt, %rem3A_918, %lt3A : i32
      %lt3A_922 = arith.constant 0 : i32
      %lt3A_923 = arith.cmpi slt, %select_n3A_917, %lt3A_922 : i32
      %ne3A_924 = arith.xori %lt3A_921, %lt3A_923 : i1
      %and3A_925 = arith.andi %ne3A_924, %ne3A_920 : i1
      %add3A_926 = arith.addi %rem3A_918, %select_n3A_917 : i32
      %select_n3A_927 = arith.select %and3A_925, %add3A_926, %rem3A_918 : i32
      %broadcast_in_dim3A_928 = vector.broadcast %select_n3A_927 : i32 to vector<16xi32>
      %gather3A = tpu.vector_load_idx %arg4[%sub3A_21, %broadcast_in_dim3A, %broadcast_in_dim3A_928] : memref<72x12x32xf32, #tpu.memory_space<vmem>>[vector<16xi32>, vector<16xi32>, vector<16xi32>], vector<16xf32>,
      %swap3A = arith.index_cast %scan3A_893 : i32 to index
      %swap3A_929 = arith.constant 0 : index
      %swap3A_930 = tpu.vector_load %arg5[%swap3A, %swap3A_929] {strides = array<i32>} : memref<48x64xf32, #tpu.memory_space<vmem>>, vector<16xf32>,
      tpu.vector_store %arg5[%swap3A, %swap3A_929], %gather3A {strides = array<i32>} : memref<48x64xf32, #tpu.memory_space<vmem>>, vector<16xf32>,
      %gather3A_931 = tpu.vector_load_idx %arg4[%sub3A_34, %broadcast_in_dim3A, %broadcast_in_dim3A_928] : memref<72x12x32xf32, #tpu.memory_space<vmem>>[vector<16xi32>, vector<16xi32>, vector<16xi32>], vector<16xf32>,
      %swap3A_932 = arith.index_cast %scan3A_893 : i32 to index
      %swap3A_933 = arith.constant 16 : index
      %swap3A_934 = tpu.vector_load %arg5[%swap3A_932, %swap3A_933] {strides = array<i32>} : memref<48x64xf32, #tpu.memory_space<vmem>>, vector<16xf32>,
      tpu.vector_store %arg5[%swap3A_932, %swap3A_933], %gather3A_931 {strides = array<i32>} : memref<48x64xf32, #tpu.memory_space<vmem>>, vector<16xf32>,
      %gather3A_935 = tpu.vector_load_idx %arg4[%sub3A_47, %broadcast_in_dim3A, %broadcast_in_dim3A_928] : memref<72x12x32xf32, #tpu.memory_space<vmem>>[vector<16xi32>, vector<16xi32>, vector<16xi32>], vector<16xf32>,
      %swap3A_936 = arith.index_cast %scan3A_893 : i32 to index
      %swap3A_937 = arith.constant 32 : index
      %swap3A_938 = tpu.vector_load %arg5[%swap3A_936, %swap3A_937] {strides = array<i32>} : memref<48x64xf32, #tpu.memory_space<vmem>>, vector<16xf32>,
      tpu.vector_store %arg5[%swap3A_936, %swap3A_937], %gather3A_935 {strides = array<i32>} : memref<48x64xf32, #tpu.memory_space<vmem>>, vector<16xf32>,
      %gather3A_939 = tpu.vector_load_idx %arg4[%sub3A_60, %broadcast_in_dim3A, %broadcast_in_dim3A_928] : memref<72x12x32xf32, #tpu.memory_space<vmem>>[vector<16xi32>, vector<16xi32>, vector<16xi32>], vector<16xf32>,
      %swap3A_940 = arith.index_cast %scan3A_893 : i32 to index
      %swap3A_941 = arith.constant 48 : index
      %swap3A_942 = tpu.vector_load %arg5[%swap3A_940, %swap3A_941] {strides = array<i32>} : memref<48x64xf32, #tpu.memory_space<vmem>>, vector<16xf32>,
      tpu.vector_store %arg5[%swap3A_940, %swap3A_941], %gather3A_939 {strides = array<i32>} : memref<48x64xf32, #tpu.memory_space<vmem>>, vector<16xf32>,
    }
    %scan3A_99 = arith.constant 48 : i32
    %run_scoped3A_100 = arith.constant 0 : i32
    "tpu.region"() ({
      %run_scoped3A_893 = tpu.sem_alloc : memref<!tpu.dma_semaphore, #tpu.memory_space<semaphore_mem>>
      %dma_start3A_894 = arith.constant 240 : i32
      %dma_start3A_895 = tpu.memref_slice %arg6[%run_scoped3A_100, %dma_start3A_894, %mul3A_0] : memref<4x384x1024xf32, #tpu.memory_space<vmem_shared>> -> memref<1x48x64xf32, #tpu.memory_space<vmem_shared>>
      %dma_start3A_896 = tpu.memref_squeeze %dma_start3A_895 : memref<1x48x64xf32, #tpu.memory_space<vmem_shared>> -> memref<48x64xf32, #tpu.memory_space<vmem_shared>>
      %dma_start3A_897 = arith.constant 240 : i32
      %dma_start3A_898 = tpu.memref_slice %arg6[%run_scoped3A_100, %dma_start3A_897, %mul3A_0] : memref<4x384x1024xf32, #tpu.memory_space<vmem_shared>> -> memref<1x48x64xf32, #tpu.memory_space<vmem_shared>>
      %dma_start3A_899 = tpu.memref_squeeze %dma_start3A_898 : memref<1x48x64xf32, #tpu.memory_space<vmem_shared>> -> memref<48x64xf32, #tpu.memory_space<vmem_shared>>
      tpu.enqueue_dma source(%arg5 : memref<48x64xf32, #tpu.memory_space<vmem>>) target(%dma_start3A_899 : memref<48x64xf32, #tpu.memory_space<vmem_shared>>) target_semaphore(%run_scoped3A_893 : memref<!tpu.dma_semaphore, #tpu.memory_space<semaphore_mem>>)
      %dma_wait3A_900 = arith.constant 240 : i32
      %dma_wait3A_901 = tpu.memref_slice %arg6[%run_scoped3A_100, %dma_wait3A_900, %mul3A_0] : memref<4x384x1024xf32, #tpu.memory_space<vmem_shared>> -> memref<1x48x64xf32, #tpu.memory_space<vmem_shared>>
      %dma_wait3A_902 = tpu.memref_squeeze %dma_wait3A_901 : memref<1x48x64xf32, #tpu.memory_space<vmem_shared>> -> memref<48x64xf32, #tpu.memory_space<vmem_shared>>
      %dma_wait3A_903 = arith.constant 240 : i32
      %dma_wait3A_904 = tpu.memref_slice %arg6[%run_scoped3A_100, %dma_wait3A_903, %mul3A_0] : memref<4x384x1024xf32, #tpu.memory_space<vmem_shared>> -> memref<1x48x64xf32, #tpu.memory_space<vmem_shared>>
      %dma_wait3A_905 = tpu.memref_squeeze %dma_wait3A_904 : memref<1x48x64xf32, #tpu.memory_space<vmem_shared>> -> memref<48x64xf32, #tpu.memory_space<vmem_shared>>
      tpu.wait_dma2 semaphore(%run_scoped3A_893 : memref<!tpu.dma_semaphore, #tpu.memory_space<semaphore_mem>>) src(%arg5 : memref<48x64xf32, #tpu.memory_space<vmem>>) dst(%dma_wait3A_905 : memref<48x64xf32, #tpu.memory_space<vmem_shared>>)
      tpu.yield
    }) : () -> ()
    %scan3A_101 = arith.constant 0 : i32
    %scan3A_102 = arith.constant 0 : i32
    %scan3A_103 = arith.constant 48 : i32
    %scan3A_104 = arith.addi %scan3A_102, %scan3A_103 : i32
    %scan3A_105 = arith.constant 1 : i32
    scf.for %scan3A_893 = %scan3A_102 to %scan3A_104 step %scan3A_105  : i32 {
      %add3A_894 = arith.constant 288 : i32
      %add3A_895 = arith.addi %add3A_894, %scan3A_893 : i32
      %jit3A_896 = arith.constant 32 : i32
      %div3A = arith.divsi %add3A_895, %jit3A_896 : i32
      %sign3A = arith.constant 0 : i32
      %sign3A_897 = arith.cmpi sgt, %add3A_895, %sign3A : i32
      %sign3A_898 = arith.extui %sign3A_897 : i1 to i32
      %sign3A_899 = arith.constant 0 : i32
      %sign3A_900 = arith.cmpi slt, %add3A_895, %sign3A_899 : i32
      %sign3A_901 = arith.extui %sign3A_900 : i1 to i32
      %sign3A_902 = arith.subi %sign3A_898, %sign3A_901 : i32
      %sign3A_903 = arith.constant 0 : i32
      %sign3A_904 = arith.cmpi sgt, %jit3A_896, %sign3A_903 : i32
      %sign3A_905 = arith.extui %sign3A_904 : i1 to i32
      %sign3A_906 = arith.constant 0 : i32
      %sign3A_907 = arith.cmpi slt, %jit3A_896, %sign3A_906 : i32
      %sign3A_908 = arith.extui %sign3A_907 : i1 to i32
      %sign3A_909 = arith.subi %sign3A_905, %sign3A_908 : i32
      %ne3A = arith.cmpi ne, %sign3A_902, %sign3A_909 : i32
      %rem3A = arith.remsi %add3A_895, %jit3A_896 : i32
      %ne3A_910 = arith.constant 0 : i32
      %ne3A_911 = arith.cmpi ne, %rem3A, %ne3A_910 : i32
      %and3A = arith.andi %ne3A, %ne3A_911 : i1
      %sub3A_912 = arith.constant 1 : i32
      %sub3A_913 = arith.subi %div3A, %sub3A_912 : i32
      %select_n3A = arith.select %and3A, %sub3A_913, %div3A : i32
      %broadcast_in_dim3A = vector.broadcast %select_n3A : i32 to vector<16xi32>
      %jit3A_914 = arith.constant 32 : i32
      %eq3A = arith.constant 0 : i32
      %eq3A_915 = arith.cmpi eq, %jit3A_914, %eq3A : i32
      %jit3A_916 = arith.constant 1 : i32
      %select_n3A_917 = arith.select %eq3A_915, %jit3A_916, %jit3A_914 : i32
      %rem3A_918 = arith.remsi %add3A_895, %select_n3A_917 : i32
      %ne3A_919 = arith.constant 0 : i32
      %ne3A_920 = arith.cmpi ne, %rem3A_918, %ne3A_919 : i32
      %lt3A = arith.constant 0 : i32
      %lt3A_921 = arith.cmpi slt, %rem3A_918, %lt3A : i32
      %lt3A_922 = arith.constant 0 : i32
      %lt3A_923 = arith.cmpi slt, %select_n3A_917, %lt3A_922 : i32
      %ne3A_924 = arith.xori %lt3A_921, %lt3A_923 : i1
      %and3A_925 = arith.andi %ne3A_924, %ne3A_920 : i1
      %add3A_926 = arith.addi %rem3A_918, %select_n3A_917 : i32
      %select_n3A_927 = arith.select %and3A_925, %add3A_926, %rem3A_918 : i32
      %broadcast_in_dim3A_928 = vector.broadcast %select_n3A_927 : i32 to vector<16xi32>
      %gather3A = tpu.vector_load_idx %arg4[%sub3A_21, %broadcast_in_dim3A, %broadcast_in_dim3A_928] : memref<72x12x32xf32, #tpu.memory_space<vmem>>[vector<16xi32>, vector<16xi32>, vector<16xi32>], vector<16xf32>,
      %swap3A = arith.index_cast %scan3A_893 : i32 to index
      %swap3A_929 = arith.constant 0 : index
      %swap3A_930 = tpu.vector_load %arg5[%swap3A, %swap3A_929] {strides = array<i32>} : memref<48x64xf32, #tpu.memory_space<vmem>>, vector<16xf32>,
      tpu.vector_store %arg5[%swap3A, %swap3A_929], %gather3A {strides = array<i32>} : memref<48x64xf32, #tpu.memory_space<vmem>>, vector<16xf32>,
      %gather3A_931 = tpu.vector_load_idx %arg4[%sub3A_34, %broadcast_in_dim3A, %broadcast_in_dim3A_928] : memref<72x12x32xf32, #tpu.memory_space<vmem>>[vector<16xi32>, vector<16xi32>, vector<16xi32>], vector<16xf32>,
      %swap3A_932 = arith.index_cast %scan3A_893 : i32 to index
      %swap3A_933 = arith.constant 16 : index
      %swap3A_934 = tpu.vector_load %arg5[%swap3A_932, %swap3A_933] {strides = array<i32>} : memref<48x64xf32, #tpu.memory_space<vmem>>, vector<16xf32>,
      tpu.vector_store %arg5[%swap3A_932, %swap3A_933], %gather3A_931 {strides = array<i32>} : memref<48x64xf32, #tpu.memory_space<vmem>>, vector<16xf32>,
      %gather3A_935 = tpu.vector_load_idx %arg4[%sub3A_47, %broadcast_in_dim3A, %broadcast_in_dim3A_928] : memref<72x12x32xf32, #tpu.memory_space<vmem>>[vector<16xi32>, vector<16xi32>, vector<16xi32>], vector<16xf32>,
      %swap3A_936 = arith.index_cast %scan3A_893 : i32 to index
      %swap3A_937 = arith.constant 32 : index
      %swap3A_938 = tpu.vector_load %arg5[%swap3A_936, %swap3A_937] {strides = array<i32>} : memref<48x64xf32, #tpu.memory_space<vmem>>, vector<16xf32>,
      tpu.vector_store %arg5[%swap3A_936, %swap3A_937], %gather3A_935 {strides = array<i32>} : memref<48x64xf32, #tpu.memory_space<vmem>>, vector<16xf32>,
      %gather3A_939 = tpu.vector_load_idx %arg4[%sub3A_60, %broadcast_in_dim3A, %broadcast_in_dim3A_928] : memref<72x12x32xf32, #tpu.memory_space<vmem>>[vector<16xi32>, vector<16xi32>, vector<16xi32>], vector<16xf32>,
      %swap3A_940 = arith.index_cast %scan3A_893 : i32 to index
      %swap3A_941 = arith.constant 48 : index
      %swap3A_942 = tpu.vector_load %arg5[%swap3A_940, %swap3A_941] {strides = array<i32>} : memref<48x64xf32, #tpu.memory_space<vmem>>, vector<16xf32>,
      tpu.vector_store %arg5[%swap3A_940, %swap3A_941], %gather3A_939 {strides = array<i32>} : memref<48x64xf32, #tpu.memory_space<vmem>>, vector<16xf32>,
    }
    %scan3A_106 = arith.constant 48 : i32
    %run_scoped3A_107 = arith.constant 0 : i32
    "tpu.region"() ({
      %run_scoped3A_893 = tpu.sem_alloc : memref<!tpu.dma_semaphore, #tpu.memory_space<semaphore_mem>>
      %dma_start3A_894 = arith.constant 288 : i32
      %dma_start3A_895 = tpu.memref_slice %arg6[%run_scoped3A_107, %dma_start3A_894, %mul3A_0] : memref<4x384x1024xf32, #tpu.memory_space<vmem_shared>> -> memref<1x48x64xf32, #tpu.memory_space<vmem_shared>>
      %dma_start3A_896 = tpu.memref_squeeze %dma_start3A_895 : memref<1x48x64xf32, #tpu.memory_space<vmem_shared>> -> memref<48x64xf32, #tpu.memory_space<vmem_shared>>
      %dma_start3A_897 = arith.constant 288 : i32
      %dma_start3A_898 = tpu.memref_slice %arg6[%run_scoped3A_107, %dma_start3A_897, %mul3A_0] : memref<4x384x1024xf32, #tpu.memory_space<vmem_shared>> -> memref<1x48x64xf32, #tpu.memory_space<vmem_shared>>
      %dma_start3A_899 = tpu.memref_squeeze %dma_start3A_898 : memref<1x48x64xf32, #tpu.memory_space<vmem_shared>> -> memref<48x64xf32, #tpu.memory_space<vmem_shared>>
      tpu.enqueue_dma source(%arg5 : memref<48x64xf32, #tpu.memory_space<vmem>>) target(%dma_start3A_899 : memref<48x64xf32, #tpu.memory_space<vmem_shared>>) target_semaphore(%run_scoped3A_893 : memref<!tpu.dma_semaphore, #tpu.memory_space<semaphore_mem>>)
      %dma_wait3A_900 = arith.constant 288 : i32
      %dma_wait3A_901 = tpu.memref_slice %arg6[%run_scoped3A_107, %dma_wait3A_900, %mul3A_0] : memref<4x384x1024xf32, #tpu.memory_space<vmem_shared>> -> memref<1x48x64xf32, #tpu.memory_space<vmem_shared>>
      %dma_wait3A_902 = tpu.memref_squeeze %dma_wait3A_901 : memref<1x48x64xf32, #tpu.memory_space<vmem_shared>> -> memref<48x64xf32, #tpu.memory_space<vmem_shared>>
      %dma_wait3A_903 = arith.constant 288 : i32
      %dma_wait3A_904 = tpu.memref_slice %arg6[%run_scoped3A_107, %dma_wait3A_903, %mul3A_0] : memref<4x384x1024xf32, #tpu.memory_space<vmem_shared>> -> memref<1x48x64xf32, #tpu.memory_space<vmem_shared>>
      %dma_wait3A_905 = tpu.memref_squeeze %dma_wait3A_904 : memref<1x48x64xf32, #tpu.memory_space<vmem_shared>> -> memref<48x64xf32, #tpu.memory_space<vmem_shared>>
      tpu.wait_dma2 semaphore(%run_scoped3A_893 : memref<!tpu.dma_semaphore, #tpu.memory_space<semaphore_mem>>) src(%arg5 : memref<48x64xf32, #tpu.memory_space<vmem>>) dst(%dma_wait3A_905 : memref<48x64xf32, #tpu.memory_space<vmem_shared>>)
      tpu.yield
    }) : () -> ()
    %scan3A_108 = arith.constant 0 : i32
    %scan3A_109 = arith.constant 0 : i32
    %scan3A_110 = arith.constant 48 : i32
    %scan3A_111 = arith.addi %scan3A_109, %scan3A_110 : i32
    %scan3A_112 = arith.constant 1 : i32
    scf.for %scan3A_893 = %scan3A_109 to %scan3A_111 step %scan3A_112  : i32 {
      %add3A_894 = arith.constant 336 : i32
      %add3A_895 = arith.addi %add3A_894, %scan3A_893 : i32
      %jit3A_896 = arith.constant 32 : i32
      %div3A = arith.divsi %add3A_895, %jit3A_896 : i32
      %sign3A = arith.constant 0 : i32
      %sign3A_897 = arith.cmpi sgt, %add3A_895, %sign3A : i32
      %sign3A_898 = arith.extui %sign3A_897 : i1 to i32
      %sign3A_899 = arith.constant 0 : i32
      %sign3A_900 = arith.cmpi slt, %add3A_895, %sign3A_899 : i32
      %sign3A_901 = arith.extui %sign3A_900 : i1 to i32
      %sign3A_902 = arith.subi %sign3A_898, %sign3A_901 : i32
      %sign3A_903 = arith.constant 0 : i32
      %sign3A_904 = arith.cmpi sgt, %jit3A_896, %sign3A_903 : i32
      %sign3A_905 = arith.extui %sign3A_904 : i1 to i32
      %sign3A_906 = arith.constant 0 : i32
      %sign3A_907 = arith.cmpi slt, %jit3A_896, %sign3A_906 : i32
      %sign3A_908 = arith.extui %sign3A_907 : i1 to i32
      %sign3A_909 = arith.subi %sign3A_905, %sign3A_908 : i32
      %ne3A = arith.cmpi ne, %sign3A_902, %sign3A_909 : i32
      %rem3A = arith.remsi %add3A_895, %jit3A_896 : i32
      %ne3A_910 = arith.constant 0 : i32
      %ne3A_911 = arith.cmpi ne, %rem3A, %ne3A_910 : i32
      %and3A = arith.andi %ne3A, %ne3A_911 : i1
      %sub3A_912 = arith.constant 1 : i32
      %sub3A_913 = arith.subi %div3A, %sub3A_912 : i32
      %select_n3A = arith.select %and3A, %sub3A_913, %div3A : i32
      %broadcast_in_dim3A = vector.broadcast %select_n3A : i32 to vector<16xi32>
      %jit3A_914 = arith.constant 32 : i32
      %eq3A = arith.constant 0 : i32
      %eq3A_915 = arith.cmpi eq, %jit3A_914, %eq3A : i32
      %jit3A_916 = arith.constant 1 : i32
      %select_n3A_917 = arith.select %eq3A_915, %jit3A_916, %jit3A_914 : i32
      %rem3A_918 = arith.remsi %add3A_895, %select_n3A_917 : i32
      %ne3A_919 = arith.constant 0 : i32
      %ne3A_920 = arith.cmpi ne, %rem3A_918, %ne3A_919 : i32
      %lt3A = arith.constant 0 : i32
      %lt3A_921 = arith.cmpi slt, %rem3A_918, %lt3A : i32
      %lt3A_922 = arith.constant 0 : i32
      %lt3A_923 = arith.cmpi slt, %select_n3A_917, %lt3A_922 : i32
      %ne3A_924 = arith.xori %lt3A_921, %lt3A_923 : i1
      %and3A_925 = arith.andi %ne3A_924, %ne3A_920 : i1
      %add3A_926 = arith.addi %rem3A_918, %select_n3A_917 : i32
      %select_n3A_927 = arith.select %and3A_925, %add3A_926, %rem3A_918 : i32
      %broadcast_in_dim3A_928 = vector.broadcast %select_n3A_927 : i32 to vector<16xi32>
      %gather3A = tpu.vector_load_idx %arg4[%sub3A_21, %broadcast_in_dim3A, %broadcast_in_dim3A_928] : memref<72x12x32xf32, #tpu.memory_space<vmem>>[vector<16xi32>, vector<16xi32>, vector<16xi32>], vector<16xf32>,
      %swap3A = arith.index_cast %scan3A_893 : i32 to index
      %swap3A_929 = arith.constant 0 : index
      %swap3A_930 = tpu.vector_load %arg5[%swap3A, %swap3A_929] {strides = array<i32>} : memref<48x64xf32, #tpu.memory_space<vmem>>, vector<16xf32>,
      tpu.vector_store %arg5[%swap3A, %swap3A_929], %gather3A {strides = array<i32>} : memref<48x64xf32, #tpu.memory_space<vmem>>, vector<16xf32>,
      %gather3A_931 = tpu.vector_load_idx %arg4[%sub3A_34, %broadcast_in_dim3A, %broadcast_in_dim3A_928] : memref<72x12x32xf32, #tpu.memory_space<vmem>>[vector<16xi32>, vector<16xi32>, vector<16xi32>], vector<16xf32>,
      %swap3A_932 = arith.index_cast %scan3A_893 : i32 to index
      %swap3A_933 = arith.constant 16 : index
      %swap3A_934 = tpu.vector_load %arg5[%swap3A_932, %swap3A_933] {strides = array<i32>} : memref<48x64xf32, #tpu.memory_space<vmem>>, vector<16xf32>,
      tpu.vector_store %arg5[%swap3A_932, %swap3A_933], %gather3A_931 {strides = array<i32>} : memref<48x64xf32, #tpu.memory_space<vmem>>, vector<16xf32>,
      %gather3A_935 = tpu.vector_load_idx %arg4[%sub3A_47, %broadcast_in_dim3A, %broadcast_in_dim3A_928] : memref<72x12x32xf32, #tpu.memory_space<vmem>>[vector<16xi32>, vector<16xi32>, vector<16xi32>], vector<16xf32>,
      %swap3A_936 = arith.index_cast %scan3A_893 : i32 to index
      %swap3A_937 = arith.constant 32 : index
      %swap3A_938 = tpu.vector_load %arg5[%swap3A_936, %swap3A_937] {strides = array<i32>} : memref<48x64xf32, #tpu.memory_space<vmem>>, vector<16xf32>,
      tpu.vector_store %arg5[%swap3A_936, %swap3A_937], %gather3A_935 {strides = array<i32>} : memref<48x64xf32, #tpu.memory_space<vmem>>, vector<16xf32>,
      %gather3A_939 = tpu.vector_load_idx %arg4[%sub3A_60, %broadcast_in_dim3A, %broadcast_in_dim3A_928] : memref<72x12x32xf32, #tpu.memory_space<vmem>>[vector<16xi32>, vector<16xi32>, vector<16xi32>], vector<16xf32>,
      %swap3A_940 = arith.index_cast %scan3A_893 : i32 to index
      %swap3A_941 = arith.constant 48 : index
      %swap3A_942 = tpu.vector_load %arg5[%swap3A_940, %swap3A_941] {strides = array<i32>} : memref<48x64xf32, #tpu.memory_space<vmem>>, vector<16xf32>,
      tpu.vector_store %arg5[%swap3A_940, %swap3A_941], %gather3A_939 {strides = array<i32>} : memref<48x64xf32, #tpu.memory_space<vmem>>, vector<16xf32>,
    }
    %scan3A_113 = arith.constant 48 : i32
    %run_scoped3A_114 = arith.constant 0 : i32
    "tpu.region"() ({
      %run_scoped3A_893 = tpu.sem_alloc : memref<!tpu.dma_semaphore, #tpu.memory_space<semaphore_mem>>
      %dma_start3A_894 = arith.constant 336 : i32
      %dma_start3A_895 = tpu.memref_slice %arg6[%run_scoped3A_114, %dma_start3A_894, %mul3A_0] : memref<4x384x1024xf32, #tpu.memory_space<vmem_shared>> -> memref<1x48x64xf32, #tpu.memory_space<vmem_shared>>
      %dma_start3A_896 = tpu.memref_squeeze %dma_start3A_895 : memref<1x48x64xf32, #tpu.memory_space<vmem_shared>> -> memref<48x64xf32, #tpu.memory_space<vmem_shared>>
      %dma_start3A_897 = arith.constant 336 : i32
      %dma_start3A_898 = tpu.memref_slice %arg6[%run_scoped3A_114, %dma_start3A_897, %mul3A_0] : memref<4x384x1024xf32, #tpu.memory_space<vmem_shared>> -> memref<1x48x64xf32, #tpu.memory_space<vmem_shared>>
      %dma_start3A_899 = tpu.memref_squeeze %dma_start3A_898 : memref<1x48x64xf32, #tpu.memory_space<vmem_shared>> -> memref<48x64xf32, #tpu.memory_space<vmem_shared>>
      tpu.enqueue_dma source(%arg5 : memref<48x64xf32, #tpu.memory_space<vmem>>) target(%dma_start3A_899 : memref<48x64xf32, #tpu.memory_space<vmem_shared>>) target_semaphore(%run_scoped3A_893 : memref<!tpu.dma_semaphore, #tpu.memory_space<semaphore_mem>>)
      %dma_wait3A_900 = arith.constant 336 : i32
      %dma_wait3A_901 = tpu.memref_slice %arg6[%run_scoped3A_114, %dma_wait3A_900, %mul3A_0] : memref<4x384x1024xf32, #tpu.memory_space<vmem_shared>> -> memref<1x48x64xf32, #tpu.memory_space<vmem_shared>>
      %dma_wait3A_902 = tpu.memref_squeeze %dma_wait3A_901 : memref<1x48x64xf32, #tpu.memory_space<vmem_shared>> -> memref<48x64xf32, #tpu.memory_space<vmem_shared>>
      %dma_wait3A_903 = arith.constant 336 : i32
      %dma_wait3A_904 = tpu.memref_slice %arg6[%run_scoped3A_114, %dma_wait3A_903, %mul3A_0] : memref<4x384x1024xf32, #tpu.memory_space<vmem_shared>> -> memref<1x48x64xf32, #tpu.memory_space<vmem_shared>>
      %dma_wait3A_905 = tpu.memref_squeeze %dma_wait3A_904 : memref<1x48x64xf32, #tpu.memory_space<vmem_shared>> -> memref<48x64xf32, #tpu.memory_space<vmem_shared>>
      tpu.wait_dma2 semaphore(%run_scoped3A_893 : memref<!tpu.dma_semaphore, #tpu.memory_space<semaphore_mem>>) src(%arg5 : memref<48x64xf32, #tpu.memory_space<vmem>>) dst(%dma_wait3A_905 : memref<48x64xf32, #tpu.memory_space<vmem_shared>>)
      tpu.yield
    }) : () -> ()
    %mul3A_115 = arith.constant 4 : i32
    %mul3A_116 = arith.muli %mul3A_115, %arg0 : i32
    %add3A_117 = arith.constant 1 : i32
    %add3A_118 = arith.addi %mul3A_116, %add3A_117 : i32
    %sub3A_119 = arith.constant 639 : i32
    %sub3A_120 = arith.subi %sub3A_119, %add3A_118 : i32
    %sub3A_121 = arith.subi %sub3A_120, %mul3A_0 : i32
    %add3A_122 = arith.constant 0 : i32
    %add3A_123 = vector.broadcast %add3A_122 : i32 to vector<16xi32>
    %add3A_124 = arith.addi %add3A_123, %iota3A : vector<16xi32>
    %sub3A_125 = vector.broadcast %sub3A_121 : i32 to vector<16xi32>
    %sub3A_126 = arith.subi %sub3A_125, %add3A_124 : vector<16xi32>
    %jit3A_127 = arith.constant 0 : i32
    %jit3A_128 = arith.constant 256 : i32
    %max3A_129 = vector.broadcast %jit3A_127 : i32 to vector<16xi32>
    %max3A_130 = arith.maxsi %max3A_129, %sub3A_126 : vector<16xi32>
    %min3A_131 = vector.broadcast %jit3A_128 : i32 to vector<16xi32>
    %min3A_132 = arith.minsi %min3A_131, %max3A_130 : vector<16xi32>
    %sub3A_133 = vector.broadcast %min3A : i32 to vector<16xi32>
    %sub3A_134 = arith.subi %min3A_132, %sub3A_133 : vector<16xi32>
    %add3A_135 = arith.constant 16 : i32
    %add3A_136 = vector.broadcast %add3A_135 : i32 to vector<16xi32>
    %add3A_137 = arith.addi %add3A_136, %iota3A : vector<16xi32>
    %sub3A_138 = vector.broadcast %sub3A_121 : i32 to vector<16xi32>
    %sub3A_139 = arith.subi %sub3A_138, %add3A_137 : vector<16xi32>
    %jit3A_140 = arith.constant 0 : i32
    %jit3A_141 = arith.constant 256 : i32
    %max3A_142 = vector.broadcast %jit3A_140 : i32 to vector<16xi32>
    %max3A_143 = arith.maxsi %max3A_142, %sub3A_139 : vector<16xi32>
    %min3A_144 = vector.broadcast %jit3A_141 : i32 to vector<16xi32>
    %min3A_145 = arith.minsi %min3A_144, %max3A_143 : vector<16xi32>
    %sub3A_146 = vector.broadcast %min3A : i32 to vector<16xi32>
    %sub3A_147 = arith.subi %min3A_145, %sub3A_146 : vector<16xi32>
    %add3A_148 = arith.constant 32 : i32
    %add3A_149 = vector.broadcast %add3A_148 : i32 to vector<16xi32>
    %add3A_150 = arith.addi %add3A_149, %iota3A : vector<16xi32>
    %sub3A_151 = vector.broadcast %sub3A_121 : i32 to vector<16xi32>
    %sub3A_152 = arith.subi %sub3A_151, %add3A_150 : vector<16xi32>
    %jit3A_153 = arith.constant 0 : i32
    %jit3A_154 = arith.constant 256 : i32
    %max3A_155 = vector.broadcast %jit3A_153 : i32 to vector<16xi32>
    %max3A_156 = arith.maxsi %max3A_155, %sub3A_152 : vector<16xi32>
    %min3A_157 = vector.broadcast %jit3A_154 : i32 to vector<16xi32>
    %min3A_158 = arith.minsi %min3A_157, %max3A_156 : vector<16xi32>
    %sub3A_159 = vector.broadcast %min3A : i32 to vector<16xi32>
    %sub3A_160 = arith.subi %min3A_158, %sub3A_159 : vector<16xi32>
    %add3A_161 = arith.constant 48 : i32
    %add3A_162 = vector.broadcast %add3A_161 : i32 to vector<16xi32>
    %add3A_163 = arith.addi %add3A_162, %iota3A : vector<16xi32>
    %sub3A_164 = vector.broadcast %sub3A_121 : i32 to vector<16xi32>
    %sub3A_165 = arith.subi %sub3A_164, %add3A_163 : vector<16xi32>
    %jit3A_166 = arith.constant 0 : i32
    %jit3A_167 = arith.constant 256 : i32
    %max3A_168 = vector.broadcast %jit3A_166 : i32 to vector<16xi32>
    %max3A_169 = arith.maxsi %max3A_168, %sub3A_165 : vector<16xi32>
    %min3A_170 = vector.broadcast %jit3A_167 : i32 to vector<16xi32>
    %min3A_171 = arith.minsi %min3A_170, %max3A_169 : vector<16xi32>
    %sub3A_172 = vector.broadcast %min3A : i32 to vector<16xi32>
    %sub3A_173 = arith.subi %min3A_171, %sub3A_172 : vector<16xi32>
    %scan3A_174 = arith.constant 0 : i32
    %scan3A_175 = arith.constant 0 : i32
    %scan3A_176 = arith.constant 48 : i32
    %scan3A_177 = arith.addi %scan3A_175, %scan3A_176 : i32
    %scan3A_178 = arith.constant 1 : i32
    scf.for %scan3A_893 = %scan3A_175 to %scan3A_177 step %scan3A_178  : i32 {
      %add3A_894 = arith.constant 0 : i32
      %add3A_895 = arith.addi %add3A_894, %scan3A_893 : i32
      %jit3A_896 = arith.constant 32 : i32
      %div3A = arith.divsi %add3A_895, %jit3A_896 : i32
      %sign3A = arith.constant 0 : i32
      %sign3A_897 = arith.cmpi sgt, %add3A_895, %sign3A : i32
      %sign3A_898 = arith.extui %sign3A_897 : i1 to i32
      %sign3A_899 = arith.constant 0 : i32
      %sign3A_900 = arith.cmpi slt, %add3A_895, %sign3A_899 : i32
      %sign3A_901 = arith.extui %sign3A_900 : i1 to i32
      %sign3A_902 = arith.subi %sign3A_898, %sign3A_901 : i32
      %sign3A_903 = arith.constant 0 : i32
      %sign3A_904 = arith.cmpi sgt, %jit3A_896, %sign3A_903 : i32
      %sign3A_905 = arith.extui %sign3A_904 : i1 to i32
      %sign3A_906 = arith.constant 0 : i32
      %sign3A_907 = arith.cmpi slt, %jit3A_896, %sign3A_906 : i32
      %sign3A_908 = arith.extui %sign3A_907 : i1 to i32
      %sign3A_909 = arith.subi %sign3A_905, %sign3A_908 : i32
      %ne3A = arith.cmpi ne, %sign3A_902, %sign3A_909 : i32
      %rem3A = arith.remsi %add3A_895, %jit3A_896 : i32
      %ne3A_910 = arith.constant 0 : i32
      %ne3A_911 = arith.cmpi ne, %rem3A, %ne3A_910 : i32
      %and3A = arith.andi %ne3A, %ne3A_911 : i1
      %sub3A_912 = arith.constant 1 : i32
      %sub3A_913 = arith.subi %div3A, %sub3A_912 : i32
      %select_n3A = arith.select %and3A, %sub3A_913, %div3A : i32
      %broadcast_in_dim3A = vector.broadcast %select_n3A : i32 to vector<16xi32>
      %jit3A_914 = arith.constant 32 : i32
      %eq3A = arith.constant 0 : i32
      %eq3A_915 = arith.cmpi eq, %jit3A_914, %eq3A : i32
      %jit3A_916 = arith.constant 1 : i32
      %select_n3A_917 = arith.select %eq3A_915, %jit3A_916, %jit3A_914 : i32
      %rem3A_918 = arith.remsi %add3A_895, %select_n3A_917 : i32
      %ne3A_919 = arith.constant 0 : i32
      %ne3A_920 = arith.cmpi ne, %rem3A_918, %ne3A_919 : i32
      %lt3A = arith.constant 0 : i32
      %lt3A_921 = arith.cmpi slt, %rem3A_918, %lt3A : i32
      %lt3A_922 = arith.constant 0 : i32
      %lt3A_923 = arith.cmpi slt, %select_n3A_917, %lt3A_922 : i32
      %ne3A_924 = arith.xori %lt3A_921, %lt3A_923 : i1
      %and3A_925 = arith.andi %ne3A_924, %ne3A_920 : i1
      %add3A_926 = arith.addi %rem3A_918, %select_n3A_917 : i32
      %select_n3A_927 = arith.select %and3A_925, %add3A_926, %rem3A_918 : i32
      %broadcast_in_dim3A_928 = vector.broadcast %select_n3A_927 : i32 to vector<16xi32>
      %gather3A = tpu.vector_load_idx %arg4[%sub3A_134, %broadcast_in_dim3A, %broadcast_in_dim3A_928] : memref<72x12x32xf32, #tpu.memory_space<vmem>>[vector<16xi32>, vector<16xi32>, vector<16xi32>], vector<16xf32>,
      %swap3A = arith.index_cast %scan3A_893 : i32 to index
      %swap3A_929 = arith.constant 0 : index
      %swap3A_930 = tpu.vector_load %arg5[%swap3A, %swap3A_929] {strides = array<i32>} : memref<48x64xf32, #tpu.memory_space<vmem>>, vector<16xf32>,
      tpu.vector_store %arg5[%swap3A, %swap3A_929], %gather3A {strides = array<i32>} : memref<48x64xf32, #tpu.memory_space<vmem>>, vector<16xf32>,
      %gather3A_931 = tpu.vector_load_idx %arg4[%sub3A_147, %broadcast_in_dim3A, %broadcast_in_dim3A_928] : memref<72x12x32xf32, #tpu.memory_space<vmem>>[vector<16xi32>, vector<16xi32>, vector<16xi32>], vector<16xf32>,
      %swap3A_932 = arith.index_cast %scan3A_893 : i32 to index
      %swap3A_933 = arith.constant 16 : index
      %swap3A_934 = tpu.vector_load %arg5[%swap3A_932, %swap3A_933] {strides = array<i32>} : memref<48x64xf32, #tpu.memory_space<vmem>>, vector<16xf32>,
      tpu.vector_store %arg5[%swap3A_932, %swap3A_933], %gather3A_931 {strides = array<i32>} : memref<48x64xf32, #tpu.memory_space<vmem>>, vector<16xf32>,
      %gather3A_935 = tpu.vector_load_idx %arg4[%sub3A_160, %broadcast_in_dim3A, %broadcast_in_dim3A_928] : memref<72x12x32xf32, #tpu.memory_space<vmem>>[vector<16xi32>, vector<16xi32>, vector<16xi32>], vector<16xf32>,
      %swap3A_936 = arith.index_cast %scan3A_893 : i32 to index
      %swap3A_937 = arith.constant 32 : index
      %swap3A_938 = tpu.vector_load %arg5[%swap3A_936, %swap3A_937] {strides = array<i32>} : memref<48x64xf32, #tpu.memory_space<vmem>>, vector<16xf32>,
      tpu.vector_store %arg5[%swap3A_936, %swap3A_937], %gather3A_935 {strides = array<i32>} : memref<48x64xf32, #tpu.memory_space<vmem>>, vector<16xf32>,
      %gather3A_939 = tpu.vector_load_idx %arg4[%sub3A_173, %broadcast_in_dim3A, %broadcast_in_dim3A_928] : memref<72x12x32xf32, #tpu.memory_space<vmem>>[vector<16xi32>, vector<16xi32>, vector<16xi32>], vector<16xf32>,
      %swap3A_940 = arith.index_cast %scan3A_893 : i32 to index
      %swap3A_941 = arith.constant 48 : index
      %swap3A_942 = tpu.vector_load %arg5[%swap3A_940, %swap3A_941] {strides = array<i32>} : memref<48x64xf32, #tpu.memory_space<vmem>>, vector<16xf32>,
      tpu.vector_store %arg5[%swap3A_940, %swap3A_941], %gather3A_939 {strides = array<i32>} : memref<48x64xf32, #tpu.memory_space<vmem>>, vector<16xf32>,
    }
    %scan3A_179 = arith.constant 48 : i32
    %run_scoped3A_180 = arith.constant 1 : i32
    "tpu.region"() ({
      %run_scoped3A_893 = tpu.sem_alloc : memref<!tpu.dma_semaphore, #tpu.memory_space<semaphore_mem>>
      %dma_start3A_894 = arith.constant 0 : i32
      %dma_start3A_895 = tpu.memref_slice %arg6[%run_scoped3A_180, %dma_start3A_894, %mul3A_0] : memref<4x384x1024xf32, #tpu.memory_space<vmem_shared>> -> memref<1x48x64xf32, #tpu.memory_space<vmem_shared>>
      %dma_start3A_896 = tpu.memref_squeeze %dma_start3A_895 : memref<1x48x64xf32, #tpu.memory_space<vmem_shared>> -> memref<48x64xf32, #tpu.memory_space<vmem_shared>>
      %dma_start3A_897 = arith.constant 0 : i32
      %dma_start3A_898 = tpu.memref_slice %arg6[%run_scoped3A_180, %dma_start3A_897, %mul3A_0] : memref<4x384x1024xf32, #tpu.memory_space<vmem_shared>> -> memref<1x48x64xf32, #tpu.memory_space<vmem_shared>>
      %dma_start3A_899 = tpu.memref_squeeze %dma_start3A_898 : memref<1x48x64xf32, #tpu.memory_space<vmem_shared>> -> memref<48x64xf32, #tpu.memory_space<vmem_shared>>
      tpu.enqueue_dma source(%arg5 : memref<48x64xf32, #tpu.memory_space<vmem>>) target(%dma_start3A_899 : memref<48x64xf32, #tpu.memory_space<vmem_shared>>) target_semaphore(%run_scoped3A_893 : memref<!tpu.dma_semaphore, #tpu.memory_space<semaphore_mem>>)
      %dma_wait3A_900 = arith.constant 0 : i32
      %dma_wait3A_901 = tpu.memref_slice %arg6[%run_scoped3A_180, %dma_wait3A_900, %mul3A_0] : memref<4x384x1024xf32, #tpu.memory_space<vmem_shared>> -> memref<1x48x64xf32, #tpu.memory_space<vmem_shared>>
      %dma_wait3A_902 = tpu.memref_squeeze %dma_wait3A_901 : memref<1x48x64xf32, #tpu.memory_space<vmem_shared>> -> memref<48x64xf32, #tpu.memory_space<vmem_shared>>
      %dma_wait3A_903 = arith.constant 0 : i32
      %dma_wait3A_904 = tpu.memref_slice %arg6[%run_scoped3A_180, %dma_wait3A_903, %mul3A_0] : memref<4x384x1024xf32, #tpu.memory_space<vmem_shared>> -> memref<1x48x64xf32, #tpu.memory_space<vmem_shared>>
      %dma_wait3A_905 = tpu.memref_squeeze %dma_wait3A_904 : memref<1x48x64xf32, #tpu.memory_space<vmem_shared>> -> memref<48x64xf32, #tpu.memory_space<vmem_shared>>
      tpu.wait_dma2 semaphore(%run_scoped3A_893 : memref<!tpu.dma_semaphore, #tpu.memory_space<semaphore_mem>>) src(%arg5 : memref<48x64xf32, #tpu.memory_space<vmem>>) dst(%dma_wait3A_905 : memref<48x64xf32, #tpu.memory_space<vmem_shared>>)
      tpu.yield
    }) : () -> ()
    %scan3A_181 = arith.constant 0 : i32
    %scan3A_182 = arith.constant 0 : i32
    %scan3A_183 = arith.constant 48 : i32
    %scan3A_184 = arith.addi %scan3A_182, %scan3A_183 : i32
    %scan3A_185 = arith.constant 1 : i32
    scf.for %scan3A_893 = %scan3A_182 to %scan3A_184 step %scan3A_185  : i32 {
      %add3A_894 = arith.constant 48 : i32
      %add3A_895 = arith.addi %add3A_894, %scan3A_893 : i32
      %jit3A_896 = arith.constant 32 : i32
      %div3A = arith.divsi %add3A_895, %jit3A_896 : i32
      %sign3A = arith.constant 0 : i32
      %sign3A_897 = arith.cmpi sgt, %add3A_895, %sign3A : i32
      %sign3A_898 = arith.extui %sign3A_897 : i1 to i32
      %sign3A_899 = arith.constant 0 : i32
      %sign3A_900 = arith.cmpi slt, %add3A_895, %sign3A_899 : i32
      %sign3A_901 = arith.extui %sign3A_900 : i1 to i32
      %sign3A_902 = arith.subi %sign3A_898, %sign3A_901 : i32
      %sign3A_903 = arith.constant 0 : i32
      %sign3A_904 = arith.cmpi sgt, %jit3A_896, %sign3A_903 : i32
      %sign3A_905 = arith.extui %sign3A_904 : i1 to i32
      %sign3A_906 = arith.constant 0 : i32
      %sign3A_907 = arith.cmpi slt, %jit3A_896, %sign3A_906 : i32
      %sign3A_908 = arith.extui %sign3A_907 : i1 to i32
      %sign3A_909 = arith.subi %sign3A_905, %sign3A_908 : i32
      %ne3A = arith.cmpi ne, %sign3A_902, %sign3A_909 : i32
      %rem3A = arith.remsi %add3A_895, %jit3A_896 : i32
      %ne3A_910 = arith.constant 0 : i32
      %ne3A_911 = arith.cmpi ne, %rem3A, %ne3A_910 : i32
      %and3A = arith.andi %ne3A, %ne3A_911 : i1
      %sub3A_912 = arith.constant 1 : i32
      %sub3A_913 = arith.subi %div3A, %sub3A_912 : i32
      %select_n3A = arith.select %and3A, %sub3A_913, %div3A : i32
      %broadcast_in_dim3A = vector.broadcast %select_n3A : i32 to vector<16xi32>
      %jit3A_914 = arith.constant 32 : i32
      %eq3A = arith.constant 0 : i32
      %eq3A_915 = arith.cmpi eq, %jit3A_914, %eq3A : i32
      %jit3A_916 = arith.constant 1 : i32
      %select_n3A_917 = arith.select %eq3A_915, %jit3A_916, %jit3A_914 : i32
      %rem3A_918 = arith.remsi %add3A_895, %select_n3A_917 : i32
      %ne3A_919 = arith.constant 0 : i32
      %ne3A_920 = arith.cmpi ne, %rem3A_918, %ne3A_919 : i32
      %lt3A = arith.constant 0 : i32
      %lt3A_921 = arith.cmpi slt, %rem3A_918, %lt3A : i32
      %lt3A_922 = arith.constant 0 : i32
      %lt3A_923 = arith.cmpi slt, %select_n3A_917, %lt3A_922 : i32
      %ne3A_924 = arith.xori %lt3A_921, %lt3A_923 : i1
      %and3A_925 = arith.andi %ne3A_924, %ne3A_920 : i1
      %add3A_926 = arith.addi %rem3A_918, %select_n3A_917 : i32
      %select_n3A_927 = arith.select %and3A_925, %add3A_926, %rem3A_918 : i32
      %broadcast_in_dim3A_928 = vector.broadcast %select_n3A_927 : i32 to vector<16xi32>
      %gather3A = tpu.vector_load_idx %arg4[%sub3A_134, %broadcast_in_dim3A, %broadcast_in_dim3A_928] : memref<72x12x32xf32, #tpu.memory_space<vmem>>[vector<16xi32>, vector<16xi32>, vector<16xi32>], vector<16xf32>,
      %swap3A = arith.index_cast %scan3A_893 : i32 to index
      %swap3A_929 = arith.constant 0 : index
      %swap3A_930 = tpu.vector_load %arg5[%swap3A, %swap3A_929] {strides = array<i32>} : memref<48x64xf32, #tpu.memory_space<vmem>>, vector<16xf32>,
      tpu.vector_store %arg5[%swap3A, %swap3A_929], %gather3A {strides = array<i32>} : memref<48x64xf32, #tpu.memory_space<vmem>>, vector<16xf32>,
      %gather3A_931 = tpu.vector_load_idx %arg4[%sub3A_147, %broadcast_in_dim3A, %broadcast_in_dim3A_928] : memref<72x12x32xf32, #tpu.memory_space<vmem>>[vector<16xi32>, vector<16xi32>, vector<16xi32>], vector<16xf32>,
      %swap3A_932 = arith.index_cast %scan3A_893 : i32 to index
      %swap3A_933 = arith.constant 16 : index
      %swap3A_934 = tpu.vector_load %arg5[%swap3A_932, %swap3A_933] {strides = array<i32>} : memref<48x64xf32, #tpu.memory_space<vmem>>, vector<16xf32>,
      tpu.vector_store %arg5[%swap3A_932, %swap3A_933], %gather3A_931 {strides = array<i32>} : memref<48x64xf32, #tpu.memory_space<vmem>>, vector<16xf32>,
      %gather3A_935 = tpu.vector_load_idx %arg4[%sub3A_160, %broadcast_in_dim3A, %broadcast_in_dim3A_928] : memref<72x12x32xf32, #tpu.memory_space<vmem>>[vector<16xi32>, vector<16xi32>, vector<16xi32>], vector<16xf32>,
      %swap3A_936 = arith.index_cast %scan3A_893 : i32 to index
      %swap3A_937 = arith.constant 32 : index
      %swap3A_938 = tpu.vector_load %arg5[%swap3A_936, %swap3A_937] {strides = array<i32>} : memref<48x64xf32, #tpu.memory_space<vmem>>, vector<16xf32>,
      tpu.vector_store %arg5[%swap3A_936, %swap3A_937], %gather3A_935 {strides = array<i32>} : memref<48x64xf32, #tpu.memory_space<vmem>>, vector<16xf32>,
      %gather3A_939 = tpu.vector_load_idx %arg4[%sub3A_173, %broadcast_in_dim3A, %broadcast_in_dim3A_928] : memref<72x12x32xf32, #tpu.memory_space<vmem>>[vector<16xi32>, vector<16xi32>, vector<16xi32>], vector<16xf32>,
      %swap3A_940 = arith.index_cast %scan3A_893 : i32 to index
      %swap3A_941 = arith.constant 48 : index
      %swap3A_942 = tpu.vector_load %arg5[%swap3A_940, %swap3A_941] {strides = array<i32>} : memref<48x64xf32, #tpu.memory_space<vmem>>, vector<16xf32>,
      tpu.vector_store %arg5[%swap3A_940, %swap3A_941], %gather3A_939 {strides = array<i32>} : memref<48x64xf32, #tpu.memory_space<vmem>>, vector<16xf32>,
    }
    %scan3A_186 = arith.constant 48 : i32
    %run_scoped3A_187 = arith.constant 1 : i32
    "tpu.region"() ({
      %run_scoped3A_893 = tpu.sem_alloc : memref<!tpu.dma_semaphore, #tpu.memory_space<semaphore_mem>>
      %dma_start3A_894 = arith.constant 48 : i32
      %dma_start3A_895 = tpu.memref_slice %arg6[%run_scoped3A_187, %dma_start3A_894, %mul3A_0] : memref<4x384x1024xf32, #tpu.memory_space<vmem_shared>> -> memref<1x48x64xf32, #tpu.memory_space<vmem_shared>>
      %dma_start3A_896 = tpu.memref_squeeze %dma_start3A_895 : memref<1x48x64xf32, #tpu.memory_space<vmem_shared>> -> memref<48x64xf32, #tpu.memory_space<vmem_shared>>
      %dma_start3A_897 = arith.constant 48 : i32
      %dma_start3A_898 = tpu.memref_slice %arg6[%run_scoped3A_187, %dma_start3A_897, %mul3A_0] : memref<4x384x1024xf32, #tpu.memory_space<vmem_shared>> -> memref<1x48x64xf32, #tpu.memory_space<vmem_shared>>
      %dma_start3A_899 = tpu.memref_squeeze %dma_start3A_898 : memref<1x48x64xf32, #tpu.memory_space<vmem_shared>> -> memref<48x64xf32, #tpu.memory_space<vmem_shared>>
      tpu.enqueue_dma source(%arg5 : memref<48x64xf32, #tpu.memory_space<vmem>>) target(%dma_start3A_899 : memref<48x64xf32, #tpu.memory_space<vmem_shared>>) target_semaphore(%run_scoped3A_893 : memref<!tpu.dma_semaphore, #tpu.memory_space<semaphore_mem>>)
      %dma_wait3A_900 = arith.constant 48 : i32
      %dma_wait3A_901 = tpu.memref_slice %arg6[%run_scoped3A_187, %dma_wait3A_900, %mul3A_0] : memref<4x384x1024xf32, #tpu.memory_space<vmem_shared>> -> memref<1x48x64xf32, #tpu.memory_space<vmem_shared>>
      %dma_wait3A_902 = tpu.memref_squeeze %dma_wait3A_901 : memref<1x48x64xf32, #tpu.memory_space<vmem_shared>> -> memref<48x64xf32, #tpu.memory_space<vmem_shared>>
      %dma_wait3A_903 = arith.constant 48 : i32
      %dma_wait3A_904 = tpu.memref_slice %arg6[%run_scoped3A_187, %dma_wait3A_903, %mul3A_0] : memref<4x384x1024xf32, #tpu.memory_space<vmem_shared>> -> memref<1x48x64xf32, #tpu.memory_space<vmem_shared>>
      %dma_wait3A_905 = tpu.memref_squeeze %dma_wait3A_904 : memref<1x48x64xf32, #tpu.memory_space<vmem_shared>> -> memref<48x64xf32, #tpu.memory_space<vmem_shared>>
      tpu.wait_dma2 semaphore(%run_scoped3A_893 : memref<!tpu.dma_semaphore, #tpu.memory_space<semaphore_mem>>) src(%arg5 : memref<48x64xf32, #tpu.memory_space<vmem>>) dst(%dma_wait3A_905 : memref<48x64xf32, #tpu.memory_space<vmem_shared>>)
      tpu.yield
    }) : () -> ()
    %scan3A_188 = arith.constant 0 : i32
    %scan3A_189 = arith.constant 0 : i32
    %scan3A_190 = arith.constant 48 : i32
    %scan3A_191 = arith.addi %scan3A_189, %scan3A_190 : i32
    %scan3A_192 = arith.constant 1 : i32
    scf.for %scan3A_893 = %scan3A_189 to %scan3A_191 step %scan3A_192  : i32 {
      %add3A_894 = arith.constant 96 : i32
      %add3A_895 = arith.addi %add3A_894, %scan3A_893 : i32
      %jit3A_896 = arith.constant 32 : i32
      %div3A = arith.divsi %add3A_895, %jit3A_896 : i32
      %sign3A = arith.constant 0 : i32
      %sign3A_897 = arith.cmpi sgt, %add3A_895, %sign3A : i32
      %sign3A_898 = arith.extui %sign3A_897 : i1 to i32
      %sign3A_899 = arith.constant 0 : i32
      %sign3A_900 = arith.cmpi slt, %add3A_895, %sign3A_899 : i32
      %sign3A_901 = arith.extui %sign3A_900 : i1 to i32
      %sign3A_902 = arith.subi %sign3A_898, %sign3A_901 : i32
      %sign3A_903 = arith.constant 0 : i32
      %sign3A_904 = arith.cmpi sgt, %jit3A_896, %sign3A_903 : i32
      %sign3A_905 = arith.extui %sign3A_904 : i1 to i32
      %sign3A_906 = arith.constant 0 : i32
      %sign3A_907 = arith.cmpi slt, %jit3A_896, %sign3A_906 : i32
      %sign3A_908 = arith.extui %sign3A_907 : i1 to i32
      %sign3A_909 = arith.subi %sign3A_905, %sign3A_908 : i32
      %ne3A = arith.cmpi ne, %sign3A_902, %sign3A_909 : i32
      %rem3A = arith.remsi %add3A_895, %jit3A_896 : i32
      %ne3A_910 = arith.constant 0 : i32
      %ne3A_911 = arith.cmpi ne, %rem3A, %ne3A_910 : i32
      %and3A = arith.andi %ne3A, %ne3A_911 : i1
      %sub3A_912 = arith.constant 1 : i32
      %sub3A_913 = arith.subi %div3A, %sub3A_912 : i32
      %select_n3A = arith.select %and3A, %sub3A_913, %div3A : i32
      %broadcast_in_dim3A = vector.broadcast %select_n3A : i32 to vector<16xi32>
      %jit3A_914 = arith.constant 32 : i32
      %eq3A = arith.constant 0 : i32
      %eq3A_915 = arith.cmpi eq, %jit3A_914, %eq3A : i32
      %jit3A_916 = arith.constant 1 : i32
      %select_n3A_917 = arith.select %eq3A_915, %jit3A_916, %jit3A_914 : i32
      %rem3A_918 = arith.remsi %add3A_895, %select_n3A_917 : i32
      %ne3A_919 = arith.constant 0 : i32
      %ne3A_920 = arith.cmpi ne, %rem3A_918, %ne3A_919 : i32
      %lt3A = arith.constant 0 : i32
      %lt3A_921 = arith.cmpi slt, %rem3A_918, %lt3A : i32
      %lt3A_922 = arith.constant 0 : i32
      %lt3A_923 = arith.cmpi slt, %select_n3A_917, %lt3A_922 : i32
      %ne3A_924 = arith.xori %lt3A_921, %lt3A_923 : i1
      %and3A_925 = arith.andi %ne3A_924, %ne3A_920 : i1
      %add3A_926 = arith.addi %rem3A_918, %select_n3A_917 : i32
      %select_n3A_927 = arith.select %and3A_925, %add3A_926, %rem3A_918 : i32
      %broadcast_in_dim3A_928 = vector.broadcast %select_n3A_927 : i32 to vector<16xi32>
      %gather3A = tpu.vector_load_idx %arg4[%sub3A_134, %broadcast_in_dim3A, %broadcast_in_dim3A_928] : memref<72x12x32xf32, #tpu.memory_space<vmem>>[vector<16xi32>, vector<16xi32>, vector<16xi32>], vector<16xf32>,
      %swap3A = arith.index_cast %scan3A_893 : i32 to index
      %swap3A_929 = arith.constant 0 : index
      %swap3A_930 = tpu.vector_load %arg5[%swap3A, %swap3A_929] {strides = array<i32>} : memref<48x64xf32, #tpu.memory_space<vmem>>, vector<16xf32>,
      tpu.vector_store %arg5[%swap3A, %swap3A_929], %gather3A {strides = array<i32>} : memref<48x64xf32, #tpu.memory_space<vmem>>, vector<16xf32>,
      %gather3A_931 = tpu.vector_load_idx %arg4[%sub3A_147, %broadcast_in_dim3A, %broadcast_in_dim3A_928] : memref<72x12x32xf32, #tpu.memory_space<vmem>>[vector<16xi32>, vector<16xi32>, vector<16xi32>], vector<16xf32>,
      %swap3A_932 = arith.index_cast %scan3A_893 : i32 to index
      %swap3A_933 = arith.constant 16 : index
      %swap3A_934 = tpu.vector_load %arg5[%swap3A_932, %swap3A_933] {strides = array<i32>} : memref<48x64xf32, #tpu.memory_space<vmem>>, vector<16xf32>,
      tpu.vector_store %arg5[%swap3A_932, %swap3A_933], %gather3A_931 {strides = array<i32>} : memref<48x64xf32, #tpu.memory_space<vmem>>, vector<16xf32>,
      %gather3A_935 = tpu.vector_load_idx %arg4[%sub3A_160, %broadcast_in_dim3A, %broadcast_in_dim3A_928] : memref<72x12x32xf32, #tpu.memory_space<vmem>>[vector<16xi32>, vector<16xi32>, vector<16xi32>], vector<16xf32>,
      %swap3A_936 = arith.index_cast %scan3A_893 : i32 to index
      %swap3A_937 = arith.constant 32 : index
      %swap3A_938 = tpu.vector_load %arg5[%swap3A_936, %swap3A_937] {strides = array<i32>} : memref<48x64xf32, #tpu.memory_space<vmem>>, vector<16xf32>,
      tpu.vector_store %arg5[%swap3A_936, %swap3A_937], %gather3A_935 {strides = array<i32>} : memref<48x64xf32, #tpu.memory_space<vmem>>, vector<16xf32>,
      %gather3A_939 = tpu.vector_load_idx %arg4[%sub3A_173, %broadcast_in_dim3A, %broadcast_in_dim3A_928] : memref<72x12x32xf32, #tpu.memory_space<vmem>>[vector<16xi32>, vector<16xi32>, vector<16xi32>], vector<16xf32>,
      %swap3A_940 = arith.index_cast %scan3A_893 : i32 to index
      %swap3A_941 = arith.constant 48 : index
      %swap3A_942 = tpu.vector_load %arg5[%swap3A_940, %swap3A_941] {strides = array<i32>} : memref<48x64xf32, #tpu.memory_space<vmem>>, vector<16xf32>,
      tpu.vector_store %arg5[%swap3A_940, %swap3A_941], %gather3A_939 {strides = array<i32>} : memref<48x64xf32, #tpu.memory_space<vmem>>, vector<16xf32>,
    }
    %scan3A_193 = arith.constant 48 : i32
    %run_scoped3A_194 = arith.constant 1 : i32
    "tpu.region"() ({
      %run_scoped3A_893 = tpu.sem_alloc : memref<!tpu.dma_semaphore, #tpu.memory_space<semaphore_mem>>
      %dma_start3A_894 = arith.constant 96 : i32
      %dma_start3A_895 = tpu.memref_slice %arg6[%run_scoped3A_194, %dma_start3A_894, %mul3A_0] : memref<4x384x1024xf32, #tpu.memory_space<vmem_shared>> -> memref<1x48x64xf32, #tpu.memory_space<vmem_shared>>
      %dma_start3A_896 = tpu.memref_squeeze %dma_start3A_895 : memref<1x48x64xf32, #tpu.memory_space<vmem_shared>> -> memref<48x64xf32, #tpu.memory_space<vmem_shared>>
      %dma_start3A_897 = arith.constant 96 : i32
      %dma_start3A_898 = tpu.memref_slice %arg6[%run_scoped3A_194, %dma_start3A_897, %mul3A_0] : memref<4x384x1024xf32, #tpu.memory_space<vmem_shared>> -> memref<1x48x64xf32, #tpu.memory_space<vmem_shared>>
      %dma_start3A_899 = tpu.memref_squeeze %dma_start3A_898 : memref<1x48x64xf32, #tpu.memory_space<vmem_shared>> -> memref<48x64xf32, #tpu.memory_space<vmem_shared>>
      tpu.enqueue_dma source(%arg5 : memref<48x64xf32, #tpu.memory_space<vmem>>) target(%dma_start3A_899 : memref<48x64xf32, #tpu.memory_space<vmem_shared>>) target_semaphore(%run_scoped3A_893 : memref<!tpu.dma_semaphore, #tpu.memory_space<semaphore_mem>>)
      %dma_wait3A_900 = arith.constant 96 : i32
      %dma_wait3A_901 = tpu.memref_slice %arg6[%run_scoped3A_194, %dma_wait3A_900, %mul3A_0] : memref<4x384x1024xf32, #tpu.memory_space<vmem_shared>> -> memref<1x48x64xf32, #tpu.memory_space<vmem_shared>>
      %dma_wait3A_902 = tpu.memref_squeeze %dma_wait3A_901 : memref<1x48x64xf32, #tpu.memory_space<vmem_shared>> -> memref<48x64xf32, #tpu.memory_space<vmem_shared>>
      %dma_wait3A_903 = arith.constant 96 : i32
      %dma_wait3A_904 = tpu.memref_slice %arg6[%run_scoped3A_194, %dma_wait3A_903, %mul3A_0] : memref<4x384x1024xf32, #tpu.memory_space<vmem_shared>> -> memref<1x48x64xf32, #tpu.memory_space<vmem_shared>>
      %dma_wait3A_905 = tpu.memref_squeeze %dma_wait3A_904 : memref<1x48x64xf32, #tpu.memory_space<vmem_shared>> -> memref<48x64xf32, #tpu.memory_space<vmem_shared>>
      tpu.wait_dma2 semaphore(%run_scoped3A_893 : memref<!tpu.dma_semaphore, #tpu.memory_space<semaphore_mem>>) src(%arg5 : memref<48x64xf32, #tpu.memory_space<vmem>>) dst(%dma_wait3A_905 : memref<48x64xf32, #tpu.memory_space<vmem_shared>>)
      tpu.yield
    }) : () -> ()
    %scan3A_195 = arith.constant 0 : i32
    %scan3A_196 = arith.constant 0 : i32
    %scan3A_197 = arith.constant 48 : i32
    %scan3A_198 = arith.addi %scan3A_196, %scan3A_197 : i32
    %scan3A_199 = arith.constant 1 : i32
    scf.for %scan3A_893 = %scan3A_196 to %scan3A_198 step %scan3A_199  : i32 {
      %add3A_894 = arith.constant 144 : i32
      %add3A_895 = arith.addi %add3A_894, %scan3A_893 : i32
      %jit3A_896 = arith.constant 32 : i32
      %div3A = arith.divsi %add3A_895, %jit3A_896 : i32
      %sign3A = arith.constant 0 : i32
      %sign3A_897 = arith.cmpi sgt, %add3A_895, %sign3A : i32
      %sign3A_898 = arith.extui %sign3A_897 : i1 to i32
      %sign3A_899 = arith.constant 0 : i32
      %sign3A_900 = arith.cmpi slt, %add3A_895, %sign3A_899 : i32
      %sign3A_901 = arith.extui %sign3A_900 : i1 to i32
      %sign3A_902 = arith.subi %sign3A_898, %sign3A_901 : i32
      %sign3A_903 = arith.constant 0 : i32
      %sign3A_904 = arith.cmpi sgt, %jit3A_896, %sign3A_903 : i32
      %sign3A_905 = arith.extui %sign3A_904 : i1 to i32
      %sign3A_906 = arith.constant 0 : i32
      %sign3A_907 = arith.cmpi slt, %jit3A_896, %sign3A_906 : i32
      %sign3A_908 = arith.extui %sign3A_907 : i1 to i32
      %sign3A_909 = arith.subi %sign3A_905, %sign3A_908 : i32
      %ne3A = arith.cmpi ne, %sign3A_902, %sign3A_909 : i32
      %rem3A = arith.remsi %add3A_895, %jit3A_896 : i32
      %ne3A_910 = arith.constant 0 : i32
      %ne3A_911 = arith.cmpi ne, %rem3A, %ne3A_910 : i32
      %and3A = arith.andi %ne3A, %ne3A_911 : i1
      %sub3A_912 = arith.constant 1 : i32
      %sub3A_913 = arith.subi %div3A, %sub3A_912 : i32
      %select_n3A = arith.select %and3A, %sub3A_913, %div3A : i32
      %broadcast_in_dim3A = vector.broadcast %select_n3A : i32 to vector<16xi32>
      %jit3A_914 = arith.constant 32 : i32
      %eq3A = arith.constant 0 : i32
      %eq3A_915 = arith.cmpi eq, %jit3A_914, %eq3A : i32
      %jit3A_916 = arith.constant 1 : i32
      %select_n3A_917 = arith.select %eq3A_915, %jit3A_916, %jit3A_914 : i32
      %rem3A_918 = arith.remsi %add3A_895, %select_n3A_917 : i32
      %ne3A_919 = arith.constant 0 : i32
      %ne3A_920 = arith.cmpi ne, %rem3A_918, %ne3A_919 : i32
      %lt3A = arith.constant 0 : i32
      %lt3A_921 = arith.cmpi slt, %rem3A_918, %lt3A : i32
      %lt3A_922 = arith.constant 0 : i32
      %lt3A_923 = arith.cmpi slt, %select_n3A_917, %lt3A_922 : i32
      %ne3A_924 = arith.xori %lt3A_921, %lt3A_923 : i1
      %and3A_925 = arith.andi %ne3A_924, %ne3A_920 : i1
      %add3A_926 = arith.addi %rem3A_918, %select_n3A_917 : i32
      %select_n3A_927 = arith.select %and3A_925, %add3A_926, %rem3A_918 : i32
      %broadcast_in_dim3A_928 = vector.broadcast %select_n3A_927 : i32 to vector<16xi32>
      %gather3A = tpu.vector_load_idx %arg4[%sub3A_134, %broadcast_in_dim3A, %broadcast_in_dim3A_928] : memref<72x12x32xf32, #tpu.memory_space<vmem>>[vector<16xi32>, vector<16xi32>, vector<16xi32>], vector<16xf32>,
      %swap3A = arith.index_cast %scan3A_893 : i32 to index
      %swap3A_929 = arith.constant 0 : index
      %swap3A_930 = tpu.vector_load %arg5[%swap3A, %swap3A_929] {strides = array<i32>} : memref<48x64xf32, #tpu.memory_space<vmem>>, vector<16xf32>,
      tpu.vector_store %arg5[%swap3A, %swap3A_929], %gather3A {strides = array<i32>} : memref<48x64xf32, #tpu.memory_space<vmem>>, vector<16xf32>,
      %gather3A_931 = tpu.vector_load_idx %arg4[%sub3A_147, %broadcast_in_dim3A, %broadcast_in_dim3A_928] : memref<72x12x32xf32, #tpu.memory_space<vmem>>[vector<16xi32>, vector<16xi32>, vector<16xi32>], vector<16xf32>,
      %swap3A_932 = arith.index_cast %scan3A_893 : i32 to index
      %swap3A_933 = arith.constant 16 : index
      %swap3A_934 = tpu.vector_load %arg5[%swap3A_932, %swap3A_933] {strides = array<i32>} : memref<48x64xf32, #tpu.memory_space<vmem>>, vector<16xf32>,
      tpu.vector_store %arg5[%swap3A_932, %swap3A_933], %gather3A_931 {strides = array<i32>} : memref<48x64xf32, #tpu.memory_space<vmem>>, vector<16xf32>,
      %gather3A_935 = tpu.vector_load_idx %arg4[%sub3A_160, %broadcast_in_dim3A, %broadcast_in_dim3A_928] : memref<72x12x32xf32, #tpu.memory_space<vmem>>[vector<16xi32>, vector<16xi32>, vector<16xi32>], vector<16xf32>,
      %swap3A_936 = arith.index_cast %scan3A_893 : i32 to index
      %swap3A_937 = arith.constant 32 : index
      %swap3A_938 = tpu.vector_load %arg5[%swap3A_936, %swap3A_937] {strides = array<i32>} : memref<48x64xf32, #tpu.memory_space<vmem>>, vector<16xf32>,
      tpu.vector_store %arg5[%swap3A_936, %swap3A_937], %gather3A_935 {strides = array<i32>} : memref<48x64xf32, #tpu.memory_space<vmem>>, vector<16xf32>,
      %gather3A_939 = tpu.vector_load_idx %arg4[%sub3A_173, %broadcast_in_dim3A, %broadcast_in_dim3A_928] : memref<72x12x32xf32, #tpu.memory_space<vmem>>[vector<16xi32>, vector<16xi32>, vector<16xi32>], vector<16xf32>,
      %swap3A_940 = arith.index_cast %scan3A_893 : i32 to index
      %swap3A_941 = arith.constant 48 : index
      %swap3A_942 = tpu.vector_load %arg5[%swap3A_940, %swap3A_941] {strides = array<i32>} : memref<48x64xf32, #tpu.memory_space<vmem>>, vector<16xf32>,
      tpu.vector_store %arg5[%swap3A_940, %swap3A_941], %gather3A_939 {strides = array<i32>} : memref<48x64xf32, #tpu.memory_space<vmem>>, vector<16xf32>,
    }
    %scan3A_200 = arith.constant 48 : i32
    %run_scoped3A_201 = arith.constant 1 : i32
    "tpu.region"() ({
      %run_scoped3A_893 = tpu.sem_alloc : memref<!tpu.dma_semaphore, #tpu.memory_space<semaphore_mem>>
      %dma_start3A_894 = arith.constant 144 : i32
      %dma_start3A_895 = tpu.memref_slice %arg6[%run_scoped3A_201, %dma_start3A_894, %mul3A_0] : memref<4x384x1024xf32, #tpu.memory_space<vmem_shared>> -> memref<1x48x64xf32, #tpu.memory_space<vmem_shared>>
      %dma_start3A_896 = tpu.memref_squeeze %dma_start3A_895 : memref<1x48x64xf32, #tpu.memory_space<vmem_shared>> -> memref<48x64xf32, #tpu.memory_space<vmem_shared>>
      %dma_start3A_897 = arith.constant 144 : i32
      %dma_start3A_898 = tpu.memref_slice %arg6[%run_scoped3A_201, %dma_start3A_897, %mul3A_0] : memref<4x384x1024xf32, #tpu.memory_space<vmem_shared>> -> memref<1x48x64xf32, #tpu.memory_space<vmem_shared>>
      %dma_start3A_899 = tpu.memref_squeeze %dma_start3A_898 : memref<1x48x64xf32, #tpu.memory_space<vmem_shared>> -> memref<48x64xf32, #tpu.memory_space<vmem_shared>>
      tpu.enqueue_dma source(%arg5 : memref<48x64xf32, #tpu.memory_space<vmem>>) target(%dma_start3A_899 : memref<48x64xf32, #tpu.memory_space<vmem_shared>>) target_semaphore(%run_scoped3A_893 : memref<!tpu.dma_semaphore, #tpu.memory_space<semaphore_mem>>)
      %dma_wait3A_900 = arith.constant 144 : i32
      %dma_wait3A_901 = tpu.memref_slice %arg6[%run_scoped3A_201, %dma_wait3A_900, %mul3A_0] : memref<4x384x1024xf32, #tpu.memory_space<vmem_shared>> -> memref<1x48x64xf32, #tpu.memory_space<vmem_shared>>
      %dma_wait3A_902 = tpu.memref_squeeze %dma_wait3A_901 : memref<1x48x64xf32, #tpu.memory_space<vmem_shared>> -> memref<48x64xf32, #tpu.memory_space<vmem_shared>>
      %dma_wait3A_903 = arith.constant 144 : i32
      %dma_wait3A_904 = tpu.memref_slice %arg6[%run_scoped3A_201, %dma_wait3A_903, %mul3A_0] : memref<4x384x1024xf32, #tpu.memory_space<vmem_shared>> -> memref<1x48x64xf32, #tpu.memory_space<vmem_shared>>
      %dma_wait3A_905 = tpu.memref_squeeze %dma_wait3A_904 : memref<1x48x64xf32, #tpu.memory_space<vmem_shared>> -> memref<48x64xf32, #tpu.memory_space<vmem_shared>>
      tpu.wait_dma2 semaphore(%run_scoped3A_893 : memref<!tpu.dma_semaphore, #tpu.memory_space<semaphore_mem>>) src(%arg5 : memref<48x64xf32, #tpu.memory_space<vmem>>) dst(%dma_wait3A_905 : memref<48x64xf32, #tpu.memory_space<vmem_shared>>)
      tpu.yield
    }) : () -> ()
    %scan3A_202 = arith.constant 0 : i32
    %scan3A_203 = arith.constant 0 : i32
    %scan3A_204 = arith.constant 48 : i32
    %scan3A_205 = arith.addi %scan3A_203, %scan3A_204 : i32
    %scan3A_206 = arith.constant 1 : i32
    scf.for %scan3A_893 = %scan3A_203 to %scan3A_205 step %scan3A_206  : i32 {
      %add3A_894 = arith.constant 192 : i32
      %add3A_895 = arith.addi %add3A_894, %scan3A_893 : i32
      %jit3A_896 = arith.constant 32 : i32
      %div3A = arith.divsi %add3A_895, %jit3A_896 : i32
      %sign3A = arith.constant 0 : i32
      %sign3A_897 = arith.cmpi sgt, %add3A_895, %sign3A : i32
      %sign3A_898 = arith.extui %sign3A_897 : i1 to i32
      %sign3A_899 = arith.constant 0 : i32
      %sign3A_900 = arith.cmpi slt, %add3A_895, %sign3A_899 : i32
      %sign3A_901 = arith.extui %sign3A_900 : i1 to i32
      %sign3A_902 = arith.subi %sign3A_898, %sign3A_901 : i32
      %sign3A_903 = arith.constant 0 : i32
      %sign3A_904 = arith.cmpi sgt, %jit3A_896, %sign3A_903 : i32
      %sign3A_905 = arith.extui %sign3A_904 : i1 to i32
      %sign3A_906 = arith.constant 0 : i32
      %sign3A_907 = arith.cmpi slt, %jit3A_896, %sign3A_906 : i32
      %sign3A_908 = arith.extui %sign3A_907 : i1 to i32
      %sign3A_909 = arith.subi %sign3A_905, %sign3A_908 : i32
      %ne3A = arith.cmpi ne, %sign3A_902, %sign3A_909 : i32
      %rem3A = arith.remsi %add3A_895, %jit3A_896 : i32
      %ne3A_910 = arith.constant 0 : i32
      %ne3A_911 = arith.cmpi ne, %rem3A, %ne3A_910 : i32
      %and3A = arith.andi %ne3A, %ne3A_911 : i1
      %sub3A_912 = arith.constant 1 : i32
      %sub3A_913 = arith.subi %div3A, %sub3A_912 : i32
      %select_n3A = arith.select %and3A, %sub3A_913, %div3A : i32
      %broadcast_in_dim3A = vector.broadcast %select_n3A : i32 to vector<16xi32>
      %jit3A_914 = arith.constant 32 : i32
      %eq3A = arith.constant 0 : i32
      %eq3A_915 = arith.cmpi eq, %jit3A_914, %eq3A : i32
      %jit3A_916 = arith.constant 1 : i32
      %select_n3A_917 = arith.select %eq3A_915, %jit3A_916, %jit3A_914 : i32
      %rem3A_918 = arith.remsi %add3A_895, %select_n3A_917 : i32
      %ne3A_919 = arith.constant 0 : i32
      %ne3A_920 = arith.cmpi ne, %rem3A_918, %ne3A_919 : i32
      %lt3A = arith.constant 0 : i32
      %lt3A_921 = arith.cmpi slt, %rem3A_918, %lt3A : i32
      %lt3A_922 = arith.constant 0 : i32
      %lt3A_923 = arith.cmpi slt, %select_n3A_917, %lt3A_922 : i32
      %ne3A_924 = arith.xori %lt3A_921, %lt3A_923 : i1
      %and3A_925 = arith.andi %ne3A_924, %ne3A_920 : i1
      %add3A_926 = arith.addi %rem3A_918, %select_n3A_917 : i32
      %select_n3A_927 = arith.select %and3A_925, %add3A_926, %rem3A_918 : i32
      %broadcast_in_dim3A_928 = vector.broadcast %select_n3A_927 : i32 to vector<16xi32>
      %gather3A = tpu.vector_load_idx %arg4[%sub3A_134, %broadcast_in_dim3A, %broadcast_in_dim3A_928] : memref<72x12x32xf32, #tpu.memory_space<vmem>>[vector<16xi32>, vector<16xi32>, vector<16xi32>], vector<16xf32>,
      %swap3A = arith.index_cast %scan3A_893 : i32 to index
      %swap3A_929 = arith.constant 0 : index
      %swap3A_930 = tpu.vector_load %arg5[%swap3A, %swap3A_929] {strides = array<i32>} : memref<48x64xf32, #tpu.memory_space<vmem>>, vector<16xf32>,
      tpu.vector_store %arg5[%swap3A, %swap3A_929], %gather3A {strides = array<i32>} : memref<48x64xf32, #tpu.memory_space<vmem>>, vector<16xf32>,
      %gather3A_931 = tpu.vector_load_idx %arg4[%sub3A_147, %broadcast_in_dim3A, %broadcast_in_dim3A_928] : memref<72x12x32xf32, #tpu.memory_space<vmem>>[vector<16xi32>, vector<16xi32>, vector<16xi32>], vector<16xf32>,
      %swap3A_932 = arith.index_cast %scan3A_893 : i32 to index
      %swap3A_933 = arith.constant 16 : index
      %swap3A_934 = tpu.vector_load %arg5[%swap3A_932, %swap3A_933] {strides = array<i32>} : memref<48x64xf32, #tpu.memory_space<vmem>>, vector<16xf32>,
      tpu.vector_store %arg5[%swap3A_932, %swap3A_933], %gather3A_931 {strides = array<i32>} : memref<48x64xf32, #tpu.memory_space<vmem>>, vector<16xf32>,
      %gather3A_935 = tpu.vector_load_idx %arg4[%sub3A_160, %broadcast_in_dim3A, %broadcast_in_dim3A_928] : memref<72x12x32xf32, #tpu.memory_space<vmem>>[vector<16xi32>, vector<16xi32>, vector<16xi32>], vector<16xf32>,
      %swap3A_936 = arith.index_cast %scan3A_893 : i32 to index
      %swap3A_937 = arith.constant 32 : index
      %swap3A_938 = tpu.vector_load %arg5[%swap3A_936, %swap3A_937] {strides = array<i32>} : memref<48x64xf32, #tpu.memory_space<vmem>>, vector<16xf32>,
      tpu.vector_store %arg5[%swap3A_936, %swap3A_937], %gather3A_935 {strides = array<i32>} : memref<48x64xf32, #tpu.memory_space<vmem>>, vector<16xf32>,
      %gather3A_939 = tpu.vector_load_idx %arg4[%sub3A_173, %broadcast_in_dim3A, %broadcast_in_dim3A_928] : memref<72x12x32xf32, #tpu.memory_space<vmem>>[vector<16xi32>, vector<16xi32>, vector<16xi32>], vector<16xf32>,
      %swap3A_940 = arith.index_cast %scan3A_893 : i32 to index
      %swap3A_941 = arith.constant 48 : index
      %swap3A_942 = tpu.vector_load %arg5[%swap3A_940, %swap3A_941] {strides = array<i32>} : memref<48x64xf32, #tpu.memory_space<vmem>>, vector<16xf32>,
      tpu.vector_store %arg5[%swap3A_940, %swap3A_941], %gather3A_939 {strides = array<i32>} : memref<48x64xf32, #tpu.memory_space<vmem>>, vector<16xf32>,
    }
    %scan3A_207 = arith.constant 48 : i32
    %run_scoped3A_208 = arith.constant 1 : i32
    "tpu.region"() ({
      %run_scoped3A_893 = tpu.sem_alloc : memref<!tpu.dma_semaphore, #tpu.memory_space<semaphore_mem>>
      %dma_start3A_894 = arith.constant 192 : i32
      %dma_start3A_895 = tpu.memref_slice %arg6[%run_scoped3A_208, %dma_start3A_894, %mul3A_0] : memref<4x384x1024xf32, #tpu.memory_space<vmem_shared>> -> memref<1x48x64xf32, #tpu.memory_space<vmem_shared>>
      %dma_start3A_896 = tpu.memref_squeeze %dma_start3A_895 : memref<1x48x64xf32, #tpu.memory_space<vmem_shared>> -> memref<48x64xf32, #tpu.memory_space<vmem_shared>>
      %dma_start3A_897 = arith.constant 192 : i32
      %dma_start3A_898 = tpu.memref_slice %arg6[%run_scoped3A_208, %dma_start3A_897, %mul3A_0] : memref<4x384x1024xf32, #tpu.memory_space<vmem_shared>> -> memref<1x48x64xf32, #tpu.memory_space<vmem_shared>>
      %dma_start3A_899 = tpu.memref_squeeze %dma_start3A_898 : memref<1x48x64xf32, #tpu.memory_space<vmem_shared>> -> memref<48x64xf32, #tpu.memory_space<vmem_shared>>
      tpu.enqueue_dma source(%arg5 : memref<48x64xf32, #tpu.memory_space<vmem>>) target(%dma_start3A_899 : memref<48x64xf32, #tpu.memory_space<vmem_shared>>) target_semaphore(%run_scoped3A_893 : memref<!tpu.dma_semaphore, #tpu.memory_space<semaphore_mem>>)
      %dma_wait3A_900 = arith.constant 192 : i32
      %dma_wait3A_901 = tpu.memref_slice %arg6[%run_scoped3A_208, %dma_wait3A_900, %mul3A_0] : memref<4x384x1024xf32, #tpu.memory_space<vmem_shared>> -> memref<1x48x64xf32, #tpu.memory_space<vmem_shared>>
      %dma_wait3A_902 = tpu.memref_squeeze %dma_wait3A_901 : memref<1x48x64xf32, #tpu.memory_space<vmem_shared>> -> memref<48x64xf32, #tpu.memory_space<vmem_shared>>
      %dma_wait3A_903 = arith.constant 192 : i32
      %dma_wait3A_904 = tpu.memref_slice %arg6[%run_scoped3A_208, %dma_wait3A_903, %mul3A_0] : memref<4x384x1024xf32, #tpu.memory_space<vmem_shared>> -> memref<1x48x64xf32, #tpu.memory_space<vmem_shared>>
      %dma_wait3A_905 = tpu.memref_squeeze %dma_wait3A_904 : memref<1x48x64xf32, #tpu.memory_space<vmem_shared>> -> memref<48x64xf32, #tpu.memory_space<vmem_shared>>
      tpu.wait_dma2 semaphore(%run_scoped3A_893 : memref<!tpu.dma_semaphore, #tpu.memory_space<semaphore_mem>>) src(%arg5 : memref<48x64xf32, #tpu.memory_space<vmem>>) dst(%dma_wait3A_905 : memref<48x64xf32, #tpu.memory_space<vmem_shared>>)
      tpu.yield
    }) : () -> ()
    %scan3A_209 = arith.constant 0 : i32
    %scan3A_210 = arith.constant 0 : i32
    %scan3A_211 = arith.constant 48 : i32
    %scan3A_212 = arith.addi %scan3A_210, %scan3A_211 : i32
    %scan3A_213 = arith.constant 1 : i32
    scf.for %scan3A_893 = %scan3A_210 to %scan3A_212 step %scan3A_213  : i32 {
      %add3A_894 = arith.constant 240 : i32
      %add3A_895 = arith.addi %add3A_894, %scan3A_893 : i32
      %jit3A_896 = arith.constant 32 : i32
      %div3A = arith.divsi %add3A_895, %jit3A_896 : i32
      %sign3A = arith.constant 0 : i32
      %sign3A_897 = arith.cmpi sgt, %add3A_895, %sign3A : i32
      %sign3A_898 = arith.extui %sign3A_897 : i1 to i32
      %sign3A_899 = arith.constant 0 : i32
      %sign3A_900 = arith.cmpi slt, %add3A_895, %sign3A_899 : i32
      %sign3A_901 = arith.extui %sign3A_900 : i1 to i32
      %sign3A_902 = arith.subi %sign3A_898, %sign3A_901 : i32
      %sign3A_903 = arith.constant 0 : i32
      %sign3A_904 = arith.cmpi sgt, %jit3A_896, %sign3A_903 : i32
      %sign3A_905 = arith.extui %sign3A_904 : i1 to i32
      %sign3A_906 = arith.constant 0 : i32
      %sign3A_907 = arith.cmpi slt, %jit3A_896, %sign3A_906 : i32
      %sign3A_908 = arith.extui %sign3A_907 : i1 to i32
      %sign3A_909 = arith.subi %sign3A_905, %sign3A_908 : i32
      %ne3A = arith.cmpi ne, %sign3A_902, %sign3A_909 : i32
      %rem3A = arith.remsi %add3A_895, %jit3A_896 : i32
      %ne3A_910 = arith.constant 0 : i32
      %ne3A_911 = arith.cmpi ne, %rem3A, %ne3A_910 : i32
      %and3A = arith.andi %ne3A, %ne3A_911 : i1
      %sub3A_912 = arith.constant 1 : i32
      %sub3A_913 = arith.subi %div3A, %sub3A_912 : i32
      %select_n3A = arith.select %and3A, %sub3A_913, %div3A : i32
      %broadcast_in_dim3A = vector.broadcast %select_n3A : i32 to vector<16xi32>
      %jit3A_914 = arith.constant 32 : i32
      %eq3A = arith.constant 0 : i32
      %eq3A_915 = arith.cmpi eq, %jit3A_914, %eq3A : i32
      %jit3A_916 = arith.constant 1 : i32
      %select_n3A_917 = arith.select %eq3A_915, %jit3A_916, %jit3A_914 : i32
      %rem3A_918 = arith.remsi %add3A_895, %select_n3A_917 : i32
      %ne3A_919 = arith.constant 0 : i32
      %ne3A_920 = arith.cmpi ne, %rem3A_918, %ne3A_919 : i32
      %lt3A = arith.constant 0 : i32
      %lt3A_921 = arith.cmpi slt, %rem3A_918, %lt3A : i32
      %lt3A_922 = arith.constant 0 : i32
      %lt3A_923 = arith.cmpi slt, %select_n3A_917, %lt3A_922 : i32
      %ne3A_924 = arith.xori %lt3A_921, %lt3A_923 : i1
      %and3A_925 = arith.andi %ne3A_924, %ne3A_920 : i1
      %add3A_926 = arith.addi %rem3A_918, %select_n3A_917 : i32
      %select_n3A_927 = arith.select %and3A_925, %add3A_926, %rem3A_918 : i32
      %broadcast_in_dim3A_928 = vector.broadcast %select_n3A_927 : i32 to vector<16xi32>
      %gather3A = tpu.vector_load_idx %arg4[%sub3A_134, %broadcast_in_dim3A, %broadcast_in_dim3A_928] : memref<72x12x32xf32, #tpu.memory_space<vmem>>[vector<16xi32>, vector<16xi32>, vector<16xi32>], vector<16xf32>,
      %swap3A = arith.index_cast %scan3A_893 : i32 to index
      %swap3A_929 = arith.constant 0 : index
      %swap3A_930 = tpu.vector_load %arg5[%swap3A, %swap3A_929] {strides = array<i32>} : memref<48x64xf32, #tpu.memory_space<vmem>>, vector<16xf32>,
      tpu.vector_store %arg5[%swap3A, %swap3A_929], %gather3A {strides = array<i32>} : memref<48x64xf32, #tpu.memory_space<vmem>>, vector<16xf32>,
      %gather3A_931 = tpu.vector_load_idx %arg4[%sub3A_147, %broadcast_in_dim3A, %broadcast_in_dim3A_928] : memref<72x12x32xf32, #tpu.memory_space<vmem>>[vector<16xi32>, vector<16xi32>, vector<16xi32>], vector<16xf32>,
      %swap3A_932 = arith.index_cast %scan3A_893 : i32 to index
      %swap3A_933 = arith.constant 16 : index
      %swap3A_934 = tpu.vector_load %arg5[%swap3A_932, %swap3A_933] {strides = array<i32>} : memref<48x64xf32, #tpu.memory_space<vmem>>, vector<16xf32>,
      tpu.vector_store %arg5[%swap3A_932, %swap3A_933], %gather3A_931 {strides = array<i32>} : memref<48x64xf32, #tpu.memory_space<vmem>>, vector<16xf32>,
      %gather3A_935 = tpu.vector_load_idx %arg4[%sub3A_160, %broadcast_in_dim3A, %broadcast_in_dim3A_928] : memref<72x12x32xf32, #tpu.memory_space<vmem>>[vector<16xi32>, vector<16xi32>, vector<16xi32>], vector<16xf32>,
      %swap3A_936 = arith.index_cast %scan3A_893 : i32 to index
      %swap3A_937 = arith.constant 32 : index
      %swap3A_938 = tpu.vector_load %arg5[%swap3A_936, %swap3A_937] {strides = array<i32>} : memref<48x64xf32, #tpu.memory_space<vmem>>, vector<16xf32>,
      tpu.vector_store %arg5[%swap3A_936, %swap3A_937], %gather3A_935 {strides = array<i32>} : memref<48x64xf32, #tpu.memory_space<vmem>>, vector<16xf32>,
      %gather3A_939 = tpu.vector_load_idx %arg4[%sub3A_173, %broadcast_in_dim3A, %broadcast_in_dim3A_928] : memref<72x12x32xf32, #tpu.memory_space<vmem>>[vector<16xi32>, vector<16xi32>, vector<16xi32>], vector<16xf32>,
      %swap3A_940 = arith.index_cast %scan3A_893 : i32 to index
      %swap3A_941 = arith.constant 48 : index
      %swap3A_942 = tpu.vector_load %arg5[%swap3A_940, %swap3A_941] {strides = array<i32>} : memref<48x64xf32, #tpu.memory_space<vmem>>, vector<16xf32>,
      tpu.vector_store %arg5[%swap3A_940, %swap3A_941], %gather3A_939 {strides = array<i32>} : memref<48x64xf32, #tpu.memory_space<vmem>>, vector<16xf32>,
    }
    %scan3A_214 = arith.constant 48 : i32
    %run_scoped3A_215 = arith.constant 1 : i32
    "tpu.region"() ({
      %run_scoped3A_893 = tpu.sem_alloc : memref<!tpu.dma_semaphore, #tpu.memory_space<semaphore_mem>>
      %dma_start3A_894 = arith.constant 240 : i32
      %dma_start3A_895 = tpu.memref_slice %arg6[%run_scoped3A_215, %dma_start3A_894, %mul3A_0] : memref<4x384x1024xf32, #tpu.memory_space<vmem_shared>> -> memref<1x48x64xf32, #tpu.memory_space<vmem_shared>>
      %dma_start3A_896 = tpu.memref_squeeze %dma_start3A_895 : memref<1x48x64xf32, #tpu.memory_space<vmem_shared>> -> memref<48x64xf32, #tpu.memory_space<vmem_shared>>
      %dma_start3A_897 = arith.constant 240 : i32
      %dma_start3A_898 = tpu.memref_slice %arg6[%run_scoped3A_215, %dma_start3A_897, %mul3A_0] : memref<4x384x1024xf32, #tpu.memory_space<vmem_shared>> -> memref<1x48x64xf32, #tpu.memory_space<vmem_shared>>
      %dma_start3A_899 = tpu.memref_squeeze %dma_start3A_898 : memref<1x48x64xf32, #tpu.memory_space<vmem_shared>> -> memref<48x64xf32, #tpu.memory_space<vmem_shared>>
      tpu.enqueue_dma source(%arg5 : memref<48x64xf32, #tpu.memory_space<vmem>>) target(%dma_start3A_899 : memref<48x64xf32, #tpu.memory_space<vmem_shared>>) target_semaphore(%run_scoped3A_893 : memref<!tpu.dma_semaphore, #tpu.memory_space<semaphore_mem>>)
      %dma_wait3A_900 = arith.constant 240 : i32
      %dma_wait3A_901 = tpu.memref_slice %arg6[%run_scoped3A_215, %dma_wait3A_900, %mul3A_0] : memref<4x384x1024xf32, #tpu.memory_space<vmem_shared>> -> memref<1x48x64xf32, #tpu.memory_space<vmem_shared>>
      %dma_wait3A_902 = tpu.memref_squeeze %dma_wait3A_901 : memref<1x48x64xf32, #tpu.memory_space<vmem_shared>> -> memref<48x64xf32, #tpu.memory_space<vmem_shared>>
      %dma_wait3A_903 = arith.constant 240 : i32
      %dma_wait3A_904 = tpu.memref_slice %arg6[%run_scoped3A_215, %dma_wait3A_903, %mul3A_0] : memref<4x384x1024xf32, #tpu.memory_space<vmem_shared>> -> memref<1x48x64xf32, #tpu.memory_space<vmem_shared>>
      %dma_wait3A_905 = tpu.memref_squeeze %dma_wait3A_904 : memref<1x48x64xf32, #tpu.memory_space<vmem_shared>> -> memref<48x64xf32, #tpu.memory_space<vmem_shared>>
      tpu.wait_dma2 semaphore(%run_scoped3A_893 : memref<!tpu.dma_semaphore, #tpu.memory_space<semaphore_mem>>) src(%arg5 : memref<48x64xf32, #tpu.memory_space<vmem>>) dst(%dma_wait3A_905 : memref<48x64xf32, #tpu.memory_space<vmem_shared>>)
      tpu.yield
    }) : () -> ()
    %scan3A_216 = arith.constant 0 : i32
    %scan3A_217 = arith.constant 0 : i32
    %scan3A_218 = arith.constant 48 : i32
    %scan3A_219 = arith.addi %scan3A_217, %scan3A_218 : i32
    %scan3A_220 = arith.constant 1 : i32
    scf.for %scan3A_893 = %scan3A_217 to %scan3A_219 step %scan3A_220  : i32 {
      %add3A_894 = arith.constant 288 : i32
      %add3A_895 = arith.addi %add3A_894, %scan3A_893 : i32
      %jit3A_896 = arith.constant 32 : i32
      %div3A = arith.divsi %add3A_895, %jit3A_896 : i32
      %sign3A = arith.constant 0 : i32
      %sign3A_897 = arith.cmpi sgt, %add3A_895, %sign3A : i32
      %sign3A_898 = arith.extui %sign3A_897 : i1 to i32
      %sign3A_899 = arith.constant 0 : i32
      %sign3A_900 = arith.cmpi slt, %add3A_895, %sign3A_899 : i32
      %sign3A_901 = arith.extui %sign3A_900 : i1 to i32
      %sign3A_902 = arith.subi %sign3A_898, %sign3A_901 : i32
      %sign3A_903 = arith.constant 0 : i32
      %sign3A_904 = arith.cmpi sgt, %jit3A_896, %sign3A_903 : i32
      %sign3A_905 = arith.extui %sign3A_904 : i1 to i32
      %sign3A_906 = arith.constant 0 : i32
      %sign3A_907 = arith.cmpi slt, %jit3A_896, %sign3A_906 : i32
      %sign3A_908 = arith.extui %sign3A_907 : i1 to i32
      %sign3A_909 = arith.subi %sign3A_905, %sign3A_908 : i32
      %ne3A = arith.cmpi ne, %sign3A_902, %sign3A_909 : i32
      %rem3A = arith.remsi %add3A_895, %jit3A_896 : i32
      %ne3A_910 = arith.constant 0 : i32
      %ne3A_911 = arith.cmpi ne, %rem3A, %ne3A_910 : i32
      %and3A = arith.andi %ne3A, %ne3A_911 : i1
      %sub3A_912 = arith.constant 1 : i32
      %sub3A_913 = arith.subi %div3A, %sub3A_912 : i32
      %select_n3A = arith.select %and3A, %sub3A_913, %div3A : i32
      %broadcast_in_dim3A = vector.broadcast %select_n3A : i32 to vector<16xi32>
      %jit3A_914 = arith.constant 32 : i32
      %eq3A = arith.constant 0 : i32
      %eq3A_915 = arith.cmpi eq, %jit3A_914, %eq3A : i32
      %jit3A_916 = arith.constant 1 : i32
      %select_n3A_917 = arith.select %eq3A_915, %jit3A_916, %jit3A_914 : i32
      %rem3A_918 = arith.remsi %add3A_895, %select_n3A_917 : i32
      %ne3A_919 = arith.constant 0 : i32
      %ne3A_920 = arith.cmpi ne, %rem3A_918, %ne3A_919 : i32
      %lt3A = arith.constant 0 : i32
      %lt3A_921 = arith.cmpi slt, %rem3A_918, %lt3A : i32
      %lt3A_922 = arith.constant 0 : i32
      %lt3A_923 = arith.cmpi slt, %select_n3A_917, %lt3A_922 : i32
      %ne3A_924 = arith.xori %lt3A_921, %lt3A_923 : i1
      %and3A_925 = arith.andi %ne3A_924, %ne3A_920 : i1
      %add3A_926 = arith.addi %rem3A_918, %select_n3A_917 : i32
      %select_n3A_927 = arith.select %and3A_925, %add3A_926, %rem3A_918 : i32
      %broadcast_in_dim3A_928 = vector.broadcast %select_n3A_927 : i32 to vector<16xi32>
      %gather3A = tpu.vector_load_idx %arg4[%sub3A_134, %broadcast_in_dim3A, %broadcast_in_dim3A_928] : memref<72x12x32xf32, #tpu.memory_space<vmem>>[vector<16xi32>, vector<16xi32>, vector<16xi32>], vector<16xf32>,
      %swap3A = arith.index_cast %scan3A_893 : i32 to index
      %swap3A_929 = arith.constant 0 : index
      %swap3A_930 = tpu.vector_load %arg5[%swap3A, %swap3A_929] {strides = array<i32>} : memref<48x64xf32, #tpu.memory_space<vmem>>, vector<16xf32>,
      tpu.vector_store %arg5[%swap3A, %swap3A_929], %gather3A {strides = array<i32>} : memref<48x64xf32, #tpu.memory_space<vmem>>, vector<16xf32>,
      %gather3A_931 = tpu.vector_load_idx %arg4[%sub3A_147, %broadcast_in_dim3A, %broadcast_in_dim3A_928] : memref<72x12x32xf32, #tpu.memory_space<vmem>>[vector<16xi32>, vector<16xi32>, vector<16xi32>], vector<16xf32>,
      %swap3A_932 = arith.index_cast %scan3A_893 : i32 to index
      %swap3A_933 = arith.constant 16 : index
      %swap3A_934 = tpu.vector_load %arg5[%swap3A_932, %swap3A_933] {strides = array<i32>} : memref<48x64xf32, #tpu.memory_space<vmem>>, vector<16xf32>,
      tpu.vector_store %arg5[%swap3A_932, %swap3A_933], %gather3A_931 {strides = array<i32>} : memref<48x64xf32, #tpu.memory_space<vmem>>, vector<16xf32>,
      %gather3A_935 = tpu.vector_load_idx %arg4[%sub3A_160, %broadcast_in_dim3A, %broadcast_in_dim3A_928] : memref<72x12x32xf32, #tpu.memory_space<vmem>>[vector<16xi32>, vector<16xi32>, vector<16xi32>], vector<16xf32>,
      %swap3A_936 = arith.index_cast %scan3A_893 : i32 to index
      %swap3A_937 = arith.constant 32 : index
      %swap3A_938 = tpu.vector_load %arg5[%swap3A_936, %swap3A_937] {strides = array<i32>} : memref<48x64xf32, #tpu.memory_space<vmem>>, vector<16xf32>,
      tpu.vector_store %arg5[%swap3A_936, %swap3A_937], %gather3A_935 {strides = array<i32>} : memref<48x64xf32, #tpu.memory_space<vmem>>, vector<16xf32>,
      %gather3A_939 = tpu.vector_load_idx %arg4[%sub3A_173, %broadcast_in_dim3A, %broadcast_in_dim3A_928] : memref<72x12x32xf32, #tpu.memory_space<vmem>>[vector<16xi32>, vector<16xi32>, vector<16xi32>], vector<16xf32>,
      %swap3A_940 = arith.index_cast %scan3A_893 : i32 to index
      %swap3A_941 = arith.constant 48 : index
      %swap3A_942 = tpu.vector_load %arg5[%swap3A_940, %swap3A_941] {strides = array<i32>} : memref<48x64xf32, #tpu.memory_space<vmem>>, vector<16xf32>,
      tpu.vector_store %arg5[%swap3A_940, %swap3A_941], %gather3A_939 {strides = array<i32>} : memref<48x64xf32, #tpu.memory_space<vmem>>, vector<16xf32>,
    }
    %scan3A_221 = arith.constant 48 : i32
    %run_scoped3A_222 = arith.constant 1 : i32
    "tpu.region"() ({
      %run_scoped3A_893 = tpu.sem_alloc : memref<!tpu.dma_semaphore, #tpu.memory_space<semaphore_mem>>
      %dma_start3A_894 = arith.constant 288 : i32
      %dma_start3A_895 = tpu.memref_slice %arg6[%run_scoped3A_222, %dma_start3A_894, %mul3A_0] : memref<4x384x1024xf32, #tpu.memory_space<vmem_shared>> -> memref<1x48x64xf32, #tpu.memory_space<vmem_shared>>
      %dma_start3A_896 = tpu.memref_squeeze %dma_start3A_895 : memref<1x48x64xf32, #tpu.memory_space<vmem_shared>> -> memref<48x64xf32, #tpu.memory_space<vmem_shared>>
      %dma_start3A_897 = arith.constant 288 : i32
      %dma_start3A_898 = tpu.memref_slice %arg6[%run_scoped3A_222, %dma_start3A_897, %mul3A_0] : memref<4x384x1024xf32, #tpu.memory_space<vmem_shared>> -> memref<1x48x64xf32, #tpu.memory_space<vmem_shared>>
      %dma_start3A_899 = tpu.memref_squeeze %dma_start3A_898 : memref<1x48x64xf32, #tpu.memory_space<vmem_shared>> -> memref<48x64xf32, #tpu.memory_space<vmem_shared>>
      tpu.enqueue_dma source(%arg5 : memref<48x64xf32, #tpu.memory_space<vmem>>) target(%dma_start3A_899 : memref<48x64xf32, #tpu.memory_space<vmem_shared>>) target_semaphore(%run_scoped3A_893 : memref<!tpu.dma_semaphore, #tpu.memory_space<semaphore_mem>>)
      %dma_wait3A_900 = arith.constant 288 : i32
      %dma_wait3A_901 = tpu.memref_slice %arg6[%run_scoped3A_222, %dma_wait3A_900, %mul3A_0] : memref<4x384x1024xf32, #tpu.memory_space<vmem_shared>> -> memref<1x48x64xf32, #tpu.memory_space<vmem_shared>>
      %dma_wait3A_902 = tpu.memref_squeeze %dma_wait3A_901 : memref<1x48x64xf32, #tpu.memory_space<vmem_shared>> -> memref<48x64xf32, #tpu.memory_space<vmem_shared>>
      %dma_wait3A_903 = arith.constant 288 : i32
      %dma_wait3A_904 = tpu.memref_slice %arg6[%run_scoped3A_222, %dma_wait3A_903, %mul3A_0] : memref<4x384x1024xf32, #tpu.memory_space<vmem_shared>> -> memref<1x48x64xf32, #tpu.memory_space<vmem_shared>>
      %dma_wait3A_905 = tpu.memref_squeeze %dma_wait3A_904 : memref<1x48x64xf32, #tpu.memory_space<vmem_shared>> -> memref<48x64xf32, #tpu.memory_space<vmem_shared>>
      tpu.wait_dma2 semaphore(%run_scoped3A_893 : memref<!tpu.dma_semaphore, #tpu.memory_space<semaphore_mem>>) src(%arg5 : memref<48x64xf32, #tpu.memory_space<vmem>>) dst(%dma_wait3A_905 : memref<48x64xf32, #tpu.memory_space<vmem_shared>>)
      tpu.yield
    }) : () -> ()
    %scan3A_223 = arith.constant 0 : i32
    %scan3A_224 = arith.constant 0 : i32
    %scan3A_225 = arith.constant 48 : i32
    %scan3A_226 = arith.addi %scan3A_224, %scan3A_225 : i32
    %scan3A_227 = arith.constant 1 : i32
    scf.for %scan3A_893 = %scan3A_224 to %scan3A_226 step %scan3A_227  : i32 {
      %add3A_894 = arith.constant 336 : i32
      %add3A_895 = arith.addi %add3A_894, %scan3A_893 : i32
      %jit3A_896 = arith.constant 32 : i32
      %div3A = arith.divsi %add3A_895, %jit3A_896 : i32
      %sign3A = arith.constant 0 : i32
      %sign3A_897 = arith.cmpi sgt, %add3A_895, %sign3A : i32
      %sign3A_898 = arith.extui %sign3A_897 : i1 to i32
      %sign3A_899 = arith.constant 0 : i32
      %sign3A_900 = arith.cmpi slt, %add3A_895, %sign3A_899 : i32
      %sign3A_901 = arith.extui %sign3A_900 : i1 to i32
      %sign3A_902 = arith.subi %sign3A_898, %sign3A_901 : i32
      %sign3A_903 = arith.constant 0 : i32
      %sign3A_904 = arith.cmpi sgt, %jit3A_896, %sign3A_903 : i32
      %sign3A_905 = arith.extui %sign3A_904 : i1 to i32
      %sign3A_906 = arith.constant 0 : i32
      %sign3A_907 = arith.cmpi slt, %jit3A_896, %sign3A_906 : i32
      %sign3A_908 = arith.extui %sign3A_907 : i1 to i32
      %sign3A_909 = arith.subi %sign3A_905, %sign3A_908 : i32
      %ne3A = arith.cmpi ne, %sign3A_902, %sign3A_909 : i32
      %rem3A = arith.remsi %add3A_895, %jit3A_896 : i32
      %ne3A_910 = arith.constant 0 : i32
      %ne3A_911 = arith.cmpi ne, %rem3A, %ne3A_910 : i32
      %and3A = arith.andi %ne3A, %ne3A_911 : i1
      %sub3A_912 = arith.constant 1 : i32
      %sub3A_913 = arith.subi %div3A, %sub3A_912 : i32
      %select_n3A = arith.select %and3A, %sub3A_913, %div3A : i32
      %broadcast_in_dim3A = vector.broadcast %select_n3A : i32 to vector<16xi32>
      %jit3A_914 = arith.constant 32 : i32
      %eq3A = arith.constant 0 : i32
      %eq3A_915 = arith.cmpi eq, %jit3A_914, %eq3A : i32
      %jit3A_916 = arith.constant 1 : i32
      %select_n3A_917 = arith.select %eq3A_915, %jit3A_916, %jit3A_914 : i32
      %rem3A_918 = arith.remsi %add3A_895, %select_n3A_917 : i32
      %ne3A_919 = arith.constant 0 : i32
      %ne3A_920 = arith.cmpi ne, %rem3A_918, %ne3A_919 : i32
      %lt3A = arith.constant 0 : i32
      %lt3A_921 = arith.cmpi slt, %rem3A_918, %lt3A : i32
      %lt3A_922 = arith.constant 0 : i32
      %lt3A_923 = arith.cmpi slt, %select_n3A_917, %lt3A_922 : i32
      %ne3A_924 = arith.xori %lt3A_921, %lt3A_923 : i1
      %and3A_925 = arith.andi %ne3A_924, %ne3A_920 : i1
      %add3A_926 = arith.addi %rem3A_918, %select_n3A_917 : i32
      %select_n3A_927 = arith.select %and3A_925, %add3A_926, %rem3A_918 : i32
      %broadcast_in_dim3A_928 = vector.broadcast %select_n3A_927 : i32 to vector<16xi32>
      %gather3A = tpu.vector_load_idx %arg4[%sub3A_134, %broadcast_in_dim3A, %broadcast_in_dim3A_928] : memref<72x12x32xf32, #tpu.memory_space<vmem>>[vector<16xi32>, vector<16xi32>, vector<16xi32>], vector<16xf32>,
      %swap3A = arith.index_cast %scan3A_893 : i32 to index
      %swap3A_929 = arith.constant 0 : index
      %swap3A_930 = tpu.vector_load %arg5[%swap3A, %swap3A_929] {strides = array<i32>} : memref<48x64xf32, #tpu.memory_space<vmem>>, vector<16xf32>,
      tpu.vector_store %arg5[%swap3A, %swap3A_929], %gather3A {strides = array<i32>} : memref<48x64xf32, #tpu.memory_space<vmem>>, vector<16xf32>,
      %gather3A_931 = tpu.vector_load_idx %arg4[%sub3A_147, %broadcast_in_dim3A, %broadcast_in_dim3A_928] : memref<72x12x32xf32, #tpu.memory_space<vmem>>[vector<16xi32>, vector<16xi32>, vector<16xi32>], vector<16xf32>,
      %swap3A_932 = arith.index_cast %scan3A_893 : i32 to index
      %swap3A_933 = arith.constant 16 : index
      %swap3A_934 = tpu.vector_load %arg5[%swap3A_932, %swap3A_933] {strides = array<i32>} : memref<48x64xf32, #tpu.memory_space<vmem>>, vector<16xf32>,
      tpu.vector_store %arg5[%swap3A_932, %swap3A_933], %gather3A_931 {strides = array<i32>} : memref<48x64xf32, #tpu.memory_space<vmem>>, vector<16xf32>,
      %gather3A_935 = tpu.vector_load_idx %arg4[%sub3A_160, %broadcast_in_dim3A, %broadcast_in_dim3A_928] : memref<72x12x32xf32, #tpu.memory_space<vmem>>[vector<16xi32>, vector<16xi32>, vector<16xi32>], vector<16xf32>,
      %swap3A_936 = arith.index_cast %scan3A_893 : i32 to index
      %swap3A_937 = arith.constant 32 : index
      %swap3A_938 = tpu.vector_load %arg5[%swap3A_936, %swap3A_937] {strides = array<i32>} : memref<48x64xf32, #tpu.memory_space<vmem>>, vector<16xf32>,
      tpu.vector_store %arg5[%swap3A_936, %swap3A_937], %gather3A_935 {strides = array<i32>} : memref<48x64xf32, #tpu.memory_space<vmem>>, vector<16xf32>,
      %gather3A_939 = tpu.vector_load_idx %arg4[%sub3A_173, %broadcast_in_dim3A, %broadcast_in_dim3A_928] : memref<72x12x32xf32, #tpu.memory_space<vmem>>[vector<16xi32>, vector<16xi32>, vector<16xi32>], vector<16xf32>,
      %swap3A_940 = arith.index_cast %scan3A_893 : i32 to index
      %swap3A_941 = arith.constant 48 : index
      %swap3A_942 = tpu.vector_load %arg5[%swap3A_940, %swap3A_941] {strides = array<i32>} : memref<48x64xf32, #tpu.memory_space<vmem>>, vector<16xf32>,
      tpu.vector_store %arg5[%swap3A_940, %swap3A_941], %gather3A_939 {strides = array<i32>} : memref<48x64xf32, #tpu.memory_space<vmem>>, vector<16xf32>,
    }
    %scan3A_228 = arith.constant 48 : i32
    %run_scoped3A_229 = arith.constant 1 : i32
    "tpu.region"() ({
      %run_scoped3A_893 = tpu.sem_alloc : memref<!tpu.dma_semaphore, #tpu.memory_space<semaphore_mem>>
      %dma_start3A_894 = arith.constant 336 : i32
      %dma_start3A_895 = tpu.memref_slice %arg6[%run_scoped3A_229, %dma_start3A_894, %mul3A_0] : memref<4x384x1024xf32, #tpu.memory_space<vmem_shared>> -> memref<1x48x64xf32, #tpu.memory_space<vmem_shared>>
      %dma_start3A_896 = tpu.memref_squeeze %dma_start3A_895 : memref<1x48x64xf32, #tpu.memory_space<vmem_shared>> -> memref<48x64xf32, #tpu.memory_space<vmem_shared>>
      %dma_start3A_897 = arith.constant 336 : i32
      %dma_start3A_898 = tpu.memref_slice %arg6[%run_scoped3A_229, %dma_start3A_897, %mul3A_0] : memref<4x384x1024xf32, #tpu.memory_space<vmem_shared>> -> memref<1x48x64xf32, #tpu.memory_space<vmem_shared>>
      %dma_start3A_899 = tpu.memref_squeeze %dma_start3A_898 : memref<1x48x64xf32, #tpu.memory_space<vmem_shared>> -> memref<48x64xf32, #tpu.memory_space<vmem_shared>>
      tpu.enqueue_dma source(%arg5 : memref<48x64xf32, #tpu.memory_space<vmem>>) target(%dma_start3A_899 : memref<48x64xf32, #tpu.memory_space<vmem_shared>>) target_semaphore(%run_scoped3A_893 : memref<!tpu.dma_semaphore, #tpu.memory_space<semaphore_mem>>)
      %dma_wait3A_900 = arith.constant 336 : i32
      %dma_wait3A_901 = tpu.memref_slice %arg6[%run_scoped3A_229, %dma_wait3A_900, %mul3A_0] : memref<4x384x1024xf32, #tpu.memory_space<vmem_shared>> -> memref<1x48x64xf32, #tpu.memory_space<vmem_shared>>
      %dma_wait3A_902 = tpu.memref_squeeze %dma_wait3A_901 : memref<1x48x64xf32, #tpu.memory_space<vmem_shared>> -> memref<48x64xf32, #tpu.memory_space<vmem_shared>>
      %dma_wait3A_903 = arith.constant 336 : i32
      %dma_wait3A_904 = tpu.memref_slice %arg6[%run_scoped3A_229, %dma_wait3A_903, %mul3A_0] : memref<4x384x1024xf32, #tpu.memory_space<vmem_shared>> -> memref<1x48x64xf32, #tpu.memory_space<vmem_shared>>
      %dma_wait3A_905 = tpu.memref_squeeze %dma_wait3A_904 : memref<1x48x64xf32, #tpu.memory_space<vmem_shared>> -> memref<48x64xf32, #tpu.memory_space<vmem_shared>>
      tpu.wait_dma2 semaphore(%run_scoped3A_893 : memref<!tpu.dma_semaphore, #tpu.memory_space<semaphore_mem>>) src(%arg5 : memref<48x64xf32, #tpu.memory_space<vmem>>) dst(%dma_wait3A_905 : memref<48x64xf32, #tpu.memory_space<vmem_shared>>)
      tpu.yield
    }) : () -> ()
    %mul3A_230 = arith.constant 4 : i32
    %mul3A_231 = arith.muli %mul3A_230, %arg0 : i32
    %add3A_232 = arith.constant 2 : i32
    %add3A_233 = arith.addi %mul3A_231, %add3A_232 : i32
    %sub3A_234 = arith.constant 639 : i32
    %sub3A_235 = arith.subi %sub3A_234, %add3A_233 : i32
    %sub3A_236 = arith.subi %sub3A_235, %mul3A_0 : i32
    %add3A_237 = arith.constant 0 : i32
    %add3A_238 = vector.broadcast %add3A_237 : i32 to vector<16xi32>
    %add3A_239 = arith.addi %add3A_238, %iota3A : vector<16xi32>
    %sub3A_240 = vector.broadcast %sub3A_236 : i32 to vector<16xi32>
    %sub3A_241 = arith.subi %sub3A_240, %add3A_239 : vector<16xi32>
    %jit3A_242 = arith.constant 0 : i32
    %jit3A_243 = arith.constant 256 : i32
    %max3A_244 = vector.broadcast %jit3A_242 : i32 to vector<16xi32>
    %max3A_245 = arith.maxsi %max3A_244, %sub3A_241 : vector<16xi32>
    %min3A_246 = vector.broadcast %jit3A_243 : i32 to vector<16xi32>
    %min3A_247 = arith.minsi %min3A_246, %max3A_245 : vector<16xi32>
    %sub3A_248 = vector.broadcast %min3A : i32 to vector<16xi32>
    %sub3A_249 = arith.subi %min3A_247, %sub3A_248 : vector<16xi32>
    %add3A_250 = arith.constant 16 : i32
    %add3A_251 = vector.broadcast %add3A_250 : i32 to vector<16xi32>
    %add3A_252 = arith.addi %add3A_251, %iota3A : vector<16xi32>
    %sub3A_253 = vector.broadcast %sub3A_236 : i32 to vector<16xi32>
    %sub3A_254 = arith.subi %sub3A_253, %add3A_252 : vector<16xi32>
    %jit3A_255 = arith.constant 0 : i32
    %jit3A_256 = arith.constant 256 : i32
    %max3A_257 = vector.broadcast %jit3A_255 : i32 to vector<16xi32>
    %max3A_258 = arith.maxsi %max3A_257, %sub3A_254 : vector<16xi32>
    %min3A_259 = vector.broadcast %jit3A_256 : i32 to vector<16xi32>
    %min3A_260 = arith.minsi %min3A_259, %max3A_258 : vector<16xi32>
    %sub3A_261 = vector.broadcast %min3A : i32 to vector<16xi32>
    %sub3A_262 = arith.subi %min3A_260, %sub3A_261 : vector<16xi32>
    %add3A_263 = arith.constant 32 : i32
    %add3A_264 = vector.broadcast %add3A_263 : i32 to vector<16xi32>
    %add3A_265 = arith.addi %add3A_264, %iota3A : vector<16xi32>
    %sub3A_266 = vector.broadcast %sub3A_236 : i32 to vector<16xi32>
    %sub3A_267 = arith.subi %sub3A_266, %add3A_265 : vector<16xi32>
    %jit3A_268 = arith.constant 0 : i32
    %jit3A_269 = arith.constant 256 : i32
    %max3A_270 = vector.broadcast %jit3A_268 : i32 to vector<16xi32>
    %max3A_271 = arith.maxsi %max3A_270, %sub3A_267 : vector<16xi32>
    %min3A_272 = vector.broadcast %jit3A_269 : i32 to vector<16xi32>
    %min3A_273 = arith.minsi %min3A_272, %max3A_271 : vector<16xi32>
    %sub3A_274 = vector.broadcast %min3A : i32 to vector<16xi32>
    %sub3A_275 = arith.subi %min3A_273, %sub3A_274 : vector<16xi32>
    %add3A_276 = arith.constant 48 : i32
    %add3A_277 = vector.broadcast %add3A_276 : i32 to vector<16xi32>
    %add3A_278 = arith.addi %add3A_277, %iota3A : vector<16xi32>
    %sub3A_279 = vector.broadcast %sub3A_236 : i32 to vector<16xi32>
    %sub3A_280 = arith.subi %sub3A_279, %add3A_278 : vector<16xi32>
    %jit3A_281 = arith.constant 0 : i32
    %jit3A_282 = arith.constant 256 : i32
    %max3A_283 = vector.broadcast %jit3A_281 : i32 to vector<16xi32>
    %max3A_284 = arith.maxsi %max3A_283, %sub3A_280 : vector<16xi32>
    %min3A_285 = vector.broadcast %jit3A_282 : i32 to vector<16xi32>
    %min3A_286 = arith.minsi %min3A_285, %max3A_284 : vector<16xi32>
    %sub3A_287 = vector.broadcast %min3A : i32 to vector<16xi32>
    %sub3A_288 = arith.subi %min3A_286, %sub3A_287 : vector<16xi32>
    %scan3A_289 = arith.constant 0 : i32
    %scan3A_290 = arith.constant 0 : i32
    %scan3A_291 = arith.constant 48 : i32
    %scan3A_292 = arith.addi %scan3A_290, %scan3A_291 : i32
    %scan3A_293 = arith.constant 1 : i32
    scf.for %scan3A_893 = %scan3A_290 to %scan3A_292 step %scan3A_293  : i32 {
      %add3A_894 = arith.constant 0 : i32
      %add3A_895 = arith.addi %add3A_894, %scan3A_893 : i32
      %jit3A_896 = arith.constant 32 : i32
      %div3A = arith.divsi %add3A_895, %jit3A_896 : i32
      %sign3A = arith.constant 0 : i32
      %sign3A_897 = arith.cmpi sgt, %add3A_895, %sign3A : i32
      %sign3A_898 = arith.extui %sign3A_897 : i1 to i32
      %sign3A_899 = arith.constant 0 : i32
      %sign3A_900 = arith.cmpi slt, %add3A_895, %sign3A_899 : i32
      %sign3A_901 = arith.extui %sign3A_900 : i1 to i32
      %sign3A_902 = arith.subi %sign3A_898, %sign3A_901 : i32
      %sign3A_903 = arith.constant 0 : i32
      %sign3A_904 = arith.cmpi sgt, %jit3A_896, %sign3A_903 : i32
      %sign3A_905 = arith.extui %sign3A_904 : i1 to i32
      %sign3A_906 = arith.constant 0 : i32
      %sign3A_907 = arith.cmpi slt, %jit3A_896, %sign3A_906 : i32
      %sign3A_908 = arith.extui %sign3A_907 : i1 to i32
      %sign3A_909 = arith.subi %sign3A_905, %sign3A_908 : i32
      %ne3A = arith.cmpi ne, %sign3A_902, %sign3A_909 : i32
      %rem3A = arith.remsi %add3A_895, %jit3A_896 : i32
      %ne3A_910 = arith.constant 0 : i32
      %ne3A_911 = arith.cmpi ne, %rem3A, %ne3A_910 : i32
      %and3A = arith.andi %ne3A, %ne3A_911 : i1
      %sub3A_912 = arith.constant 1 : i32
      %sub3A_913 = arith.subi %div3A, %sub3A_912 : i32
      %select_n3A = arith.select %and3A, %sub3A_913, %div3A : i32
      %broadcast_in_dim3A = vector.broadcast %select_n3A : i32 to vector<16xi32>
      %jit3A_914 = arith.constant 32 : i32
      %eq3A = arith.constant 0 : i32
      %eq3A_915 = arith.cmpi eq, %jit3A_914, %eq3A : i32
      %jit3A_916 = arith.constant 1 : i32
      %select_n3A_917 = arith.select %eq3A_915, %jit3A_916, %jit3A_914 : i32
      %rem3A_918 = arith.remsi %add3A_895, %select_n3A_917 : i32
      %ne3A_919 = arith.constant 0 : i32
      %ne3A_920 = arith.cmpi ne, %rem3A_918, %ne3A_919 : i32
      %lt3A = arith.constant 0 : i32
      %lt3A_921 = arith.cmpi slt, %rem3A_918, %lt3A : i32
      %lt3A_922 = arith.constant 0 : i32
      %lt3A_923 = arith.cmpi slt, %select_n3A_917, %lt3A_922 : i32
      %ne3A_924 = arith.xori %lt3A_921, %lt3A_923 : i1
      %and3A_925 = arith.andi %ne3A_924, %ne3A_920 : i1
      %add3A_926 = arith.addi %rem3A_918, %select_n3A_917 : i32
      %select_n3A_927 = arith.select %and3A_925, %add3A_926, %rem3A_918 : i32
      %broadcast_in_dim3A_928 = vector.broadcast %select_n3A_927 : i32 to vector<16xi32>
      %gather3A = tpu.vector_load_idx %arg4[%sub3A_249, %broadcast_in_dim3A, %broadcast_in_dim3A_928] : memref<72x12x32xf32, #tpu.memory_space<vmem>>[vector<16xi32>, vector<16xi32>, vector<16xi32>], vector<16xf32>,
      %swap3A = arith.index_cast %scan3A_893 : i32 to index
      %swap3A_929 = arith.constant 0 : index
      %swap3A_930 = tpu.vector_load %arg5[%swap3A, %swap3A_929] {strides = array<i32>} : memref<48x64xf32, #tpu.memory_space<vmem>>, vector<16xf32>,
      tpu.vector_store %arg5[%swap3A, %swap3A_929], %gather3A {strides = array<i32>} : memref<48x64xf32, #tpu.memory_space<vmem>>, vector<16xf32>,
      %gather3A_931 = tpu.vector_load_idx %arg4[%sub3A_262, %broadcast_in_dim3A, %broadcast_in_dim3A_928] : memref<72x12x32xf32, #tpu.memory_space<vmem>>[vector<16xi32>, vector<16xi32>, vector<16xi32>], vector<16xf32>,
      %swap3A_932 = arith.index_cast %scan3A_893 : i32 to index
      %swap3A_933 = arith.constant 16 : index
      %swap3A_934 = tpu.vector_load %arg5[%swap3A_932, %swap3A_933] {strides = array<i32>} : memref<48x64xf32, #tpu.memory_space<vmem>>, vector<16xf32>,
      tpu.vector_store %arg5[%swap3A_932, %swap3A_933], %gather3A_931 {strides = array<i32>} : memref<48x64xf32, #tpu.memory_space<vmem>>, vector<16xf32>,
      %gather3A_935 = tpu.vector_load_idx %arg4[%sub3A_275, %broadcast_in_dim3A, %broadcast_in_dim3A_928] : memref<72x12x32xf32, #tpu.memory_space<vmem>>[vector<16xi32>, vector<16xi32>, vector<16xi32>], vector<16xf32>,
      %swap3A_936 = arith.index_cast %scan3A_893 : i32 to index
      %swap3A_937 = arith.constant 32 : index
      %swap3A_938 = tpu.vector_load %arg5[%swap3A_936, %swap3A_937] {strides = array<i32>} : memref<48x64xf32, #tpu.memory_space<vmem>>, vector<16xf32>,
      tpu.vector_store %arg5[%swap3A_936, %swap3A_937], %gather3A_935 {strides = array<i32>} : memref<48x64xf32, #tpu.memory_space<vmem>>, vector<16xf32>,
      %gather3A_939 = tpu.vector_load_idx %arg4[%sub3A_288, %broadcast_in_dim3A, %broadcast_in_dim3A_928] : memref<72x12x32xf32, #tpu.memory_space<vmem>>[vector<16xi32>, vector<16xi32>, vector<16xi32>], vector<16xf32>,
      %swap3A_940 = arith.index_cast %scan3A_893 : i32 to index
      %swap3A_941 = arith.constant 48 : index
      %swap3A_942 = tpu.vector_load %arg5[%swap3A_940, %swap3A_941] {strides = array<i32>} : memref<48x64xf32, #tpu.memory_space<vmem>>, vector<16xf32>,
      tpu.vector_store %arg5[%swap3A_940, %swap3A_941], %gather3A_939 {strides = array<i32>} : memref<48x64xf32, #tpu.memory_space<vmem>>, vector<16xf32>,
    }
    %scan3A_294 = arith.constant 48 : i32
    %run_scoped3A_295 = arith.constant 2 : i32
    "tpu.region"() ({
      %run_scoped3A_893 = tpu.sem_alloc : memref<!tpu.dma_semaphore, #tpu.memory_space<semaphore_mem>>
      %dma_start3A_894 = arith.constant 0 : i32
      %dma_start3A_895 = tpu.memref_slice %arg6[%run_scoped3A_295, %dma_start3A_894, %mul3A_0] : memref<4x384x1024xf32, #tpu.memory_space<vmem_shared>> -> memref<1x48x64xf32, #tpu.memory_space<vmem_shared>>
      %dma_start3A_896 = tpu.memref_squeeze %dma_start3A_895 : memref<1x48x64xf32, #tpu.memory_space<vmem_shared>> -> memref<48x64xf32, #tpu.memory_space<vmem_shared>>
      %dma_start3A_897 = arith.constant 0 : i32
      %dma_start3A_898 = tpu.memref_slice %arg6[%run_scoped3A_295, %dma_start3A_897, %mul3A_0] : memref<4x384x1024xf32, #tpu.memory_space<vmem_shared>> -> memref<1x48x64xf32, #tpu.memory_space<vmem_shared>>
      %dma_start3A_899 = tpu.memref_squeeze %dma_start3A_898 : memref<1x48x64xf32, #tpu.memory_space<vmem_shared>> -> memref<48x64xf32, #tpu.memory_space<vmem_shared>>
      tpu.enqueue_dma source(%arg5 : memref<48x64xf32, #tpu.memory_space<vmem>>) target(%dma_start3A_899 : memref<48x64xf32, #tpu.memory_space<vmem_shared>>) target_semaphore(%run_scoped3A_893 : memref<!tpu.dma_semaphore, #tpu.memory_space<semaphore_mem>>)
      %dma_wait3A_900 = arith.constant 0 : i32
      %dma_wait3A_901 = tpu.memref_slice %arg6[%run_scoped3A_295, %dma_wait3A_900, %mul3A_0] : memref<4x384x1024xf32, #tpu.memory_space<vmem_shared>> -> memref<1x48x64xf32, #tpu.memory_space<vmem_shared>>
      %dma_wait3A_902 = tpu.memref_squeeze %dma_wait3A_901 : memref<1x48x64xf32, #tpu.memory_space<vmem_shared>> -> memref<48x64xf32, #tpu.memory_space<vmem_shared>>
      %dma_wait3A_903 = arith.constant 0 : i32
      %dma_wait3A_904 = tpu.memref_slice %arg6[%run_scoped3A_295, %dma_wait3A_903, %mul3A_0] : memref<4x384x1024xf32, #tpu.memory_space<vmem_shared>> -> memref<1x48x64xf32, #tpu.memory_space<vmem_shared>>
      %dma_wait3A_905 = tpu.memref_squeeze %dma_wait3A_904 : memref<1x48x64xf32, #tpu.memory_space<vmem_shared>> -> memref<48x64xf32, #tpu.memory_space<vmem_shared>>
      tpu.wait_dma2 semaphore(%run_scoped3A_893 : memref<!tpu.dma_semaphore, #tpu.memory_space<semaphore_mem>>) src(%arg5 : memref<48x64xf32, #tpu.memory_space<vmem>>) dst(%dma_wait3A_905 : memref<48x64xf32, #tpu.memory_space<vmem_shared>>)
      tpu.yield
    }) : () -> ()
    %scan3A_296 = arith.constant 0 : i32
    %scan3A_297 = arith.constant 0 : i32
    %scan3A_298 = arith.constant 48 : i32
    %scan3A_299 = arith.addi %scan3A_297, %scan3A_298 : i32
    %scan3A_300 = arith.constant 1 : i32
    scf.for %scan3A_893 = %scan3A_297 to %scan3A_299 step %scan3A_300  : i32 {
      %add3A_894 = arith.constant 48 : i32
      %add3A_895 = arith.addi %add3A_894, %scan3A_893 : i32
      %jit3A_896 = arith.constant 32 : i32
      %div3A = arith.divsi %add3A_895, %jit3A_896 : i32
      %sign3A = arith.constant 0 : i32
      %sign3A_897 = arith.cmpi sgt, %add3A_895, %sign3A : i32
      %sign3A_898 = arith.extui %sign3A_897 : i1 to i32
      %sign3A_899 = arith.constant 0 : i32
      %sign3A_900 = arith.cmpi slt, %add3A_895, %sign3A_899 : i32
      %sign3A_901 = arith.extui %sign3A_900 : i1 to i32
      %sign3A_902 = arith.subi %sign3A_898, %sign3A_901 : i32
      %sign3A_903 = arith.constant 0 : i32
      %sign3A_904 = arith.cmpi sgt, %jit3A_896, %sign3A_903 : i32
      %sign3A_905 = arith.extui %sign3A_904 : i1 to i32
      %sign3A_906 = arith.constant 0 : i32
      %sign3A_907 = arith.cmpi slt, %jit3A_896, %sign3A_906 : i32
      %sign3A_908 = arith.extui %sign3A_907 : i1 to i32
      %sign3A_909 = arith.subi %sign3A_905, %sign3A_908 : i32
      %ne3A = arith.cmpi ne, %sign3A_902, %sign3A_909 : i32
      %rem3A = arith.remsi %add3A_895, %jit3A_896 : i32
      %ne3A_910 = arith.constant 0 : i32
      %ne3A_911 = arith.cmpi ne, %rem3A, %ne3A_910 : i32
      %and3A = arith.andi %ne3A, %ne3A_911 : i1
      %sub3A_912 = arith.constant 1 : i32
      %sub3A_913 = arith.subi %div3A, %sub3A_912 : i32
      %select_n3A = arith.select %and3A, %sub3A_913, %div3A : i32
      %broadcast_in_dim3A = vector.broadcast %select_n3A : i32 to vector<16xi32>
      %jit3A_914 = arith.constant 32 : i32
      %eq3A = arith.constant 0 : i32
      %eq3A_915 = arith.cmpi eq, %jit3A_914, %eq3A : i32
      %jit3A_916 = arith.constant 1 : i32
      %select_n3A_917 = arith.select %eq3A_915, %jit3A_916, %jit3A_914 : i32
      %rem3A_918 = arith.remsi %add3A_895, %select_n3A_917 : i32
      %ne3A_919 = arith.constant 0 : i32
      %ne3A_920 = arith.cmpi ne, %rem3A_918, %ne3A_919 : i32
      %lt3A = arith.constant 0 : i32
      %lt3A_921 = arith.cmpi slt, %rem3A_918, %lt3A : i32
      %lt3A_922 = arith.constant 0 : i32
      %lt3A_923 = arith.cmpi slt, %select_n3A_917, %lt3A_922 : i32
      %ne3A_924 = arith.xori %lt3A_921, %lt3A_923 : i1
      %and3A_925 = arith.andi %ne3A_924, %ne3A_920 : i1
      %add3A_926 = arith.addi %rem3A_918, %select_n3A_917 : i32
      %select_n3A_927 = arith.select %and3A_925, %add3A_926, %rem3A_918 : i32
      %broadcast_in_dim3A_928 = vector.broadcast %select_n3A_927 : i32 to vector<16xi32>
      %gather3A = tpu.vector_load_idx %arg4[%sub3A_249, %broadcast_in_dim3A, %broadcast_in_dim3A_928] : memref<72x12x32xf32, #tpu.memory_space<vmem>>[vector<16xi32>, vector<16xi32>, vector<16xi32>], vector<16xf32>,
      %swap3A = arith.index_cast %scan3A_893 : i32 to index
      %swap3A_929 = arith.constant 0 : index
      %swap3A_930 = tpu.vector_load %arg5[%swap3A, %swap3A_929] {strides = array<i32>} : memref<48x64xf32, #tpu.memory_space<vmem>>, vector<16xf32>,
      tpu.vector_store %arg5[%swap3A, %swap3A_929], %gather3A {strides = array<i32>} : memref<48x64xf32, #tpu.memory_space<vmem>>, vector<16xf32>,
      %gather3A_931 = tpu.vector_load_idx %arg4[%sub3A_262, %broadcast_in_dim3A, %broadcast_in_dim3A_928] : memref<72x12x32xf32, #tpu.memory_space<vmem>>[vector<16xi32>, vector<16xi32>, vector<16xi32>], vector<16xf32>,
      %swap3A_932 = arith.index_cast %scan3A_893 : i32 to index
      %swap3A_933 = arith.constant 16 : index
      %swap3A_934 = tpu.vector_load %arg5[%swap3A_932, %swap3A_933] {strides = array<i32>} : memref<48x64xf32, #tpu.memory_space<vmem>>, vector<16xf32>,
      tpu.vector_store %arg5[%swap3A_932, %swap3A_933], %gather3A_931 {strides = array<i32>} : memref<48x64xf32, #tpu.memory_space<vmem>>, vector<16xf32>,
      %gather3A_935 = tpu.vector_load_idx %arg4[%sub3A_275, %broadcast_in_dim3A, %broadcast_in_dim3A_928] : memref<72x12x32xf32, #tpu.memory_space<vmem>>[vector<16xi32>, vector<16xi32>, vector<16xi32>], vector<16xf32>,
      %swap3A_936 = arith.index_cast %scan3A_893 : i32 to index
      %swap3A_937 = arith.constant 32 : index
      %swap3A_938 = tpu.vector_load %arg5[%swap3A_936, %swap3A_937] {strides = array<i32>} : memref<48x64xf32, #tpu.memory_space<vmem>>, vector<16xf32>,
      tpu.vector_store %arg5[%swap3A_936, %swap3A_937], %gather3A_935 {strides = array<i32>} : memref<48x64xf32, #tpu.memory_space<vmem>>, vector<16xf32>,
      %gather3A_939 = tpu.vector_load_idx %arg4[%sub3A_288, %broadcast_in_dim3A, %broadcast_in_dim3A_928] : memref<72x12x32xf32, #tpu.memory_space<vmem>>[vector<16xi32>, vector<16xi32>, vector<16xi32>], vector<16xf32>,
      %swap3A_940 = arith.index_cast %scan3A_893 : i32 to index
      %swap3A_941 = arith.constant 48 : index
      %swap3A_942 = tpu.vector_load %arg5[%swap3A_940, %swap3A_941] {strides = array<i32>} : memref<48x64xf32, #tpu.memory_space<vmem>>, vector<16xf32>,
      tpu.vector_store %arg5[%swap3A_940, %swap3A_941], %gather3A_939 {strides = array<i32>} : memref<48x64xf32, #tpu.memory_space<vmem>>, vector<16xf32>,
    }
    %scan3A_301 = arith.constant 48 : i32
    %run_scoped3A_302 = arith.constant 2 : i32
    "tpu.region"() ({
      %run_scoped3A_893 = tpu.sem_alloc : memref<!tpu.dma_semaphore, #tpu.memory_space<semaphore_mem>>
      %dma_start3A_894 = arith.constant 48 : i32
      %dma_start3A_895 = tpu.memref_slice %arg6[%run_scoped3A_302, %dma_start3A_894, %mul3A_0] : memref<4x384x1024xf32, #tpu.memory_space<vmem_shared>> -> memref<1x48x64xf32, #tpu.memory_space<vmem_shared>>
      %dma_start3A_896 = tpu.memref_squeeze %dma_start3A_895 : memref<1x48x64xf32, #tpu.memory_space<vmem_shared>> -> memref<48x64xf32, #tpu.memory_space<vmem_shared>>
      %dma_start3A_897 = arith.constant 48 : i32
      %dma_start3A_898 = tpu.memref_slice %arg6[%run_scoped3A_302, %dma_start3A_897, %mul3A_0] : memref<4x384x1024xf32, #tpu.memory_space<vmem_shared>> -> memref<1x48x64xf32, #tpu.memory_space<vmem_shared>>
      %dma_start3A_899 = tpu.memref_squeeze %dma_start3A_898 : memref<1x48x64xf32, #tpu.memory_space<vmem_shared>> -> memref<48x64xf32, #tpu.memory_space<vmem_shared>>
      tpu.enqueue_dma source(%arg5 : memref<48x64xf32, #tpu.memory_space<vmem>>) target(%dma_start3A_899 : memref<48x64xf32, #tpu.memory_space<vmem_shared>>) target_semaphore(%run_scoped3A_893 : memref<!tpu.dma_semaphore, #tpu.memory_space<semaphore_mem>>)
      %dma_wait3A_900 = arith.constant 48 : i32
      %dma_wait3A_901 = tpu.memref_slice %arg6[%run_scoped3A_302, %dma_wait3A_900, %mul3A_0] : memref<4x384x1024xf32, #tpu.memory_space<vmem_shared>> -> memref<1x48x64xf32, #tpu.memory_space<vmem_shared>>
      %dma_wait3A_902 = tpu.memref_squeeze %dma_wait3A_901 : memref<1x48x64xf32, #tpu.memory_space<vmem_shared>> -> memref<48x64xf32, #tpu.memory_space<vmem_shared>>
      %dma_wait3A_903 = arith.constant 48 : i32
      %dma_wait3A_904 = tpu.memref_slice %arg6[%run_scoped3A_302, %dma_wait3A_903, %mul3A_0] : memref<4x384x1024xf32, #tpu.memory_space<vmem_shared>> -> memref<1x48x64xf32, #tpu.memory_space<vmem_shared>>
      %dma_wait3A_905 = tpu.memref_squeeze %dma_wait3A_904 : memref<1x48x64xf32, #tpu.memory_space<vmem_shared>> -> memref<48x64xf32, #tpu.memory_space<vmem_shared>>
      tpu.wait_dma2 semaphore(%run_scoped3A_893 : memref<!tpu.dma_semaphore, #tpu.memory_space<semaphore_mem>>) src(%arg5 : memref<48x64xf32, #tpu.memory_space<vmem>>) dst(%dma_wait3A_905 : memref<48x64xf32, #tpu.memory_space<vmem_shared>>)
      tpu.yield
    }) : () -> ()
    %scan3A_303 = arith.constant 0 : i32
    %scan3A_304 = arith.constant 0 : i32
    %scan3A_305 = arith.constant 48 : i32
    %scan3A_306 = arith.addi %scan3A_304, %scan3A_305 : i32
    %scan3A_307 = arith.constant 1 : i32
    scf.for %scan3A_893 = %scan3A_304 to %scan3A_306 step %scan3A_307  : i32 {
      %add3A_894 = arith.constant 96 : i32
      %add3A_895 = arith.addi %add3A_894, %scan3A_893 : i32
      %jit3A_896 = arith.constant 32 : i32
      %div3A = arith.divsi %add3A_895, %jit3A_896 : i32
      %sign3A = arith.constant 0 : i32
      %sign3A_897 = arith.cmpi sgt, %add3A_895, %sign3A : i32
      %sign3A_898 = arith.extui %sign3A_897 : i1 to i32
      %sign3A_899 = arith.constant 0 : i32
      %sign3A_900 = arith.cmpi slt, %add3A_895, %sign3A_899 : i32
      %sign3A_901 = arith.extui %sign3A_900 : i1 to i32
      %sign3A_902 = arith.subi %sign3A_898, %sign3A_901 : i32
      %sign3A_903 = arith.constant 0 : i32
      %sign3A_904 = arith.cmpi sgt, %jit3A_896, %sign3A_903 : i32
      %sign3A_905 = arith.extui %sign3A_904 : i1 to i32
      %sign3A_906 = arith.constant 0 : i32
      %sign3A_907 = arith.cmpi slt, %jit3A_896, %sign3A_906 : i32
      %sign3A_908 = arith.extui %sign3A_907 : i1 to i32
      %sign3A_909 = arith.subi %sign3A_905, %sign3A_908 : i32
      %ne3A = arith.cmpi ne, %sign3A_902, %sign3A_909 : i32
      %rem3A = arith.remsi %add3A_895, %jit3A_896 : i32
      %ne3A_910 = arith.constant 0 : i32
      %ne3A_911 = arith.cmpi ne, %rem3A, %ne3A_910 : i32
      %and3A = arith.andi %ne3A, %ne3A_911 : i1
      %sub3A_912 = arith.constant 1 : i32
      %sub3A_913 = arith.subi %div3A, %sub3A_912 : i32
      %select_n3A = arith.select %and3A, %sub3A_913, %div3A : i32
      %broadcast_in_dim3A = vector.broadcast %select_n3A : i32 to vector<16xi32>
      %jit3A_914 = arith.constant 32 : i32
      %eq3A = arith.constant 0 : i32
      %eq3A_915 = arith.cmpi eq, %jit3A_914, %eq3A : i32
      %jit3A_916 = arith.constant 1 : i32
      %select_n3A_917 = arith.select %eq3A_915, %jit3A_916, %jit3A_914 : i32
      %rem3A_918 = arith.remsi %add3A_895, %select_n3A_917 : i32
      %ne3A_919 = arith.constant 0 : i32
      %ne3A_920 = arith.cmpi ne, %rem3A_918, %ne3A_919 : i32
      %lt3A = arith.constant 0 : i32
      %lt3A_921 = arith.cmpi slt, %rem3A_918, %lt3A : i32
      %lt3A_922 = arith.constant 0 : i32
      %lt3A_923 = arith.cmpi slt, %select_n3A_917, %lt3A_922 : i32
      %ne3A_924 = arith.xori %lt3A_921, %lt3A_923 : i1
      %and3A_925 = arith.andi %ne3A_924, %ne3A_920 : i1
      %add3A_926 = arith.addi %rem3A_918, %select_n3A_917 : i32
      %select_n3A_927 = arith.select %and3A_925, %add3A_926, %rem3A_918 : i32
      %broadcast_in_dim3A_928 = vector.broadcast %select_n3A_927 : i32 to vector<16xi32>
      %gather3A = tpu.vector_load_idx %arg4[%sub3A_249, %broadcast_in_dim3A, %broadcast_in_dim3A_928] : memref<72x12x32xf32, #tpu.memory_space<vmem>>[vector<16xi32>, vector<16xi32>, vector<16xi32>], vector<16xf32>,
      %swap3A = arith.index_cast %scan3A_893 : i32 to index
      %swap3A_929 = arith.constant 0 : index
      %swap3A_930 = tpu.vector_load %arg5[%swap3A, %swap3A_929] {strides = array<i32>} : memref<48x64xf32, #tpu.memory_space<vmem>>, vector<16xf32>,
      tpu.vector_store %arg5[%swap3A, %swap3A_929], %gather3A {strides = array<i32>} : memref<48x64xf32, #tpu.memory_space<vmem>>, vector<16xf32>,
      %gather3A_931 = tpu.vector_load_idx %arg4[%sub3A_262, %broadcast_in_dim3A, %broadcast_in_dim3A_928] : memref<72x12x32xf32, #tpu.memory_space<vmem>>[vector<16xi32>, vector<16xi32>, vector<16xi32>], vector<16xf32>,
      %swap3A_932 = arith.index_cast %scan3A_893 : i32 to index
      %swap3A_933 = arith.constant 16 : index
      %swap3A_934 = tpu.vector_load %arg5[%swap3A_932, %swap3A_933] {strides = array<i32>} : memref<48x64xf32, #tpu.memory_space<vmem>>, vector<16xf32>,
      tpu.vector_store %arg5[%swap3A_932, %swap3A_933], %gather3A_931 {strides = array<i32>} : memref<48x64xf32, #tpu.memory_space<vmem>>, vector<16xf32>,
      %gather3A_935 = tpu.vector_load_idx %arg4[%sub3A_275, %broadcast_in_dim3A, %broadcast_in_dim3A_928] : memref<72x12x32xf32, #tpu.memory_space<vmem>>[vector<16xi32>, vector<16xi32>, vector<16xi32>], vector<16xf32>,
      %swap3A_936 = arith.index_cast %scan3A_893 : i32 to index
      %swap3A_937 = arith.constant 32 : index
      %swap3A_938 = tpu.vector_load %arg5[%swap3A_936, %swap3A_937] {strides = array<i32>} : memref<48x64xf32, #tpu.memory_space<vmem>>, vector<16xf32>,
      tpu.vector_store %arg5[%swap3A_936, %swap3A_937], %gather3A_935 {strides = array<i32>} : memref<48x64xf32, #tpu.memory_space<vmem>>, vector<16xf32>,
      %gather3A_939 = tpu.vector_load_idx %arg4[%sub3A_288, %broadcast_in_dim3A, %broadcast_in_dim3A_928] : memref<72x12x32xf32, #tpu.memory_space<vmem>>[vector<16xi32>, vector<16xi32>, vector<16xi32>], vector<16xf32>,
      %swap3A_940 = arith.index_cast %scan3A_893 : i32 to index
      %swap3A_941 = arith.constant 48 : index
      %swap3A_942 = tpu.vector_load %arg5[%swap3A_940, %swap3A_941] {strides = array<i32>} : memref<48x64xf32, #tpu.memory_space<vmem>>, vector<16xf32>,
      tpu.vector_store %arg5[%swap3A_940, %swap3A_941], %gather3A_939 {strides = array<i32>} : memref<48x64xf32, #tpu.memory_space<vmem>>, vector<16xf32>,
    }
    %scan3A_308 = arith.constant 48 : i32
    %run_scoped3A_309 = arith.constant 2 : i32
    "tpu.region"() ({
      %run_scoped3A_893 = tpu.sem_alloc : memref<!tpu.dma_semaphore, #tpu.memory_space<semaphore_mem>>
      %dma_start3A_894 = arith.constant 96 : i32
      %dma_start3A_895 = tpu.memref_slice %arg6[%run_scoped3A_309, %dma_start3A_894, %mul3A_0] : memref<4x384x1024xf32, #tpu.memory_space<vmem_shared>> -> memref<1x48x64xf32, #tpu.memory_space<vmem_shared>>
      %dma_start3A_896 = tpu.memref_squeeze %dma_start3A_895 : memref<1x48x64xf32, #tpu.memory_space<vmem_shared>> -> memref<48x64xf32, #tpu.memory_space<vmem_shared>>
      %dma_start3A_897 = arith.constant 96 : i32
      %dma_start3A_898 = tpu.memref_slice %arg6[%run_scoped3A_309, %dma_start3A_897, %mul3A_0] : memref<4x384x1024xf32, #tpu.memory_space<vmem_shared>> -> memref<1x48x64xf32, #tpu.memory_space<vmem_shared>>
      %dma_start3A_899 = tpu.memref_squeeze %dma_start3A_898 : memref<1x48x64xf32, #tpu.memory_space<vmem_shared>> -> memref<48x64xf32, #tpu.memory_space<vmem_shared>>
      tpu.enqueue_dma source(%arg5 : memref<48x64xf32, #tpu.memory_space<vmem>>) target(%dma_start3A_899 : memref<48x64xf32, #tpu.memory_space<vmem_shared>>) target_semaphore(%run_scoped3A_893 : memref<!tpu.dma_semaphore, #tpu.memory_space<semaphore_mem>>)
      %dma_wait3A_900 = arith.constant 96 : i32
      %dma_wait3A_901 = tpu.memref_slice %arg6[%run_scoped3A_309, %dma_wait3A_900, %mul3A_0] : memref<4x384x1024xf32, #tpu.memory_space<vmem_shared>> -> memref<1x48x64xf32, #tpu.memory_space<vmem_shared>>
      %dma_wait3A_902 = tpu.memref_squeeze %dma_wait3A_901 : memref<1x48x64xf32, #tpu.memory_space<vmem_shared>> -> memref<48x64xf32, #tpu.memory_space<vmem_shared>>
      %dma_wait3A_903 = arith.constant 96 : i32
      %dma_wait3A_904 = tpu.memref_slice %arg6[%run_scoped3A_309, %dma_wait3A_903, %mul3A_0] : memref<4x384x1024xf32, #tpu.memory_space<vmem_shared>> -> memref<1x48x64xf32, #tpu.memory_space<vmem_shared>>
      %dma_wait3A_905 = tpu.memref_squeeze %dma_wait3A_904 : memref<1x48x64xf32, #tpu.memory_space<vmem_shared>> -> memref<48x64xf32, #tpu.memory_space<vmem_shared>>
      tpu.wait_dma2 semaphore(%run_scoped3A_893 : memref<!tpu.dma_semaphore, #tpu.memory_space<semaphore_mem>>) src(%arg5 : memref<48x64xf32, #tpu.memory_space<vmem>>) dst(%dma_wait3A_905 : memref<48x64xf32, #tpu.memory_space<vmem_shared>>)
      tpu.yield
    }) : () -> ()
    %scan3A_310 = arith.constant 0 : i32
    %scan3A_311 = arith.constant 0 : i32
    %scan3A_312 = arith.constant 48 : i32
    %scan3A_313 = arith.addi %scan3A_311, %scan3A_312 : i32
    %scan3A_314 = arith.constant 1 : i32
    scf.for %scan3A_893 = %scan3A_311 to %scan3A_313 step %scan3A_314  : i32 {
      %add3A_894 = arith.constant 144 : i32
      %add3A_895 = arith.addi %add3A_894, %scan3A_893 : i32
      %jit3A_896 = arith.constant 32 : i32
      %div3A = arith.divsi %add3A_895, %jit3A_896 : i32
      %sign3A = arith.constant 0 : i32
      %sign3A_897 = arith.cmpi sgt, %add3A_895, %sign3A : i32
      %sign3A_898 = arith.extui %sign3A_897 : i1 to i32
      %sign3A_899 = arith.constant 0 : i32
      %sign3A_900 = arith.cmpi slt, %add3A_895, %sign3A_899 : i32
      %sign3A_901 = arith.extui %sign3A_900 : i1 to i32
      %sign3A_902 = arith.subi %sign3A_898, %sign3A_901 : i32
      %sign3A_903 = arith.constant 0 : i32
      %sign3A_904 = arith.cmpi sgt, %jit3A_896, %sign3A_903 : i32
      %sign3A_905 = arith.extui %sign3A_904 : i1 to i32
      %sign3A_906 = arith.constant 0 : i32
      %sign3A_907 = arith.cmpi slt, %jit3A_896, %sign3A_906 : i32
      %sign3A_908 = arith.extui %sign3A_907 : i1 to i32
      %sign3A_909 = arith.subi %sign3A_905, %sign3A_908 : i32
      %ne3A = arith.cmpi ne, %sign3A_902, %sign3A_909 : i32
      %rem3A = arith.remsi %add3A_895, %jit3A_896 : i32
      %ne3A_910 = arith.constant 0 : i32
      %ne3A_911 = arith.cmpi ne, %rem3A, %ne3A_910 : i32
      %and3A = arith.andi %ne3A, %ne3A_911 : i1
      %sub3A_912 = arith.constant 1 : i32
      %sub3A_913 = arith.subi %div3A, %sub3A_912 : i32
      %select_n3A = arith.select %and3A, %sub3A_913, %div3A : i32
      %broadcast_in_dim3A = vector.broadcast %select_n3A : i32 to vector<16xi32>
      %jit3A_914 = arith.constant 32 : i32
      %eq3A = arith.constant 0 : i32
      %eq3A_915 = arith.cmpi eq, %jit3A_914, %eq3A : i32
      %jit3A_916 = arith.constant 1 : i32
      %select_n3A_917 = arith.select %eq3A_915, %jit3A_916, %jit3A_914 : i32
      %rem3A_918 = arith.remsi %add3A_895, %select_n3A_917 : i32
      %ne3A_919 = arith.constant 0 : i32
      %ne3A_920 = arith.cmpi ne, %rem3A_918, %ne3A_919 : i32
      %lt3A = arith.constant 0 : i32
      %lt3A_921 = arith.cmpi slt, %rem3A_918, %lt3A : i32
      %lt3A_922 = arith.constant 0 : i32
      %lt3A_923 = arith.cmpi slt, %select_n3A_917, %lt3A_922 : i32
      %ne3A_924 = arith.xori %lt3A_921, %lt3A_923 : i1
      %and3A_925 = arith.andi %ne3A_924, %ne3A_920 : i1
      %add3A_926 = arith.addi %rem3A_918, %select_n3A_917 : i32
      %select_n3A_927 = arith.select %and3A_925, %add3A_926, %rem3A_918 : i32
      %broadcast_in_dim3A_928 = vector.broadcast %select_n3A_927 : i32 to vector<16xi32>
      %gather3A = tpu.vector_load_idx %arg4[%sub3A_249, %broadcast_in_dim3A, %broadcast_in_dim3A_928] : memref<72x12x32xf32, #tpu.memory_space<vmem>>[vector<16xi32>, vector<16xi32>, vector<16xi32>], vector<16xf32>,
      %swap3A = arith.index_cast %scan3A_893 : i32 to index
      %swap3A_929 = arith.constant 0 : index
      %swap3A_930 = tpu.vector_load %arg5[%swap3A, %swap3A_929] {strides = array<i32>} : memref<48x64xf32, #tpu.memory_space<vmem>>, vector<16xf32>,
      tpu.vector_store %arg5[%swap3A, %swap3A_929], %gather3A {strides = array<i32>} : memref<48x64xf32, #tpu.memory_space<vmem>>, vector<16xf32>,
      %gather3A_931 = tpu.vector_load_idx %arg4[%sub3A_262, %broadcast_in_dim3A, %broadcast_in_dim3A_928] : memref<72x12x32xf32, #tpu.memory_space<vmem>>[vector<16xi32>, vector<16xi32>, vector<16xi32>], vector<16xf32>,
      %swap3A_932 = arith.index_cast %scan3A_893 : i32 to index
      %swap3A_933 = arith.constant 16 : index
      %swap3A_934 = tpu.vector_load %arg5[%swap3A_932, %swap3A_933] {strides = array<i32>} : memref<48x64xf32, #tpu.memory_space<vmem>>, vector<16xf32>,
      tpu.vector_store %arg5[%swap3A_932, %swap3A_933], %gather3A_931 {strides = array<i32>} : memref<48x64xf32, #tpu.memory_space<vmem>>, vector<16xf32>,
      %gather3A_935 = tpu.vector_load_idx %arg4[%sub3A_275, %broadcast_in_dim3A, %broadcast_in_dim3A_928] : memref<72x12x32xf32, #tpu.memory_space<vmem>>[vector<16xi32>, vector<16xi32>, vector<16xi32>], vector<16xf32>,
      %swap3A_936 = arith.index_cast %scan3A_893 : i32 to index
      %swap3A_937 = arith.constant 32 : index
      %swap3A_938 = tpu.vector_load %arg5[%swap3A_936, %swap3A_937] {strides = array<i32>} : memref<48x64xf32, #tpu.memory_space<vmem>>, vector<16xf32>,
      tpu.vector_store %arg5[%swap3A_936, %swap3A_937], %gather3A_935 {strides = array<i32>} : memref<48x64xf32, #tpu.memory_space<vmem>>, vector<16xf32>,
      %gather3A_939 = tpu.vector_load_idx %arg4[%sub3A_288, %broadcast_in_dim3A, %broadcast_in_dim3A_928] : memref<72x12x32xf32, #tpu.memory_space<vmem>>[vector<16xi32>, vector<16xi32>, vector<16xi32>], vector<16xf32>,
      %swap3A_940 = arith.index_cast %scan3A_893 : i32 to index
      %swap3A_941 = arith.constant 48 : index
      %swap3A_942 = tpu.vector_load %arg5[%swap3A_940, %swap3A_941] {strides = array<i32>} : memref<48x64xf32, #tpu.memory_space<vmem>>, vector<16xf32>,
      tpu.vector_store %arg5[%swap3A_940, %swap3A_941], %gather3A_939 {strides = array<i32>} : memref<48x64xf32, #tpu.memory_space<vmem>>, vector<16xf32>,
    }
    %scan3A_315 = arith.constant 48 : i32
    %run_scoped3A_316 = arith.constant 2 : i32
    "tpu.region"() ({
      %run_scoped3A_893 = tpu.sem_alloc : memref<!tpu.dma_semaphore, #tpu.memory_space<semaphore_mem>>
      %dma_start3A_894 = arith.constant 144 : i32
      %dma_start3A_895 = tpu.memref_slice %arg6[%run_scoped3A_316, %dma_start3A_894, %mul3A_0] : memref<4x384x1024xf32, #tpu.memory_space<vmem_shared>> -> memref<1x48x64xf32, #tpu.memory_space<vmem_shared>>
      %dma_start3A_896 = tpu.memref_squeeze %dma_start3A_895 : memref<1x48x64xf32, #tpu.memory_space<vmem_shared>> -> memref<48x64xf32, #tpu.memory_space<vmem_shared>>
      %dma_start3A_897 = arith.constant 144 : i32
      %dma_start3A_898 = tpu.memref_slice %arg6[%run_scoped3A_316, %dma_start3A_897, %mul3A_0] : memref<4x384x1024xf32, #tpu.memory_space<vmem_shared>> -> memref<1x48x64xf32, #tpu.memory_space<vmem_shared>>
      %dma_start3A_899 = tpu.memref_squeeze %dma_start3A_898 : memref<1x48x64xf32, #tpu.memory_space<vmem_shared>> -> memref<48x64xf32, #tpu.memory_space<vmem_shared>>
      tpu.enqueue_dma source(%arg5 : memref<48x64xf32, #tpu.memory_space<vmem>>) target(%dma_start3A_899 : memref<48x64xf32, #tpu.memory_space<vmem_shared>>) target_semaphore(%run_scoped3A_893 : memref<!tpu.dma_semaphore, #tpu.memory_space<semaphore_mem>>)
      %dma_wait3A_900 = arith.constant 144 : i32
      %dma_wait3A_901 = tpu.memref_slice %arg6[%run_scoped3A_316, %dma_wait3A_900, %mul3A_0] : memref<4x384x1024xf32, #tpu.memory_space<vmem_shared>> -> memref<1x48x64xf32, #tpu.memory_space<vmem_shared>>
      %dma_wait3A_902 = tpu.memref_squeeze %dma_wait3A_901 : memref<1x48x64xf32, #tpu.memory_space<vmem_shared>> -> memref<48x64xf32, #tpu.memory_space<vmem_shared>>
      %dma_wait3A_903 = arith.constant 144 : i32
      %dma_wait3A_904 = tpu.memref_slice %arg6[%run_scoped3A_316, %dma_wait3A_903, %mul3A_0] : memref<4x384x1024xf32, #tpu.memory_space<vmem_shared>> -> memref<1x48x64xf32, #tpu.memory_space<vmem_shared>>
      %dma_wait3A_905 = tpu.memref_squeeze %dma_wait3A_904 : memref<1x48x64xf32, #tpu.memory_space<vmem_shared>> -> memref<48x64xf32, #tpu.memory_space<vmem_shared>>
      tpu.wait_dma2 semaphore(%run_scoped3A_893 : memref<!tpu.dma_semaphore, #tpu.memory_space<semaphore_mem>>) src(%arg5 : memref<48x64xf32, #tpu.memory_space<vmem>>) dst(%dma_wait3A_905 : memref<48x64xf32, #tpu.memory_space<vmem_shared>>)
      tpu.yield
    }) : () -> ()
    %scan3A_317 = arith.constant 0 : i32
    %scan3A_318 = arith.constant 0 : i32
    %scan3A_319 = arith.constant 48 : i32
    %scan3A_320 = arith.addi %scan3A_318, %scan3A_319 : i32
    %scan3A_321 = arith.constant 1 : i32
    scf.for %scan3A_893 = %scan3A_318 to %scan3A_320 step %scan3A_321  : i32 {
      %add3A_894 = arith.constant 192 : i32
      %add3A_895 = arith.addi %add3A_894, %scan3A_893 : i32
      %jit3A_896 = arith.constant 32 : i32
      %div3A = arith.divsi %add3A_895, %jit3A_896 : i32
      %sign3A = arith.constant 0 : i32
      %sign3A_897 = arith.cmpi sgt, %add3A_895, %sign3A : i32
      %sign3A_898 = arith.extui %sign3A_897 : i1 to i32
      %sign3A_899 = arith.constant 0 : i32
      %sign3A_900 = arith.cmpi slt, %add3A_895, %sign3A_899 : i32
      %sign3A_901 = arith.extui %sign3A_900 : i1 to i32
      %sign3A_902 = arith.subi %sign3A_898, %sign3A_901 : i32
      %sign3A_903 = arith.constant 0 : i32
      %sign3A_904 = arith.cmpi sgt, %jit3A_896, %sign3A_903 : i32
      %sign3A_905 = arith.extui %sign3A_904 : i1 to i32
      %sign3A_906 = arith.constant 0 : i32
      %sign3A_907 = arith.cmpi slt, %jit3A_896, %sign3A_906 : i32
      %sign3A_908 = arith.extui %sign3A_907 : i1 to i32
      %sign3A_909 = arith.subi %sign3A_905, %sign3A_908 : i32
      %ne3A = arith.cmpi ne, %sign3A_902, %sign3A_909 : i32
      %rem3A = arith.remsi %add3A_895, %jit3A_896 : i32
      %ne3A_910 = arith.constant 0 : i32
      %ne3A_911 = arith.cmpi ne, %rem3A, %ne3A_910 : i32
      %and3A = arith.andi %ne3A, %ne3A_911 : i1
      %sub3A_912 = arith.constant 1 : i32
      %sub3A_913 = arith.subi %div3A, %sub3A_912 : i32
      %select_n3A = arith.select %and3A, %sub3A_913, %div3A : i32
      %broadcast_in_dim3A = vector.broadcast %select_n3A : i32 to vector<16xi32>
      %jit3A_914 = arith.constant 32 : i32
      %eq3A = arith.constant 0 : i32
      %eq3A_915 = arith.cmpi eq, %jit3A_914, %eq3A : i32
      %jit3A_916 = arith.constant 1 : i32
      %select_n3A_917 = arith.select %eq3A_915, %jit3A_916, %jit3A_914 : i32
      %rem3A_918 = arith.remsi %add3A_895, %select_n3A_917 : i32
      %ne3A_919 = arith.constant 0 : i32
      %ne3A_920 = arith.cmpi ne, %rem3A_918, %ne3A_919 : i32
      %lt3A = arith.constant 0 : i32
      %lt3A_921 = arith.cmpi slt, %rem3A_918, %lt3A : i32
      %lt3A_922 = arith.constant 0 : i32
      %lt3A_923 = arith.cmpi slt, %select_n3A_917, %lt3A_922 : i32
      %ne3A_924 = arith.xori %lt3A_921, %lt3A_923 : i1
      %and3A_925 = arith.andi %ne3A_924, %ne3A_920 : i1
      %add3A_926 = arith.addi %rem3A_918, %select_n3A_917 : i32
      %select_n3A_927 = arith.select %and3A_925, %add3A_926, %rem3A_918 : i32
      %broadcast_in_dim3A_928 = vector.broadcast %select_n3A_927 : i32 to vector<16xi32>
      %gather3A = tpu.vector_load_idx %arg4[%sub3A_249, %broadcast_in_dim3A, %broadcast_in_dim3A_928] : memref<72x12x32xf32, #tpu.memory_space<vmem>>[vector<16xi32>, vector<16xi32>, vector<16xi32>], vector<16xf32>,
      %swap3A = arith.index_cast %scan3A_893 : i32 to index
      %swap3A_929 = arith.constant 0 : index
      %swap3A_930 = tpu.vector_load %arg5[%swap3A, %swap3A_929] {strides = array<i32>} : memref<48x64xf32, #tpu.memory_space<vmem>>, vector<16xf32>,
      tpu.vector_store %arg5[%swap3A, %swap3A_929], %gather3A {strides = array<i32>} : memref<48x64xf32, #tpu.memory_space<vmem>>, vector<16xf32>,
      %gather3A_931 = tpu.vector_load_idx %arg4[%sub3A_262, %broadcast_in_dim3A, %broadcast_in_dim3A_928] : memref<72x12x32xf32, #tpu.memory_space<vmem>>[vector<16xi32>, vector<16xi32>, vector<16xi32>], vector<16xf32>,
      %swap3A_932 = arith.index_cast %scan3A_893 : i32 to index
      %swap3A_933 = arith.constant 16 : index
      %swap3A_934 = tpu.vector_load %arg5[%swap3A_932, %swap3A_933] {strides = array<i32>} : memref<48x64xf32, #tpu.memory_space<vmem>>, vector<16xf32>,
      tpu.vector_store %arg5[%swap3A_932, %swap3A_933], %gather3A_931 {strides = array<i32>} : memref<48x64xf32, #tpu.memory_space<vmem>>, vector<16xf32>,
      %gather3A_935 = tpu.vector_load_idx %arg4[%sub3A_275, %broadcast_in_dim3A, %broadcast_in_dim3A_928] : memref<72x12x32xf32, #tpu.memory_space<vmem>>[vector<16xi32>, vector<16xi32>, vector<16xi32>], vector<16xf32>,
      %swap3A_936 = arith.index_cast %scan3A_893 : i32 to index
      %swap3A_937 = arith.constant 32 : index
      %swap3A_938 = tpu.vector_load %arg5[%swap3A_936, %swap3A_937] {strides = array<i32>} : memref<48x64xf32, #tpu.memory_space<vmem>>, vector<16xf32>,
      tpu.vector_store %arg5[%swap3A_936, %swap3A_937], %gather3A_935 {strides = array<i32>} : memref<48x64xf32, #tpu.memory_space<vmem>>, vector<16xf32>,
      %gather3A_939 = tpu.vector_load_idx %arg4[%sub3A_288, %broadcast_in_dim3A, %broadcast_in_dim3A_928] : memref<72x12x32xf32, #tpu.memory_space<vmem>>[vector<16xi32>, vector<16xi32>, vector<16xi32>], vector<16xf32>,
      %swap3A_940 = arith.index_cast %scan3A_893 : i32 to index
      %swap3A_941 = arith.constant 48 : index
      %swap3A_942 = tpu.vector_load %arg5[%swap3A_940, %swap3A_941] {strides = array<i32>} : memref<48x64xf32, #tpu.memory_space<vmem>>, vector<16xf32>,
      tpu.vector_store %arg5[%swap3A_940, %swap3A_941], %gather3A_939 {strides = array<i32>} : memref<48x64xf32, #tpu.memory_space<vmem>>, vector<16xf32>,
    }
    %scan3A_322 = arith.constant 48 : i32
    %run_scoped3A_323 = arith.constant 2 : i32
    "tpu.region"() ({
      %run_scoped3A_893 = tpu.sem_alloc : memref<!tpu.dma_semaphore, #tpu.memory_space<semaphore_mem>>
      %dma_start3A_894 = arith.constant 192 : i32
      %dma_start3A_895 = tpu.memref_slice %arg6[%run_scoped3A_323, %dma_start3A_894, %mul3A_0] : memref<4x384x1024xf32, #tpu.memory_space<vmem_shared>> -> memref<1x48x64xf32, #tpu.memory_space<vmem_shared>>
      %dma_start3A_896 = tpu.memref_squeeze %dma_start3A_895 : memref<1x48x64xf32, #tpu.memory_space<vmem_shared>> -> memref<48x64xf32, #tpu.memory_space<vmem_shared>>
      %dma_start3A_897 = arith.constant 192 : i32
      %dma_start3A_898 = tpu.memref_slice %arg6[%run_scoped3A_323, %dma_start3A_897, %mul3A_0] : memref<4x384x1024xf32, #tpu.memory_space<vmem_shared>> -> memref<1x48x64xf32, #tpu.memory_space<vmem_shared>>
      %dma_start3A_899 = tpu.memref_squeeze %dma_start3A_898 : memref<1x48x64xf32, #tpu.memory_space<vmem_shared>> -> memref<48x64xf32, #tpu.memory_space<vmem_shared>>
      tpu.enqueue_dma source(%arg5 : memref<48x64xf32, #tpu.memory_space<vmem>>) target(%dma_start3A_899 : memref<48x64xf32, #tpu.memory_space<vmem_shared>>) target_semaphore(%run_scoped3A_893 : memref<!tpu.dma_semaphore, #tpu.memory_space<semaphore_mem>>)
      %dma_wait3A_900 = arith.constant 192 : i32
      %dma_wait3A_901 = tpu.memref_slice %arg6[%run_scoped3A_323, %dma_wait3A_900, %mul3A_0] : memref<4x384x1024xf32, #tpu.memory_space<vmem_shared>> -> memref<1x48x64xf32, #tpu.memory_space<vmem_shared>>
      %dma_wait3A_902 = tpu.memref_squeeze %dma_wait3A_901 : memref<1x48x64xf32, #tpu.memory_space<vmem_shared>> -> memref<48x64xf32, #tpu.memory_space<vmem_shared>>
      %dma_wait3A_903 = arith.constant 192 : i32
      %dma_wait3A_904 = tpu.memref_slice %arg6[%run_scoped3A_323, %dma_wait3A_903, %mul3A_0] : memref<4x384x1024xf32, #tpu.memory_space<vmem_shared>> -> memref<1x48x64xf32, #tpu.memory_space<vmem_shared>>
      %dma_wait3A_905 = tpu.memref_squeeze %dma_wait3A_904 : memref<1x48x64xf32, #tpu.memory_space<vmem_shared>> -> memref<48x64xf32, #tpu.memory_space<vmem_shared>>
      tpu.wait_dma2 semaphore(%run_scoped3A_893 : memref<!tpu.dma_semaphore, #tpu.memory_space<semaphore_mem>>) src(%arg5 : memref<48x64xf32, #tpu.memory_space<vmem>>) dst(%dma_wait3A_905 : memref<48x64xf32, #tpu.memory_space<vmem_shared>>)
      tpu.yield
    }) : () -> ()
    %scan3A_324 = arith.constant 0 : i32
    %scan3A_325 = arith.constant 0 : i32
    %scan3A_326 = arith.constant 48 : i32
    %scan3A_327 = arith.addi %scan3A_325, %scan3A_326 : i32
    %scan3A_328 = arith.constant 1 : i32
    scf.for %scan3A_893 = %scan3A_325 to %scan3A_327 step %scan3A_328  : i32 {
      %add3A_894 = arith.constant 240 : i32
      %add3A_895 = arith.addi %add3A_894, %scan3A_893 : i32
      %jit3A_896 = arith.constant 32 : i32
      %div3A = arith.divsi %add3A_895, %jit3A_896 : i32
      %sign3A = arith.constant 0 : i32
      %sign3A_897 = arith.cmpi sgt, %add3A_895, %sign3A : i32
      %sign3A_898 = arith.extui %sign3A_897 : i1 to i32
      %sign3A_899 = arith.constant 0 : i32
      %sign3A_900 = arith.cmpi slt, %add3A_895, %sign3A_899 : i32
      %sign3A_901 = arith.extui %sign3A_900 : i1 to i32
      %sign3A_902 = arith.subi %sign3A_898, %sign3A_901 : i32
      %sign3A_903 = arith.constant 0 : i32
      %sign3A_904 = arith.cmpi sgt, %jit3A_896, %sign3A_903 : i32
      %sign3A_905 = arith.extui %sign3A_904 : i1 to i32
      %sign3A_906 = arith.constant 0 : i32
      %sign3A_907 = arith.cmpi slt, %jit3A_896, %sign3A_906 : i32
      %sign3A_908 = arith.extui %sign3A_907 : i1 to i32
      %sign3A_909 = arith.subi %sign3A_905, %sign3A_908 : i32
      %ne3A = arith.cmpi ne, %sign3A_902, %sign3A_909 : i32
      %rem3A = arith.remsi %add3A_895, %jit3A_896 : i32
      %ne3A_910 = arith.constant 0 : i32
      %ne3A_911 = arith.cmpi ne, %rem3A, %ne3A_910 : i32
      %and3A = arith.andi %ne3A, %ne3A_911 : i1
      %sub3A_912 = arith.constant 1 : i32
      %sub3A_913 = arith.subi %div3A, %sub3A_912 : i32
      %select_n3A = arith.select %and3A, %sub3A_913, %div3A : i32
      %broadcast_in_dim3A = vector.broadcast %select_n3A : i32 to vector<16xi32>
      %jit3A_914 = arith.constant 32 : i32
      %eq3A = arith.constant 0 : i32
      %eq3A_915 = arith.cmpi eq, %jit3A_914, %eq3A : i32
      %jit3A_916 = arith.constant 1 : i32
      %select_n3A_917 = arith.select %eq3A_915, %jit3A_916, %jit3A_914 : i32
      %rem3A_918 = arith.remsi %add3A_895, %select_n3A_917 : i32
      %ne3A_919 = arith.constant 0 : i32
      %ne3A_920 = arith.cmpi ne, %rem3A_918, %ne3A_919 : i32
      %lt3A = arith.constant 0 : i32
      %lt3A_921 = arith.cmpi slt, %rem3A_918, %lt3A : i32
      %lt3A_922 = arith.constant 0 : i32
      %lt3A_923 = arith.cmpi slt, %select_n3A_917, %lt3A_922 : i32
      %ne3A_924 = arith.xori %lt3A_921, %lt3A_923 : i1
      %and3A_925 = arith.andi %ne3A_924, %ne3A_920 : i1
      %add3A_926 = arith.addi %rem3A_918, %select_n3A_917 : i32
      %select_n3A_927 = arith.select %and3A_925, %add3A_926, %rem3A_918 : i32
      %broadcast_in_dim3A_928 = vector.broadcast %select_n3A_927 : i32 to vector<16xi32>
      %gather3A = tpu.vector_load_idx %arg4[%sub3A_249, %broadcast_in_dim3A, %broadcast_in_dim3A_928] : memref<72x12x32xf32, #tpu.memory_space<vmem>>[vector<16xi32>, vector<16xi32>, vector<16xi32>], vector<16xf32>,
      %swap3A = arith.index_cast %scan3A_893 : i32 to index
      %swap3A_929 = arith.constant 0 : index
      %swap3A_930 = tpu.vector_load %arg5[%swap3A, %swap3A_929] {strides = array<i32>} : memref<48x64xf32, #tpu.memory_space<vmem>>, vector<16xf32>,
      tpu.vector_store %arg5[%swap3A, %swap3A_929], %gather3A {strides = array<i32>} : memref<48x64xf32, #tpu.memory_space<vmem>>, vector<16xf32>,
      %gather3A_931 = tpu.vector_load_idx %arg4[%sub3A_262, %broadcast_in_dim3A, %broadcast_in_dim3A_928] : memref<72x12x32xf32, #tpu.memory_space<vmem>>[vector<16xi32>, vector<16xi32>, vector<16xi32>], vector<16xf32>,
      %swap3A_932 = arith.index_cast %scan3A_893 : i32 to index
      %swap3A_933 = arith.constant 16 : index
      %swap3A_934 = tpu.vector_load %arg5[%swap3A_932, %swap3A_933] {strides = array<i32>} : memref<48x64xf32, #tpu.memory_space<vmem>>, vector<16xf32>,
      tpu.vector_store %arg5[%swap3A_932, %swap3A_933], %gather3A_931 {strides = array<i32>} : memref<48x64xf32, #tpu.memory_space<vmem>>, vector<16xf32>,
      %gather3A_935 = tpu.vector_load_idx %arg4[%sub3A_275, %broadcast_in_dim3A, %broadcast_in_dim3A_928] : memref<72x12x32xf32, #tpu.memory_space<vmem>>[vector<16xi32>, vector<16xi32>, vector<16xi32>], vector<16xf32>,
      %swap3A_936 = arith.index_cast %scan3A_893 : i32 to index
      %swap3A_937 = arith.constant 32 : index
      %swap3A_938 = tpu.vector_load %arg5[%swap3A_936, %swap3A_937] {strides = array<i32>} : memref<48x64xf32, #tpu.memory_space<vmem>>, vector<16xf32>,
      tpu.vector_store %arg5[%swap3A_936, %swap3A_937], %gather3A_935 {strides = array<i32>} : memref<48x64xf32, #tpu.memory_space<vmem>>, vector<16xf32>,
      %gather3A_939 = tpu.vector_load_idx %arg4[%sub3A_288, %broadcast_in_dim3A, %broadcast_in_dim3A_928] : memref<72x12x32xf32, #tpu.memory_space<vmem>>[vector<16xi32>, vector<16xi32>, vector<16xi32>], vector<16xf32>,
      %swap3A_940 = arith.index_cast %scan3A_893 : i32 to index
      %swap3A_941 = arith.constant 48 : index
      %swap3A_942 = tpu.vector_load %arg5[%swap3A_940, %swap3A_941] {strides = array<i32>} : memref<48x64xf32, #tpu.memory_space<vmem>>, vector<16xf32>,
      tpu.vector_store %arg5[%swap3A_940, %swap3A_941], %gather3A_939 {strides = array<i32>} : memref<48x64xf32, #tpu.memory_space<vmem>>, vector<16xf32>,
    }
    %scan3A_329 = arith.constant 48 : i32
    %run_scoped3A_330 = arith.constant 2 : i32
    "tpu.region"() ({
      %run_scoped3A_893 = tpu.sem_alloc : memref<!tpu.dma_semaphore, #tpu.memory_space<semaphore_mem>>
      %dma_start3A_894 = arith.constant 240 : i32
      %dma_start3A_895 = tpu.memref_slice %arg6[%run_scoped3A_330, %dma_start3A_894, %mul3A_0] : memref<4x384x1024xf32, #tpu.memory_space<vmem_shared>> -> memref<1x48x64xf32, #tpu.memory_space<vmem_shared>>
      %dma_start3A_896 = tpu.memref_squeeze %dma_start3A_895 : memref<1x48x64xf32, #tpu.memory_space<vmem_shared>> -> memref<48x64xf32, #tpu.memory_space<vmem_shared>>
      %dma_start3A_897 = arith.constant 240 : i32
      %dma_start3A_898 = tpu.memref_slice %arg6[%run_scoped3A_330, %dma_start3A_897, %mul3A_0] : memref<4x384x1024xf32, #tpu.memory_space<vmem_shared>> -> memref<1x48x64xf32, #tpu.memory_space<vmem_shared>>
      %dma_start3A_899 = tpu.memref_squeeze %dma_start3A_898 : memref<1x48x64xf32, #tpu.memory_space<vmem_shared>> -> memref<48x64xf32, #tpu.memory_space<vmem_shared>>
      tpu.enqueue_dma source(%arg5 : memref<48x64xf32, #tpu.memory_space<vmem>>) target(%dma_start3A_899 : memref<48x64xf32, #tpu.memory_space<vmem_shared>>) target_semaphore(%run_scoped3A_893 : memref<!tpu.dma_semaphore, #tpu.memory_space<semaphore_mem>>)
      %dma_wait3A_900 = arith.constant 240 : i32
      %dma_wait3A_901 = tpu.memref_slice %arg6[%run_scoped3A_330, %dma_wait3A_900, %mul3A_0] : memref<4x384x1024xf32, #tpu.memory_space<vmem_shared>> -> memref<1x48x64xf32, #tpu.memory_space<vmem_shared>>
      %dma_wait3A_902 = tpu.memref_squeeze %dma_wait3A_901 : memref<1x48x64xf32, #tpu.memory_space<vmem_shared>> -> memref<48x64xf32, #tpu.memory_space<vmem_shared>>
      %dma_wait3A_903 = arith.constant 240 : i32
      %dma_wait3A_904 = tpu.memref_slice %arg6[%run_scoped3A_330, %dma_wait3A_903, %mul3A_0] : memref<4x384x1024xf32, #tpu.memory_space<vmem_shared>> -> memref<1x48x64xf32, #tpu.memory_space<vmem_shared>>
      %dma_wait3A_905 = tpu.memref_squeeze %dma_wait3A_904 : memref<1x48x64xf32, #tpu.memory_space<vmem_shared>> -> memref<48x64xf32, #tpu.memory_space<vmem_shared>>
      tpu.wait_dma2 semaphore(%run_scoped3A_893 : memref<!tpu.dma_semaphore, #tpu.memory_space<semaphore_mem>>) src(%arg5 : memref<48x64xf32, #tpu.memory_space<vmem>>) dst(%dma_wait3A_905 : memref<48x64xf32, #tpu.memory_space<vmem_shared>>)
      tpu.yield
    }) : () -> ()
    %scan3A_331 = arith.constant 0 : i32
    %scan3A_332 = arith.constant 0 : i32
    %scan3A_333 = arith.constant 48 : i32
    %scan3A_334 = arith.addi %scan3A_332, %scan3A_333 : i32
    %scan3A_335 = arith.constant 1 : i32
    scf.for %scan3A_893 = %scan3A_332 to %scan3A_334 step %scan3A_335  : i32 {
      %add3A_894 = arith.constant 288 : i32
      %add3A_895 = arith.addi %add3A_894, %scan3A_893 : i32
      %jit3A_896 = arith.constant 32 : i32
      %div3A = arith.divsi %add3A_895, %jit3A_896 : i32
      %sign3A = arith.constant 0 : i32
      %sign3A_897 = arith.cmpi sgt, %add3A_895, %sign3A : i32
      %sign3A_898 = arith.extui %sign3A_897 : i1 to i32
      %sign3A_899 = arith.constant 0 : i32
      %sign3A_900 = arith.cmpi slt, %add3A_895, %sign3A_899 : i32
      %sign3A_901 = arith.extui %sign3A_900 : i1 to i32
      %sign3A_902 = arith.subi %sign3A_898, %sign3A_901 : i32
      %sign3A_903 = arith.constant 0 : i32
      %sign3A_904 = arith.cmpi sgt, %jit3A_896, %sign3A_903 : i32
      %sign3A_905 = arith.extui %sign3A_904 : i1 to i32
      %sign3A_906 = arith.constant 0 : i32
      %sign3A_907 = arith.cmpi slt, %jit3A_896, %sign3A_906 : i32
      %sign3A_908 = arith.extui %sign3A_907 : i1 to i32
      %sign3A_909 = arith.subi %sign3A_905, %sign3A_908 : i32
      %ne3A = arith.cmpi ne, %sign3A_902, %sign3A_909 : i32
      %rem3A = arith.remsi %add3A_895, %jit3A_896 : i32
      %ne3A_910 = arith.constant 0 : i32
      %ne3A_911 = arith.cmpi ne, %rem3A, %ne3A_910 : i32
      %and3A = arith.andi %ne3A, %ne3A_911 : i1
      %sub3A_912 = arith.constant 1 : i32
      %sub3A_913 = arith.subi %div3A, %sub3A_912 : i32
      %select_n3A = arith.select %and3A, %sub3A_913, %div3A : i32
      %broadcast_in_dim3A = vector.broadcast %select_n3A : i32 to vector<16xi32>
      %jit3A_914 = arith.constant 32 : i32
      %eq3A = arith.constant 0 : i32
      %eq3A_915 = arith.cmpi eq, %jit3A_914, %eq3A : i32
      %jit3A_916 = arith.constant 1 : i32
      %select_n3A_917 = arith.select %eq3A_915, %jit3A_916, %jit3A_914 : i32
      %rem3A_918 = arith.remsi %add3A_895, %select_n3A_917 : i32
      %ne3A_919 = arith.constant 0 : i32
      %ne3A_920 = arith.cmpi ne, %rem3A_918, %ne3A_919 : i32
      %lt3A = arith.constant 0 : i32
      %lt3A_921 = arith.cmpi slt, %rem3A_918, %lt3A : i32
      %lt3A_922 = arith.constant 0 : i32
      %lt3A_923 = arith.cmpi slt, %select_n3A_917, %lt3A_922 : i32
      %ne3A_924 = arith.xori %lt3A_921, %lt3A_923 : i1
      %and3A_925 = arith.andi %ne3A_924, %ne3A_920 : i1
      %add3A_926 = arith.addi %rem3A_918, %select_n3A_917 : i32
      %select_n3A_927 = arith.select %and3A_925, %add3A_926, %rem3A_918 : i32
      %broadcast_in_dim3A_928 = vector.broadcast %select_n3A_927 : i32 to vector<16xi32>
      %gather3A = tpu.vector_load_idx %arg4[%sub3A_249, %broadcast_in_dim3A, %broadcast_in_dim3A_928] : memref<72x12x32xf32, #tpu.memory_space<vmem>>[vector<16xi32>, vector<16xi32>, vector<16xi32>], vector<16xf32>,
      %swap3A = arith.index_cast %scan3A_893 : i32 to index
      %swap3A_929 = arith.constant 0 : index
      %swap3A_930 = tpu.vector_load %arg5[%swap3A, %swap3A_929] {strides = array<i32>} : memref<48x64xf32, #tpu.memory_space<vmem>>, vector<16xf32>,
      tpu.vector_store %arg5[%swap3A, %swap3A_929], %gather3A {strides = array<i32>} : memref<48x64xf32, #tpu.memory_space<vmem>>, vector<16xf32>,
      %gather3A_931 = tpu.vector_load_idx %arg4[%sub3A_262, %broadcast_in_dim3A, %broadcast_in_dim3A_928] : memref<72x12x32xf32, #tpu.memory_space<vmem>>[vector<16xi32>, vector<16xi32>, vector<16xi32>], vector<16xf32>,
      %swap3A_932 = arith.index_cast %scan3A_893 : i32 to index
      %swap3A_933 = arith.constant 16 : index
      %swap3A_934 = tpu.vector_load %arg5[%swap3A_932, %swap3A_933] {strides = array<i32>} : memref<48x64xf32, #tpu.memory_space<vmem>>, vector<16xf32>,
      tpu.vector_store %arg5[%swap3A_932, %swap3A_933], %gather3A_931 {strides = array<i32>} : memref<48x64xf32, #tpu.memory_space<vmem>>, vector<16xf32>,
      %gather3A_935 = tpu.vector_load_idx %arg4[%sub3A_275, %broadcast_in_dim3A, %broadcast_in_dim3A_928] : memref<72x12x32xf32, #tpu.memory_space<vmem>>[vector<16xi32>, vector<16xi32>, vector<16xi32>], vector<16xf32>,
      %swap3A_936 = arith.index_cast %scan3A_893 : i32 to index
      %swap3A_937 = arith.constant 32 : index
      %swap3A_938 = tpu.vector_load %arg5[%swap3A_936, %swap3A_937] {strides = array<i32>} : memref<48x64xf32, #tpu.memory_space<vmem>>, vector<16xf32>,
      tpu.vector_store %arg5[%swap3A_936, %swap3A_937], %gather3A_935 {strides = array<i32>} : memref<48x64xf32, #tpu.memory_space<vmem>>, vector<16xf32>,
      %gather3A_939 = tpu.vector_load_idx %arg4[%sub3A_288, %broadcast_in_dim3A, %broadcast_in_dim3A_928] : memref<72x12x32xf32, #tpu.memory_space<vmem>>[vector<16xi32>, vector<16xi32>, vector<16xi32>], vector<16xf32>,
      %swap3A_940 = arith.index_cast %scan3A_893 : i32 to index
      %swap3A_941 = arith.constant 48 : index
      %swap3A_942 = tpu.vector_load %arg5[%swap3A_940, %swap3A_941] {strides = array<i32>} : memref<48x64xf32, #tpu.memory_space<vmem>>, vector<16xf32>,
      tpu.vector_store %arg5[%swap3A_940, %swap3A_941], %gather3A_939 {strides = array<i32>} : memref<48x64xf32, #tpu.memory_space<vmem>>, vector<16xf32>,
    }
    %scan3A_336 = arith.constant 48 : i32
    %run_scoped3A_337 = arith.constant 2 : i32
    "tpu.region"() ({
      %run_scoped3A_893 = tpu.sem_alloc : memref<!tpu.dma_semaphore, #tpu.memory_space<semaphore_mem>>
      %dma_start3A_894 = arith.constant 288 : i32
      %dma_start3A_895 = tpu.memref_slice %arg6[%run_scoped3A_337, %dma_start3A_894, %mul3A_0] : memref<4x384x1024xf32, #tpu.memory_space<vmem_shared>> -> memref<1x48x64xf32, #tpu.memory_space<vmem_shared>>
      %dma_start3A_896 = tpu.memref_squeeze %dma_start3A_895 : memref<1x48x64xf32, #tpu.memory_space<vmem_shared>> -> memref<48x64xf32, #tpu.memory_space<vmem_shared>>
      %dma_start3A_897 = arith.constant 288 : i32
      %dma_start3A_898 = tpu.memref_slice %arg6[%run_scoped3A_337, %dma_start3A_897, %mul3A_0] : memref<4x384x1024xf32, #tpu.memory_space<vmem_shared>> -> memref<1x48x64xf32, #tpu.memory_space<vmem_shared>>
      %dma_start3A_899 = tpu.memref_squeeze %dma_start3A_898 : memref<1x48x64xf32, #tpu.memory_space<vmem_shared>> -> memref<48x64xf32, #tpu.memory_space<vmem_shared>>
      tpu.enqueue_dma source(%arg5 : memref<48x64xf32, #tpu.memory_space<vmem>>) target(%dma_start3A_899 : memref<48x64xf32, #tpu.memory_space<vmem_shared>>) target_semaphore(%run_scoped3A_893 : memref<!tpu.dma_semaphore, #tpu.memory_space<semaphore_mem>>)
      %dma_wait3A_900 = arith.constant 288 : i32
      %dma_wait3A_901 = tpu.memref_slice %arg6[%run_scoped3A_337, %dma_wait3A_900, %mul3A_0] : memref<4x384x1024xf32, #tpu.memory_space<vmem_shared>> -> memref<1x48x64xf32, #tpu.memory_space<vmem_shared>>
      %dma_wait3A_902 = tpu.memref_squeeze %dma_wait3A_901 : memref<1x48x64xf32, #tpu.memory_space<vmem_shared>> -> memref<48x64xf32, #tpu.memory_space<vmem_shared>>
      %dma_wait3A_903 = arith.constant 288 : i32
      %dma_wait3A_904 = tpu.memref_slice %arg6[%run_scoped3A_337, %dma_wait3A_903, %mul3A_0] : memref<4x384x1024xf32, #tpu.memory_space<vmem_shared>> -> memref<1x48x64xf32, #tpu.memory_space<vmem_shared>>
      %dma_wait3A_905 = tpu.memref_squeeze %dma_wait3A_904 : memref<1x48x64xf32, #tpu.memory_space<vmem_shared>> -> memref<48x64xf32, #tpu.memory_space<vmem_shared>>
      tpu.wait_dma2 semaphore(%run_scoped3A_893 : memref<!tpu.dma_semaphore, #tpu.memory_space<semaphore_mem>>) src(%arg5 : memref<48x64xf32, #tpu.memory_space<vmem>>) dst(%dma_wait3A_905 : memref<48x64xf32, #tpu.memory_space<vmem_shared>>)
      tpu.yield
    }) : () -> ()
    %scan3A_338 = arith.constant 0 : i32
    %scan3A_339 = arith.constant 0 : i32
    %scan3A_340 = arith.constant 48 : i32
    %scan3A_341 = arith.addi %scan3A_339, %scan3A_340 : i32
    %scan3A_342 = arith.constant 1 : i32
    scf.for %scan3A_893 = %scan3A_339 to %scan3A_341 step %scan3A_342  : i32 {
      %add3A_894 = arith.constant 336 : i32
      %add3A_895 = arith.addi %add3A_894, %scan3A_893 : i32
      %jit3A_896 = arith.constant 32 : i32
      %div3A = arith.divsi %add3A_895, %jit3A_896 : i32
      %sign3A = arith.constant 0 : i32
      %sign3A_897 = arith.cmpi sgt, %add3A_895, %sign3A : i32
      %sign3A_898 = arith.extui %sign3A_897 : i1 to i32
      %sign3A_899 = arith.constant 0 : i32
      %sign3A_900 = arith.cmpi slt, %add3A_895, %sign3A_899 : i32
      %sign3A_901 = arith.extui %sign3A_900 : i1 to i32
      %sign3A_902 = arith.subi %sign3A_898, %sign3A_901 : i32
      %sign3A_903 = arith.constant 0 : i32
      %sign3A_904 = arith.cmpi sgt, %jit3A_896, %sign3A_903 : i32
      %sign3A_905 = arith.extui %sign3A_904 : i1 to i32
      %sign3A_906 = arith.constant 0 : i32
      %sign3A_907 = arith.cmpi slt, %jit3A_896, %sign3A_906 : i32
      %sign3A_908 = arith.extui %sign3A_907 : i1 to i32
      %sign3A_909 = arith.subi %sign3A_905, %sign3A_908 : i32
      %ne3A = arith.cmpi ne, %sign3A_902, %sign3A_909 : i32
      %rem3A = arith.remsi %add3A_895, %jit3A_896 : i32
      %ne3A_910 = arith.constant 0 : i32
      %ne3A_911 = arith.cmpi ne, %rem3A, %ne3A_910 : i32
      %and3A = arith.andi %ne3A, %ne3A_911 : i1
      %sub3A_912 = arith.constant 1 : i32
      %sub3A_913 = arith.subi %div3A, %sub3A_912 : i32
      %select_n3A = arith.select %and3A, %sub3A_913, %div3A : i32
      %broadcast_in_dim3A = vector.broadcast %select_n3A : i32 to vector<16xi32>
      %jit3A_914 = arith.constant 32 : i32
      %eq3A = arith.constant 0 : i32
      %eq3A_915 = arith.cmpi eq, %jit3A_914, %eq3A : i32
      %jit3A_916 = arith.constant 1 : i32
      %select_n3A_917 = arith.select %eq3A_915, %jit3A_916, %jit3A_914 : i32
      %rem3A_918 = arith.remsi %add3A_895, %select_n3A_917 : i32
      %ne3A_919 = arith.constant 0 : i32
      %ne3A_920 = arith.cmpi ne, %rem3A_918, %ne3A_919 : i32
      %lt3A = arith.constant 0 : i32
      %lt3A_921 = arith.cmpi slt, %rem3A_918, %lt3A : i32
      %lt3A_922 = arith.constant 0 : i32
      %lt3A_923 = arith.cmpi slt, %select_n3A_917, %lt3A_922 : i32
      %ne3A_924 = arith.xori %lt3A_921, %lt3A_923 : i1
      %and3A_925 = arith.andi %ne3A_924, %ne3A_920 : i1
      %add3A_926 = arith.addi %rem3A_918, %select_n3A_917 : i32
      %select_n3A_927 = arith.select %and3A_925, %add3A_926, %rem3A_918 : i32
      %broadcast_in_dim3A_928 = vector.broadcast %select_n3A_927 : i32 to vector<16xi32>
      %gather3A = tpu.vector_load_idx %arg4[%sub3A_249, %broadcast_in_dim3A, %broadcast_in_dim3A_928] : memref<72x12x32xf32, #tpu.memory_space<vmem>>[vector<16xi32>, vector<16xi32>, vector<16xi32>], vector<16xf32>,
      %swap3A = arith.index_cast %scan3A_893 : i32 to index
      %swap3A_929 = arith.constant 0 : index
      %swap3A_930 = tpu.vector_load %arg5[%swap3A, %swap3A_929] {strides = array<i32>} : memref<48x64xf32, #tpu.memory_space<vmem>>, vector<16xf32>,
      tpu.vector_store %arg5[%swap3A, %swap3A_929], %gather3A {strides = array<i32>} : memref<48x64xf32, #tpu.memory_space<vmem>>, vector<16xf32>,
      %gather3A_931 = tpu.vector_load_idx %arg4[%sub3A_262, %broadcast_in_dim3A, %broadcast_in_dim3A_928] : memref<72x12x32xf32, #tpu.memory_space<vmem>>[vector<16xi32>, vector<16xi32>, vector<16xi32>], vector<16xf32>,
      %swap3A_932 = arith.index_cast %scan3A_893 : i32 to index
      %swap3A_933 = arith.constant 16 : index
      %swap3A_934 = tpu.vector_load %arg5[%swap3A_932, %swap3A_933] {strides = array<i32>} : memref<48x64xf32, #tpu.memory_space<vmem>>, vector<16xf32>,
      tpu.vector_store %arg5[%swap3A_932, %swap3A_933], %gather3A_931 {strides = array<i32>} : memref<48x64xf32, #tpu.memory_space<vmem>>, vector<16xf32>,
      %gather3A_935 = tpu.vector_load_idx %arg4[%sub3A_275, %broadcast_in_dim3A, %broadcast_in_dim3A_928] : memref<72x12x32xf32, #tpu.memory_space<vmem>>[vector<16xi32>, vector<16xi32>, vector<16xi32>], vector<16xf32>,
      %swap3A_936 = arith.index_cast %scan3A_893 : i32 to index
      %swap3A_937 = arith.constant 32 : index
      %swap3A_938 = tpu.vector_load %arg5[%swap3A_936, %swap3A_937] {strides = array<i32>} : memref<48x64xf32, #tpu.memory_space<vmem>>, vector<16xf32>,
      tpu.vector_store %arg5[%swap3A_936, %swap3A_937], %gather3A_935 {strides = array<i32>} : memref<48x64xf32, #tpu.memory_space<vmem>>, vector<16xf32>,
      %gather3A_939 = tpu.vector_load_idx %arg4[%sub3A_288, %broadcast_in_dim3A, %broadcast_in_dim3A_928] : memref<72x12x32xf32, #tpu.memory_space<vmem>>[vector<16xi32>, vector<16xi32>, vector<16xi32>], vector<16xf32>,
      %swap3A_940 = arith.index_cast %scan3A_893 : i32 to index
      %swap3A_941 = arith.constant 48 : index
      %swap3A_942 = tpu.vector_load %arg5[%swap3A_940, %swap3A_941] {strides = array<i32>} : memref<48x64xf32, #tpu.memory_space<vmem>>, vector<16xf32>,
      tpu.vector_store %arg5[%swap3A_940, %swap3A_941], %gather3A_939 {strides = array<i32>} : memref<48x64xf32, #tpu.memory_space<vmem>>, vector<16xf32>,
    }
    %scan3A_343 = arith.constant 48 : i32
    %run_scoped3A_344 = arith.constant 2 : i32
    "tpu.region"() ({
      %run_scoped3A_893 = tpu.sem_alloc : memref<!tpu.dma_semaphore, #tpu.memory_space<semaphore_mem>>
      %dma_start3A_894 = arith.constant 336 : i32
      %dma_start3A_895 = tpu.memref_slice %arg6[%run_scoped3A_344, %dma_start3A_894, %mul3A_0] : memref<4x384x1024xf32, #tpu.memory_space<vmem_shared>> -> memref<1x48x64xf32, #tpu.memory_space<vmem_shared>>
      %dma_start3A_896 = tpu.memref_squeeze %dma_start3A_895 : memref<1x48x64xf32, #tpu.memory_space<vmem_shared>> -> memref<48x64xf32, #tpu.memory_space<vmem_shared>>
      %dma_start3A_897 = arith.constant 336 : i32
      %dma_start3A_898 = tpu.memref_slice %arg6[%run_scoped3A_344, %dma_start3A_897, %mul3A_0] : memref<4x384x1024xf32, #tpu.memory_space<vmem_shared>> -> memref<1x48x64xf32, #tpu.memory_space<vmem_shared>>
      %dma_start3A_899 = tpu.memref_squeeze %dma_start3A_898 : memref<1x48x64xf32, #tpu.memory_space<vmem_shared>> -> memref<48x64xf32, #tpu.memory_space<vmem_shared>>
      tpu.enqueue_dma source(%arg5 : memref<48x64xf32, #tpu.memory_space<vmem>>) target(%dma_start3A_899 : memref<48x64xf32, #tpu.memory_space<vmem_shared>>) target_semaphore(%run_scoped3A_893 : memref<!tpu.dma_semaphore, #tpu.memory_space<semaphore_mem>>)
      %dma_wait3A_900 = arith.constant 336 : i32
      %dma_wait3A_901 = tpu.memref_slice %arg6[%run_scoped3A_344, %dma_wait3A_900, %mul3A_0] : memref<4x384x1024xf32, #tpu.memory_space<vmem_shared>> -> memref<1x48x64xf32, #tpu.memory_space<vmem_shared>>
      %dma_wait3A_902 = tpu.memref_squeeze %dma_wait3A_901 : memref<1x48x64xf32, #tpu.memory_space<vmem_shared>> -> memref<48x64xf32, #tpu.memory_space<vmem_shared>>
      %dma_wait3A_903 = arith.constant 336 : i32
      %dma_wait3A_904 = tpu.memref_slice %arg6[%run_scoped3A_344, %dma_wait3A_903, %mul3A_0] : memref<4x384x1024xf32, #tpu.memory_space<vmem_shared>> -> memref<1x48x64xf32, #tpu.memory_space<vmem_shared>>
      %dma_wait3A_905 = tpu.memref_squeeze %dma_wait3A_904 : memref<1x48x64xf32, #tpu.memory_space<vmem_shared>> -> memref<48x64xf32, #tpu.memory_space<vmem_shared>>
      tpu.wait_dma2 semaphore(%run_scoped3A_893 : memref<!tpu.dma_semaphore, #tpu.memory_space<semaphore_mem>>) src(%arg5 : memref<48x64xf32, #tpu.memory_space<vmem>>) dst(%dma_wait3A_905 : memref<48x64xf32, #tpu.memory_space<vmem_shared>>)
      tpu.yield
    }) : () -> ()
    %mul3A_345 = arith.constant 4 : i32
    %mul3A_346 = arith.muli %mul3A_345, %arg0 : i32
    %add3A_347 = arith.constant 3 : i32
    %add3A_348 = arith.addi %mul3A_346, %add3A_347 : i32
    %sub3A_349 = arith.constant 639 : i32
    %sub3A_350 = arith.subi %sub3A_349, %add3A_348 : i32
    %sub3A_351 = arith.subi %sub3A_350, %mul3A_0 : i32
    %add3A_352 = arith.constant 0 : i32
    %add3A_353 = vector.broadcast %add3A_352 : i32 to vector<16xi32>
    %add3A_354 = arith.addi %add3A_353, %iota3A : vector<16xi32>
    %sub3A_355 = vector.broadcast %sub3A_351 : i32 to vector<16xi32>
    %sub3A_356 = arith.subi %sub3A_355, %add3A_354 : vector<16xi32>
    %jit3A_357 = arith.constant 0 : i32
    %jit3A_358 = arith.constant 256 : i32
    %max3A_359 = vector.broadcast %jit3A_357 : i32 to vector<16xi32>
    %max3A_360 = arith.maxsi %max3A_359, %sub3A_356 : vector<16xi32>
    %min3A_361 = vector.broadcast %jit3A_358 : i32 to vector<16xi32>
    %min3A_362 = arith.minsi %min3A_361, %max3A_360 : vector<16xi32>
    %sub3A_363 = vector.broadcast %min3A : i32 to vector<16xi32>
    %sub3A_364 = arith.subi %min3A_362, %sub3A_363 : vector<16xi32>
    %add3A_365 = arith.constant 16 : i32
    %add3A_366 = vector.broadcast %add3A_365 : i32 to vector<16xi32>
    %add3A_367 = arith.addi %add3A_366, %iota3A : vector<16xi32>
    %sub3A_368 = vector.broadcast %sub3A_351 : i32 to vector<16xi32>
    %sub3A_369 = arith.subi %sub3A_368, %add3A_367 : vector<16xi32>
    %jit3A_370 = arith.constant 0 : i32
    %jit3A_371 = arith.constant 256 : i32
    %max3A_372 = vector.broadcast %jit3A_370 : i32 to vector<16xi32>
    %max3A_373 = arith.maxsi %max3A_372, %sub3A_369 : vector<16xi32>
    %min3A_374 = vector.broadcast %jit3A_371 : i32 to vector<16xi32>
    %min3A_375 = arith.minsi %min3A_374, %max3A_373 : vector<16xi32>
    %sub3A_376 = vector.broadcast %min3A : i32 to vector<16xi32>
    %sub3A_377 = arith.subi %min3A_375, %sub3A_376 : vector<16xi32>
    %add3A_378 = arith.constant 32 : i32
    %add3A_379 = vector.broadcast %add3A_378 : i32 to vector<16xi32>
    %add3A_380 = arith.addi %add3A_379, %iota3A : vector<16xi32>
    %sub3A_381 = vector.broadcast %sub3A_351 : i32 to vector<16xi32>
    %sub3A_382 = arith.subi %sub3A_381, %add3A_380 : vector<16xi32>
    %jit3A_383 = arith.constant 0 : i32
    %jit3A_384 = arith.constant 256 : i32
    %max3A_385 = vector.broadcast %jit3A_383 : i32 to vector<16xi32>
    %max3A_386 = arith.maxsi %max3A_385, %sub3A_382 : vector<16xi32>
    %min3A_387 = vector.broadcast %jit3A_384 : i32 to vector<16xi32>
    %min3A_388 = arith.minsi %min3A_387, %max3A_386 : vector<16xi32>
    %sub3A_389 = vector.broadcast %min3A : i32 to vector<16xi32>
    %sub3A_390 = arith.subi %min3A_388, %sub3A_389 : vector<16xi32>
    %add3A_391 = arith.constant 48 : i32
    %add3A_392 = vector.broadcast %add3A_391 : i32 to vector<16xi32>
    %add3A_393 = arith.addi %add3A_392, %iota3A : vector<16xi32>
    %sub3A_394 = vector.broadcast %sub3A_351 : i32 to vector<16xi32>
    %sub3A_395 = arith.subi %sub3A_394, %add3A_393 : vector<16xi32>
    %jit3A_396 = arith.constant 0 : i32
    %jit3A_397 = arith.constant 256 : i32
    %max3A_398 = vector.broadcast %jit3A_396 : i32 to vector<16xi32>
    %max3A_399 = arith.maxsi %max3A_398, %sub3A_395 : vector<16xi32>
    %min3A_400 = vector.broadcast %jit3A_397 : i32 to vector<16xi32>
    %min3A_401 = arith.minsi %min3A_400, %max3A_399 : vector<16xi32>
    %sub3A_402 = vector.broadcast %min3A : i32 to vector<16xi32>
    %sub3A_403 = arith.subi %min3A_401, %sub3A_402 : vector<16xi32>
    %scan3A_404 = arith.constant 0 : i32
    %scan3A_405 = arith.constant 0 : i32
    %scan3A_406 = arith.constant 48 : i32
    %scan3A_407 = arith.addi %scan3A_405, %scan3A_406 : i32
    %scan3A_408 = arith.constant 1 : i32
    scf.for %scan3A_893 = %scan3A_405 to %scan3A_407 step %scan3A_408  : i32 {
      %add3A_894 = arith.constant 0 : i32
      %add3A_895 = arith.addi %add3A_894, %scan3A_893 : i32
      %jit3A_896 = arith.constant 32 : i32
      %div3A = arith.divsi %add3A_895, %jit3A_896 : i32
      %sign3A = arith.constant 0 : i32
      %sign3A_897 = arith.cmpi sgt, %add3A_895, %sign3A : i32
      %sign3A_898 = arith.extui %sign3A_897 : i1 to i32
      %sign3A_899 = arith.constant 0 : i32
      %sign3A_900 = arith.cmpi slt, %add3A_895, %sign3A_899 : i32
      %sign3A_901 = arith.extui %sign3A_900 : i1 to i32
      %sign3A_902 = arith.subi %sign3A_898, %sign3A_901 : i32
      %sign3A_903 = arith.constant 0 : i32
      %sign3A_904 = arith.cmpi sgt, %jit3A_896, %sign3A_903 : i32
      %sign3A_905 = arith.extui %sign3A_904 : i1 to i32
      %sign3A_906 = arith.constant 0 : i32
      %sign3A_907 = arith.cmpi slt, %jit3A_896, %sign3A_906 : i32
      %sign3A_908 = arith.extui %sign3A_907 : i1 to i32
      %sign3A_909 = arith.subi %sign3A_905, %sign3A_908 : i32
      %ne3A = arith.cmpi ne, %sign3A_902, %sign3A_909 : i32
      %rem3A = arith.remsi %add3A_895, %jit3A_896 : i32
      %ne3A_910 = arith.constant 0 : i32
      %ne3A_911 = arith.cmpi ne, %rem3A, %ne3A_910 : i32
      %and3A = arith.andi %ne3A, %ne3A_911 : i1
      %sub3A_912 = arith.constant 1 : i32
      %sub3A_913 = arith.subi %div3A, %sub3A_912 : i32
      %select_n3A = arith.select %and3A, %sub3A_913, %div3A : i32
      %broadcast_in_dim3A = vector.broadcast %select_n3A : i32 to vector<16xi32>
      %jit3A_914 = arith.constant 32 : i32
      %eq3A = arith.constant 0 : i32
      %eq3A_915 = arith.cmpi eq, %jit3A_914, %eq3A : i32
      %jit3A_916 = arith.constant 1 : i32
      %select_n3A_917 = arith.select %eq3A_915, %jit3A_916, %jit3A_914 : i32
      %rem3A_918 = arith.remsi %add3A_895, %select_n3A_917 : i32
      %ne3A_919 = arith.constant 0 : i32
      %ne3A_920 = arith.cmpi ne, %rem3A_918, %ne3A_919 : i32
      %lt3A = arith.constant 0 : i32
      %lt3A_921 = arith.cmpi slt, %rem3A_918, %lt3A : i32
      %lt3A_922 = arith.constant 0 : i32
      %lt3A_923 = arith.cmpi slt, %select_n3A_917, %lt3A_922 : i32
      %ne3A_924 = arith.xori %lt3A_921, %lt3A_923 : i1
      %and3A_925 = arith.andi %ne3A_924, %ne3A_920 : i1
      %add3A_926 = arith.addi %rem3A_918, %select_n3A_917 : i32
      %select_n3A_927 = arith.select %and3A_925, %add3A_926, %rem3A_918 : i32
      %broadcast_in_dim3A_928 = vector.broadcast %select_n3A_927 : i32 to vector<16xi32>
      %gather3A = tpu.vector_load_idx %arg4[%sub3A_364, %broadcast_in_dim3A, %broadcast_in_dim3A_928] : memref<72x12x32xf32, #tpu.memory_space<vmem>>[vector<16xi32>, vector<16xi32>, vector<16xi32>], vector<16xf32>,
      %swap3A = arith.index_cast %scan3A_893 : i32 to index
      %swap3A_929 = arith.constant 0 : index
      %swap3A_930 = tpu.vector_load %arg5[%swap3A, %swap3A_929] {strides = array<i32>} : memref<48x64xf32, #tpu.memory_space<vmem>>, vector<16xf32>,
      tpu.vector_store %arg5[%swap3A, %swap3A_929], %gather3A {strides = array<i32>} : memref<48x64xf32, #tpu.memory_space<vmem>>, vector<16xf32>,
      %gather3A_931 = tpu.vector_load_idx %arg4[%sub3A_377, %broadcast_in_dim3A, %broadcast_in_dim3A_928] : memref<72x12x32xf32, #tpu.memory_space<vmem>>[vector<16xi32>, vector<16xi32>, vector<16xi32>], vector<16xf32>,
      %swap3A_932 = arith.index_cast %scan3A_893 : i32 to index
      %swap3A_933 = arith.constant 16 : index
      %swap3A_934 = tpu.vector_load %arg5[%swap3A_932, %swap3A_933] {strides = array<i32>} : memref<48x64xf32, #tpu.memory_space<vmem>>, vector<16xf32>,
      tpu.vector_store %arg5[%swap3A_932, %swap3A_933], %gather3A_931 {strides = array<i32>} : memref<48x64xf32, #tpu.memory_space<vmem>>, vector<16xf32>,
      %gather3A_935 = tpu.vector_load_idx %arg4[%sub3A_390, %broadcast_in_dim3A, %broadcast_in_dim3A_928] : memref<72x12x32xf32, #tpu.memory_space<vmem>>[vector<16xi32>, vector<16xi32>, vector<16xi32>], vector<16xf32>,
      %swap3A_936 = arith.index_cast %scan3A_893 : i32 to index
      %swap3A_937 = arith.constant 32 : index
      %swap3A_938 = tpu.vector_load %arg5[%swap3A_936, %swap3A_937] {strides = array<i32>} : memref<48x64xf32, #tpu.memory_space<vmem>>, vector<16xf32>,
      tpu.vector_store %arg5[%swap3A_936, %swap3A_937], %gather3A_935 {strides = array<i32>} : memref<48x64xf32, #tpu.memory_space<vmem>>, vector<16xf32>,
      %gather3A_939 = tpu.vector_load_idx %arg4[%sub3A_403, %broadcast_in_dim3A, %broadcast_in_dim3A_928] : memref<72x12x32xf32, #tpu.memory_space<vmem>>[vector<16xi32>, vector<16xi32>, vector<16xi32>], vector<16xf32>,
      %swap3A_940 = arith.index_cast %scan3A_893 : i32 to index
      %swap3A_941 = arith.constant 48 : index
      %swap3A_942 = tpu.vector_load %arg5[%swap3A_940, %swap3A_941] {strides = array<i32>} : memref<48x64xf32, #tpu.memory_space<vmem>>, vector<16xf32>,
      tpu.vector_store %arg5[%swap3A_940, %swap3A_941], %gather3A_939 {strides = array<i32>} : memref<48x64xf32, #tpu.memory_space<vmem>>, vector<16xf32>,
    }
    %scan3A_409 = arith.constant 48 : i32
    %run_scoped3A_410 = arith.constant 3 : i32
    "tpu.region"() ({
      %run_scoped3A_893 = tpu.sem_alloc : memref<!tpu.dma_semaphore, #tpu.memory_space<semaphore_mem>>
      %dma_start3A_894 = arith.constant 0 : i32
      %dma_start3A_895 = tpu.memref_slice %arg6[%run_scoped3A_410, %dma_start3A_894, %mul3A_0] : memref<4x384x1024xf32, #tpu.memory_space<vmem_shared>> -> memref<1x48x64xf32, #tpu.memory_space<vmem_shared>>
      %dma_start3A_896 = tpu.memref_squeeze %dma_start3A_895 : memref<1x48x64xf32, #tpu.memory_space<vmem_shared>> -> memref<48x64xf32, #tpu.memory_space<vmem_shared>>
      %dma_start3A_897 = arith.constant 0 : i32
      %dma_start3A_898 = tpu.memref_slice %arg6[%run_scoped3A_410, %dma_start3A_897, %mul3A_0] : memref<4x384x1024xf32, #tpu.memory_space<vmem_shared>> -> memref<1x48x64xf32, #tpu.memory_space<vmem_shared>>
      %dma_start3A_899 = tpu.memref_squeeze %dma_start3A_898 : memref<1x48x64xf32, #tpu.memory_space<vmem_shared>> -> memref<48x64xf32, #tpu.memory_space<vmem_shared>>
      tpu.enqueue_dma source(%arg5 : memref<48x64xf32, #tpu.memory_space<vmem>>) target(%dma_start3A_899 : memref<48x64xf32, #tpu.memory_space<vmem_shared>>) target_semaphore(%run_scoped3A_893 : memref<!tpu.dma_semaphore, #tpu.memory_space<semaphore_mem>>)
      %dma_wait3A_900 = arith.constant 0 : i32
      %dma_wait3A_901 = tpu.memref_slice %arg6[%run_scoped3A_410, %dma_wait3A_900, %mul3A_0] : memref<4x384x1024xf32, #tpu.memory_space<vmem_shared>> -> memref<1x48x64xf32, #tpu.memory_space<vmem_shared>>
      %dma_wait3A_902 = tpu.memref_squeeze %dma_wait3A_901 : memref<1x48x64xf32, #tpu.memory_space<vmem_shared>> -> memref<48x64xf32, #tpu.memory_space<vmem_shared>>
      %dma_wait3A_903 = arith.constant 0 : i32
      %dma_wait3A_904 = tpu.memref_slice %arg6[%run_scoped3A_410, %dma_wait3A_903, %mul3A_0] : memref<4x384x1024xf32, #tpu.memory_space<vmem_shared>> -> memref<1x48x64xf32, #tpu.memory_space<vmem_shared>>
      %dma_wait3A_905 = tpu.memref_squeeze %dma_wait3A_904 : memref<1x48x64xf32, #tpu.memory_space<vmem_shared>> -> memref<48x64xf32, #tpu.memory_space<vmem_shared>>
      tpu.wait_dma2 semaphore(%run_scoped3A_893 : memref<!tpu.dma_semaphore, #tpu.memory_space<semaphore_mem>>) src(%arg5 : memref<48x64xf32, #tpu.memory_space<vmem>>) dst(%dma_wait3A_905 : memref<48x64xf32, #tpu.memory_space<vmem_shared>>)
      tpu.yield
    }) : () -> ()
    %scan3A_411 = arith.constant 0 : i32
    %scan3A_412 = arith.constant 0 : i32
    %scan3A_413 = arith.constant 48 : i32
    %scan3A_414 = arith.addi %scan3A_412, %scan3A_413 : i32
    %scan3A_415 = arith.constant 1 : i32
    scf.for %scan3A_893 = %scan3A_412 to %scan3A_414 step %scan3A_415  : i32 {
      %add3A_894 = arith.constant 48 : i32
      %add3A_895 = arith.addi %add3A_894, %scan3A_893 : i32
      %jit3A_896 = arith.constant 32 : i32
      %div3A = arith.divsi %add3A_895, %jit3A_896 : i32
      %sign3A = arith.constant 0 : i32
      %sign3A_897 = arith.cmpi sgt, %add3A_895, %sign3A : i32
      %sign3A_898 = arith.extui %sign3A_897 : i1 to i32
      %sign3A_899 = arith.constant 0 : i32
      %sign3A_900 = arith.cmpi slt, %add3A_895, %sign3A_899 : i32
      %sign3A_901 = arith.extui %sign3A_900 : i1 to i32
      %sign3A_902 = arith.subi %sign3A_898, %sign3A_901 : i32
      %sign3A_903 = arith.constant 0 : i32
      %sign3A_904 = arith.cmpi sgt, %jit3A_896, %sign3A_903 : i32
      %sign3A_905 = arith.extui %sign3A_904 : i1 to i32
      %sign3A_906 = arith.constant 0 : i32
      %sign3A_907 = arith.cmpi slt, %jit3A_896, %sign3A_906 : i32
      %sign3A_908 = arith.extui %sign3A_907 : i1 to i32
      %sign3A_909 = arith.subi %sign3A_905, %sign3A_908 : i32
      %ne3A = arith.cmpi ne, %sign3A_902, %sign3A_909 : i32
      %rem3A = arith.remsi %add3A_895, %jit3A_896 : i32
      %ne3A_910 = arith.constant 0 : i32
      %ne3A_911 = arith.cmpi ne, %rem3A, %ne3A_910 : i32
      %and3A = arith.andi %ne3A, %ne3A_911 : i1
      %sub3A_912 = arith.constant 1 : i32
      %sub3A_913 = arith.subi %div3A, %sub3A_912 : i32
      %select_n3A = arith.select %and3A, %sub3A_913, %div3A : i32
      %broadcast_in_dim3A = vector.broadcast %select_n3A : i32 to vector<16xi32>
      %jit3A_914 = arith.constant 32 : i32
      %eq3A = arith.constant 0 : i32
      %eq3A_915 = arith.cmpi eq, %jit3A_914, %eq3A : i32
      %jit3A_916 = arith.constant 1 : i32
      %select_n3A_917 = arith.select %eq3A_915, %jit3A_916, %jit3A_914 : i32
      %rem3A_918 = arith.remsi %add3A_895, %select_n3A_917 : i32
      %ne3A_919 = arith.constant 0 : i32
      %ne3A_920 = arith.cmpi ne, %rem3A_918, %ne3A_919 : i32
      %lt3A = arith.constant 0 : i32
      %lt3A_921 = arith.cmpi slt, %rem3A_918, %lt3A : i32
      %lt3A_922 = arith.constant 0 : i32
      %lt3A_923 = arith.cmpi slt, %select_n3A_917, %lt3A_922 : i32
      %ne3A_924 = arith.xori %lt3A_921, %lt3A_923 : i1
      %and3A_925 = arith.andi %ne3A_924, %ne3A_920 : i1
      %add3A_926 = arith.addi %rem3A_918, %select_n3A_917 : i32
      %select_n3A_927 = arith.select %and3A_925, %add3A_926, %rem3A_918 : i32
      %broadcast_in_dim3A_928 = vector.broadcast %select_n3A_927 : i32 to vector<16xi32>
      %gather3A = tpu.vector_load_idx %arg4[%sub3A_364, %broadcast_in_dim3A, %broadcast_in_dim3A_928] : memref<72x12x32xf32, #tpu.memory_space<vmem>>[vector<16xi32>, vector<16xi32>, vector<16xi32>], vector<16xf32>,
      %swap3A = arith.index_cast %scan3A_893 : i32 to index
      %swap3A_929 = arith.constant 0 : index
      %swap3A_930 = tpu.vector_load %arg5[%swap3A, %swap3A_929] {strides = array<i32>} : memref<48x64xf32, #tpu.memory_space<vmem>>, vector<16xf32>,
      tpu.vector_store %arg5[%swap3A, %swap3A_929], %gather3A {strides = array<i32>} : memref<48x64xf32, #tpu.memory_space<vmem>>, vector<16xf32>,
      %gather3A_931 = tpu.vector_load_idx %arg4[%sub3A_377, %broadcast_in_dim3A, %broadcast_in_dim3A_928] : memref<72x12x32xf32, #tpu.memory_space<vmem>>[vector<16xi32>, vector<16xi32>, vector<16xi32>], vector<16xf32>,
      %swap3A_932 = arith.index_cast %scan3A_893 : i32 to index
      %swap3A_933 = arith.constant 16 : index
      %swap3A_934 = tpu.vector_load %arg5[%swap3A_932, %swap3A_933] {strides = array<i32>} : memref<48x64xf32, #tpu.memory_space<vmem>>, vector<16xf32>,
      tpu.vector_store %arg5[%swap3A_932, %swap3A_933], %gather3A_931 {strides = array<i32>} : memref<48x64xf32, #tpu.memory_space<vmem>>, vector<16xf32>,
      %gather3A_935 = tpu.vector_load_idx %arg4[%sub3A_390, %broadcast_in_dim3A, %broadcast_in_dim3A_928] : memref<72x12x32xf32, #tpu.memory_space<vmem>>[vector<16xi32>, vector<16xi32>, vector<16xi32>], vector<16xf32>,
      %swap3A_936 = arith.index_cast %scan3A_893 : i32 to index
      %swap3A_937 = arith.constant 32 : index
      %swap3A_938 = tpu.vector_load %arg5[%swap3A_936, %swap3A_937] {strides = array<i32>} : memref<48x64xf32, #tpu.memory_space<vmem>>, vector<16xf32>,
      tpu.vector_store %arg5[%swap3A_936, %swap3A_937], %gather3A_935 {strides = array<i32>} : memref<48x64xf32, #tpu.memory_space<vmem>>, vector<16xf32>,
      %gather3A_939 = tpu.vector_load_idx %arg4[%sub3A_403, %broadcast_in_dim3A, %broadcast_in_dim3A_928] : memref<72x12x32xf32, #tpu.memory_space<vmem>>[vector<16xi32>, vector<16xi32>, vector<16xi32>], vector<16xf32>,
      %swap3A_940 = arith.index_cast %scan3A_893 : i32 to index
      %swap3A_941 = arith.constant 48 : index
      %swap3A_942 = tpu.vector_load %arg5[%swap3A_940, %swap3A_941] {strides = array<i32>} : memref<48x64xf32, #tpu.memory_space<vmem>>, vector<16xf32>,
      tpu.vector_store %arg5[%swap3A_940, %swap3A_941], %gather3A_939 {strides = array<i32>} : memref<48x64xf32, #tpu.memory_space<vmem>>, vector<16xf32>,
    }
    %scan3A_416 = arith.constant 48 : i32
    %run_scoped3A_417 = arith.constant 3 : i32
    "tpu.region"() ({
      %run_scoped3A_893 = tpu.sem_alloc : memref<!tpu.dma_semaphore, #tpu.memory_space<semaphore_mem>>
      %dma_start3A_894 = arith.constant 48 : i32
      %dma_start3A_895 = tpu.memref_slice %arg6[%run_scoped3A_417, %dma_start3A_894, %mul3A_0] : memref<4x384x1024xf32, #tpu.memory_space<vmem_shared>> -> memref<1x48x64xf32, #tpu.memory_space<vmem_shared>>
      %dma_start3A_896 = tpu.memref_squeeze %dma_start3A_895 : memref<1x48x64xf32, #tpu.memory_space<vmem_shared>> -> memref<48x64xf32, #tpu.memory_space<vmem_shared>>
      %dma_start3A_897 = arith.constant 48 : i32
      %dma_start3A_898 = tpu.memref_slice %arg6[%run_scoped3A_417, %dma_start3A_897, %mul3A_0] : memref<4x384x1024xf32, #tpu.memory_space<vmem_shared>> -> memref<1x48x64xf32, #tpu.memory_space<vmem_shared>>
      %dma_start3A_899 = tpu.memref_squeeze %dma_start3A_898 : memref<1x48x64xf32, #tpu.memory_space<vmem_shared>> -> memref<48x64xf32, #tpu.memory_space<vmem_shared>>
      tpu.enqueue_dma source(%arg5 : memref<48x64xf32, #tpu.memory_space<vmem>>) target(%dma_start3A_899 : memref<48x64xf32, #tpu.memory_space<vmem_shared>>) target_semaphore(%run_scoped3A_893 : memref<!tpu.dma_semaphore, #tpu.memory_space<semaphore_mem>>)
      %dma_wait3A_900 = arith.constant 48 : i32
      %dma_wait3A_901 = tpu.memref_slice %arg6[%run_scoped3A_417, %dma_wait3A_900, %mul3A_0] : memref<4x384x1024xf32, #tpu.memory_space<vmem_shared>> -> memref<1x48x64xf32, #tpu.memory_space<vmem_shared>>
      %dma_wait3A_902 = tpu.memref_squeeze %dma_wait3A_901 : memref<1x48x64xf32, #tpu.memory_space<vmem_shared>> -> memref<48x64xf32, #tpu.memory_space<vmem_shared>>
      %dma_wait3A_903 = arith.constant 48 : i32
      %dma_wait3A_904 = tpu.memref_slice %arg6[%run_scoped3A_417, %dma_wait3A_903, %mul3A_0] : memref<4x384x1024xf32, #tpu.memory_space<vmem_shared>> -> memref<1x48x64xf32, #tpu.memory_space<vmem_shared>>
      %dma_wait3A_905 = tpu.memref_squeeze %dma_wait3A_904 : memref<1x48x64xf32, #tpu.memory_space<vmem_shared>> -> memref<48x64xf32, #tpu.memory_space<vmem_shared>>
      tpu.wait_dma2 semaphore(%run_scoped3A_893 : memref<!tpu.dma_semaphore, #tpu.memory_space<semaphore_mem>>) src(%arg5 : memref<48x64xf32, #tpu.memory_space<vmem>>) dst(%dma_wait3A_905 : memref<48x64xf32, #tpu.memory_space<vmem_shared>>)
      tpu.yield
    }) : () -> ()
    %scan3A_418 = arith.constant 0 : i32
    %scan3A_419 = arith.constant 0 : i32
    %scan3A_420 = arith.constant 48 : i32
    %scan3A_421 = arith.addi %scan3A_419, %scan3A_420 : i32
    %scan3A_422 = arith.constant 1 : i32
    scf.for %scan3A_893 = %scan3A_419 to %scan3A_421 step %scan3A_422  : i32 {
      %add3A_894 = arith.constant 96 : i32
      %add3A_895 = arith.addi %add3A_894, %scan3A_893 : i32
      %jit3A_896 = arith.constant 32 : i32
      %div3A = arith.divsi %add3A_895, %jit3A_896 : i32
      %sign3A = arith.constant 0 : i32
      %sign3A_897 = arith.cmpi sgt, %add3A_895, %sign3A : i32
      %sign3A_898 = arith.extui %sign3A_897 : i1 to i32
      %sign3A_899 = arith.constant 0 : i32
      %sign3A_900 = arith.cmpi slt, %add3A_895, %sign3A_899 : i32
      %sign3A_901 = arith.extui %sign3A_900 : i1 to i32
      %sign3A_902 = arith.subi %sign3A_898, %sign3A_901 : i32
      %sign3A_903 = arith.constant 0 : i32
      %sign3A_904 = arith.cmpi sgt, %jit3A_896, %sign3A_903 : i32
      %sign3A_905 = arith.extui %sign3A_904 : i1 to i32
      %sign3A_906 = arith.constant 0 : i32
      %sign3A_907 = arith.cmpi slt, %jit3A_896, %sign3A_906 : i32
      %sign3A_908 = arith.extui %sign3A_907 : i1 to i32
      %sign3A_909 = arith.subi %sign3A_905, %sign3A_908 : i32
      %ne3A = arith.cmpi ne, %sign3A_902, %sign3A_909 : i32
      %rem3A = arith.remsi %add3A_895, %jit3A_896 : i32
      %ne3A_910 = arith.constant 0 : i32
      %ne3A_911 = arith.cmpi ne, %rem3A, %ne3A_910 : i32
      %and3A = arith.andi %ne3A, %ne3A_911 : i1
      %sub3A_912 = arith.constant 1 : i32
      %sub3A_913 = arith.subi %div3A, %sub3A_912 : i32
      %select_n3A = arith.select %and3A, %sub3A_913, %div3A : i32
      %broadcast_in_dim3A = vector.broadcast %select_n3A : i32 to vector<16xi32>
      %jit3A_914 = arith.constant 32 : i32
      %eq3A = arith.constant 0 : i32
      %eq3A_915 = arith.cmpi eq, %jit3A_914, %eq3A : i32
      %jit3A_916 = arith.constant 1 : i32
      %select_n3A_917 = arith.select %eq3A_915, %jit3A_916, %jit3A_914 : i32
      %rem3A_918 = arith.remsi %add3A_895, %select_n3A_917 : i32
      %ne3A_919 = arith.constant 0 : i32
      %ne3A_920 = arith.cmpi ne, %rem3A_918, %ne3A_919 : i32
      %lt3A = arith.constant 0 : i32
      %lt3A_921 = arith.cmpi slt, %rem3A_918, %lt3A : i32
      %lt3A_922 = arith.constant 0 : i32
      %lt3A_923 = arith.cmpi slt, %select_n3A_917, %lt3A_922 : i32
      %ne3A_924 = arith.xori %lt3A_921, %lt3A_923 : i1
      %and3A_925 = arith.andi %ne3A_924, %ne3A_920 : i1
      %add3A_926 = arith.addi %rem3A_918, %select_n3A_917 : i32
      %select_n3A_927 = arith.select %and3A_925, %add3A_926, %rem3A_918 : i32
      %broadcast_in_dim3A_928 = vector.broadcast %select_n3A_927 : i32 to vector<16xi32>
      %gather3A = tpu.vector_load_idx %arg4[%sub3A_364, %broadcast_in_dim3A, %broadcast_in_dim3A_928] : memref<72x12x32xf32, #tpu.memory_space<vmem>>[vector<16xi32>, vector<16xi32>, vector<16xi32>], vector<16xf32>,
      %swap3A = arith.index_cast %scan3A_893 : i32 to index
      %swap3A_929 = arith.constant 0 : index
      %swap3A_930 = tpu.vector_load %arg5[%swap3A, %swap3A_929] {strides = array<i32>} : memref<48x64xf32, #tpu.memory_space<vmem>>, vector<16xf32>,
      tpu.vector_store %arg5[%swap3A, %swap3A_929], %gather3A {strides = array<i32>} : memref<48x64xf32, #tpu.memory_space<vmem>>, vector<16xf32>,
      %gather3A_931 = tpu.vector_load_idx %arg4[%sub3A_377, %broadcast_in_dim3A, %broadcast_in_dim3A_928] : memref<72x12x32xf32, #tpu.memory_space<vmem>>[vector<16xi32>, vector<16xi32>, vector<16xi32>], vector<16xf32>,
      %swap3A_932 = arith.index_cast %scan3A_893 : i32 to index
      %swap3A_933 = arith.constant 16 : index
      %swap3A_934 = tpu.vector_load %arg5[%swap3A_932, %swap3A_933] {strides = array<i32>} : memref<48x64xf32, #tpu.memory_space<vmem>>, vector<16xf32>,
      tpu.vector_store %arg5[%swap3A_932, %swap3A_933], %gather3A_931 {strides = array<i32>} : memref<48x64xf32, #tpu.memory_space<vmem>>, vector<16xf32>,
      %gather3A_935 = tpu.vector_load_idx %arg4[%sub3A_390, %broadcast_in_dim3A, %broadcast_in_dim3A_928] : memref<72x12x32xf32, #tpu.memory_space<vmem>>[vector<16xi32>, vector<16xi32>, vector<16xi32>], vector<16xf32>,
      %swap3A_936 = arith.index_cast %scan3A_893 : i32 to index
      %swap3A_937 = arith.constant 32 : index
      %swap3A_938 = tpu.vector_load %arg5[%swap3A_936, %swap3A_937] {strides = array<i32>} : memref<48x64xf32, #tpu.memory_space<vmem>>, vector<16xf32>,
      tpu.vector_store %arg5[%swap3A_936, %swap3A_937], %gather3A_935 {strides = array<i32>} : memref<48x64xf32, #tpu.memory_space<vmem>>, vector<16xf32>,
      %gather3A_939 = tpu.vector_load_idx %arg4[%sub3A_403, %broadcast_in_dim3A, %broadcast_in_dim3A_928] : memref<72x12x32xf32, #tpu.memory_space<vmem>>[vector<16xi32>, vector<16xi32>, vector<16xi32>], vector<16xf32>,
      %swap3A_940 = arith.index_cast %scan3A_893 : i32 to index
      %swap3A_941 = arith.constant 48 : index
      %swap3A_942 = tpu.vector_load %arg5[%swap3A_940, %swap3A_941] {strides = array<i32>} : memref<48x64xf32, #tpu.memory_space<vmem>>, vector<16xf32>,
      tpu.vector_store %arg5[%swap3A_940, %swap3A_941], %gather3A_939 {strides = array<i32>} : memref<48x64xf32, #tpu.memory_space<vmem>>, vector<16xf32>,
    }
    %scan3A_423 = arith.constant 48 : i32
    %run_scoped3A_424 = arith.constant 3 : i32
    "tpu.region"() ({
      %run_scoped3A_893 = tpu.sem_alloc : memref<!tpu.dma_semaphore, #tpu.memory_space<semaphore_mem>>
      %dma_start3A_894 = arith.constant 96 : i32
      %dma_start3A_895 = tpu.memref_slice %arg6[%run_scoped3A_424, %dma_start3A_894, %mul3A_0] : memref<4x384x1024xf32, #tpu.memory_space<vmem_shared>> -> memref<1x48x64xf32, #tpu.memory_space<vmem_shared>>
      %dma_start3A_896 = tpu.memref_squeeze %dma_start3A_895 : memref<1x48x64xf32, #tpu.memory_space<vmem_shared>> -> memref<48x64xf32, #tpu.memory_space<vmem_shared>>
      %dma_start3A_897 = arith.constant 96 : i32
      %dma_start3A_898 = tpu.memref_slice %arg6[%run_scoped3A_424, %dma_start3A_897, %mul3A_0] : memref<4x384x1024xf32, #tpu.memory_space<vmem_shared>> -> memref<1x48x64xf32, #tpu.memory_space<vmem_shared>>
      %dma_start3A_899 = tpu.memref_squeeze %dma_start3A_898 : memref<1x48x64xf32, #tpu.memory_space<vmem_shared>> -> memref<48x64xf32, #tpu.memory_space<vmem_shared>>
      tpu.enqueue_dma source(%arg5 : memref<48x64xf32, #tpu.memory_space<vmem>>) target(%dma_start3A_899 : memref<48x64xf32, #tpu.memory_space<vmem_shared>>) target_semaphore(%run_scoped3A_893 : memref<!tpu.dma_semaphore, #tpu.memory_space<semaphore_mem>>)
      %dma_wait3A_900 = arith.constant 96 : i32
      %dma_wait3A_901 = tpu.memref_slice %arg6[%run_scoped3A_424, %dma_wait3A_900, %mul3A_0] : memref<4x384x1024xf32, #tpu.memory_space<vmem_shared>> -> memref<1x48x64xf32, #tpu.memory_space<vmem_shared>>
      %dma_wait3A_902 = tpu.memref_squeeze %dma_wait3A_901 : memref<1x48x64xf32, #tpu.memory_space<vmem_shared>> -> memref<48x64xf32, #tpu.memory_space<vmem_shared>>
      %dma_wait3A_903 = arith.constant 96 : i32
      %dma_wait3A_904 = tpu.memref_slice %arg6[%run_scoped3A_424, %dma_wait3A_903, %mul3A_0] : memref<4x384x1024xf32, #tpu.memory_space<vmem_shared>> -> memref<1x48x64xf32, #tpu.memory_space<vmem_shared>>
      %dma_wait3A_905 = tpu.memref_squeeze %dma_wait3A_904 : memref<1x48x64xf32, #tpu.memory_space<vmem_shared>> -> memref<48x64xf32, #tpu.memory_space<vmem_shared>>
      tpu.wait_dma2 semaphore(%run_scoped3A_893 : memref<!tpu.dma_semaphore, #tpu.memory_space<semaphore_mem>>) src(%arg5 : memref<48x64xf32, #tpu.memory_space<vmem>>) dst(%dma_wait3A_905 : memref<48x64xf32, #tpu.memory_space<vmem_shared>>)
      tpu.yield
    }) : () -> ()
    %scan3A_425 = arith.constant 0 : i32
    %scan3A_426 = arith.constant 0 : i32
    %scan3A_427 = arith.constant 48 : i32
    %scan3A_428 = arith.addi %scan3A_426, %scan3A_427 : i32
    %scan3A_429 = arith.constant 1 : i32
    scf.for %scan3A_893 = %scan3A_426 to %scan3A_428 step %scan3A_429  : i32 {
      %add3A_894 = arith.constant 144 : i32
      %add3A_895 = arith.addi %add3A_894, %scan3A_893 : i32
      %jit3A_896 = arith.constant 32 : i32
      %div3A = arith.divsi %add3A_895, %jit3A_896 : i32
      %sign3A = arith.constant 0 : i32
      %sign3A_897 = arith.cmpi sgt, %add3A_895, %sign3A : i32
      %sign3A_898 = arith.extui %sign3A_897 : i1 to i32
      %sign3A_899 = arith.constant 0 : i32
      %sign3A_900 = arith.cmpi slt, %add3A_895, %sign3A_899 : i32
      %sign3A_901 = arith.extui %sign3A_900 : i1 to i32
      %sign3A_902 = arith.subi %sign3A_898, %sign3A_901 : i32
      %sign3A_903 = arith.constant 0 : i32
      %sign3A_904 = arith.cmpi sgt, %jit3A_896, %sign3A_903 : i32
      %sign3A_905 = arith.extui %sign3A_904 : i1 to i32
      %sign3A_906 = arith.constant 0 : i32
      %sign3A_907 = arith.cmpi slt, %jit3A_896, %sign3A_906 : i32
      %sign3A_908 = arith.extui %sign3A_907 : i1 to i32
      %sign3A_909 = arith.subi %sign3A_905, %sign3A_908 : i32
      %ne3A = arith.cmpi ne, %sign3A_902, %sign3A_909 : i32
      %rem3A = arith.remsi %add3A_895, %jit3A_896 : i32
      %ne3A_910 = arith.constant 0 : i32
      %ne3A_911 = arith.cmpi ne, %rem3A, %ne3A_910 : i32
      %and3A = arith.andi %ne3A, %ne3A_911 : i1
      %sub3A_912 = arith.constant 1 : i32
      %sub3A_913 = arith.subi %div3A, %sub3A_912 : i32
      %select_n3A = arith.select %and3A, %sub3A_913, %div3A : i32
      %broadcast_in_dim3A = vector.broadcast %select_n3A : i32 to vector<16xi32>
      %jit3A_914 = arith.constant 32 : i32
      %eq3A = arith.constant 0 : i32
      %eq3A_915 = arith.cmpi eq, %jit3A_914, %eq3A : i32
      %jit3A_916 = arith.constant 1 : i32
      %select_n3A_917 = arith.select %eq3A_915, %jit3A_916, %jit3A_914 : i32
      %rem3A_918 = arith.remsi %add3A_895, %select_n3A_917 : i32
      %ne3A_919 = arith.constant 0 : i32
      %ne3A_920 = arith.cmpi ne, %rem3A_918, %ne3A_919 : i32
      %lt3A = arith.constant 0 : i32
      %lt3A_921 = arith.cmpi slt, %rem3A_918, %lt3A : i32
      %lt3A_922 = arith.constant 0 : i32
      %lt3A_923 = arith.cmpi slt, %select_n3A_917, %lt3A_922 : i32
      %ne3A_924 = arith.xori %lt3A_921, %lt3A_923 : i1
      %and3A_925 = arith.andi %ne3A_924, %ne3A_920 : i1
      %add3A_926 = arith.addi %rem3A_918, %select_n3A_917 : i32
      %select_n3A_927 = arith.select %and3A_925, %add3A_926, %rem3A_918 : i32
      %broadcast_in_dim3A_928 = vector.broadcast %select_n3A_927 : i32 to vector<16xi32>
      %gather3A = tpu.vector_load_idx %arg4[%sub3A_364, %broadcast_in_dim3A, %broadcast_in_dim3A_928] : memref<72x12x32xf32, #tpu.memory_space<vmem>>[vector<16xi32>, vector<16xi32>, vector<16xi32>], vector<16xf32>,
      %swap3A = arith.index_cast %scan3A_893 : i32 to index
      %swap3A_929 = arith.constant 0 : index
      %swap3A_930 = tpu.vector_load %arg5[%swap3A, %swap3A_929] {strides = array<i32>} : memref<48x64xf32, #tpu.memory_space<vmem>>, vector<16xf32>,
      tpu.vector_store %arg5[%swap3A, %swap3A_929], %gather3A {strides = array<i32>} : memref<48x64xf32, #tpu.memory_space<vmem>>, vector<16xf32>,
      %gather3A_931 = tpu.vector_load_idx %arg4[%sub3A_377, %broadcast_in_dim3A, %broadcast_in_dim3A_928] : memref<72x12x32xf32, #tpu.memory_space<vmem>>[vector<16xi32>, vector<16xi32>, vector<16xi32>], vector<16xf32>,
      %swap3A_932 = arith.index_cast %scan3A_893 : i32 to index
      %swap3A_933 = arith.constant 16 : index
      %swap3A_934 = tpu.vector_load %arg5[%swap3A_932, %swap3A_933] {strides = array<i32>} : memref<48x64xf32, #tpu.memory_space<vmem>>, vector<16xf32>,
      tpu.vector_store %arg5[%swap3A_932, %swap3A_933], %gather3A_931 {strides = array<i32>} : memref<48x64xf32, #tpu.memory_space<vmem>>, vector<16xf32>,
      %gather3A_935 = tpu.vector_load_idx %arg4[%sub3A_390, %broadcast_in_dim3A, %broadcast_in_dim3A_928] : memref<72x12x32xf32, #tpu.memory_space<vmem>>[vector<16xi32>, vector<16xi32>, vector<16xi32>], vector<16xf32>,
      %swap3A_936 = arith.index_cast %scan3A_893 : i32 to index
      %swap3A_937 = arith.constant 32 : index
      %swap3A_938 = tpu.vector_load %arg5[%swap3A_936, %swap3A_937] {strides = array<i32>} : memref<48x64xf32, #tpu.memory_space<vmem>>, vector<16xf32>,
      tpu.vector_store %arg5[%swap3A_936, %swap3A_937], %gather3A_935 {strides = array<i32>} : memref<48x64xf32, #tpu.memory_space<vmem>>, vector<16xf32>,
      %gather3A_939 = tpu.vector_load_idx %arg4[%sub3A_403, %broadcast_in_dim3A, %broadcast_in_dim3A_928] : memref<72x12x32xf32, #tpu.memory_space<vmem>>[vector<16xi32>, vector<16xi32>, vector<16xi32>], vector<16xf32>,
      %swap3A_940 = arith.index_cast %scan3A_893 : i32 to index
      %swap3A_941 = arith.constant 48 : index
      %swap3A_942 = tpu.vector_load %arg5[%swap3A_940, %swap3A_941] {strides = array<i32>} : memref<48x64xf32, #tpu.memory_space<vmem>>, vector<16xf32>,
      tpu.vector_store %arg5[%swap3A_940, %swap3A_941], %gather3A_939 {strides = array<i32>} : memref<48x64xf32, #tpu.memory_space<vmem>>, vector<16xf32>,
    }
    %scan3A_430 = arith.constant 48 : i32
    %run_scoped3A_431 = arith.constant 3 : i32
    "tpu.region"() ({
      %run_scoped3A_893 = tpu.sem_alloc : memref<!tpu.dma_semaphore, #tpu.memory_space<semaphore_mem>>
      %dma_start3A_894 = arith.constant 144 : i32
      %dma_start3A_895 = tpu.memref_slice %arg6[%run_scoped3A_431, %dma_start3A_894, %mul3A_0] : memref<4x384x1024xf32, #tpu.memory_space<vmem_shared>> -> memref<1x48x64xf32, #tpu.memory_space<vmem_shared>>
      %dma_start3A_896 = tpu.memref_squeeze %dma_start3A_895 : memref<1x48x64xf32, #tpu.memory_space<vmem_shared>> -> memref<48x64xf32, #tpu.memory_space<vmem_shared>>
      %dma_start3A_897 = arith.constant 144 : i32
      %dma_start3A_898 = tpu.memref_slice %arg6[%run_scoped3A_431, %dma_start3A_897, %mul3A_0] : memref<4x384x1024xf32, #tpu.memory_space<vmem_shared>> -> memref<1x48x64xf32, #tpu.memory_space<vmem_shared>>
      %dma_start3A_899 = tpu.memref_squeeze %dma_start3A_898 : memref<1x48x64xf32, #tpu.memory_space<vmem_shared>> -> memref<48x64xf32, #tpu.memory_space<vmem_shared>>
      tpu.enqueue_dma source(%arg5 : memref<48x64xf32, #tpu.memory_space<vmem>>) target(%dma_start3A_899 : memref<48x64xf32, #tpu.memory_space<vmem_shared>>) target_semaphore(%run_scoped3A_893 : memref<!tpu.dma_semaphore, #tpu.memory_space<semaphore_mem>>)
      %dma_wait3A_900 = arith.constant 144 : i32
      %dma_wait3A_901 = tpu.memref_slice %arg6[%run_scoped3A_431, %dma_wait3A_900, %mul3A_0] : memref<4x384x1024xf32, #tpu.memory_space<vmem_shared>> -> memref<1x48x64xf32, #tpu.memory_space<vmem_shared>>
      %dma_wait3A_902 = tpu.memref_squeeze %dma_wait3A_901 : memref<1x48x64xf32, #tpu.memory_space<vmem_shared>> -> memref<48x64xf32, #tpu.memory_space<vmem_shared>>
      %dma_wait3A_903 = arith.constant 144 : i32
      %dma_wait3A_904 = tpu.memref_slice %arg6[%run_scoped3A_431, %dma_wait3A_903, %mul3A_0] : memref<4x384x1024xf32, #tpu.memory_space<vmem_shared>> -> memref<1x48x64xf32, #tpu.memory_space<vmem_shared>>
      %dma_wait3A_905 = tpu.memref_squeeze %dma_wait3A_904 : memref<1x48x64xf32, #tpu.memory_space<vmem_shared>> -> memref<48x64xf32, #tpu.memory_space<vmem_shared>>
      tpu.wait_dma2 semaphore(%run_scoped3A_893 : memref<!tpu.dma_semaphore, #tpu.memory_space<semaphore_mem>>) src(%arg5 : memref<48x64xf32, #tpu.memory_space<vmem>>) dst(%dma_wait3A_905 : memref<48x64xf32, #tpu.memory_space<vmem_shared>>)
      tpu.yield
    }) : () -> ()
    %scan3A_432 = arith.constant 0 : i32
    %scan3A_433 = arith.constant 0 : i32
    %scan3A_434 = arith.constant 48 : i32
    %scan3A_435 = arith.addi %scan3A_433, %scan3A_434 : i32
    %scan3A_436 = arith.constant 1 : i32
    scf.for %scan3A_893 = %scan3A_433 to %scan3A_435 step %scan3A_436  : i32 {
      %add3A_894 = arith.constant 192 : i32
      %add3A_895 = arith.addi %add3A_894, %scan3A_893 : i32
      %jit3A_896 = arith.constant 32 : i32
      %div3A = arith.divsi %add3A_895, %jit3A_896 : i32
      %sign3A = arith.constant 0 : i32
      %sign3A_897 = arith.cmpi sgt, %add3A_895, %sign3A : i32
      %sign3A_898 = arith.extui %sign3A_897 : i1 to i32
      %sign3A_899 = arith.constant 0 : i32
      %sign3A_900 = arith.cmpi slt, %add3A_895, %sign3A_899 : i32
      %sign3A_901 = arith.extui %sign3A_900 : i1 to i32
      %sign3A_902 = arith.subi %sign3A_898, %sign3A_901 : i32
      %sign3A_903 = arith.constant 0 : i32
      %sign3A_904 = arith.cmpi sgt, %jit3A_896, %sign3A_903 : i32
      %sign3A_905 = arith.extui %sign3A_904 : i1 to i32
      %sign3A_906 = arith.constant 0 : i32
      %sign3A_907 = arith.cmpi slt, %jit3A_896, %sign3A_906 : i32
      %sign3A_908 = arith.extui %sign3A_907 : i1 to i32
      %sign3A_909 = arith.subi %sign3A_905, %sign3A_908 : i32
      %ne3A = arith.cmpi ne, %sign3A_902, %sign3A_909 : i32
      %rem3A = arith.remsi %add3A_895, %jit3A_896 : i32
      %ne3A_910 = arith.constant 0 : i32
      %ne3A_911 = arith.cmpi ne, %rem3A, %ne3A_910 : i32
      %and3A = arith.andi %ne3A, %ne3A_911 : i1
      %sub3A_912 = arith.constant 1 : i32
      %sub3A_913 = arith.subi %div3A, %sub3A_912 : i32
      %select_n3A = arith.select %and3A, %sub3A_913, %div3A : i32
      %broadcast_in_dim3A = vector.broadcast %select_n3A : i32 to vector<16xi32>
      %jit3A_914 = arith.constant 32 : i32
      %eq3A = arith.constant 0 : i32
      %eq3A_915 = arith.cmpi eq, %jit3A_914, %eq3A : i32
      %jit3A_916 = arith.constant 1 : i32
      %select_n3A_917 = arith.select %eq3A_915, %jit3A_916, %jit3A_914 : i32
      %rem3A_918 = arith.remsi %add3A_895, %select_n3A_917 : i32
      %ne3A_919 = arith.constant 0 : i32
      %ne3A_920 = arith.cmpi ne, %rem3A_918, %ne3A_919 : i32
      %lt3A = arith.constant 0 : i32
      %lt3A_921 = arith.cmpi slt, %rem3A_918, %lt3A : i32
      %lt3A_922 = arith.constant 0 : i32
      %lt3A_923 = arith.cmpi slt, %select_n3A_917, %lt3A_922 : i32
      %ne3A_924 = arith.xori %lt3A_921, %lt3A_923 : i1
      %and3A_925 = arith.andi %ne3A_924, %ne3A_920 : i1
      %add3A_926 = arith.addi %rem3A_918, %select_n3A_917 : i32
      %select_n3A_927 = arith.select %and3A_925, %add3A_926, %rem3A_918 : i32
      %broadcast_in_dim3A_928 = vector.broadcast %select_n3A_927 : i32 to vector<16xi32>
      %gather3A = tpu.vector_load_idx %arg4[%sub3A_364, %broadcast_in_dim3A, %broadcast_in_dim3A_928] : memref<72x12x32xf32, #tpu.memory_space<vmem>>[vector<16xi32>, vector<16xi32>, vector<16xi32>], vector<16xf32>,
      %swap3A = arith.index_cast %scan3A_893 : i32 to index
      %swap3A_929 = arith.constant 0 : index
      %swap3A_930 = tpu.vector_load %arg5[%swap3A, %swap3A_929] {strides = array<i32>} : memref<48x64xf32, #tpu.memory_space<vmem>>, vector<16xf32>,
      tpu.vector_store %arg5[%swap3A, %swap3A_929], %gather3A {strides = array<i32>} : memref<48x64xf32, #tpu.memory_space<vmem>>, vector<16xf32>,
      %gather3A_931 = tpu.vector_load_idx %arg4[%sub3A_377, %broadcast_in_dim3A, %broadcast_in_dim3A_928] : memref<72x12x32xf32, #tpu.memory_space<vmem>>[vector<16xi32>, vector<16xi32>, vector<16xi32>], vector<16xf32>,
      %swap3A_932 = arith.index_cast %scan3A_893 : i32 to index
      %swap3A_933 = arith.constant 16 : index
      %swap3A_934 = tpu.vector_load %arg5[%swap3A_932, %swap3A_933] {strides = array<i32>} : memref<48x64xf32, #tpu.memory_space<vmem>>, vector<16xf32>,
      tpu.vector_store %arg5[%swap3A_932, %swap3A_933], %gather3A_931 {strides = array<i32>} : memref<48x64xf32, #tpu.memory_space<vmem>>, vector<16xf32>,
      %gather3A_935 = tpu.vector_load_idx %arg4[%sub3A_390, %broadcast_in_dim3A, %broadcast_in_dim3A_928] : memref<72x12x32xf32, #tpu.memory_space<vmem>>[vector<16xi32>, vector<16xi32>, vector<16xi32>], vector<16xf32>,
      %swap3A_936 = arith.index_cast %scan3A_893 : i32 to index
      %swap3A_937 = arith.constant 32 : index
      %swap3A_938 = tpu.vector_load %arg5[%swap3A_936, %swap3A_937] {strides = array<i32>} : memref<48x64xf32, #tpu.memory_space<vmem>>, vector<16xf32>,
      tpu.vector_store %arg5[%swap3A_936, %swap3A_937], %gather3A_935 {strides = array<i32>} : memref<48x64xf32, #tpu.memory_space<vmem>>, vector<16xf32>,
      %gather3A_939 = tpu.vector_load_idx %arg4[%sub3A_403, %broadcast_in_dim3A, %broadcast_in_dim3A_928] : memref<72x12x32xf32, #tpu.memory_space<vmem>>[vector<16xi32>, vector<16xi32>, vector<16xi32>], vector<16xf32>,
      %swap3A_940 = arith.index_cast %scan3A_893 : i32 to index
      %swap3A_941 = arith.constant 48 : index
      %swap3A_942 = tpu.vector_load %arg5[%swap3A_940, %swap3A_941] {strides = array<i32>} : memref<48x64xf32, #tpu.memory_space<vmem>>, vector<16xf32>,
      tpu.vector_store %arg5[%swap3A_940, %swap3A_941], %gather3A_939 {strides = array<i32>} : memref<48x64xf32, #tpu.memory_space<vmem>>, vector<16xf32>,
    }
    %scan3A_437 = arith.constant 48 : i32
    %run_scoped3A_438 = arith.constant 3 : i32
    "tpu.region"() ({
      %run_scoped3A_893 = tpu.sem_alloc : memref<!tpu.dma_semaphore, #tpu.memory_space<semaphore_mem>>
      %dma_start3A_894 = arith.constant 192 : i32
      %dma_start3A_895 = tpu.memref_slice %arg6[%run_scoped3A_438, %dma_start3A_894, %mul3A_0] : memref<4x384x1024xf32, #tpu.memory_space<vmem_shared>> -> memref<1x48x64xf32, #tpu.memory_space<vmem_shared>>
      %dma_start3A_896 = tpu.memref_squeeze %dma_start3A_895 : memref<1x48x64xf32, #tpu.memory_space<vmem_shared>> -> memref<48x64xf32, #tpu.memory_space<vmem_shared>>
      %dma_start3A_897 = arith.constant 192 : i32
      %dma_start3A_898 = tpu.memref_slice %arg6[%run_scoped3A_438, %dma_start3A_897, %mul3A_0] : memref<4x384x1024xf32, #tpu.memory_space<vmem_shared>> -> memref<1x48x64xf32, #tpu.memory_space<vmem_shared>>
      %dma_start3A_899 = tpu.memref_squeeze %dma_start3A_898 : memref<1x48x64xf32, #tpu.memory_space<vmem_shared>> -> memref<48x64xf32, #tpu.memory_space<vmem_shared>>
      tpu.enqueue_dma source(%arg5 : memref<48x64xf32, #tpu.memory_space<vmem>>) target(%dma_start3A_899 : memref<48x64xf32, #tpu.memory_space<vmem_shared>>) target_semaphore(%run_scoped3A_893 : memref<!tpu.dma_semaphore, #tpu.memory_space<semaphore_mem>>)
      %dma_wait3A_900 = arith.constant 192 : i32
      %dma_wait3A_901 = tpu.memref_slice %arg6[%run_scoped3A_438, %dma_wait3A_900, %mul3A_0] : memref<4x384x1024xf32, #tpu.memory_space<vmem_shared>> -> memref<1x48x64xf32, #tpu.memory_space<vmem_shared>>
      %dma_wait3A_902 = tpu.memref_squeeze %dma_wait3A_901 : memref<1x48x64xf32, #tpu.memory_space<vmem_shared>> -> memref<48x64xf32, #tpu.memory_space<vmem_shared>>
      %dma_wait3A_903 = arith.constant 192 : i32
      %dma_wait3A_904 = tpu.memref_slice %arg6[%run_scoped3A_438, %dma_wait3A_903, %mul3A_0] : memref<4x384x1024xf32, #tpu.memory_space<vmem_shared>> -> memref<1x48x64xf32, #tpu.memory_space<vmem_shared>>
      %dma_wait3A_905 = tpu.memref_squeeze %dma_wait3A_904 : memref<1x48x64xf32, #tpu.memory_space<vmem_shared>> -> memref<48x64xf32, #tpu.memory_space<vmem_shared>>
      tpu.wait_dma2 semaphore(%run_scoped3A_893 : memref<!tpu.dma_semaphore, #tpu.memory_space<semaphore_mem>>) src(%arg5 : memref<48x64xf32, #tpu.memory_space<vmem>>) dst(%dma_wait3A_905 : memref<48x64xf32, #tpu.memory_space<vmem_shared>>)
      tpu.yield
    }) : () -> ()
    %scan3A_439 = arith.constant 0 : i32
    %scan3A_440 = arith.constant 0 : i32
    %scan3A_441 = arith.constant 48 : i32
    %scan3A_442 = arith.addi %scan3A_440, %scan3A_441 : i32
    %scan3A_443 = arith.constant 1 : i32
    scf.for %scan3A_893 = %scan3A_440 to %scan3A_442 step %scan3A_443  : i32 {
      %add3A_894 = arith.constant 240 : i32
      %add3A_895 = arith.addi %add3A_894, %scan3A_893 : i32
      %jit3A_896 = arith.constant 32 : i32
      %div3A = arith.divsi %add3A_895, %jit3A_896 : i32
      %sign3A = arith.constant 0 : i32
      %sign3A_897 = arith.cmpi sgt, %add3A_895, %sign3A : i32
      %sign3A_898 = arith.extui %sign3A_897 : i1 to i32
      %sign3A_899 = arith.constant 0 : i32
      %sign3A_900 = arith.cmpi slt, %add3A_895, %sign3A_899 : i32
      %sign3A_901 = arith.extui %sign3A_900 : i1 to i32
      %sign3A_902 = arith.subi %sign3A_898, %sign3A_901 : i32
      %sign3A_903 = arith.constant 0 : i32
      %sign3A_904 = arith.cmpi sgt, %jit3A_896, %sign3A_903 : i32
      %sign3A_905 = arith.extui %sign3A_904 : i1 to i32
      %sign3A_906 = arith.constant 0 : i32
      %sign3A_907 = arith.cmpi slt, %jit3A_896, %sign3A_906 : i32
      %sign3A_908 = arith.extui %sign3A_907 : i1 to i32
      %sign3A_909 = arith.subi %sign3A_905, %sign3A_908 : i32
      %ne3A = arith.cmpi ne, %sign3A_902, %sign3A_909 : i32
      %rem3A = arith.remsi %add3A_895, %jit3A_896 : i32
      %ne3A_910 = arith.constant 0 : i32
      %ne3A_911 = arith.cmpi ne, %rem3A, %ne3A_910 : i32
      %and3A = arith.andi %ne3A, %ne3A_911 : i1
      %sub3A_912 = arith.constant 1 : i32
      %sub3A_913 = arith.subi %div3A, %sub3A_912 : i32
      %select_n3A = arith.select %and3A, %sub3A_913, %div3A : i32
      %broadcast_in_dim3A = vector.broadcast %select_n3A : i32 to vector<16xi32>
      %jit3A_914 = arith.constant 32 : i32
      %eq3A = arith.constant 0 : i32
      %eq3A_915 = arith.cmpi eq, %jit3A_914, %eq3A : i32
      %jit3A_916 = arith.constant 1 : i32
      %select_n3A_917 = arith.select %eq3A_915, %jit3A_916, %jit3A_914 : i32
      %rem3A_918 = arith.remsi %add3A_895, %select_n3A_917 : i32
      %ne3A_919 = arith.constant 0 : i32
      %ne3A_920 = arith.cmpi ne, %rem3A_918, %ne3A_919 : i32
      %lt3A = arith.constant 0 : i32
      %lt3A_921 = arith.cmpi slt, %rem3A_918, %lt3A : i32
      %lt3A_922 = arith.constant 0 : i32
      %lt3A_923 = arith.cmpi slt, %select_n3A_917, %lt3A_922 : i32
      %ne3A_924 = arith.xori %lt3A_921, %lt3A_923 : i1
      %and3A_925 = arith.andi %ne3A_924, %ne3A_920 : i1
      %add3A_926 = arith.addi %rem3A_918, %select_n3A_917 : i32
      %select_n3A_927 = arith.select %and3A_925, %add3A_926, %rem3A_918 : i32
      %broadcast_in_dim3A_928 = vector.broadcast %select_n3A_927 : i32 to vector<16xi32>
      %gather3A = tpu.vector_load_idx %arg4[%sub3A_364, %broadcast_in_dim3A, %broadcast_in_dim3A_928] : memref<72x12x32xf32, #tpu.memory_space<vmem>>[vector<16xi32>, vector<16xi32>, vector<16xi32>], vector<16xf32>,
      %swap3A = arith.index_cast %scan3A_893 : i32 to index
      %swap3A_929 = arith.constant 0 : index
      %swap3A_930 = tpu.vector_load %arg5[%swap3A, %swap3A_929] {strides = array<i32>} : memref<48x64xf32, #tpu.memory_space<vmem>>, vector<16xf32>,
      tpu.vector_store %arg5[%swap3A, %swap3A_929], %gather3A {strides = array<i32>} : memref<48x64xf32, #tpu.memory_space<vmem>>, vector<16xf32>,
      %gather3A_931 = tpu.vector_load_idx %arg4[%sub3A_377, %broadcast_in_dim3A, %broadcast_in_dim3A_928] : memref<72x12x32xf32, #tpu.memory_space<vmem>>[vector<16xi32>, vector<16xi32>, vector<16xi32>], vector<16xf32>,
      %swap3A_932 = arith.index_cast %scan3A_893 : i32 to index
      %swap3A_933 = arith.constant 16 : index
      %swap3A_934 = tpu.vector_load %arg5[%swap3A_932, %swap3A_933] {strides = array<i32>} : memref<48x64xf32, #tpu.memory_space<vmem>>, vector<16xf32>,
      tpu.vector_store %arg5[%swap3A_932, %swap3A_933], %gather3A_931 {strides = array<i32>} : memref<48x64xf32, #tpu.memory_space<vmem>>, vector<16xf32>,
      %gather3A_935 = tpu.vector_load_idx %arg4[%sub3A_390, %broadcast_in_dim3A, %broadcast_in_dim3A_928] : memref<72x12x32xf32, #tpu.memory_space<vmem>>[vector<16xi32>, vector<16xi32>, vector<16xi32>], vector<16xf32>,
      %swap3A_936 = arith.index_cast %scan3A_893 : i32 to index
      %swap3A_937 = arith.constant 32 : index
      %swap3A_938 = tpu.vector_load %arg5[%swap3A_936, %swap3A_937] {strides = array<i32>} : memref<48x64xf32, #tpu.memory_space<vmem>>, vector<16xf32>,
      tpu.vector_store %arg5[%swap3A_936, %swap3A_937], %gather3A_935 {strides = array<i32>} : memref<48x64xf32, #tpu.memory_space<vmem>>, vector<16xf32>,
      %gather3A_939 = tpu.vector_load_idx %arg4[%sub3A_403, %broadcast_in_dim3A, %broadcast_in_dim3A_928] : memref<72x12x32xf32, #tpu.memory_space<vmem>>[vector<16xi32>, vector<16xi32>, vector<16xi32>], vector<16xf32>,
      %swap3A_940 = arith.index_cast %scan3A_893 : i32 to index
      %swap3A_941 = arith.constant 48 : index
      %swap3A_942 = tpu.vector_load %arg5[%swap3A_940, %swap3A_941] {strides = array<i32>} : memref<48x64xf32, #tpu.memory_space<vmem>>, vector<16xf32>,
      tpu.vector_store %arg5[%swap3A_940, %swap3A_941], %gather3A_939 {strides = array<i32>} : memref<48x64xf32, #tpu.memory_space<vmem>>, vector<16xf32>,
    }
    %scan3A_444 = arith.constant 48 : i32
    %run_scoped3A_445 = arith.constant 3 : i32
    "tpu.region"() ({
      %run_scoped3A_893 = tpu.sem_alloc : memref<!tpu.dma_semaphore, #tpu.memory_space<semaphore_mem>>
      %dma_start3A_894 = arith.constant 240 : i32
      %dma_start3A_895 = tpu.memref_slice %arg6[%run_scoped3A_445, %dma_start3A_894, %mul3A_0] : memref<4x384x1024xf32, #tpu.memory_space<vmem_shared>> -> memref<1x48x64xf32, #tpu.memory_space<vmem_shared>>
      %dma_start3A_896 = tpu.memref_squeeze %dma_start3A_895 : memref<1x48x64xf32, #tpu.memory_space<vmem_shared>> -> memref<48x64xf32, #tpu.memory_space<vmem_shared>>
      %dma_start3A_897 = arith.constant 240 : i32
      %dma_start3A_898 = tpu.memref_slice %arg6[%run_scoped3A_445, %dma_start3A_897, %mul3A_0] : memref<4x384x1024xf32, #tpu.memory_space<vmem_shared>> -> memref<1x48x64xf32, #tpu.memory_space<vmem_shared>>
      %dma_start3A_899 = tpu.memref_squeeze %dma_start3A_898 : memref<1x48x64xf32, #tpu.memory_space<vmem_shared>> -> memref<48x64xf32, #tpu.memory_space<vmem_shared>>
      tpu.enqueue_dma source(%arg5 : memref<48x64xf32, #tpu.memory_space<vmem>>) target(%dma_start3A_899 : memref<48x64xf32, #tpu.memory_space<vmem_shared>>) target_semaphore(%run_scoped3A_893 : memref<!tpu.dma_semaphore, #tpu.memory_space<semaphore_mem>>)
      %dma_wait3A_900 = arith.constant 240 : i32
      %dma_wait3A_901 = tpu.memref_slice %arg6[%run_scoped3A_445, %dma_wait3A_900, %mul3A_0] : memref<4x384x1024xf32, #tpu.memory_space<vmem_shared>> -> memref<1x48x64xf32, #tpu.memory_space<vmem_shared>>
      %dma_wait3A_902 = tpu.memref_squeeze %dma_wait3A_901 : memref<1x48x64xf32, #tpu.memory_space<vmem_shared>> -> memref<48x64xf32, #tpu.memory_space<vmem_shared>>
      %dma_wait3A_903 = arith.constant 240 : i32
      %dma_wait3A_904 = tpu.memref_slice %arg6[%run_scoped3A_445, %dma_wait3A_903, %mul3A_0] : memref<4x384x1024xf32, #tpu.memory_space<vmem_shared>> -> memref<1x48x64xf32, #tpu.memory_space<vmem_shared>>
      %dma_wait3A_905 = tpu.memref_squeeze %dma_wait3A_904 : memref<1x48x64xf32, #tpu.memory_space<vmem_shared>> -> memref<48x64xf32, #tpu.memory_space<vmem_shared>>
      tpu.wait_dma2 semaphore(%run_scoped3A_893 : memref<!tpu.dma_semaphore, #tpu.memory_space<semaphore_mem>>) src(%arg5 : memref<48x64xf32, #tpu.memory_space<vmem>>) dst(%dma_wait3A_905 : memref<48x64xf32, #tpu.memory_space<vmem_shared>>)
      tpu.yield
    }) : () -> ()
    %scan3A_446 = arith.constant 0 : i32
    %scan3A_447 = arith.constant 0 : i32
    %scan3A_448 = arith.constant 48 : i32
    %scan3A_449 = arith.addi %scan3A_447, %scan3A_448 : i32
    %scan3A_450 = arith.constant 1 : i32
    scf.for %scan3A_893 = %scan3A_447 to %scan3A_449 step %scan3A_450  : i32 {
      %add3A_894 = arith.constant 288 : i32
      %add3A_895 = arith.addi %add3A_894, %scan3A_893 : i32
      %jit3A_896 = arith.constant 32 : i32
      %div3A = arith.divsi %add3A_895, %jit3A_896 : i32
      %sign3A = arith.constant 0 : i32
      %sign3A_897 = arith.cmpi sgt, %add3A_895, %sign3A : i32
      %sign3A_898 = arith.extui %sign3A_897 : i1 to i32
      %sign3A_899 = arith.constant 0 : i32
      %sign3A_900 = arith.cmpi slt, %add3A_895, %sign3A_899 : i32
      %sign3A_901 = arith.extui %sign3A_900 : i1 to i32
      %sign3A_902 = arith.subi %sign3A_898, %sign3A_901 : i32
      %sign3A_903 = arith.constant 0 : i32
      %sign3A_904 = arith.cmpi sgt, %jit3A_896, %sign3A_903 : i32
      %sign3A_905 = arith.extui %sign3A_904 : i1 to i32
      %sign3A_906 = arith.constant 0 : i32
      %sign3A_907 = arith.cmpi slt, %jit3A_896, %sign3A_906 : i32
      %sign3A_908 = arith.extui %sign3A_907 : i1 to i32
      %sign3A_909 = arith.subi %sign3A_905, %sign3A_908 : i32
      %ne3A = arith.cmpi ne, %sign3A_902, %sign3A_909 : i32
      %rem3A = arith.remsi %add3A_895, %jit3A_896 : i32
      %ne3A_910 = arith.constant 0 : i32
      %ne3A_911 = arith.cmpi ne, %rem3A, %ne3A_910 : i32
      %and3A = arith.andi %ne3A, %ne3A_911 : i1
      %sub3A_912 = arith.constant 1 : i32
      %sub3A_913 = arith.subi %div3A, %sub3A_912 : i32
      %select_n3A = arith.select %and3A, %sub3A_913, %div3A : i32
      %broadcast_in_dim3A = vector.broadcast %select_n3A : i32 to vector<16xi32>
      %jit3A_914 = arith.constant 32 : i32
      %eq3A = arith.constant 0 : i32
      %eq3A_915 = arith.cmpi eq, %jit3A_914, %eq3A : i32
      %jit3A_916 = arith.constant 1 : i32
      %select_n3A_917 = arith.select %eq3A_915, %jit3A_916, %jit3A_914 : i32
      %rem3A_918 = arith.remsi %add3A_895, %select_n3A_917 : i32
      %ne3A_919 = arith.constant 0 : i32
      %ne3A_920 = arith.cmpi ne, %rem3A_918, %ne3A_919 : i32
      %lt3A = arith.constant 0 : i32
      %lt3A_921 = arith.cmpi slt, %rem3A_918, %lt3A : i32
      %lt3A_922 = arith.constant 0 : i32
      %lt3A_923 = arith.cmpi slt, %select_n3A_917, %lt3A_922 : i32
      %ne3A_924 = arith.xori %lt3A_921, %lt3A_923 : i1
      %and3A_925 = arith.andi %ne3A_924, %ne3A_920 : i1
      %add3A_926 = arith.addi %rem3A_918, %select_n3A_917 : i32
      %select_n3A_927 = arith.select %and3A_925, %add3A_926, %rem3A_918 : i32
      %broadcast_in_dim3A_928 = vector.broadcast %select_n3A_927 : i32 to vector<16xi32>
      %gather3A = tpu.vector_load_idx %arg4[%sub3A_364, %broadcast_in_dim3A, %broadcast_in_dim3A_928] : memref<72x12x32xf32, #tpu.memory_space<vmem>>[vector<16xi32>, vector<16xi32>, vector<16xi32>], vector<16xf32>,
      %swap3A = arith.index_cast %scan3A_893 : i32 to index
      %swap3A_929 = arith.constant 0 : index
      %swap3A_930 = tpu.vector_load %arg5[%swap3A, %swap3A_929] {strides = array<i32>} : memref<48x64xf32, #tpu.memory_space<vmem>>, vector<16xf32>,
      tpu.vector_store %arg5[%swap3A, %swap3A_929], %gather3A {strides = array<i32>} : memref<48x64xf32, #tpu.memory_space<vmem>>, vector<16xf32>,
      %gather3A_931 = tpu.vector_load_idx %arg4[%sub3A_377, %broadcast_in_dim3A, %broadcast_in_dim3A_928] : memref<72x12x32xf32, #tpu.memory_space<vmem>>[vector<16xi32>, vector<16xi32>, vector<16xi32>], vector<16xf32>,
      %swap3A_932 = arith.index_cast %scan3A_893 : i32 to index
      %swap3A_933 = arith.constant 16 : index
      %swap3A_934 = tpu.vector_load %arg5[%swap3A_932, %swap3A_933] {strides = array<i32>} : memref<48x64xf32, #tpu.memory_space<vmem>>, vector<16xf32>,
      tpu.vector_store %arg5[%swap3A_932, %swap3A_933], %gather3A_931 {strides = array<i32>} : memref<48x64xf32, #tpu.memory_space<vmem>>, vector<16xf32>,
      %gather3A_935 = tpu.vector_load_idx %arg4[%sub3A_390, %broadcast_in_dim3A, %broadcast_in_dim3A_928] : memref<72x12x32xf32, #tpu.memory_space<vmem>>[vector<16xi32>, vector<16xi32>, vector<16xi32>], vector<16xf32>,
      %swap3A_936 = arith.index_cast %scan3A_893 : i32 to index
      %swap3A_937 = arith.constant 32 : index
      %swap3A_938 = tpu.vector_load %arg5[%swap3A_936, %swap3A_937] {strides = array<i32>} : memref<48x64xf32, #tpu.memory_space<vmem>>, vector<16xf32>,
      tpu.vector_store %arg5[%swap3A_936, %swap3A_937], %gather3A_935 {strides = array<i32>} : memref<48x64xf32, #tpu.memory_space<vmem>>, vector<16xf32>,
      %gather3A_939 = tpu.vector_load_idx %arg4[%sub3A_403, %broadcast_in_dim3A, %broadcast_in_dim3A_928] : memref<72x12x32xf32, #tpu.memory_space<vmem>>[vector<16xi32>, vector<16xi32>, vector<16xi32>], vector<16xf32>,
      %swap3A_940 = arith.index_cast %scan3A_893 : i32 to index
      %swap3A_941 = arith.constant 48 : index
      %swap3A_942 = tpu.vector_load %arg5[%swap3A_940, %swap3A_941] {strides = array<i32>} : memref<48x64xf32, #tpu.memory_space<vmem>>, vector<16xf32>,
      tpu.vector_store %arg5[%swap3A_940, %swap3A_941], %gather3A_939 {strides = array<i32>} : memref<48x64xf32, #tpu.memory_space<vmem>>, vector<16xf32>,
    }
    %scan3A_451 = arith.constant 48 : i32
    %run_scoped3A_452 = arith.constant 3 : i32
    "tpu.region"() ({
      %run_scoped3A_893 = tpu.sem_alloc : memref<!tpu.dma_semaphore, #tpu.memory_space<semaphore_mem>>
      %dma_start3A_894 = arith.constant 288 : i32
      %dma_start3A_895 = tpu.memref_slice %arg6[%run_scoped3A_452, %dma_start3A_894, %mul3A_0] : memref<4x384x1024xf32, #tpu.memory_space<vmem_shared>> -> memref<1x48x64xf32, #tpu.memory_space<vmem_shared>>
      %dma_start3A_896 = tpu.memref_squeeze %dma_start3A_895 : memref<1x48x64xf32, #tpu.memory_space<vmem_shared>> -> memref<48x64xf32, #tpu.memory_space<vmem_shared>>
      %dma_start3A_897 = arith.constant 288 : i32
      %dma_start3A_898 = tpu.memref_slice %arg6[%run_scoped3A_452, %dma_start3A_897, %mul3A_0] : memref<4x384x1024xf32, #tpu.memory_space<vmem_shared>> -> memref<1x48x64xf32, #tpu.memory_space<vmem_shared>>
      %dma_start3A_899 = tpu.memref_squeeze %dma_start3A_898 : memref<1x48x64xf32, #tpu.memory_space<vmem_shared>> -> memref<48x64xf32, #tpu.memory_space<vmem_shared>>
      tpu.enqueue_dma source(%arg5 : memref<48x64xf32, #tpu.memory_space<vmem>>) target(%dma_start3A_899 : memref<48x64xf32, #tpu.memory_space<vmem_shared>>) target_semaphore(%run_scoped3A_893 : memref<!tpu.dma_semaphore, #tpu.memory_space<semaphore_mem>>)
      %dma_wait3A_900 = arith.constant 288 : i32
      %dma_wait3A_901 = tpu.memref_slice %arg6[%run_scoped3A_452, %dma_wait3A_900, %mul3A_0] : memref<4x384x1024xf32, #tpu.memory_space<vmem_shared>> -> memref<1x48x64xf32, #tpu.memory_space<vmem_shared>>
      %dma_wait3A_902 = tpu.memref_squeeze %dma_wait3A_901 : memref<1x48x64xf32, #tpu.memory_space<vmem_shared>> -> memref<48x64xf32, #tpu.memory_space<vmem_shared>>
      %dma_wait3A_903 = arith.constant 288 : i32
      %dma_wait3A_904 = tpu.memref_slice %arg6[%run_scoped3A_452, %dma_wait3A_903, %mul3A_0] : memref<4x384x1024xf32, #tpu.memory_space<vmem_shared>> -> memref<1x48x64xf32, #tpu.memory_space<vmem_shared>>
      %dma_wait3A_905 = tpu.memref_squeeze %dma_wait3A_904 : memref<1x48x64xf32, #tpu.memory_space<vmem_shared>> -> memref<48x64xf32, #tpu.memory_space<vmem_shared>>
      tpu.wait_dma2 semaphore(%run_scoped3A_893 : memref<!tpu.dma_semaphore, #tpu.memory_space<semaphore_mem>>) src(%arg5 : memref<48x64xf32, #tpu.memory_space<vmem>>) dst(%dma_wait3A_905 : memref<48x64xf32, #tpu.memory_space<vmem_shared>>)
      tpu.yield
    }) : () -> ()
    %scan3A_453 = arith.constant 0 : i32
    %scan3A_454 = arith.constant 0 : i32
    %scan3A_455 = arith.constant 48 : i32
    %scan3A_456 = arith.addi %scan3A_454, %scan3A_455 : i32
    %scan3A_457 = arith.constant 1 : i32
    scf.for %scan3A_893 = %scan3A_454 to %scan3A_456 step %scan3A_457  : i32 {
      %add3A_894 = arith.constant 336 : i32
      %add3A_895 = arith.addi %add3A_894, %scan3A_893 : i32
      %jit3A_896 = arith.constant 32 : i32
      %div3A = arith.divsi %add3A_895, %jit3A_896 : i32
      %sign3A = arith.constant 0 : i32
      %sign3A_897 = arith.cmpi sgt, %add3A_895, %sign3A : i32
      %sign3A_898 = arith.extui %sign3A_897 : i1 to i32
      %sign3A_899 = arith.constant 0 : i32
      %sign3A_900 = arith.cmpi slt, %add3A_895, %sign3A_899 : i32
      %sign3A_901 = arith.extui %sign3A_900 : i1 to i32
      %sign3A_902 = arith.subi %sign3A_898, %sign3A_901 : i32
      %sign3A_903 = arith.constant 0 : i32
      %sign3A_904 = arith.cmpi sgt, %jit3A_896, %sign3A_903 : i32
      %sign3A_905 = arith.extui %sign3A_904 : i1 to i32
      %sign3A_906 = arith.constant 0 : i32
      %sign3A_907 = arith.cmpi slt, %jit3A_896, %sign3A_906 : i32
      %sign3A_908 = arith.extui %sign3A_907 : i1 to i32
      %sign3A_909 = arith.subi %sign3A_905, %sign3A_908 : i32
      %ne3A = arith.cmpi ne, %sign3A_902, %sign3A_909 : i32
      %rem3A = arith.remsi %add3A_895, %jit3A_896 : i32
      %ne3A_910 = arith.constant 0 : i32
      %ne3A_911 = arith.cmpi ne, %rem3A, %ne3A_910 : i32
      %and3A = arith.andi %ne3A, %ne3A_911 : i1
      %sub3A_912 = arith.constant 1 : i32
      %sub3A_913 = arith.subi %div3A, %sub3A_912 : i32
      %select_n3A = arith.select %and3A, %sub3A_913, %div3A : i32
      %broadcast_in_dim3A = vector.broadcast %select_n3A : i32 to vector<16xi32>
      %jit3A_914 = arith.constant 32 : i32
      %eq3A = arith.constant 0 : i32
      %eq3A_915 = arith.cmpi eq, %jit3A_914, %eq3A : i32
      %jit3A_916 = arith.constant 1 : i32
      %select_n3A_917 = arith.select %eq3A_915, %jit3A_916, %jit3A_914 : i32
      %rem3A_918 = arith.remsi %add3A_895, %select_n3A_917 : i32
      %ne3A_919 = arith.constant 0 : i32
      %ne3A_920 = arith.cmpi ne, %rem3A_918, %ne3A_919 : i32
      %lt3A = arith.constant 0 : i32
      %lt3A_921 = arith.cmpi slt, %rem3A_918, %lt3A : i32
      %lt3A_922 = arith.constant 0 : i32
      %lt3A_923 = arith.cmpi slt, %select_n3A_917, %lt3A_922 : i32
      %ne3A_924 = arith.xori %lt3A_921, %lt3A_923 : i1
      %and3A_925 = arith.andi %ne3A_924, %ne3A_920 : i1
      %add3A_926 = arith.addi %rem3A_918, %select_n3A_917 : i32
      %select_n3A_927 = arith.select %and3A_925, %add3A_926, %rem3A_918 : i32
      %broadcast_in_dim3A_928 = vector.broadcast %select_n3A_927 : i32 to vector<16xi32>
      %gather3A = tpu.vector_load_idx %arg4[%sub3A_364, %broadcast_in_dim3A, %broadcast_in_dim3A_928] : memref<72x12x32xf32, #tpu.memory_space<vmem>>[vector<16xi32>, vector<16xi32>, vector<16xi32>], vector<16xf32>,
      %swap3A = arith.index_cast %scan3A_893 : i32 to index
      %swap3A_929 = arith.constant 0 : index
      %swap3A_930 = tpu.vector_load %arg5[%swap3A, %swap3A_929] {strides = array<i32>} : memref<48x64xf32, #tpu.memory_space<vmem>>, vector<16xf32>,
      tpu.vector_store %arg5[%swap3A, %swap3A_929], %gather3A {strides = array<i32>} : memref<48x64xf32, #tpu.memory_space<vmem>>, vector<16xf32>,
      %gather3A_931 = tpu.vector_load_idx %arg4[%sub3A_377, %broadcast_in_dim3A, %broadcast_in_dim3A_928] : memref<72x12x32xf32, #tpu.memory_space<vmem>>[vector<16xi32>, vector<16xi32>, vector<16xi32>], vector<16xf32>,
      %swap3A_932 = arith.index_cast %scan3A_893 : i32 to index
      %swap3A_933 = arith.constant 16 : index
      %swap3A_934 = tpu.vector_load %arg5[%swap3A_932, %swap3A_933] {strides = array<i32>} : memref<48x64xf32, #tpu.memory_space<vmem>>, vector<16xf32>,
      tpu.vector_store %arg5[%swap3A_932, %swap3A_933], %gather3A_931 {strides = array<i32>} : memref<48x64xf32, #tpu.memory_space<vmem>>, vector<16xf32>,
      %gather3A_935 = tpu.vector_load_idx %arg4[%sub3A_390, %broadcast_in_dim3A, %broadcast_in_dim3A_928] : memref<72x12x32xf32, #tpu.memory_space<vmem>>[vector<16xi32>, vector<16xi32>, vector<16xi32>], vector<16xf32>,
      %swap3A_936 = arith.index_cast %scan3A_893 : i32 to index
      %swap3A_937 = arith.constant 32 : index
      %swap3A_938 = tpu.vector_load %arg5[%swap3A_936, %swap3A_937] {strides = array<i32>} : memref<48x64xf32, #tpu.memory_space<vmem>>, vector<16xf32>,
      tpu.vector_store %arg5[%swap3A_936, %swap3A_937], %gather3A_935 {strides = array<i32>} : memref<48x64xf32, #tpu.memory_space<vmem>>, vector<16xf32>,
      %gather3A_939 = tpu.vector_load_idx %arg4[%sub3A_403, %broadcast_in_dim3A, %broadcast_in_dim3A_928] : memref<72x12x32xf32, #tpu.memory_space<vmem>>[vector<16xi32>, vector<16xi32>, vector<16xi32>], vector<16xf32>,
      %swap3A_940 = arith.index_cast %scan3A_893 : i32 to index
      %swap3A_941 = arith.constant 48 : index
      %swap3A_942 = tpu.vector_load %arg5[%swap3A_940, %swap3A_941] {strides = array<i32>} : memref<48x64xf32, #tpu.memory_space<vmem>>, vector<16xf32>,
      tpu.vector_store %arg5[%swap3A_940, %swap3A_941], %gather3A_939 {strides = array<i32>} : memref<48x64xf32, #tpu.memory_space<vmem>>, vector<16xf32>,
    }
    %scan3A_458 = arith.constant 48 : i32
    %run_scoped3A_459 = arith.constant 3 : i32
    "tpu.region"() ({
      %run_scoped3A_893 = tpu.sem_alloc : memref<!tpu.dma_semaphore, #tpu.memory_space<semaphore_mem>>
      %dma_start3A_894 = arith.constant 336 : i32
      %dma_start3A_895 = tpu.memref_slice %arg6[%run_scoped3A_459, %dma_start3A_894, %mul3A_0] : memref<4x384x1024xf32, #tpu.memory_space<vmem_shared>> -> memref<1x48x64xf32, #tpu.memory_space<vmem_shared>>
      %dma_start3A_896 = tpu.memref_squeeze %dma_start3A_895 : memref<1x48x64xf32, #tpu.memory_space<vmem_shared>> -> memref<48x64xf32, #tpu.memory_space<vmem_shared>>
      %dma_start3A_897 = arith.constant 336 : i32
      %dma_start3A_898 = tpu.memref_slice %arg6[%run_scoped3A_459, %dma_start3A_897, %mul3A_0] : memref<4x384x1024xf32, #tpu.memory_space<vmem_shared>> -> memref<1x48x64xf32, #tpu.memory_space<vmem_shared>>
      %dma_start3A_899 = tpu.memref_squeeze %dma_start3A_898 : memref<1x48x64xf32, #tpu.memory_space<vmem_shared>> -> memref<48x64xf32, #tpu.memory_space<vmem_shared>>
      tpu.enqueue_dma source(%arg5 : memref<48x64xf32, #tpu.memory_space<vmem>>) target(%dma_start3A_899 : memref<48x64xf32, #tpu.memory_space<vmem_shared>>) target_semaphore(%run_scoped3A_893 : memref<!tpu.dma_semaphore, #tpu.memory_space<semaphore_mem>>)
      %dma_wait3A_900 = arith.constant 336 : i32
      %dma_wait3A_901 = tpu.memref_slice %arg6[%run_scoped3A_459, %dma_wait3A_900, %mul3A_0] : memref<4x384x1024xf32, #tpu.memory_space<vmem_shared>> -> memref<1x48x64xf32, #tpu.memory_space<vmem_shared>>
      %dma_wait3A_902 = tpu.memref_squeeze %dma_wait3A_901 : memref<1x48x64xf32, #tpu.memory_space<vmem_shared>> -> memref<48x64xf32, #tpu.memory_space<vmem_shared>>
      %dma_wait3A_903 = arith.constant 336 : i32
      %dma_wait3A_904 = tpu.memref_slice %arg6[%run_scoped3A_459, %dma_wait3A_903, %mul3A_0] : memref<4x384x1024xf32, #tpu.memory_space<vmem_shared>> -> memref<1x48x64xf32, #tpu.memory_space<vmem_shared>>
      %dma_wait3A_905 = tpu.memref_squeeze %dma_wait3A_904 : memref<1x48x64xf32, #tpu.memory_space<vmem_shared>> -> memref<48x64xf32, #tpu.memory_space<vmem_shared>>
      tpu.wait_dma2 semaphore(%run_scoped3A_893 : memref<!tpu.dma_semaphore, #tpu.memory_space<semaphore_mem>>) src(%arg5 : memref<48x64xf32, #tpu.memory_space<vmem>>) dst(%dma_wait3A_905 : memref<48x64xf32, #tpu.memory_space<vmem_shared>>)
      tpu.yield
    }) : () -> ()
    %barrier3A = arith.constant 0 : index
    tpu.barrier barrier_id(%barrier3A)
    %mul3A_460 = arith.constant 4 : i32
    %mul3A_461 = arith.muli %mul3A_460, %arg1 : i32
    %add3A_462 = arith.constant 0 : i32
    %add3A_463 = arith.addi %mul3A_461, %add3A_462 : i32
    %mul3A_464 = arith.constant 8 : i32
    %mul3A_465 = arith.muli %mul3A_464, %add3A_463 : i32
    %sub3A_466 = arith.constant 504 : i32
    %sub3A_467 = arith.subi %sub3A_466, %mul3A_465 : i32
    %multiple_of3A = tpu.assume_multiple %sub3A_467, 8 : i32
    %mul3A_468 = arith.constant 8 : i32
    %mul3A_469 = arith.muli %mul3A_468, %add3A_463 : i32
    %add3A_470 = arith.constant 0 : i32
    %add3A_471 = arith.addi %mul3A_469, %add3A_470 : i32
    %sub3A_472 = arith.constant 1 : i32
    %sub3A_473 = arith.subi %sub3A_472, %arg0 : i32
    %mul3A_474 = arith.constant 4 : i32
    %mul3A_475 = arith.muli %mul3A_474, %sub3A_473 : i32
    %add3A_476 = arith.addi %add3A_471, %mul3A_475 : i32
    %dma_start3A = arith.constant 3 : i32
    %dma_start3A_477 = arith.constant 0 : i32
    %dma_start3A_478 = arith.constant 0 : i32
    %dma_start3A_479 = tpu.memref_slice %arg3[%add3A_476, %dma_start3A_477, %dma_start3A_478] : memref<512x384x512xf32, #tpu.memory_space<hbm>> -> memref<1x384x512xf32, #tpu.memory_space<hbm>>
    %dma_start3A_480 = tpu.memref_squeeze %dma_start3A_479 : memref<1x384x512xf32, #tpu.memory_space<hbm>> -> memref<384x512xf32, #tpu.memory_space<hbm>>
    %dma_start3A_481 = arith.constant 0 : i32
    %dma_start3A_482 = tpu.memref_slice %arg6[%dma_start3A, %dma_start3A_481, %multiple_of3A] : memref<4x384x1024xf32, #tpu.memory_space<vmem_shared>> -> memref<1x384x512xf32, #tpu.memory_space<vmem_shared>>
    %dma_start3A_483 = tpu.memref_squeeze %dma_start3A_482 : memref<1x384x512xf32, #tpu.memory_space<vmem_shared>> -> memref<384x512xf32, #tpu.memory_space<vmem_shared>>
    tpu.enqueue_dma source(%dma_start3A_483 : memref<384x512xf32, #tpu.memory_space<vmem_shared>>) target(%dma_start3A_480 : memref<384x512xf32, #tpu.memory_space<hbm>>) target_semaphore(%arg7 : memref<!tpu.dma_semaphore, #tpu.memory_space<semaphore_mem>>)
    %mul3A_484 = arith.constant 8 : i32
    %mul3A_485 = arith.muli %mul3A_484, %add3A_463 : i32
    %add3A_486 = arith.constant 1 : i32
    %add3A_487 = arith.addi %mul3A_485, %add3A_486 : i32
    %sub3A_488 = arith.constant 1 : i32
    %sub3A_489 = arith.subi %sub3A_488, %arg0 : i32
    %mul3A_490 = arith.constant 4 : i32
    %mul3A_491 = arith.muli %mul3A_490, %sub3A_489 : i32
    %add3A_492 = arith.addi %add3A_487, %mul3A_491 : i32
    %dma_start3A_493 = arith.constant 2 : i32
    %dma_start3A_494 = arith.constant 0 : i32
    %dma_start3A_495 = arith.constant 0 : i32
    %dma_start3A_496 = tpu.memref_slice %arg3[%add3A_492, %dma_start3A_494, %dma_start3A_495] : memref<512x384x512xf32, #tpu.memory_space<hbm>> -> memref<1x384x512xf32, #tpu.memory_space<hbm>>
    %dma_start3A_497 = tpu.memref_squeeze %dma_start3A_496 : memref<1x384x512xf32, #tpu.memory_space<hbm>> -> memref<384x512xf32, #tpu.memory_space<hbm>>
    %dma_start3A_498 = arith.constant 0 : i32
    %dma_start3A_499 = tpu.memref_slice %arg6[%dma_start3A_493, %dma_start3A_498, %multiple_of3A] : memref<4x384x1024xf32, #tpu.memory_space<vmem_shared>> -> memref<1x384x512xf32, #tpu.memory_space<vmem_shared>>
    %dma_start3A_500 = tpu.memref_squeeze %dma_start3A_499 : memref<1x384x512xf32, #tpu.memory_space<vmem_shared>> -> memref<384x512xf32, #tpu.memory_space<vmem_shared>>
    tpu.enqueue_dma source(%dma_start3A_500 : memref<384x512xf32, #tpu.memory_space<vmem_shared>>) target(%dma_start3A_497 : memref<384x512xf32, #tpu.memory_space<hbm>>) target_semaphore(%arg7 : memref<!tpu.dma_semaphore, #tpu.memory_space<semaphore_mem>>)
    %mul3A_501 = arith.constant 8 : i32
    %mul3A_502 = arith.muli %mul3A_501, %add3A_463 : i32
    %add3A_503 = arith.constant 2 : i32
    %add3A_504 = arith.addi %mul3A_502, %add3A_503 : i32
    %sub3A_505 = arith.constant 1 : i32
    %sub3A_506 = arith.subi %sub3A_505, %arg0 : i32
    %mul3A_507 = arith.constant 4 : i32
    %mul3A_508 = arith.muli %mul3A_507, %sub3A_506 : i32
    %add3A_509 = arith.addi %add3A_504, %mul3A_508 : i32
    %dma_start3A_510 = arith.constant 1 : i32
    %dma_start3A_511 = arith.constant 0 : i32
    %dma_start3A_512 = arith.constant 0 : i32
    %dma_start3A_513 = tpu.memref_slice %arg3[%add3A_509, %dma_start3A_511, %dma_start3A_512] : memref<512x384x512xf32, #tpu.memory_space<hbm>> -> memref<1x384x512xf32, #tpu.memory_space<hbm>>
    %dma_start3A_514 = tpu.memref_squeeze %dma_start3A_513 : memref<1x384x512xf32, #tpu.memory_space<hbm>> -> memref<384x512xf32, #tpu.memory_space<hbm>>
    %dma_start3A_515 = arith.constant 0 : i32
    %dma_start3A_516 = tpu.memref_slice %arg6[%dma_start3A_510, %dma_start3A_515, %multiple_of3A] : memref<4x384x1024xf32, #tpu.memory_space<vmem_shared>> -> memref<1x384x512xf32, #tpu.memory_space<vmem_shared>>
    %dma_start3A_517 = tpu.memref_squeeze %dma_start3A_516 : memref<1x384x512xf32, #tpu.memory_space<vmem_shared>> -> memref<384x512xf32, #tpu.memory_space<vmem_shared>>
    tpu.enqueue_dma source(%dma_start3A_517 : memref<384x512xf32, #tpu.memory_space<vmem_shared>>) target(%dma_start3A_514 : memref<384x512xf32, #tpu.memory_space<hbm>>) target_semaphore(%arg7 : memref<!tpu.dma_semaphore, #tpu.memory_space<semaphore_mem>>)
    %mul3A_518 = arith.constant 8 : i32
    %mul3A_519 = arith.muli %mul3A_518, %add3A_463 : i32
    %add3A_520 = arith.constant 3 : i32
    %add3A_521 = arith.addi %mul3A_519, %add3A_520 : i32
    %sub3A_522 = arith.constant 1 : i32
    %sub3A_523 = arith.subi %sub3A_522, %arg0 : i32
    %mul3A_524 = arith.constant 4 : i32
    %mul3A_525 = arith.muli %mul3A_524, %sub3A_523 : i32
    %add3A_526 = arith.addi %add3A_521, %mul3A_525 : i32
    %dma_start3A_527 = arith.constant 0 : i32
    %dma_start3A_528 = arith.constant 0 : i32
    %dma_start3A_529 = arith.constant 0 : i32
    %dma_start3A_530 = tpu.memref_slice %arg3[%add3A_526, %dma_start3A_528, %dma_start3A_529] : memref<512x384x512xf32, #tpu.memory_space<hbm>> -> memref<1x384x512xf32, #tpu.memory_space<hbm>>
    %dma_start3A_531 = tpu.memref_squeeze %dma_start3A_530 : memref<1x384x512xf32, #tpu.memory_space<hbm>> -> memref<384x512xf32, #tpu.memory_space<hbm>>
    %dma_start3A_532 = arith.constant 0 : i32
    %dma_start3A_533 = tpu.memref_slice %arg6[%dma_start3A_527, %dma_start3A_532, %multiple_of3A] : memref<4x384x1024xf32, #tpu.memory_space<vmem_shared>> -> memref<1x384x512xf32, #tpu.memory_space<vmem_shared>>
    %dma_start3A_534 = tpu.memref_squeeze %dma_start3A_533 : memref<1x384x512xf32, #tpu.memory_space<vmem_shared>> -> memref<384x512xf32, #tpu.memory_space<vmem_shared>>
    tpu.enqueue_dma source(%dma_start3A_534 : memref<384x512xf32, #tpu.memory_space<vmem_shared>>) target(%dma_start3A_531 : memref<384x512xf32, #tpu.memory_space<hbm>>) target_semaphore(%arg7 : memref<!tpu.dma_semaphore, #tpu.memory_space<semaphore_mem>>)
    %mul3A_535 = arith.constant 4 : i32
    %mul3A_536 = arith.muli %mul3A_535, %arg1 : i32
    %add3A_537 = arith.constant 1 : i32
    %add3A_538 = arith.addi %mul3A_536, %add3A_537 : i32
    %mul3A_539 = arith.constant 8 : i32
    %mul3A_540 = arith.muli %mul3A_539, %add3A_538 : i32
    %sub3A_541 = arith.constant 504 : i32
    %sub3A_542 = arith.subi %sub3A_541, %mul3A_540 : i32
    %multiple_of3A_543 = tpu.assume_multiple %sub3A_542, 8 : i32
    %mul3A_544 = arith.constant 8 : i32
    %mul3A_545 = arith.muli %mul3A_544, %add3A_538 : i32
    %add3A_546 = arith.constant 0 : i32
    %add3A_547 = arith.addi %mul3A_545, %add3A_546 : i32
    %sub3A_548 = arith.constant 1 : i32
    %sub3A_549 = arith.subi %sub3A_548, %arg0 : i32
    %mul3A_550 = arith.constant 4 : i32
    %mul3A_551 = arith.muli %mul3A_550, %sub3A_549 : i32
    %add3A_552 = arith.addi %add3A_547, %mul3A_551 : i32
    %dma_start3A_553 = arith.constant 3 : i32
    %dma_start3A_554 = arith.constant 0 : i32
    %dma_start3A_555 = arith.constant 0 : i32
    %dma_start3A_556 = tpu.memref_slice %arg3[%add3A_552, %dma_start3A_554, %dma_start3A_555] : memref<512x384x512xf32, #tpu.memory_space<hbm>> -> memref<1x384x512xf32, #tpu.memory_space<hbm>>
    %dma_start3A_557 = tpu.memref_squeeze %dma_start3A_556 : memref<1x384x512xf32, #tpu.memory_space<hbm>> -> memref<384x512xf32, #tpu.memory_space<hbm>>
    %dma_start3A_558 = arith.constant 0 : i32
    %dma_start3A_559 = tpu.memref_slice %arg6[%dma_start3A_553, %dma_start3A_558, %multiple_of3A_543] : memref<4x384x1024xf32, #tpu.memory_space<vmem_shared>> -> memref<1x384x512xf32, #tpu.memory_space<vmem_shared>>
    %dma_start3A_560 = tpu.memref_squeeze %dma_start3A_559 : memref<1x384x512xf32, #tpu.memory_space<vmem_shared>> -> memref<384x512xf32, #tpu.memory_space<vmem_shared>>
    tpu.enqueue_dma source(%dma_start3A_560 : memref<384x512xf32, #tpu.memory_space<vmem_shared>>) target(%dma_start3A_557 : memref<384x512xf32, #tpu.memory_space<hbm>>) target_semaphore(%arg7 : memref<!tpu.dma_semaphore, #tpu.memory_space<semaphore_mem>>)
    %mul3A_561 = arith.constant 8 : i32
    %mul3A_562 = arith.muli %mul3A_561, %add3A_538 : i32
    %add3A_563 = arith.constant 1 : i32
    %add3A_564 = arith.addi %mul3A_562, %add3A_563 : i32
    %sub3A_565 = arith.constant 1 : i32
    %sub3A_566 = arith.subi %sub3A_565, %arg0 : i32
    %mul3A_567 = arith.constant 4 : i32
    %mul3A_568 = arith.muli %mul3A_567, %sub3A_566 : i32
    %add3A_569 = arith.addi %add3A_564, %mul3A_568 : i32
    %dma_start3A_570 = arith.constant 2 : i32
    %dma_start3A_571 = arith.constant 0 : i32
    %dma_start3A_572 = arith.constant 0 : i32
    %dma_start3A_573 = tpu.memref_slice %arg3[%add3A_569, %dma_start3A_571, %dma_start3A_572] : memref<512x384x512xf32, #tpu.memory_space<hbm>> -> memref<1x384x512xf32, #tpu.memory_space<hbm>>
    %dma_start3A_574 = tpu.memref_squeeze %dma_start3A_573 : memref<1x384x512xf32, #tpu.memory_space<hbm>> -> memref<384x512xf32, #tpu.memory_space<hbm>>
    %dma_start3A_575 = arith.constant 0 : i32
    %dma_start3A_576 = tpu.memref_slice %arg6[%dma_start3A_570, %dma_start3A_575, %multiple_of3A_543] : memref<4x384x1024xf32, #tpu.memory_space<vmem_shared>> -> memref<1x384x512xf32, #tpu.memory_space<vmem_shared>>
    %dma_start3A_577 = tpu.memref_squeeze %dma_start3A_576 : memref<1x384x512xf32, #tpu.memory_space<vmem_shared>> -> memref<384x512xf32, #tpu.memory_space<vmem_shared>>
    tpu.enqueue_dma source(%dma_start3A_577 : memref<384x512xf32, #tpu.memory_space<vmem_shared>>) target(%dma_start3A_574 : memref<384x512xf32, #tpu.memory_space<hbm>>) target_semaphore(%arg7 : memref<!tpu.dma_semaphore, #tpu.memory_space<semaphore_mem>>)
    %mul3A_578 = arith.constant 8 : i32
    %mul3A_579 = arith.muli %mul3A_578, %add3A_538 : i32
    %add3A_580 = arith.constant 2 : i32
    %add3A_581 = arith.addi %mul3A_579, %add3A_580 : i32
    %sub3A_582 = arith.constant 1 : i32
    %sub3A_583 = arith.subi %sub3A_582, %arg0 : i32
    %mul3A_584 = arith.constant 4 : i32
    %mul3A_585 = arith.muli %mul3A_584, %sub3A_583 : i32
    %add3A_586 = arith.addi %add3A_581, %mul3A_585 : i32
    %dma_start3A_587 = arith.constant 1 : i32
    %dma_start3A_588 = arith.constant 0 : i32
    %dma_start3A_589 = arith.constant 0 : i32
    %dma_start3A_590 = tpu.memref_slice %arg3[%add3A_586, %dma_start3A_588, %dma_start3A_589] : memref<512x384x512xf32, #tpu.memory_space<hbm>> -> memref<1x384x512xf32, #tpu.memory_space<hbm>>
    %dma_start3A_591 = tpu.memref_squeeze %dma_start3A_590 : memref<1x384x512xf32, #tpu.memory_space<hbm>> -> memref<384x512xf32, #tpu.memory_space<hbm>>
    %dma_start3A_592 = arith.constant 0 : i32
    %dma_start3A_593 = tpu.memref_slice %arg6[%dma_start3A_587, %dma_start3A_592, %multiple_of3A_543] : memref<4x384x1024xf32, #tpu.memory_space<vmem_shared>> -> memref<1x384x512xf32, #tpu.memory_space<vmem_shared>>
    %dma_start3A_594 = tpu.memref_squeeze %dma_start3A_593 : memref<1x384x512xf32, #tpu.memory_space<vmem_shared>> -> memref<384x512xf32, #tpu.memory_space<vmem_shared>>
    tpu.enqueue_dma source(%dma_start3A_594 : memref<384x512xf32, #tpu.memory_space<vmem_shared>>) target(%dma_start3A_591 : memref<384x512xf32, #tpu.memory_space<hbm>>) target_semaphore(%arg7 : memref<!tpu.dma_semaphore, #tpu.memory_space<semaphore_mem>>)
    %mul3A_595 = arith.constant 8 : i32
    %mul3A_596 = arith.muli %mul3A_595, %add3A_538 : i32
    %add3A_597 = arith.constant 3 : i32
    %add3A_598 = arith.addi %mul3A_596, %add3A_597 : i32
    %sub3A_599 = arith.constant 1 : i32
    %sub3A_600 = arith.subi %sub3A_599, %arg0 : i32
    %mul3A_601 = arith.constant 4 : i32
    %mul3A_602 = arith.muli %mul3A_601, %sub3A_600 : i32
    %add3A_603 = arith.addi %add3A_598, %mul3A_602 : i32
    %dma_start3A_604 = arith.constant 0 : i32
    %dma_start3A_605 = arith.constant 0 : i32
    %dma_start3A_606 = arith.constant 0 : i32
    %dma_start3A_607 = tpu.memref_slice %arg3[%add3A_603, %dma_start3A_605, %dma_start3A_606] : memref<512x384x512xf32, #tpu.memory_space<hbm>> -> memref<1x384x512xf32, #tpu.memory_space<hbm>>
    %dma_start3A_608 = tpu.memref_squeeze %dma_start3A_607 : memref<1x384x512xf32, #tpu.memory_space<hbm>> -> memref<384x512xf32, #tpu.memory_space<hbm>>
    %dma_start3A_609 = arith.constant 0 : i32
    %dma_start3A_610 = tpu.memref_slice %arg6[%dma_start3A_604, %dma_start3A_609, %multiple_of3A_543] : memref<4x384x1024xf32, #tpu.memory_space<vmem_shared>> -> memref<1x384x512xf32, #tpu.memory_space<vmem_shared>>
    %dma_start3A_611 = tpu.memref_squeeze %dma_start3A_610 : memref<1x384x512xf32, #tpu.memory_space<vmem_shared>> -> memref<384x512xf32, #tpu.memory_space<vmem_shared>>
    tpu.enqueue_dma source(%dma_start3A_611 : memref<384x512xf32, #tpu.memory_space<vmem_shared>>) target(%dma_start3A_608 : memref<384x512xf32, #tpu.memory_space<hbm>>) target_semaphore(%arg7 : memref<!tpu.dma_semaphore, #tpu.memory_space<semaphore_mem>>)
    %mul3A_612 = arith.constant 4 : i32
    %mul3A_613 = arith.muli %mul3A_612, %arg1 : i32
    %add3A_614 = arith.constant 2 : i32
    %add3A_615 = arith.addi %mul3A_613, %add3A_614 : i32
    %mul3A_616 = arith.constant 8 : i32
    %mul3A_617 = arith.muli %mul3A_616, %add3A_615 : i32
    %sub3A_618 = arith.constant 504 : i32
    %sub3A_619 = arith.subi %sub3A_618, %mul3A_617 : i32
    %multiple_of3A_620 = tpu.assume_multiple %sub3A_619, 8 : i32
    %mul3A_621 = arith.constant 8 : i32
    %mul3A_622 = arith.muli %mul3A_621, %add3A_615 : i32
    %add3A_623 = arith.constant 0 : i32
    %add3A_624 = arith.addi %mul3A_622, %add3A_623 : i32
    %sub3A_625 = arith.constant 1 : i32
    %sub3A_626 = arith.subi %sub3A_625, %arg0 : i32
    %mul3A_627 = arith.constant 4 : i32
    %mul3A_628 = arith.muli %mul3A_627, %sub3A_626 : i32
    %add3A_629 = arith.addi %add3A_624, %mul3A_628 : i32
    %dma_start3A_630 = arith.constant 3 : i32
    %dma_start3A_631 = arith.constant 0 : i32
    %dma_start3A_632 = arith.constant 0 : i32
    %dma_start3A_633 = tpu.memref_slice %arg3[%add3A_629, %dma_start3A_631, %dma_start3A_632] : memref<512x384x512xf32, #tpu.memory_space<hbm>> -> memref<1x384x512xf32, #tpu.memory_space<hbm>>
    %dma_start3A_634 = tpu.memref_squeeze %dma_start3A_633 : memref<1x384x512xf32, #tpu.memory_space<hbm>> -> memref<384x512xf32, #tpu.memory_space<hbm>>
    %dma_start3A_635 = arith.constant 0 : i32
    %dma_start3A_636 = tpu.memref_slice %arg6[%dma_start3A_630, %dma_start3A_635, %multiple_of3A_620] : memref<4x384x1024xf32, #tpu.memory_space<vmem_shared>> -> memref<1x384x512xf32, #tpu.memory_space<vmem_shared>>
    %dma_start3A_637 = tpu.memref_squeeze %dma_start3A_636 : memref<1x384x512xf32, #tpu.memory_space<vmem_shared>> -> memref<384x512xf32, #tpu.memory_space<vmem_shared>>
    tpu.enqueue_dma source(%dma_start3A_637 : memref<384x512xf32, #tpu.memory_space<vmem_shared>>) target(%dma_start3A_634 : memref<384x512xf32, #tpu.memory_space<hbm>>) target_semaphore(%arg7 : memref<!tpu.dma_semaphore, #tpu.memory_space<semaphore_mem>>)
    %mul3A_638 = arith.constant 8 : i32
    %mul3A_639 = arith.muli %mul3A_638, %add3A_615 : i32
    %add3A_640 = arith.constant 1 : i32
    %add3A_641 = arith.addi %mul3A_639, %add3A_640 : i32
    %sub3A_642 = arith.constant 1 : i32
    %sub3A_643 = arith.subi %sub3A_642, %arg0 : i32
    %mul3A_644 = arith.constant 4 : i32
    %mul3A_645 = arith.muli %mul3A_644, %sub3A_643 : i32
    %add3A_646 = arith.addi %add3A_641, %mul3A_645 : i32
    %dma_start3A_647 = arith.constant 2 : i32
    %dma_start3A_648 = arith.constant 0 : i32
    %dma_start3A_649 = arith.constant 0 : i32
    %dma_start3A_650 = tpu.memref_slice %arg3[%add3A_646, %dma_start3A_648, %dma_start3A_649] : memref<512x384x512xf32, #tpu.memory_space<hbm>> -> memref<1x384x512xf32, #tpu.memory_space<hbm>>
    %dma_start3A_651 = tpu.memref_squeeze %dma_start3A_650 : memref<1x384x512xf32, #tpu.memory_space<hbm>> -> memref<384x512xf32, #tpu.memory_space<hbm>>
    %dma_start3A_652 = arith.constant 0 : i32
    %dma_start3A_653 = tpu.memref_slice %arg6[%dma_start3A_647, %dma_start3A_652, %multiple_of3A_620] : memref<4x384x1024xf32, #tpu.memory_space<vmem_shared>> -> memref<1x384x512xf32, #tpu.memory_space<vmem_shared>>
    %dma_start3A_654 = tpu.memref_squeeze %dma_start3A_653 : memref<1x384x512xf32, #tpu.memory_space<vmem_shared>> -> memref<384x512xf32, #tpu.memory_space<vmem_shared>>
    tpu.enqueue_dma source(%dma_start3A_654 : memref<384x512xf32, #tpu.memory_space<vmem_shared>>) target(%dma_start3A_651 : memref<384x512xf32, #tpu.memory_space<hbm>>) target_semaphore(%arg7 : memref<!tpu.dma_semaphore, #tpu.memory_space<semaphore_mem>>)
    %mul3A_655 = arith.constant 8 : i32
    %mul3A_656 = arith.muli %mul3A_655, %add3A_615 : i32
    %add3A_657 = arith.constant 2 : i32
    %add3A_658 = arith.addi %mul3A_656, %add3A_657 : i32
    %sub3A_659 = arith.constant 1 : i32
    %sub3A_660 = arith.subi %sub3A_659, %arg0 : i32
    %mul3A_661 = arith.constant 4 : i32
    %mul3A_662 = arith.muli %mul3A_661, %sub3A_660 : i32
    %add3A_663 = arith.addi %add3A_658, %mul3A_662 : i32
    %dma_start3A_664 = arith.constant 1 : i32
    %dma_start3A_665 = arith.constant 0 : i32
    %dma_start3A_666 = arith.constant 0 : i32
    %dma_start3A_667 = tpu.memref_slice %arg3[%add3A_663, %dma_start3A_665, %dma_start3A_666] : memref<512x384x512xf32, #tpu.memory_space<hbm>> -> memref<1x384x512xf32, #tpu.memory_space<hbm>>
    %dma_start3A_668 = tpu.memref_squeeze %dma_start3A_667 : memref<1x384x512xf32, #tpu.memory_space<hbm>> -> memref<384x512xf32, #tpu.memory_space<hbm>>
    %dma_start3A_669 = arith.constant 0 : i32
    %dma_start3A_670 = tpu.memref_slice %arg6[%dma_start3A_664, %dma_start3A_669, %multiple_of3A_620] : memref<4x384x1024xf32, #tpu.memory_space<vmem_shared>> -> memref<1x384x512xf32, #tpu.memory_space<vmem_shared>>
    %dma_start3A_671 = tpu.memref_squeeze %dma_start3A_670 : memref<1x384x512xf32, #tpu.memory_space<vmem_shared>> -> memref<384x512xf32, #tpu.memory_space<vmem_shared>>
    tpu.enqueue_dma source(%dma_start3A_671 : memref<384x512xf32, #tpu.memory_space<vmem_shared>>) target(%dma_start3A_668 : memref<384x512xf32, #tpu.memory_space<hbm>>) target_semaphore(%arg7 : memref<!tpu.dma_semaphore, #tpu.memory_space<semaphore_mem>>)
    %mul3A_672 = arith.constant 8 : i32
    %mul3A_673 = arith.muli %mul3A_672, %add3A_615 : i32
    %add3A_674 = arith.constant 3 : i32
    %add3A_675 = arith.addi %mul3A_673, %add3A_674 : i32
    %sub3A_676 = arith.constant 1 : i32
    %sub3A_677 = arith.subi %sub3A_676, %arg0 : i32
    %mul3A_678 = arith.constant 4 : i32
    %mul3A_679 = arith.muli %mul3A_678, %sub3A_677 : i32
    %add3A_680 = arith.addi %add3A_675, %mul3A_679 : i32
    %dma_start3A_681 = arith.constant 0 : i32
    %dma_start3A_682 = arith.constant 0 : i32
    %dma_start3A_683 = arith.constant 0 : i32
    %dma_start3A_684 = tpu.memref_slice %arg3[%add3A_680, %dma_start3A_682, %dma_start3A_683] : memref<512x384x512xf32, #tpu.memory_space<hbm>> -> memref<1x384x512xf32, #tpu.memory_space<hbm>>
    %dma_start3A_685 = tpu.memref_squeeze %dma_start3A_684 : memref<1x384x512xf32, #tpu.memory_space<hbm>> -> memref<384x512xf32, #tpu.memory_space<hbm>>
    %dma_start3A_686 = arith.constant 0 : i32
    %dma_start3A_687 = tpu.memref_slice %arg6[%dma_start3A_681, %dma_start3A_686, %multiple_of3A_620] : memref<4x384x1024xf32, #tpu.memory_space<vmem_shared>> -> memref<1x384x512xf32, #tpu.memory_space<vmem_shared>>
    %dma_start3A_688 = tpu.memref_squeeze %dma_start3A_687 : memref<1x384x512xf32, #tpu.memory_space<vmem_shared>> -> memref<384x512xf32, #tpu.memory_space<vmem_shared>>
    tpu.enqueue_dma source(%dma_start3A_688 : memref<384x512xf32, #tpu.memory_space<vmem_shared>>) target(%dma_start3A_685 : memref<384x512xf32, #tpu.memory_space<hbm>>) target_semaphore(%arg7 : memref<!tpu.dma_semaphore, #tpu.memory_space<semaphore_mem>>)
    %mul3A_689 = arith.constant 4 : i32
    %mul3A_690 = arith.muli %mul3A_689, %arg1 : i32
    %add3A_691 = arith.constant 3 : i32
    %add3A_692 = arith.addi %mul3A_690, %add3A_691 : i32
    %mul3A_693 = arith.constant 8 : i32
    %mul3A_694 = arith.muli %mul3A_693, %add3A_692 : i32
    %sub3A_695 = arith.constant 504 : i32
    %sub3A_696 = arith.subi %sub3A_695, %mul3A_694 : i32
    %multiple_of3A_697 = tpu.assume_multiple %sub3A_696, 8 : i32
    %mul3A_698 = arith.constant 8 : i32
    %mul3A_699 = arith.muli %mul3A_698, %add3A_692 : i32
    %add3A_700 = arith.constant 0 : i32
    %add3A_701 = arith.addi %mul3A_699, %add3A_700 : i32
    %sub3A_702 = arith.constant 1 : i32
    %sub3A_703 = arith.subi %sub3A_702, %arg0 : i32
    %mul3A_704 = arith.constant 4 : i32
    %mul3A_705 = arith.muli %mul3A_704, %sub3A_703 : i32
    %add3A_706 = arith.addi %add3A_701, %mul3A_705 : i32
    %dma_start3A_707 = arith.constant 3 : i32
    %dma_start3A_708 = arith.constant 0 : i32
    %dma_start3A_709 = arith.constant 0 : i32
    %dma_start3A_710 = tpu.memref_slice %arg3[%add3A_706, %dma_start3A_708, %dma_start3A_709] : memref<512x384x512xf32, #tpu.memory_space<hbm>> -> memref<1x384x512xf32, #tpu.memory_space<hbm>>
    %dma_start3A_711 = tpu.memref_squeeze %dma_start3A_710 : memref<1x384x512xf32, #tpu.memory_space<hbm>> -> memref<384x512xf32, #tpu.memory_space<hbm>>
    %dma_start3A_712 = arith.constant 0 : i32
    %dma_start3A_713 = tpu.memref_slice %arg6[%dma_start3A_707, %dma_start3A_712, %multiple_of3A_697] : memref<4x384x1024xf32, #tpu.memory_space<vmem_shared>> -> memref<1x384x512xf32, #tpu.memory_space<vmem_shared>>
    %dma_start3A_714 = tpu.memref_squeeze %dma_start3A_713 : memref<1x384x512xf32, #tpu.memory_space<vmem_shared>> -> memref<384x512xf32, #tpu.memory_space<vmem_shared>>
    tpu.enqueue_dma source(%dma_start3A_714 : memref<384x512xf32, #tpu.memory_space<vmem_shared>>) target(%dma_start3A_711 : memref<384x512xf32, #tpu.memory_space<hbm>>) target_semaphore(%arg7 : memref<!tpu.dma_semaphore, #tpu.memory_space<semaphore_mem>>)
    %mul3A_715 = arith.constant 8 : i32
    %mul3A_716 = arith.muli %mul3A_715, %add3A_692 : i32
    %add3A_717 = arith.constant 1 : i32
    %add3A_718 = arith.addi %mul3A_716, %add3A_717 : i32
    %sub3A_719 = arith.constant 1 : i32
    %sub3A_720 = arith.subi %sub3A_719, %arg0 : i32
    %mul3A_721 = arith.constant 4 : i32
    %mul3A_722 = arith.muli %mul3A_721, %sub3A_720 : i32
    %add3A_723 = arith.addi %add3A_718, %mul3A_722 : i32
    %dma_start3A_724 = arith.constant 2 : i32
    %dma_start3A_725 = arith.constant 0 : i32
    %dma_start3A_726 = arith.constant 0 : i32
    %dma_start3A_727 = tpu.memref_slice %arg3[%add3A_723, %dma_start3A_725, %dma_start3A_726] : memref<512x384x512xf32, #tpu.memory_space<hbm>> -> memref<1x384x512xf32, #tpu.memory_space<hbm>>
    %dma_start3A_728 = tpu.memref_squeeze %dma_start3A_727 : memref<1x384x512xf32, #tpu.memory_space<hbm>> -> memref<384x512xf32, #tpu.memory_space<hbm>>
    %dma_start3A_729 = arith.constant 0 : i32
    %dma_start3A_730 = tpu.memref_slice %arg6[%dma_start3A_724, %dma_start3A_729, %multiple_of3A_697] : memref<4x384x1024xf32, #tpu.memory_space<vmem_shared>> -> memref<1x384x512xf32, #tpu.memory_space<vmem_shared>>
    %dma_start3A_731 = tpu.memref_squeeze %dma_start3A_730 : memref<1x384x512xf32, #tpu.memory_space<vmem_shared>> -> memref<384x512xf32, #tpu.memory_space<vmem_shared>>
    tpu.enqueue_dma source(%dma_start3A_731 : memref<384x512xf32, #tpu.memory_space<vmem_shared>>) target(%dma_start3A_728 : memref<384x512xf32, #tpu.memory_space<hbm>>) target_semaphore(%arg7 : memref<!tpu.dma_semaphore, #tpu.memory_space<semaphore_mem>>)
    %mul3A_732 = arith.constant 8 : i32
    %mul3A_733 = arith.muli %mul3A_732, %add3A_692 : i32
    %add3A_734 = arith.constant 2 : i32
    %add3A_735 = arith.addi %mul3A_733, %add3A_734 : i32
    %sub3A_736 = arith.constant 1 : i32
    %sub3A_737 = arith.subi %sub3A_736, %arg0 : i32
    %mul3A_738 = arith.constant 4 : i32
    %mul3A_739 = arith.muli %mul3A_738, %sub3A_737 : i32
    %add3A_740 = arith.addi %add3A_735, %mul3A_739 : i32
    %dma_start3A_741 = arith.constant 1 : i32
    %dma_start3A_742 = arith.constant 0 : i32
    %dma_start3A_743 = arith.constant 0 : i32
    %dma_start3A_744 = tpu.memref_slice %arg3[%add3A_740, %dma_start3A_742, %dma_start3A_743] : memref<512x384x512xf32, #tpu.memory_space<hbm>> -> memref<1x384x512xf32, #tpu.memory_space<hbm>>
    %dma_start3A_745 = tpu.memref_squeeze %dma_start3A_744 : memref<1x384x512xf32, #tpu.memory_space<hbm>> -> memref<384x512xf32, #tpu.memory_space<hbm>>
    %dma_start3A_746 = arith.constant 0 : i32
    %dma_start3A_747 = tpu.memref_slice %arg6[%dma_start3A_741, %dma_start3A_746, %multiple_of3A_697] : memref<4x384x1024xf32, #tpu.memory_space<vmem_shared>> -> memref<1x384x512xf32, #tpu.memory_space<vmem_shared>>
    %dma_start3A_748 = tpu.memref_squeeze %dma_start3A_747 : memref<1x384x512xf32, #tpu.memory_space<vmem_shared>> -> memref<384x512xf32, #tpu.memory_space<vmem_shared>>
    tpu.enqueue_dma source(%dma_start3A_748 : memref<384x512xf32, #tpu.memory_space<vmem_shared>>) target(%dma_start3A_745 : memref<384x512xf32, #tpu.memory_space<hbm>>) target_semaphore(%arg7 : memref<!tpu.dma_semaphore, #tpu.memory_space<semaphore_mem>>)
    %mul3A_749 = arith.constant 8 : i32
    %mul3A_750 = arith.muli %mul3A_749, %add3A_692 : i32
    %add3A_751 = arith.constant 3 : i32
    %add3A_752 = arith.addi %mul3A_750, %add3A_751 : i32
    %sub3A_753 = arith.constant 1 : i32
    %sub3A_754 = arith.subi %sub3A_753, %arg0 : i32
    %mul3A_755 = arith.constant 4 : i32
    %mul3A_756 = arith.muli %mul3A_755, %sub3A_754 : i32
    %add3A_757 = arith.addi %add3A_752, %mul3A_756 : i32
    %dma_start3A_758 = arith.constant 0 : i32
    %dma_start3A_759 = arith.constant 0 : i32
    %dma_start3A_760 = arith.constant 0 : i32
    %dma_start3A_761 = tpu.memref_slice %arg3[%add3A_757, %dma_start3A_759, %dma_start3A_760] : memref<512x384x512xf32, #tpu.memory_space<hbm>> -> memref<1x384x512xf32, #tpu.memory_space<hbm>>
    %dma_start3A_762 = tpu.memref_squeeze %dma_start3A_761 : memref<1x384x512xf32, #tpu.memory_space<hbm>> -> memref<384x512xf32, #tpu.memory_space<hbm>>
    %dma_start3A_763 = arith.constant 0 : i32
    %dma_start3A_764 = tpu.memref_slice %arg6[%dma_start3A_758, %dma_start3A_763, %multiple_of3A_697] : memref<4x384x1024xf32, #tpu.memory_space<vmem_shared>> -> memref<1x384x512xf32, #tpu.memory_space<vmem_shared>>
    %dma_start3A_765 = tpu.memref_squeeze %dma_start3A_764 : memref<1x384x512xf32, #tpu.memory_space<vmem_shared>> -> memref<384x512xf32, #tpu.memory_space<vmem_shared>>
    tpu.enqueue_dma source(%dma_start3A_765 : memref<384x512xf32, #tpu.memory_space<vmem_shared>>) target(%dma_start3A_762 : memref<384x512xf32, #tpu.memory_space<hbm>>) target_semaphore(%arg7 : memref<!tpu.dma_semaphore, #tpu.memory_space<semaphore_mem>>)
    %dma_wait3A = arith.constant 3 : i32
    %dma_wait3A_766 = arith.constant 0 : i32
    %dma_wait3A_767 = arith.constant 0 : i32
    %dma_wait3A_768 = tpu.memref_slice %arg3[%add3A_476, %dma_wait3A_766, %dma_wait3A_767] : memref<512x384x512xf32, #tpu.memory_space<hbm>> -> memref<1x384x512xf32, #tpu.memory_space<hbm>>
    %dma_wait3A_769 = tpu.memref_squeeze %dma_wait3A_768 : memref<1x384x512xf32, #tpu.memory_space<hbm>> -> memref<384x512xf32, #tpu.memory_space<hbm>>
    %dma_wait3A_770 = arith.constant 0 : i32
    %dma_wait3A_771 = tpu.memref_slice %arg6[%dma_wait3A, %dma_wait3A_770, %multiple_of3A] : memref<4x384x1024xf32, #tpu.memory_space<vmem_shared>> -> memref<1x384x512xf32, #tpu.memory_space<vmem_shared>>
    %dma_wait3A_772 = tpu.memref_squeeze %dma_wait3A_771 : memref<1x384x512xf32, #tpu.memory_space<vmem_shared>> -> memref<384x512xf32, #tpu.memory_space<vmem_shared>>
    tpu.wait_dma2 semaphore(%arg7 : memref<!tpu.dma_semaphore, #tpu.memory_space<semaphore_mem>>) src(%dma_wait3A_772 : memref<384x512xf32, #tpu.memory_space<vmem_shared>>) dst(%dma_wait3A_769 : memref<384x512xf32, #tpu.memory_space<hbm>>)
    %dma_wait3A_773 = arith.constant 2 : i32
    %dma_wait3A_774 = arith.constant 0 : i32
    %dma_wait3A_775 = arith.constant 0 : i32
    %dma_wait3A_776 = tpu.memref_slice %arg3[%add3A_492, %dma_wait3A_774, %dma_wait3A_775] : memref<512x384x512xf32, #tpu.memory_space<hbm>> -> memref<1x384x512xf32, #tpu.memory_space<hbm>>
    %dma_wait3A_777 = tpu.memref_squeeze %dma_wait3A_776 : memref<1x384x512xf32, #tpu.memory_space<hbm>> -> memref<384x512xf32, #tpu.memory_space<hbm>>
    %dma_wait3A_778 = arith.constant 0 : i32
    %dma_wait3A_779 = tpu.memref_slice %arg6[%dma_wait3A_773, %dma_wait3A_778, %multiple_of3A] : memref<4x384x1024xf32, #tpu.memory_space<vmem_shared>> -> memref<1x384x512xf32, #tpu.memory_space<vmem_shared>>
    %dma_wait3A_780 = tpu.memref_squeeze %dma_wait3A_779 : memref<1x384x512xf32, #tpu.memory_space<vmem_shared>> -> memref<384x512xf32, #tpu.memory_space<vmem_shared>>
    tpu.wait_dma2 semaphore(%arg7 : memref<!tpu.dma_semaphore, #tpu.memory_space<semaphore_mem>>) src(%dma_wait3A_780 : memref<384x512xf32, #tpu.memory_space<vmem_shared>>) dst(%dma_wait3A_777 : memref<384x512xf32, #tpu.memory_space<hbm>>)
    %dma_wait3A_781 = arith.constant 1 : i32
    %dma_wait3A_782 = arith.constant 0 : i32
    %dma_wait3A_783 = arith.constant 0 : i32
    %dma_wait3A_784 = tpu.memref_slice %arg3[%add3A_509, %dma_wait3A_782, %dma_wait3A_783] : memref<512x384x512xf32, #tpu.memory_space<hbm>> -> memref<1x384x512xf32, #tpu.memory_space<hbm>>
    %dma_wait3A_785 = tpu.memref_squeeze %dma_wait3A_784 : memref<1x384x512xf32, #tpu.memory_space<hbm>> -> memref<384x512xf32, #tpu.memory_space<hbm>>
    %dma_wait3A_786 = arith.constant 0 : i32
    %dma_wait3A_787 = tpu.memref_slice %arg6[%dma_wait3A_781, %dma_wait3A_786, %multiple_of3A] : memref<4x384x1024xf32, #tpu.memory_space<vmem_shared>> -> memref<1x384x512xf32, #tpu.memory_space<vmem_shared>>
    %dma_wait3A_788 = tpu.memref_squeeze %dma_wait3A_787 : memref<1x384x512xf32, #tpu.memory_space<vmem_shared>> -> memref<384x512xf32, #tpu.memory_space<vmem_shared>>
    tpu.wait_dma2 semaphore(%arg7 : memref<!tpu.dma_semaphore, #tpu.memory_space<semaphore_mem>>) src(%dma_wait3A_788 : memref<384x512xf32, #tpu.memory_space<vmem_shared>>) dst(%dma_wait3A_785 : memref<384x512xf32, #tpu.memory_space<hbm>>)
    %dma_wait3A_789 = arith.constant 0 : i32
    %dma_wait3A_790 = arith.constant 0 : i32
    %dma_wait3A_791 = arith.constant 0 : i32
    %dma_wait3A_792 = tpu.memref_slice %arg3[%add3A_526, %dma_wait3A_790, %dma_wait3A_791] : memref<512x384x512xf32, #tpu.memory_space<hbm>> -> memref<1x384x512xf32, #tpu.memory_space<hbm>>
    %dma_wait3A_793 = tpu.memref_squeeze %dma_wait3A_792 : memref<1x384x512xf32, #tpu.memory_space<hbm>> -> memref<384x512xf32, #tpu.memory_space<hbm>>
    %dma_wait3A_794 = arith.constant 0 : i32
    %dma_wait3A_795 = tpu.memref_slice %arg6[%dma_wait3A_789, %dma_wait3A_794, %multiple_of3A] : memref<4x384x1024xf32, #tpu.memory_space<vmem_shared>> -> memref<1x384x512xf32, #tpu.memory_space<vmem_shared>>
    %dma_wait3A_796 = tpu.memref_squeeze %dma_wait3A_795 : memref<1x384x512xf32, #tpu.memory_space<vmem_shared>> -> memref<384x512xf32, #tpu.memory_space<vmem_shared>>
    tpu.wait_dma2 semaphore(%arg7 : memref<!tpu.dma_semaphore, #tpu.memory_space<semaphore_mem>>) src(%dma_wait3A_796 : memref<384x512xf32, #tpu.memory_space<vmem_shared>>) dst(%dma_wait3A_793 : memref<384x512xf32, #tpu.memory_space<hbm>>)
    %dma_wait3A_797 = arith.constant 3 : i32
    %dma_wait3A_798 = arith.constant 0 : i32
    %dma_wait3A_799 = arith.constant 0 : i32
    %dma_wait3A_800 = tpu.memref_slice %arg3[%add3A_552, %dma_wait3A_798, %dma_wait3A_799] : memref<512x384x512xf32, #tpu.memory_space<hbm>> -> memref<1x384x512xf32, #tpu.memory_space<hbm>>
    %dma_wait3A_801 = tpu.memref_squeeze %dma_wait3A_800 : memref<1x384x512xf32, #tpu.memory_space<hbm>> -> memref<384x512xf32, #tpu.memory_space<hbm>>
    %dma_wait3A_802 = arith.constant 0 : i32
    %dma_wait3A_803 = tpu.memref_slice %arg6[%dma_wait3A_797, %dma_wait3A_802, %multiple_of3A_543] : memref<4x384x1024xf32, #tpu.memory_space<vmem_shared>> -> memref<1x384x512xf32, #tpu.memory_space<vmem_shared>>
    %dma_wait3A_804 = tpu.memref_squeeze %dma_wait3A_803 : memref<1x384x512xf32, #tpu.memory_space<vmem_shared>> -> memref<384x512xf32, #tpu.memory_space<vmem_shared>>
    tpu.wait_dma2 semaphore(%arg7 : memref<!tpu.dma_semaphore, #tpu.memory_space<semaphore_mem>>) src(%dma_wait3A_804 : memref<384x512xf32, #tpu.memory_space<vmem_shared>>) dst(%dma_wait3A_801 : memref<384x512xf32, #tpu.memory_space<hbm>>)
    %dma_wait3A_805 = arith.constant 2 : i32
    %dma_wait3A_806 = arith.constant 0 : i32
    %dma_wait3A_807 = arith.constant 0 : i32
    %dma_wait3A_808 = tpu.memref_slice %arg3[%add3A_569, %dma_wait3A_806, %dma_wait3A_807] : memref<512x384x512xf32, #tpu.memory_space<hbm>> -> memref<1x384x512xf32, #tpu.memory_space<hbm>>
    %dma_wait3A_809 = tpu.memref_squeeze %dma_wait3A_808 : memref<1x384x512xf32, #tpu.memory_space<hbm>> -> memref<384x512xf32, #tpu.memory_space<hbm>>
    %dma_wait3A_810 = arith.constant 0 : i32
    %dma_wait3A_811 = tpu.memref_slice %arg6[%dma_wait3A_805, %dma_wait3A_810, %multiple_of3A_543] : memref<4x384x1024xf32, #tpu.memory_space<vmem_shared>> -> memref<1x384x512xf32, #tpu.memory_space<vmem_shared>>
    %dma_wait3A_812 = tpu.memref_squeeze %dma_wait3A_811 : memref<1x384x512xf32, #tpu.memory_space<vmem_shared>> -> memref<384x512xf32, #tpu.memory_space<vmem_shared>>
    tpu.wait_dma2 semaphore(%arg7 : memref<!tpu.dma_semaphore, #tpu.memory_space<semaphore_mem>>) src(%dma_wait3A_812 : memref<384x512xf32, #tpu.memory_space<vmem_shared>>) dst(%dma_wait3A_809 : memref<384x512xf32, #tpu.memory_space<hbm>>)
    %dma_wait3A_813 = arith.constant 1 : i32
    %dma_wait3A_814 = arith.constant 0 : i32
    %dma_wait3A_815 = arith.constant 0 : i32
    %dma_wait3A_816 = tpu.memref_slice %arg3[%add3A_586, %dma_wait3A_814, %dma_wait3A_815] : memref<512x384x512xf32, #tpu.memory_space<hbm>> -> memref<1x384x512xf32, #tpu.memory_space<hbm>>
    %dma_wait3A_817 = tpu.memref_squeeze %dma_wait3A_816 : memref<1x384x512xf32, #tpu.memory_space<hbm>> -> memref<384x512xf32, #tpu.memory_space<hbm>>
    %dma_wait3A_818 = arith.constant 0 : i32
    %dma_wait3A_819 = tpu.memref_slice %arg6[%dma_wait3A_813, %dma_wait3A_818, %multiple_of3A_543] : memref<4x384x1024xf32, #tpu.memory_space<vmem_shared>> -> memref<1x384x512xf32, #tpu.memory_space<vmem_shared>>
    %dma_wait3A_820 = tpu.memref_squeeze %dma_wait3A_819 : memref<1x384x512xf32, #tpu.memory_space<vmem_shared>> -> memref<384x512xf32, #tpu.memory_space<vmem_shared>>
    tpu.wait_dma2 semaphore(%arg7 : memref<!tpu.dma_semaphore, #tpu.memory_space<semaphore_mem>>) src(%dma_wait3A_820 : memref<384x512xf32, #tpu.memory_space<vmem_shared>>) dst(%dma_wait3A_817 : memref<384x512xf32, #tpu.memory_space<hbm>>)
    %dma_wait3A_821 = arith.constant 0 : i32
    %dma_wait3A_822 = arith.constant 0 : i32
    %dma_wait3A_823 = arith.constant 0 : i32
    %dma_wait3A_824 = tpu.memref_slice %arg3[%add3A_603, %dma_wait3A_822, %dma_wait3A_823] : memref<512x384x512xf32, #tpu.memory_space<hbm>> -> memref<1x384x512xf32, #tpu.memory_space<hbm>>
    %dma_wait3A_825 = tpu.memref_squeeze %dma_wait3A_824 : memref<1x384x512xf32, #tpu.memory_space<hbm>> -> memref<384x512xf32, #tpu.memory_space<hbm>>
    %dma_wait3A_826 = arith.constant 0 : i32
    %dma_wait3A_827 = tpu.memref_slice %arg6[%dma_wait3A_821, %dma_wait3A_826, %multiple_of3A_543] : memref<4x384x1024xf32, #tpu.memory_space<vmem_shared>> -> memref<1x384x512xf32, #tpu.memory_space<vmem_shared>>
    %dma_wait3A_828 = tpu.memref_squeeze %dma_wait3A_827 : memref<1x384x512xf32, #tpu.memory_space<vmem_shared>> -> memref<384x512xf32, #tpu.memory_space<vmem_shared>>
    tpu.wait_dma2 semaphore(%arg7 : memref<!tpu.dma_semaphore, #tpu.memory_space<semaphore_mem>>) src(%dma_wait3A_828 : memref<384x512xf32, #tpu.memory_space<vmem_shared>>) dst(%dma_wait3A_825 : memref<384x512xf32, #tpu.memory_space<hbm>>)
    %dma_wait3A_829 = arith.constant 3 : i32
    %dma_wait3A_830 = arith.constant 0 : i32
    %dma_wait3A_831 = arith.constant 0 : i32
    %dma_wait3A_832 = tpu.memref_slice %arg3[%add3A_629, %dma_wait3A_830, %dma_wait3A_831] : memref<512x384x512xf32, #tpu.memory_space<hbm>> -> memref<1x384x512xf32, #tpu.memory_space<hbm>>
    %dma_wait3A_833 = tpu.memref_squeeze %dma_wait3A_832 : memref<1x384x512xf32, #tpu.memory_space<hbm>> -> memref<384x512xf32, #tpu.memory_space<hbm>>
    %dma_wait3A_834 = arith.constant 0 : i32
    %dma_wait3A_835 = tpu.memref_slice %arg6[%dma_wait3A_829, %dma_wait3A_834, %multiple_of3A_620] : memref<4x384x1024xf32, #tpu.memory_space<vmem_shared>> -> memref<1x384x512xf32, #tpu.memory_space<vmem_shared>>
    %dma_wait3A_836 = tpu.memref_squeeze %dma_wait3A_835 : memref<1x384x512xf32, #tpu.memory_space<vmem_shared>> -> memref<384x512xf32, #tpu.memory_space<vmem_shared>>
    tpu.wait_dma2 semaphore(%arg7 : memref<!tpu.dma_semaphore, #tpu.memory_space<semaphore_mem>>) src(%dma_wait3A_836 : memref<384x512xf32, #tpu.memory_space<vmem_shared>>) dst(%dma_wait3A_833 : memref<384x512xf32, #tpu.memory_space<hbm>>)
    %dma_wait3A_837 = arith.constant 2 : i32
    %dma_wait3A_838 = arith.constant 0 : i32
    %dma_wait3A_839 = arith.constant 0 : i32
    %dma_wait3A_840 = tpu.memref_slice %arg3[%add3A_646, %dma_wait3A_838, %dma_wait3A_839] : memref<512x384x512xf32, #tpu.memory_space<hbm>> -> memref<1x384x512xf32, #tpu.memory_space<hbm>>
    %dma_wait3A_841 = tpu.memref_squeeze %dma_wait3A_840 : memref<1x384x512xf32, #tpu.memory_space<hbm>> -> memref<384x512xf32, #tpu.memory_space<hbm>>
    %dma_wait3A_842 = arith.constant 0 : i32
    %dma_wait3A_843 = tpu.memref_slice %arg6[%dma_wait3A_837, %dma_wait3A_842, %multiple_of3A_620] : memref<4x384x1024xf32, #tpu.memory_space<vmem_shared>> -> memref<1x384x512xf32, #tpu.memory_space<vmem_shared>>
    %dma_wait3A_844 = tpu.memref_squeeze %dma_wait3A_843 : memref<1x384x512xf32, #tpu.memory_space<vmem_shared>> -> memref<384x512xf32, #tpu.memory_space<vmem_shared>>
    tpu.wait_dma2 semaphore(%arg7 : memref<!tpu.dma_semaphore, #tpu.memory_space<semaphore_mem>>) src(%dma_wait3A_844 : memref<384x512xf32, #tpu.memory_space<vmem_shared>>) dst(%dma_wait3A_841 : memref<384x512xf32, #tpu.memory_space<hbm>>)
    %dma_wait3A_845 = arith.constant 1 : i32
    %dma_wait3A_846 = arith.constant 0 : i32
    %dma_wait3A_847 = arith.constant 0 : i32
    %dma_wait3A_848 = tpu.memref_slice %arg3[%add3A_663, %dma_wait3A_846, %dma_wait3A_847] : memref<512x384x512xf32, #tpu.memory_space<hbm>> -> memref<1x384x512xf32, #tpu.memory_space<hbm>>
    %dma_wait3A_849 = tpu.memref_squeeze %dma_wait3A_848 : memref<1x384x512xf32, #tpu.memory_space<hbm>> -> memref<384x512xf32, #tpu.memory_space<hbm>>
    %dma_wait3A_850 = arith.constant 0 : i32
    %dma_wait3A_851 = tpu.memref_slice %arg6[%dma_wait3A_845, %dma_wait3A_850, %multiple_of3A_620] : memref<4x384x1024xf32, #tpu.memory_space<vmem_shared>> -> memref<1x384x512xf32, #tpu.memory_space<vmem_shared>>
    %dma_wait3A_852 = tpu.memref_squeeze %dma_wait3A_851 : memref<1x384x512xf32, #tpu.memory_space<vmem_shared>> -> memref<384x512xf32, #tpu.memory_space<vmem_shared>>
    tpu.wait_dma2 semaphore(%arg7 : memref<!tpu.dma_semaphore, #tpu.memory_space<semaphore_mem>>) src(%dma_wait3A_852 : memref<384x512xf32, #tpu.memory_space<vmem_shared>>) dst(%dma_wait3A_849 : memref<384x512xf32, #tpu.memory_space<hbm>>)
    %dma_wait3A_853 = arith.constant 0 : i32
    %dma_wait3A_854 = arith.constant 0 : i32
    %dma_wait3A_855 = arith.constant 0 : i32
    %dma_wait3A_856 = tpu.memref_slice %arg3[%add3A_680, %dma_wait3A_854, %dma_wait3A_855] : memref<512x384x512xf32, #tpu.memory_space<hbm>> -> memref<1x384x512xf32, #tpu.memory_space<hbm>>
    %dma_wait3A_857 = tpu.memref_squeeze %dma_wait3A_856 : memref<1x384x512xf32, #tpu.memory_space<hbm>> -> memref<384x512xf32, #tpu.memory_space<hbm>>
    %dma_wait3A_858 = arith.constant 0 : i32
    %dma_wait3A_859 = tpu.memref_slice %arg6[%dma_wait3A_853, %dma_wait3A_858, %multiple_of3A_620] : memref<4x384x1024xf32, #tpu.memory_space<vmem_shared>> -> memref<1x384x512xf32, #tpu.memory_space<vmem_shared>>
    %dma_wait3A_860 = tpu.memref_squeeze %dma_wait3A_859 : memref<1x384x512xf32, #tpu.memory_space<vmem_shared>> -> memref<384x512xf32, #tpu.memory_space<vmem_shared>>
    tpu.wait_dma2 semaphore(%arg7 : memref<!tpu.dma_semaphore, #tpu.memory_space<semaphore_mem>>) src(%dma_wait3A_860 : memref<384x512xf32, #tpu.memory_space<vmem_shared>>) dst(%dma_wait3A_857 : memref<384x512xf32, #tpu.memory_space<hbm>>)
    %dma_wait3A_861 = arith.constant 3 : i32
    %dma_wait3A_862 = arith.constant 0 : i32
    %dma_wait3A_863 = arith.constant 0 : i32
    %dma_wait3A_864 = tpu.memref_slice %arg3[%add3A_706, %dma_wait3A_862, %dma_wait3A_863] : memref<512x384x512xf32, #tpu.memory_space<hbm>> -> memref<1x384x512xf32, #tpu.memory_space<hbm>>
    %dma_wait3A_865 = tpu.memref_squeeze %dma_wait3A_864 : memref<1x384x512xf32, #tpu.memory_space<hbm>> -> memref<384x512xf32, #tpu.memory_space<hbm>>
    %dma_wait3A_866 = arith.constant 0 : i32
    %dma_wait3A_867 = tpu.memref_slice %arg6[%dma_wait3A_861, %dma_wait3A_866, %multiple_of3A_697] : memref<4x384x1024xf32, #tpu.memory_space<vmem_shared>> -> memref<1x384x512xf32, #tpu.memory_space<vmem_shared>>
    %dma_wait3A_868 = tpu.memref_squeeze %dma_wait3A_867 : memref<1x384x512xf32, #tpu.memory_space<vmem_shared>> -> memref<384x512xf32, #tpu.memory_space<vmem_shared>>
    tpu.wait_dma2 semaphore(%arg7 : memref<!tpu.dma_semaphore, #tpu.memory_space<semaphore_mem>>) src(%dma_wait3A_868 : memref<384x512xf32, #tpu.memory_space<vmem_shared>>) dst(%dma_wait3A_865 : memref<384x512xf32, #tpu.memory_space<hbm>>)
    %dma_wait3A_869 = arith.constant 2 : i32
    %dma_wait3A_870 = arith.constant 0 : i32
    %dma_wait3A_871 = arith.constant 0 : i32
    %dma_wait3A_872 = tpu.memref_slice %arg3[%add3A_723, %dma_wait3A_870, %dma_wait3A_871] : memref<512x384x512xf32, #tpu.memory_space<hbm>> -> memref<1x384x512xf32, #tpu.memory_space<hbm>>
    %dma_wait3A_873 = tpu.memref_squeeze %dma_wait3A_872 : memref<1x384x512xf32, #tpu.memory_space<hbm>> -> memref<384x512xf32, #tpu.memory_space<hbm>>
    %dma_wait3A_874 = arith.constant 0 : i32
    %dma_wait3A_875 = tpu.memref_slice %arg6[%dma_wait3A_869, %dma_wait3A_874, %multiple_of3A_697] : memref<4x384x1024xf32, #tpu.memory_space<vmem_shared>> -> memref<1x384x512xf32, #tpu.memory_space<vmem_shared>>
    %dma_wait3A_876 = tpu.memref_squeeze %dma_wait3A_875 : memref<1x384x512xf32, #tpu.memory_space<vmem_shared>> -> memref<384x512xf32, #tpu.memory_space<vmem_shared>>
    tpu.wait_dma2 semaphore(%arg7 : memref<!tpu.dma_semaphore, #tpu.memory_space<semaphore_mem>>) src(%dma_wait3A_876 : memref<384x512xf32, #tpu.memory_space<vmem_shared>>) dst(%dma_wait3A_873 : memref<384x512xf32, #tpu.memory_space<hbm>>)
    %dma_wait3A_877 = arith.constant 1 : i32
    %dma_wait3A_878 = arith.constant 0 : i32
    %dma_wait3A_879 = arith.constant 0 : i32
    %dma_wait3A_880 = tpu.memref_slice %arg3[%add3A_740, %dma_wait3A_878, %dma_wait3A_879] : memref<512x384x512xf32, #tpu.memory_space<hbm>> -> memref<1x384x512xf32, #tpu.memory_space<hbm>>
    %dma_wait3A_881 = tpu.memref_squeeze %dma_wait3A_880 : memref<1x384x512xf32, #tpu.memory_space<hbm>> -> memref<384x512xf32, #tpu.memory_space<hbm>>
    %dma_wait3A_882 = arith.constant 0 : i32
    %dma_wait3A_883 = tpu.memref_slice %arg6[%dma_wait3A_877, %dma_wait3A_882, %multiple_of3A_697] : memref<4x384x1024xf32, #tpu.memory_space<vmem_shared>> -> memref<1x384x512xf32, #tpu.memory_space<vmem_shared>>
    %dma_wait3A_884 = tpu.memref_squeeze %dma_wait3A_883 : memref<1x384x512xf32, #tpu.memory_space<vmem_shared>> -> memref<384x512xf32, #tpu.memory_space<vmem_shared>>
    tpu.wait_dma2 semaphore(%arg7 : memref<!tpu.dma_semaphore, #tpu.memory_space<semaphore_mem>>) src(%dma_wait3A_884 : memref<384x512xf32, #tpu.memory_space<vmem_shared>>) dst(%dma_wait3A_881 : memref<384x512xf32, #tpu.memory_space<hbm>>)
    %dma_wait3A_885 = arith.constant 0 : i32
    %dma_wait3A_886 = arith.constant 0 : i32
    %dma_wait3A_887 = arith.constant 0 : i32
    %dma_wait3A_888 = tpu.memref_slice %arg3[%add3A_757, %dma_wait3A_886, %dma_wait3A_887] : memref<512x384x512xf32, #tpu.memory_space<hbm>> -> memref<1x384x512xf32, #tpu.memory_space<hbm>>
    %dma_wait3A_889 = tpu.memref_squeeze %dma_wait3A_888 : memref<1x384x512xf32, #tpu.memory_space<hbm>> -> memref<384x512xf32, #tpu.memory_space<hbm>>
    %dma_wait3A_890 = arith.constant 0 : i32
    %dma_wait3A_891 = tpu.memref_slice %arg6[%dma_wait3A_885, %dma_wait3A_890, %multiple_of3A_697] : memref<4x384x1024xf32, #tpu.memory_space<vmem_shared>> -> memref<1x384x512xf32, #tpu.memory_space<vmem_shared>>
    %dma_wait3A_892 = tpu.memref_squeeze %dma_wait3A_891 : memref<1x384x512xf32, #tpu.memory_space<vmem_shared>> -> memref<384x512xf32, #tpu.memory_space<vmem_shared>>
    tpu.wait_dma2 semaphore(%arg7 : memref<!tpu.dma_semaphore, #tpu.memory_space<semaphore_mem>>) src(%dma_wait3A_892 : memref<384x512xf32, #tpu.memory_space<vmem_shared>>) dst(%dma_wait3A_889 : memref<384x512xf32, #tpu.memory_space<hbm>>)
    return
  }
}

</mosaic_0001>

<sc_bundles>
// kernel: kernel.3.cloned.1.call-start
scs
__scs_entry_jumppad:
0x0: {  	(pc) =	sbr.rel $0x88, $3  }
0x1: {  	(tag) =	ssettag $0x0;
	lr =	simm.s32 $0x1  }
0x2: {  	[smem:$0x3FA0] =	sst lr;
	_ =	strace $0xD0000000  }
0x3: {  	_ = 	snop  }
0x4: {  	_ = 	snop  }
0x5: {  	_ = 	snop  }
0x6: {  	_ = 	snop  }
0x7: {  	_ = 	snop  }
__scs_overlays_trampoline_lowered:
0x8: {  	[smem:$0x3FAF] =	sst s0  }
0x9: {  	[smem:$0x3FB0] =	sst s1  }
0xa: {  	[smem:$0x3FB1] =	sst s2  }
0xb: {  	[smem:$0x3FB2] =	sst s3  }
0xc: {  	[smem:$0x3FB3] =	sst s4  }
0xd: {  	[smem:$0x3FB4] =	sst s5  }
0xe: {  	[smem:$0x3FB5] =	sst s6  }
0xf: {  	[smem:$0x3FB6] =	sst s7  }
0x10: {  	[smem:$0x3FB7] =	sst s8  }
0x11: {  	[smem:$0x3FB8] =	sst s9;
	s0 =	simm.s32 @!p0 $0x0  }
0x12: {  	s1 =	sld [smem:$0x3F9E];
	s0 =	simm.s32 @p0 $0x1  }
0x13: {  	[smem:$0x3FB9] =	sst s0;
	s0 =	simm.s32 @!p1 $0x0  }
0x14: {  	s2 =	sld [smem:$0x3F9D];
	s0 =	simm.s32 @p1 $0x1  }
0x15: {  	[smem:$0x3FBA] =	sst s0;
	s0 =	simm.s32 @!p2 $0x0  }
0x16: {  	s3 =	sld [smem:$0x3FDB];
	s0 =	simm.s32 @p2 $0x1  }
0x17: {  	s4 =	simm.s32 $0x1BF5;
	[smem:$0x3FBC] =	sst s0  }
0x18: {  	s0 =	sld [smem:$0x3F9F];
	_ =	swait.ge [sflag:s4], $0x0  }
0x19: {  	s7 =	sld [smem:$0x3FA0]  }
0x1a: {  	s8 =	sadd.s32 $0xFFFFE003, lr  }
0x1b: {  	s9 =	sadd.s32 $0xFFFFFEF7, lr;
	s5 =	simm.s32 $0xFFFFFFFF;
	p2 =	slt.u32 s8, $0xFFFFF086  }
0x1c: {  	p1 =	slt.u32 s9, $0xF7A;
	s5 =	simm.s32 @!p2 $0x0  }
0x1d: {  	s5 =	simm.s32 @p1 $0x1;
	p0 =	seq.s32 s7, s2  }
0x1e: {  	s7 =	smul.u32 @!p0 $0xF7A, s2;
	p2 =	seq.s32 @!p0 s5, $0x0  }
0x1f: {  	s9 =	smul.u32 $0xF7A, s1;
	s8 =	simm.s32 @!p0 $0x1BF5;
	p2 =	por !p2, p0  }
0x20: {  	[sflag:s8] =	ssyncset.s32 @!p0 $0xFFFFF086;
	s6 =	sadd.s32 @!p0 s3, s7;
	s7 =	simm.s32 @!p0 $0x108  }
0x21: {  	s3 =	sadd.s32 s3, s9;
	s6 =	sadd.s32 @!p0 $0x88, s6;
	s7 =	simm.s32 @p2 $0x1082  }
0x22: {  	[simem:s7], [sflag:s8] =	dma.local @!p0 [hbm:s6], $0xF7A  }
0x23: {  	s9 =	sor.u32 $0xD0000000, s2;
	s6 =	simm.s32 $0x108;
	_ =	swait.ge @!p0 [sflag:s8], $0x0  }
0x24: {  	s3 =	sadd.s32 $0x88, s3;
	s6 =	simm.s32 @!p1 $0x1082;
	[sflag:s4] =	ssyncset.s32 $0xFFFFF086  }
0x25: {  	[simem:s6], [sflag:s4] =	dma.local [hbm:s3], $0xF7A  }
0x26: {  	[smem:$0x3FA0] =	sst s1;
	(tag) =	ssettag s2;
	_ =	strace s9  }
0x27: {  	s1 =	sld [smem:$0x3FB0]  }
0x28: {  	s2 =	sld [smem:$0x3FB1]  }
0x29: {  	s4 =	sld [smem:$0x3FB3]  }
0x2a: {  	p0 =	seq.s32 s5, $0x0;
	s5 =	sld [smem:$0x3FB4]  }
0x2b: {  	s6 =	sld [smem:$0x3FB5]  }
0x2c: {  	s7 =	sld [smem:$0x3FB6]  }
0x2d: {  	s3 =	simm.s32 $0x108;
	s8 =	sld [smem:$0x3FB7]  }
0x2e: {  	s3 =	simm.s32 @!p0 $0x1082;
	s9 =	sld [smem:$0x3FB8]  }
0x2f: {  	lr =	sadd.s32 s0, s3;
	s0 =	sld [smem:$0x3FAF]  }
0x30: {  	s3 =	sld [smem:$0x3FB2]  }
0x31: {  	[smem:$0x3FBB] =	sst s10  }
0x32: {  	s10 =	sld [smem:$0x3FB9];
	_ =	sdelay $0x3  }
0x33: {  	p0 =	seq.s32 s10, $0x1;
	s10 =	sld [smem:$0x3FBB];
	_ =	sdelay $0x3  }
0x34: {  	[smem:$0x3FBB] =	sst s10  }
0x35: {  	s10 =	sld [smem:$0x3FBA];
	_ =	sdelay $0x3  }
0x36: {  	p1 =	seq.s32 s10, $0x1;
	s10 =	sld [smem:$0x3FBB];
	_ =	sdelay $0x3  }
0x37: {  	[smem:$0x3FBB] =	sst s10  }
0x38: {  	s10 =	sld [smem:$0x3FBC]  }
0x39: {  	_ = 	snop;
	(pc) =	sbr.ind lr, $3  }
0x3a: {  	_ = 	snop  }
0x3b: {  	_ = 	snop  }
0x3c: {  	p2 =	seq.s32 s10, $0x1;
	s10 =	sld [smem:$0x3FBB]  }
0x3d: {  	_ =	shalt  }
0x3e: {  	_ =	shalt  }
0x3f: {  	_ =	shalt  }
0x40: {  	_ =	shalt  }
0x41: {  	_ =	shalt  }
0x42: {  	_ =	shalt  }
0x43: {  	_ =	shalt  }
0x44: {  	_ =	shalt  }
0x45: {  	_ =	shalt  }
0x46: {  	_ =	shalt  }
0x47: {  	_ =	shalt  }
0x48: {  	_ =	shalt  }
0x49: {  	_ =	shalt  }
0x4a: {  	_ =	shalt  }
0x4b: {  	_ =	shalt  }
0x4c: {  	_ =	shalt  }
0x4d: {  	_ =	shalt  }
0x4e: {  	_ =	shalt  }
0x4f: {  	_ =	shalt  }
0x50: {  	_ =	shalt  }
0x51: {  	_ =	shalt  }
0x52: {  	_ =	shalt  }
0x53: {  	_ =	shalt  }
0x54: {  	_ =	shalt  }
0x55: {  	_ =	shalt  }
0x56: {  	_ =	shalt  }
0x57: {  	_ =	shalt  }
0x58: {  	_ =	shalt  }
0x59: {  	_ =	shalt  }
0x5a: {  	_ =	shalt  }
0x5b: {  	_ =	shalt  }
0x5c: {  	_ =	shalt  }
0x5d: {  	_ =	shalt  }
0x5e: {  	_ =	shalt  }
0x5f: {  	_ =	shalt  }
0x60: {  	_ =	shalt  }
0x61: {  	_ =	shalt  }
0x62: {  	_ =	shalt  }
0x63: {  	_ =	shalt  }
0x64: {  	_ =	shalt  }
0x65: {  	_ =	shalt  }
0x66: {  	_ =	shalt  }
0x67: {  	_ =	shalt  }
0x68: {  	_ =	shalt  }
0x69: {  	_ =	shalt  }
0x6a: {  	_ =	shalt  }
0x6b: {  	_ =	shalt  }
0x6c: {  	_ =	shalt  }
0x6d: {  	_ =	shalt  }
0x6e: {  	_ =	shalt  }
0x6f: {  	_ =	shalt  }
0x70: {  	_ =	shalt  }
0x71: {  	_ =	shalt  }
0x72: {  	_ =	shalt  }
0x73: {  	_ =	shalt  }
0x74: {  	_ =	shalt  }
0x75: {  	_ =	shalt  }
0x76: {  	_ =	shalt  }
0x77: {  	_ =	shalt  }
0x78: {  	_ =	shalt  }
0x79: {  	_ =	shalt  }
0x7a: {  	_ =	shalt  }
0x7b: {  	_ =	shalt  }
0x7c: {  	_ =	shalt  }
0x7d: {  	_ =	shalt  }
0x7e: {  	_ =	shalt  }
0x7f: {  	_ =	shalt  }
0x80: {  	_ =	shalt  }
0x81: {  	_ =	shalt  }
0x82: {  	_ =	shalt  }
0x83: {  	_ =	shalt  }
0x84: {  	_ =	shalt  }
0x85: {  	_ =	shalt  }
0x86: {  	_ =	shalt  }
0x87: {  	_ =	shalt  }
.Lfunc_end0:
.L_simem_size_0:
called_computation_lowered:
.L_overlay_start_0:
0x88: {  	s2 =	sld [smem:$0x3FD9]  }
0x89: {  	s3 =	sld [smem:$0x3FFE];
	_ =	sdelay $0x1  }
0x8a: {  	s1 =	srdreg.scid  }
0x8b: {  	s0 =	sand.u32 $0x1, s1  }
0x8c: {  	s17 =	sshll.u32 s0, $0xA;
	s2 =	sadd.s32 s3, s2  }
0x8d: {  	s2 =	sadd.s32 s2, s17  }
0x8e: {  	[smem:$0x3FC7] =	sst s2  }
0x8f: {  	_ = 	snop  }
0x90: {  	s2 =	sld [smem:$0x3FD0];
	(tm) =	ssettm $0x1  }
0x91: {  	s18 =	sld [smem:$0x3FFB];
	_ =	sdelay $0x3  }
0x92: {  	_ =	strace s18  }
0x93: {  	s3 =	sld [smem:$0x3FFC];
	_ =	sdelay $0x3  }
0x94: {  	_ =	strace s3  }
0x95: {  	s3 =	sld [smem:$0x3FFD];
	_ =	sdelay $0x3  }
0x96: {  	_ =	strace s3  }
0x97: {  	_ =	strace $0x8FFFFFFF  }
0x98: {  	s19 =	sld [smem:$0x3FDB];
	_ =	sdelay $0x1  }
0x99: {  	s4 =	simm.s32 $_scs_section_size  }
0x9a: {  	s5 =	simm.s32 $_size__tile_overlayer_lowered;
	s6 =	simm.s32 $_tile_overlayer_lowered  }
0x9b: {  	s22 =	simm.s32 $0x1BFF;
	s21 =	sshll.u32 s6, $0x1;
	s3 =	sadd.s32 s4, s19  }
0x9c: {  	s7 =	simm.s32 $0x0;
	s20 =	sshll.u32 s5, $0x1;
	s5 =	sadd.s32 s21, s3  }
0x9d: {  	[timem:s7], [sflag:s22] =	dma.local [hbm:s5], s20  }
0x9e: {  	_ =	swait.ge [sflag:s22], s20  }
0x9f: {  	s4 =	ssub.s32 $0x0, s20;
	[sflag:s22] =	ssyncset.done $0x0  }
0xa0: {  	[sflag:s22] =	ssyncadd.s32 s4;
	_ =	sdelay $0x1  }
0xa1: {  	s23 =	simm.s32 $0x1B8B  }
0xa2: {  	_ =	swait.ge [sflag:s23], $0x1  }
0xa3: {  	[sflag:s23] =	ssyncset.done $0x0  }
0xa4: {  	s25 =	simm.s32 $0x1B8E;
	s24 =	sld [smem:$0x3FFE];
	[sflag:s23] =	ssyncadd.s32 $0xFFFFFFFF  }
0xa5: {  	s26 =	simm.s32 $execute0_lowered;
	[smem:$0x3FD2] =	sst s25  }
0xa6: {  	s5 =	sshll.u32 s26, $0x1;
	_ =	strace $0x80000046;
	[dreg:$0x1] =	wrdreg $0xFFFFFFFF  }
0xa7: {  	s28 =	simm.s32 $_size_execute0_lowered;
	s3 =	sadd.s32 s3, s5;
	[dreg:$0x0] =	wrdreg $0x0  }
0xa8: {  	s5 =	sshll.u32 s28, $0x1;
	[dreg:$0x2] =	wrdreg s3  }
0xa9: {  	[dreg:$0x3] =	wrdreg s5  }
0xaa: {  	[dreg:$0x4] =	wrdreg $0xC0  }
0xab: {  	_ =	task [dreg:s7], $0x5FFFF  }
0xac: {  	[dreg:$0x1] =	wrdreg $0xFFFFFFFF  }
0xad: {  	[dreg:$0x0] =	wrdreg $0x60  }
0xae: {  	[dreg:$0x2] =	wrdreg s2  }
0xaf: {  	[dreg:$0x3] =	wrdreg s24  }
0xb0: {  	[dreg:$0x4] =	wrdreg $0x78000  }
0xb1: {  	[dreg:$0x5] =	wrdreg $0x9  }
0xb2: {  	_ =	task.clear_ibuf [dreg:s7], $0x6FFFF;
	_ =	strace $0x90000046  }
0xb3: {  	s29 =	simm.s32 $0x9;
	_ =	strace $0x80000048  }
0xb4: {  	_ =	swait.ge [sflag:s29], $0x1  }
0xb5: {  	[sflag:s29] =	ssyncadd.s32 $0xFFFFFFFF  }
0xb6: {  	_ =	strace $0x90000048  }
0xb7: {  	_ =	sfence  }
0xb8: {  	s30 =	sld [smem:$0x0];
	_ =	sdelay $0x2  }
0xb9: {  	s31 =	sshll.u32 s1, $0xD;
	s1 =	sshrl.u32 s1, $0x2  }
0xba: {  	s3 =	sand.u32 $0x4000, s31;
	s1 =	sadd.s32 s1, s30  }
0xbb: {  	s0 =	sor.u32 s3, s0;
	s1 =	sshll.u32 s1, $0x11  }
0xbc: {  	s0 =	sor.u32 s1, s0  }
0xbd: {  	s0 =	sadd.s32 $0x8F2B, s0  }
0xbe: {  	[sflag:s0] =	ssyncadd.remote.s32 $0x1  }
0xbf: {  	_ =	sfence.sel $0xFFFF  }
0xc0: {  	[dreg:$0x0] =	wrdreg $0xFFFFFFFF;
	(pc) =	sbr.abs _section_cstart, $3  }
0xc1: {  	[dreg:$0x1] =	wrdreg $0xFFFFFFFF  }
0xc2: {  	_ =	task.clear_ibuf [dreg:s7], $0x2FFFF;
	_ =	strace $0x9FFFFFFF  }
0xc3: {  	(tm) =	ssettm $0x7FFFFFFF  }
tec
execute0_lowered:
.L_overlay_start_1:
0x0: {  	(tag) =	ssettag $0x1  }
0x1: {  	s1 =	rddreg [dreg:$0x0];
	s10 =	stileid.u32  }
0x2: {  	s0 =	rddreg [dreg:$0x1];
	s2 =	sshll.u32 s10, $0x6  }
0x3: {  	s4 =	rddreg [dreg:$0x2];
	s5 =	srdreg.scid;
	s6 =	ssub.s32 $0x239, s2  }
0x4: {  	s3 =	simm.s32 $0x0;
	s5 =	sand.u32 $0x1, s5;
	p0 =	sgt.s32 s6, $0x0  }
0x5: {  	s10 =	sshll.u32 s10, $0x5;
	s7 =	sshll.u32 s5, $0x2;
	s6 =	simm.s32 @!p0 $0x0  }
0x6: {  	s8 =	sor.u32 s2, s7;
	s7 =	ssub.s32 s10, s7;
	s6 =	smin.u32 s6, $0xB9  }
0x7: {  	[smem:$0x7FF] =	sst s3;
	s7 =	sadd.s32 $0x4, s7;
	s11 =	smul.u32 $0x30, s6  }
0x8: {  	s12 =	sadd.s32 $0x400, s0;
	s5 =	ssub.s32 $0x2, s5;
	s25 =	smul.u32 $0x30000, s7  }
0x9: {  	_ =	strace $0x80000047;
	s24 =	sshrl.u32 s5, $0x1;
	s1 =	sadd.s32 s1, s11  }
0xa: {  	s0 =	ssub.s32 s5, s24;
	[dreg:$0x4] =	wrdreg s1;
	s1 =	sshrl.u32 s25, $0x3  }
0xb: {  	s0 =	smax.u32 s0, $0x1;
	s1 =	sadd.s32 s12, s1  }
0xc: {  	[dreg:$0x13] =	wrdreg s0;
	s14 =	sadd.s32 $0xC000, s1  }
0xd: {  	s15 =	sadd.s32 $0x12000, s1;
	[dreg:$0x5] =	wrdreg s14  }
0xe: {  	s16 =	sadd.s32 $0x30000, s1;
	[dreg:$0x6] =	wrdreg s15  }
0xf: {  	s17 =	sadd.s32 $0x36000, s1;
	[dreg:$0x7] =	wrdreg s16  }
0x10: {  	s18 =	sadd.s32 $0x3C000, s1;
	[dreg:$0x8] =	wrdreg s17  }
0x11: {  	s19 =	sadd.s32 $0x42000, s1;
	[dreg:$0x9] =	wrdreg s18  }
0x12: {  	v0 =	vlaneseq.u32;
	s9 =	ssub.s32 $0x27F, s8;
	s21 =	sadd.s32 $0x60000, s1;
	[dreg:$0xa] =	wrdreg s19  }
0x13: {  	v0 =	vmul.u32 $0xFFFFFFFF, v0;
	s5 =	sadd.s32 s2, s4;
	s22 =	sadd.s32 $0x66000, s1;
	[dreg:$0xb] =	wrdreg s21  }
0x14: {  	s26 =	ssub.s32 $0x27E, s8;
	s23 =	sadd.s32 $0x6C000, s1;
	[dreg:$0xc] =	wrdreg s22  }
0x15: {  	v2 =	vadd.s32 $0xFFFFFFF0, v0;
	s13 =	ssub.s32 $0x27D, s8;
	s24 =	sadd.s32 $0x72000, s1;
	[dreg:$0xd] =	wrdreg s23  }
0x16: {  	v4 =	vadd.s32 $0xFFFFFFE0, v0;
	v6 =	vadd.s32 $0xFFFFFFD0, v0;
	s4 =	ssub.s32 s4, s10;
	v8 =	vadd.s32 s26, v0;
	s25 =	sadd.s32 $0x90000, s1;
	[dreg:$0xe] =	wrdreg s24  }
0x17: {  	s7 =	smul.u32 $0x6000, s7;
	v9 =	vadd.s32 s26, v2;
	v10 =	vadd.s32 s26, v4;
	v11 =	vadd.s32 s26, v6;
	s26 =	sadd.s32 $0x96000, s1;
	[dreg:$0xf] =	wrdreg s25  }
0x18: {  	v12 =	vmov s6;
	s6 =	sadd.s32 $0x1201F8, s4;
	s11 =	sadd.s32 $0x9C000, s1;
	[dreg:$0x10] =	wrdreg s26  }
0x19: {  	s20 =	sadd.s32 s12, s7;
	s1 =	sadd.s32 $0xA2000, s1;
	[dreg:$0x11] =	wrdreg s11  }
0x1a: {  	v1 =	vadd.s32 s9, v0;
	s7 =	sadd.s32 $0xC01F8, s4;
	[dreg:$0x12] =	wrdreg s1;
	s25 =	sshrl.u32 s6, $0x3  }
0x1b: {  	v3 =	vadd.s32 s9, v2;
	v5 =	vadd.s32 s9, v4;
	v7 =	vadd.s32 s9, v6;
	s9 =	sadd.s32 $0x601F8, s4;
	s26 =	sshrl.u32 s7, $0x3;
	[dreg:$0x14] =	wrdreg s25  }
0x1c: {  	v13 =	vadd.s32 s13, v0;
	s12 =	sadd.s32 $0x1F8, s4;
	s6 =	sshrl.u32 s9, $0x3;
	[dreg:$0x15] =	wrdreg s26  }
0x1d: {  	v14 =	vadd.s32 s13, v2;
	v15 =	vadd.s32 s13, v4;
	v16 =	vadd.s32 s13, v6;
	s13 =	sadd.s32 $0x1201F0, s4;
	s7 =	sshrl.u32 s12, $0x3;
	[dreg:$0x16] =	wrdreg s6  }
0x1e: {  	s9 =	sshrl.u32 s13, $0x3;
	[dreg:$0x17] =	wrdreg s7  }
0x1f: {  	s8 =	ssub.s32 $0x27C, s8;
	s11 =	sadd.s32 $0x24000, s5;
	[dreg:$0x18] =	wrdreg s9  }
0x20: {  	s29 =	sadd.s32 $0xD8000, s5;
	s12 =	sadd.s32 $0x30000, s5;
	[smem:$0x7EF] =	sst s11  }
0x21: {  	s21 =	sadd.s32 $0xC01F0, s4;
	s13 =	sadd.s32 $0x3C000, s5;
	[smem:$0x7F0] =	sst s12  }
0x22: {  	v17 =	vadd.s32 s8, v0;
	v18 =	vadd.s32 s8, v2;
	v19 =	vadd.s32 s8, v4;
	s22 =	sadd.s32 $0x601F0, s4;
	s10 =	sshrl.u32 s21, $0x3;
	[smem:$0x7F1] =	sst s13  }
0x23: {  	v20 =	vadd.s32 s8, v6;
	vm0 =	vgt.s32 v1, $0x0;
	vm13 =	vgt.s32 v3, $0x0;
	s23 =	sadd.s32 $0x1F0, s4;
	s21 =	sshrl.u32 s22, $0x3;
	[dreg:$0x19] =	wrdreg s10  }
0x24: {  	vm14 =	vgt.s32 v5, $0x0;
	vm15 =	vgt.s32 v7, $0x0;
	vm4 =	vgt.s32 v8, $0x0;
	s24 =	sadd.s32 $0x1201E8, s4;
	s22 =	sshrl.u32 s23, $0x3;
	[dreg:$0x1a] =	wrdreg s21  }
0x25: {  	vm5 =	vgt.s32 v9, $0x0;
	vm6 =	vgt.s32 v10, $0x0;
	vm7 =	vgt.s32 v11, $0x0;
	s14 =	sadd.s32 $0xC01E8, s4;
	s23 =	sshrl.u32 s24, $0x3;
	[dreg:$0x1b] =	wrdreg s22  }
0x26: {  	vm8 =	vgt.s32 v13, $0x0;
	vm9 =	vgt.s32 v14, $0x0;
	vm10 =	vgt.s32 v15, $0x0;
	s15 =	sadd.s32 $0x601E8, s4;
	s24 =	sshrl.u32 s14, $0x3;
	[dreg:$0x1c] =	wrdreg s23  }
0x27: {  	vm11 =	vgt.s32 v16, $0x0;
	vm12 =	vgt.s32 v17, $0x0;
	v1 =	vnsel vm0, $0x0, v1;
	s16 =	sadd.s32 $0x1E8, s4;
	s25 =	sshrl.u32 s15, $0x3;
	[dreg:$0x1d] =	wrdreg s24  }
0x28: {  	v3 =	vnsel vm13, $0x0, v3;
	v5 =	vnsel vm14, $0x0, v5;
	v7 =	vnsel vm15, $0x0, v7;
	s17 =	sadd.s32 $0x1201E0, s4;
	s26 =	sshrl.u32 s16, $0x3;
	[dreg:$0x1e] =	wrdreg s25  }
0x29: {  	v6 =	vnsel vm6, $0x0, v10;
	v10 =	vnsel vm10, $0x0, v15;
	vm13 =	vgt.s32 v18, $0x0;
	s18 =	sadd.s32 $0xC01E0, s4;
	s1 =	sshrl.u32 s17, $0x3;
	[dreg:$0x1f] =	wrdreg s26  }
0x2a: {  	vm14 =	vgt.s32 v19, $0x0;
	vm15 =	vgt.s32 v20, $0x0;
	v1 =	vmin.u32 v1, $0x100;
	s19 =	sadd.s32 $0x601E0, s4;
	s6 =	sshrl.u32 s18, $0x3;
	[smem:$0x7E9] =	sst s1  }
0x2b: {  	v3 =	vmin.u32 v3, $0x100;
	v0 =	vmin.u32 v5, $0x100;
	v5 =	vnsel vm5, $0x0, v9;
	s4 =	sadd.s32 $0x1E0, s4;
	s7 =	sshrl.u32 s19, $0x3;
	[smem:$0x7EA] =	sst s6  }
0x2c: {  	s30 =	sadd.s32 $0xE4000, s5;
	v6 =	vmin.u32 v6, $0x100;
	v9 =	vnsel vm9, $0x0, v14;
	v10 =	vmin.u32 v10, $0x100;
	s8 =	sshrl.u32 s4, $0x3;
	[smem:$0x7EB] =	sst s7  }
0x2d: {  	s31 =	sadd.s32 $0xF0000, s5;
	v14 =	vnsel vm13, $0x0, v18;
	v15 =	vnsel vm14, $0x0, v19;
	v1 =	vsub.s32 v1, v12;
	s9 =	sadd.s32 $0xC000, s5;
	[smem:$0x7EC] =	sst s8  }
0x2e: {  	s0 =	sadd.s32 $0xFC000, s5;
	v2 =	vsub.s32 v3, v12;
	v3 =	vmin.u32 v7, $0x100;
	v4 =	vsub.s32 v0, v12;
	s14 =	sadd.s32 $0x48000, s5;
	[smem:$0x7ED] =	sst s9  }
0x2f: {  	s28 =	smov.u32 s20;
	v5 =	vmin.u32 v5, $0x100;
	v7 =	vnsel vm7, $0x0, v11;
	v6 =	vsub.s32 v6, v12;
	s15 =	sadd.s32 $0x54000, s5;
	[smem:$0x7F2] =	sst s14  }
0x30: {  	v11 =	vnsel vm11, $0x0, v16;
	v9 =	vmin.u32 v9, $0x100;
	v10 =	vsub.s32 v10, v12;
	s16 =	sadd.s32 $0x60000, s5;
	s17 =	sadd.s32 $0x6C000, s5;
	[smem:$0x7F3] =	sst s15  }
0x31: {  	v14 =	vmin.u32 v14, $0x100;
	v16 =	vnsel vm15, $0x0, v20;
	v15 =	vmin.u32 v15, $0x100;
	s18 =	sadd.s32 $0x78000, s5;
	s19 =	sadd.s32 $0x84000, s5;
	[smem:$0x7F4] =	sst s16  }
0x32: {  	v3 =	vsub.s32 v3, v12;
	v0 =	vmul.u32 $0x180, v1;
	v1 =	vmul.u32 $0x180, v2;
	s4 =	sadd.s32 $0x114000, s5;
	s11 =	sadd.s32 $0x150000, s5;
	[smem:$0x7F5] =	sst s17  }
0x33: {  	v2 =	vmul.u32 $0x180, v4;
	v4 =	vnsel vm4, $0x0, v8;
	v5 =	vsub.s32 v5, v12;
	s12 =	sadd.s32 $0x15C000, s5;
	s13 =	sadd.s32 $0x168000, s5;
	[smem:$0x7F6] =	sst s18  }
0x34: {  	v7 =	vmin.u32 v7, $0x100;
	v8 =	vnsel vm8, $0x0, v13;
	v6 =	vmul.u32 $0x180, v6;
	s10 =	sadd.s32 $0x18000, s5;
	[smem:$0x7F7] =	sst s19;
	s21 =	sadd.s32 $0x90000, s5  }
0x35: {  	v11 =	vmin.u32 v11, $0x100;
	v9 =	vsub.s32 v9, v12;
	v10 =	vmul.u32 $0x180, v10;
	s22 =	sadd.s32 $0x9C000, s5;
	s23 =	sadd.s32 $0xA8000, s5;
	s24 =	sadd.s32 $0xB4000, s5  }
0x36: {  	v13 =	vnsel vm12, $0x0, v17;
	v14 =	vsub.s32 v14, v12;
	v16 =	vmin.u32 v16, $0x100;
	s25 =	sadd.s32 $0xC0000, s5;
	s26 =	sadd.s32 $0xCC000, s5;
	[smem:$0x7EE] =	sst s10  }
0x37: {  	v15 =	vsub.s32 v15, v12;
	v3 =	vmul.u32 $0x180, v3;
	v4 =	vmin.u32 v4, $0x100;
	s1 =	sadd.s32 $0x108000, s5;
	s7 =	sadd.s32 $0x120000, s5;
	[smem:$0x7F8] =	sst s21  }
0x38: {  	v7 =	vsub.s32 v7, v12;
	v5 =	vmul.u32 $0x180, v5;
	v8 =	vmin.u32 v8, $0x100;
	s8 =	sadd.s32 $0x12C000, s5;
	s9 =	sadd.s32 $0x138000, s5;
	[smem:$0x7F9] =	sst s22  }
0x39: {  	v11 =	vsub.s32 v11, v12;
	v9 =	vmul.u32 $0x180, v9;
	v13 =	vmin.u32 v13, $0x100;
	s14 =	sadd.s32 $0x174000, s5;
	s15 =	sadd.s32 $0x6000, s20;
	[smem:$0x7FA] =	sst s23  }
0x3a: {  	v16 =	vsub.s32 v16, v12;
	v4 =	vsub.s32 v4, v12;
	v7 =	vmul.u32 $0x180, v7;
	s16 =	simm.s32 $0x2;
	s17 =	simm.s32 $0x40;
	[smem:$0x7FB] =	sst s24  }
0x3b: {  	v8 =	vsub.s32 v8, v12;
	v11 =	vmul.u32 $0x180, v11;
	v13 =	vsub.s32 v13, v12;
	s18 =	simm.s32 $0x400;
	s19 =	simm.s32 $0x6C00;
	[smem:$0x7FC] =	sst s25  }
0x3c: {  	v4 =	vmul.u32 $0x180, v4;
	v8 =	vmul.u32 $0x180, v8;
	v12 =	vmul.u32 $0x180, v13;
	s20 =	simm.s32 $0x4;
	s6 =	simm.s32 $0x80;
	[smem:$0x7FD] =	sst s26  }
0x3d: {  	v13 =	vmul.u32 $0x180, v14;
	v14 =	vmul.u32 $0x180, v15;
	v15 =	vmul.u32 $0x180, v16;
	s10 =	sadd.s32 $0x144000, s5;
	s21 =	simm.s32 $0x1;
	s22 =	simm.s32 $0x0  }
.LBB2_1:
0x3e: {  	v16 =	vmov s3;
	s24 =	sand.u32 $0xFFFFFFE0, s3  }
0x3f: {  	v17 =	vand.u32 $0x18, v16;
	v18 =	vadd.s32 s24, v0  }
0x40: {  	v16 =	vand.u32 $0x7, v16;
	v18 =	vor.u32 v17, v18  }
0x41: {  	s23 =	rddreg [dreg:$0x4];
	v18 =	vor.u32 v16, v18  }
0x42: {  	[tilespmem:s3], [sflag:$0x2] =	stream.linear.gather [hbm4b:s23+s3], $0x6C00, $0x38;
	[tilespmem:$0x1F800] =	vst v63  }
0x43: {  	_ =	swait.ge [sflag:s16], $0x6C00  }
0x44: {  	[sflag:s16] =	ssyncset.done $0x0  }
0x45: {  	v19 =	vadd.s32 s24, v1;
	[sflag:s16] =	ssyncadd.s32 $0xFFFF9400  }
0x46: {  	v19 =	vor.u32 v17, v19;
	v18 =	vld.idx.msk [tilespmem:v18+s3+$0x0], $0xffff  }
0x47: {  	v19 =	vor.u32 v16, v19;
	_ =	sdelay $0x2  }
0x48: {  	s23 =	simm.s32 $0x6C20  }
0x49: {  	[tilespmem:s23+$0xFFFFFFE0] =	vst v18;
	v18 =	vadd.s32 s24, v2  }
0x4a: {  	v19 =	vld.idx.msk [tilespmem:v19+s3+$0x0], $0xffff;
	v18 =	vor.u32 v17, v18  }
0x4b: {  	v18 =	vor.u32 v16, v18;
	_ =	sdelay $0x3  }
0x4c: {  	[tilespmem:s23+$0xFFFFFFF0] =	vst v19;
	v19 =	vadd.s32 s24, v3  }
0x4d: {  	v18 =	vld.idx.msk [tilespmem:v18+s3+$0x0], $0xffff;
	v17 =	vor.u32 v17, v19  }
0x4e: {  	v16 =	vor.u32 v16, v17;
	_ =	sdelay $0x2  }
0x4f: {  	s26 =	simm.s32 $0x1  }
0x50: {  	s25 =	simm.s32 $0x2;
	s24 =	sand.u32 $0xFFFFFFE0, s26;
	v17 =	vmov s26;
	[tilespmem:s23+$0x0] =	vst v18  }
.LBB2_2:
0x51: {  	p0 =	sne.s32 s25, $0x2F;
	v18 =	vand.u32 $0x18, v17;
	v19 =	vadd.s32 s24, v0;
	v16 =	vld.idx.msk [tilespmem:v16+s3+$0x0], $0xffff  }
0x52: {  	v17 =	vand.u32 $0x7, v17;
	v19 =	vor.u32 v18, v19  }
0x53: {  	v19 =	vor.u32 v17, v19;
	_ =	sdelay $0x3  }
0x54: {  	[tilespmem:s23+$0x10] =	vst v16  }
0x55: {  	v16 =	vld.idx.msk [tilespmem:v19+s3+$0x0], $0xffff;
	v19 =	vadd.s32 s24, v1  }
0x56: {  	v19 =	vor.u32 v18, v19  }
0x57: {  	v19 =	vor.u32 v17, v19;
	_ =	sdelay $0x2  }
0x58: {  	s23 =	sadd.s32 $0x40, s23  }
0x59: {  	[tilespmem:s23+$0xFFFFFFE0] =	vst v16  }
0x5a: {  	v16 =	vld.idx.msk [tilespmem:v19+s3+$0x0], $0xffff;
	v19 =	vadd.s32 s24, v2  }
0x5b: {  	v19 =	vor.u32 v18, v19  }
0x5c: {  	v19 =	vor.u32 v17, v19;
	_ =	sdelay $0x3  }
0x5d: {  	[tilespmem:s23+$0xFFFFFFF0] =	vst v16  }
0x5e: {  	v16 =	vadd.s32 s24, v3;
	v19 =	vld.idx.msk [tilespmem:v19+s3+$0x0], $0xffff  }
0x5f: {  	v16 =	vor.u32 v18, v16  }
.Ltmp0:
0x60: {  	v16 =	vor.u32 v17, v16;
	(pc) =	sbr.rel @p0 .LBB2_2-.Ltmp0, $2  }
0x61: {  	_ =	sdelay $0x2  }
0x62: {  	s24 =	sand.u32 $0xFFFFFFE0, s25;
	v17 =	vmov s25;
	s25 =	sadd.s32 $0x1, s25;
	[tilespmem:s23+$0x0] =	vst v19  }
0x63: {  	_ =	sdelay $0x2  }
0x64: {  	v18 =	vand.u32 $0x18, v17;
	v19 =	vadd.s32 s24, v0  }
0x65: {  	v16 =	vld.idx.msk [tilespmem:v16+s3+$0x0], $0xffff;
	v17 =	vand.u32 $0x7, v17;
	v19 =	vor.u32 v18, v19  }
0x66: {  	v19 =	vor.u32 v17, v19;
	_ =	sdelay $0x3  }
0x67: {  	[tilespmem:s23+$0x10] =	vst v16;
	v16 =	vadd.s32 s24, v1  }
0x68: {  	v16 =	vor.u32 v18, v16;
	v19 =	vld.idx.msk [tilespmem:v19+s3+$0x0], $0xffff  }
0x69: {  	v16 =	vor.u32 v17, v16;
	_ =	sdelay $0x2  }
0x6a: {  	s26 =	sadd.s32 $0x40, s23  }
0x6b: {  	[tilespmem:s26+$0xFFFFFFE0] =	vst v19;
	v19 =	vadd.s32 s24, v2  }
0x6c: {  	v16 =	vld.idx.msk [tilespmem:v16+s3+$0x0], $0xffff;
	v19 =	vor.u32 v18, v19  }
0x6d: {  	v19 =	vor.u32 v17, v19;
	_ =	sdelay $0x3  }
0x6e: {  	[tilespmem:s26+$0xFFFFFFF0] =	vst v16;
	v16 =	vadd.s32 s24, v3  }
0x6f: {  	v19 =	vld.idx.msk [tilespmem:v19+s3+$0x0], $0xffff;
	v16 =	vor.u32 v18, v16  }
0x70: {  	v16 =	vor.u32 v17, v16;
	_ =	sdelay $0x3  }
0x71: {  	[tilespmem:s26+$0x0] =	vst v19  }
0x72: {  	v16 =	vld.idx.msk [tilespmem:v16+s3+$0x0], $0xffff  }
0x73: {  	s25 =	simm.s32 $0x30  }
0x74: {  	s24 =	sand.u32 $0xFFFFFFE0, s25;
	v17 =	vmov s25  }
0x75: {  	v18 =	vand.u32 $0x18, v17;
	v19 =	vadd.s32 s24, v0  }
0x76: {  	v17 =	vand.u32 $0x7, v17;
	v19 =	vor.u32 v18, v19  }
0x77: {  	[tilespmem:s26+$0x10] =	vst v16;
	v16 =	vor.u32 v17, v19  }
0x78: {  	[spmem:s5] =	stream.strided.scatter [tilespmem:s19], [sflag:$0x2], $0xC00, s18, s17, $0x38;
	[tilespmem:$0x1F800] =	vst v63  }
0x79: {  	_ =	swait.ge [sflag:s16], $0xC00  }
0x7a: {  	[sflag:s16] =	ssyncset.done $0x0  }
0x7b: {  	v19 =	vadd.s32 s24, v1;
	[sflag:s16] =	ssyncadd.s32 $0xFFFFF400  }
0x7c: {  	v19 =	vor.u32 v18, v19;
	v16 =	vld.idx.msk [tilespmem:v16+s3+$0x0], $0xffff  }
0x7d: {  	v19 =	vor.u32 v17, v19;
	_ =	sdelay $0x2  }
0x7e: {  	s23 =	simm.s32 $0x6C20  }
0x7f: {  	[tilespmem:s23+$0xFFFFFFE0] =	vst v16;
	v16 =	vadd.s32 s24, v2  }
0x80: {  	v19 =	vld.idx.msk [tilespmem:v19+s3+$0x0], $0xffff;
	v16 =	vor.u32 v18, v16  }
0x81: {  	v16 =	vor.u32 v17, v16;
	_ =	sdelay $0x3  }
0x82: {  	[tilespmem:s23+$0xFFFFFFF0] =	vst v19  }
0x83: {  	v19 =	vld.idx.msk [tilespmem:v16+s3+$0x0], $0xffff;
	v16 =	vadd.s32 s24, v3  }
0x84: {  	v16 =	vor.u32 v18, v16  }
0x85: {  	v16 =	vor.u32 v17, v16;
	_ =	sdelay $0x2  }
0x86: {  	s26 =	simm.s32 $0x31  }
0x87: {  	s25 =	simm.s32 $0x32;
	s24 =	sand.u32 $0xFFFFFFE0, s26;
	v17 =	vmov s26;
	[tilespmem:s23+$0x0] =	vst v19  }
.LBB2_4:
0x88: {  	p0 =	sne.s32 s25, $0x5F;
	v18 =	vand.u32 $0x18, v17;
	v19 =	vadd.s32 s24, v0;
	v16 =	vld.idx.msk [tilespmem:v16+s3+$0x0], $0xffff  }
0x89: {  	v17 =	vand.u32 $0x7, v17;
	v19 =	vor.u32 v18, v19  }
0x8a: {  	v19 =	vor.u32 v17, v19;
	_ =	sdelay $0x3  }
0x8b: {  	[tilespmem:s23+$0x10] =	vst v16  }
0x8c: {  	v16 =	vld.idx.msk [tilespmem:v19+s3+$0x0], $0xffff;
	v19 =	vadd.s32 s24, v1  }
0x8d: {  	v19 =	vor.u32 v18, v19  }
0x8e: {  	v19 =	vor.u32 v17, v19;
	_ =	sdelay $0x2  }
0x8f: {  	s23 =	sadd.s32 $0x40, s23  }
0x90: {  	[tilespmem:s23+$0xFFFFFFE0] =	vst v16  }
0x91: {  	v16 =	vld.idx.msk [tilespmem:v19+s3+$0x0], $0xffff;
	v19 =	vadd.s32 s24, v2  }
0x92: {  	v19 =	vor.u32 v18, v19  }
0x93: {  	v19 =	vor.u32 v17, v19;
	_ =	sdelay $0x3  }
0x94: {  	[tilespmem:s23+$0xFFFFFFF0] =	vst v16  }
0x95: {  	v16 =	vadd.s32 s24, v3;
	v19 =	vld.idx.msk [tilespmem:v19+s3+$0x0], $0xffff  }
0x96: {  	v16 =	vor.u32 v18, v16  }
.Ltmp1:
0x97: {  	v16 =	vor.u32 v17, v16;
	(pc) =	sbr.rel @p0 .LBB2_4-.Ltmp1, $2  }
0x98: {  	_ =	sdelay $0x2  }
0x99: {  	s24 =	sand.u32 $0xFFFFFFE0, s25;
	v17 =	vmov s25;
	s25 =	sadd.s32 $0x1, s25;
	[tilespmem:s23+$0x0] =	vst v19  }
0x9a: {  	_ =	sdelay $0x2  }
0x9b: {  	v18 =	vand.u32 $0x18, v17;
	v19 =	vadd.s32 s24, v0  }
0x9c: {  	v16 =	vld.idx.msk [tilespmem:v16+s3+$0x0], $0xffff;
	v17 =	vand.u32 $0x7, v17;
	v19 =	vor.u32 v18, v19  }
0x9d: {  	v19 =	vor.u32 v17, v19;
	_ =	sdelay $0x3  }
0x9e: {  	[tilespmem:s23+$0x10] =	vst v16;
	v16 =	vadd.s32 s24, v1  }
0x9f: {  	v16 =	vor.u32 v18, v16;
	v19 =	vld.idx.msk [tilespmem:v19+s3+$0x0], $0xffff  }
0xa0: {  	v16 =	vor.u32 v17, v16;
	_ =	sdelay $0x2  }
0xa1: {  	s23 =	sadd.s32 $0x40, s23  }
0xa2: {  	[tilespmem:s23+$0xFFFFFFE0] =	vst v19;
	v19 =	vadd.s32 s24, v2  }
0xa3: {  	v16 =	vld.idx.msk [tilespmem:v16+s3+$0x0], $0xffff;
	v19 =	vor.u32 v18, v19  }
0xa4: {  	v19 =	vor.u32 v17, v19;
	_ =	sdelay $0x3  }
0xa5: {  	[tilespmem:s23+$0xFFFFFFF0] =	vst v16;
	v16 =	vadd.s32 s24, v3  }
0xa6: {  	v19 =	vld.idx.msk [tilespmem:v19+s3+$0x0], $0xffff;
	v16 =	vor.u32 v18, v16  }
0xa7: {  	v16 =	vor.u32 v17, v16;
	_ =	sdelay $0x3  }
0xa8: {  	[tilespmem:s23+$0x0] =	vst v19  }
0xa9: {  	v16 =	vld.idx.msk [tilespmem:v16+s3+$0x0], $0xffff  }
0xaa: {  	s26 =	simm.s32 $0x0;
	s25 =	simm.s32 $0x60  }
0xab: {  	s25 =	sand.u32 $0xFFFFFFE0, s25;
	v17 =	vmov s26  }
0xac: {  	s26 =	sld [smem:$0x7ED];
	v18 =	vand.u32 $0x18, v17;
	v19 =	vadd.s32 s25, v0  }
0xad: {  	v20 =	vand.u32 $0x7, v17;
	v17 =	vor.u32 v18, v19  }
0xae: {  	[tilespmem:s23+$0x10] =	vst v16;
	v16 =	vor.u32 v20, v17  }
0xaf: {  	[spmem:s26] =	stream.strided.scatter [tilespmem:s19], [sflag:$0x2], $0xC00, s18, s17, $0x38;
	[tilespmem:$0x1F800] =	vst v63  }
0xb0: {  	_ =	swait.ge [sflag:s16], $0xC00  }
0xb1: {  	[sflag:s16] =	ssyncset.done $0x0  }
0xb2: {  	v17 =	vadd.s32 s25, v1;
	[sflag:s16] =	ssyncadd.s32 $0xFFFFF400  }
0xb3: {  	v17 =	vor.u32 v18, v17;
	v16 =	vld.idx.msk [tilespmem:v16+s3+$0x0], $0xffff  }
0xb4: {  	v17 =	vor.u32 v20, v17;
	_ =	sdelay $0x2  }
0xb5: {  	s23 =	simm.s32 $0x6C20  }
0xb6: {  	[tilespmem:s23+$0xFFFFFFE0] =	vst v16;
	v16 =	vadd.s32 s25, v2  }
0xb7: {  	v17 =	vld.idx.msk [tilespmem:v17+s3+$0x0], $0xffff;
	v16 =	vor.u32 v18, v16  }
0xb8: {  	v16 =	vor.u32 v20, v16;
	_ =	sdelay $0x3  }
0xb9: {  	v19 =	vadd.s32 s25, v3;
	[tilespmem:s23+$0xFFFFFFF0] =	vst v17  }
0xba: {  	v18 =	vor.u32 v18, v19;
	v17 =	vld.idx.msk [tilespmem:v16+s3+$0x0], $0xffff  }
0xbb: {  	v16 =	vor.u32 v20, v18;
	_ =	sdelay $0x2  }
0xbc: {  	s24 =	simm.s32 $0x1;
	s26 =	simm.s32 $0x61;
	s25 =	simm.s32 $0x2  }
.LBB2_6:
0xbd: {  	p0 =	sne.s32 s25, $0x2F;
	v18 =	vmov s24;
	s26 =	sand.u32 $0xFFFFFFE0, s26;
	[tilespmem:s23+$0x0] =	vst v17;
	s24 =	smov.u32 s25  }
0xbe: {  	v19 =	vand.u32 $0x18, v18;
	v17 =	vadd.s32 s26, v0;
	v16 =	vld.idx.msk [tilespmem:v16+s3+$0x0], $0xffff  }
0xbf: {  	v18 =	vand.u32 $0x7, v18;
	v17 =	vor.u32 v19, v17  }
0xc0: {  	v17 =	vor.u32 v18, v17;
	_ =	sdelay $0x3  }
0xc1: {  	[tilespmem:s23+$0x10] =	vst v16  }
0xc2: {  	v16 =	vld.idx.msk [tilespmem:v17+s3+$0x0], $0xffff;
	v17 =	vadd.s32 s26, v1  }
0xc3: {  	v17 =	vor.u32 v19, v17  }
0xc4: {  	v17 =	vor.u32 v18, v17;
	_ =	sdelay $0x2  }
0xc5: {  	s23 =	sadd.s32 $0x40, s23  }
0xc6: {  	[tilespmem:s23+$0xFFFFFFE0] =	vst v16  }
0xc7: {  	v16 =	vld.idx.msk [tilespmem:v17+s3+$0x0], $0xffff;
	v17 =	vadd.s32 s26, v2  }
0xc8: {  	v17 =	vor.u32 v19, v17  }
0xc9: {  	v17 =	vor.u32 v18, v17;
	_ =	sdelay $0x3  }
0xca: {  	[tilespmem:s23+$0xFFFFFFF0] =	vst v16  }
0xcb: {  	v16 =	vadd.s32 s26, v3;
	v17 =	vld.idx.msk [tilespmem:v17+s3+$0x0], $0xffff  }
.Ltmp2:
0xcc: {  	v16 =	vor.u32 v19, v16;
	(pc) =	sbr.rel @p0 .LBB2_6-.Ltmp2, $2  }
0xcd: {  	v16 =	vor.u32 v18, v16;
	_ =	sdelay $0x2  }
0xce: {  	s25 =	sadd.s32 $0x1, s25;
	s26 =	sadd.s32 $0x60, s24  }
0xcf: {  	_ =	sdelay $0x1  }
0xd0: {  	v18 =	vmov s24;
	s26 =	sand.u32 $0xFFFFFFE0, s26  }
0xd1: {  	[tilespmem:s23+$0x0] =	vst v17;
	v17 =	vand.u32 $0x18, v18;
	v19 =	vadd.s32 s26, v0  }
0xd2: {  	v16 =	vld.idx.msk [tilespmem:v16+s3+$0x0], $0xffff;
	v18 =	vand.u32 $0x7, v18;
	v19 =	vor.u32 v17, v19  }
0xd3: {  	v19 =	vor.u32 v18, v19;
	_ =	sdelay $0x3  }
0xd4: {  	[tilespmem:s23+$0x10] =	vst v16;
	v16 =	vadd.s32 s26, v1  }
0xd5: {  	v16 =	vor.u32 v17, v16;
	v19 =	vld.idx.msk [tilespmem:v19+s3+$0x0], $0xffff  }
0xd6: {  	v16 =	vor.u32 v18, v16;
	_ =	sdelay $0x2  }
0xd7: {  	s25 =	sadd.s32 $0x40, s23  }
0xd8: {  	[tilespmem:s25+$0xFFFFFFE0] =	vst v19;
	v19 =	vadd.s32 s26, v2  }
0xd9: {  	v16 =	vld.idx.msk [tilespmem:v16+s3+$0x0], $0xffff;
	v19 =	vor.u32 v17, v19  }
0xda: {  	v19 =	vor.u32 v18, v19;
	_ =	sdelay $0x3  }
0xdb: {  	[tilespmem:s25+$0xFFFFFFF0] =	vst v16;
	v16 =	vadd.s32 s26, v3  }
0xdc: {  	v19 =	vld.idx.msk [tilespmem:v19+s3+$0x0], $0xffff;
	v16 =	vor.u32 v17, v16  }
0xdd: {  	v16 =	vor.u32 v18, v16;
	_ =	sdelay $0x3  }
0xde: {  	[tilespmem:s25+$0x0] =	vst v19  }
0xdf: {  	v16 =	vld.idx.msk [tilespmem:v16+s3+$0x0], $0xffff;
	_ =	sdelay $0x2  }
0xe0: {  	s26 =	simm.s32 $0x90  }
0xe1: {  	v17 =	vmov s26;
	s24 =	sand.u32 $0xFFFFFFE0, s26  }
0xe2: {  	v18 =	vand.u32 $0x18, v17;
	v19 =	vadd.s32 s24, v0;
	[tilespmem:s25+$0x10] =	vst v16;
	s25 =	sld [smem:$0x7EE]  }
0xe3: {  	v17 =	vand.u32 $0x7, v17;
	v19 =	vor.u32 v18, v19  }
0xe4: {  	v16 =	vor.u32 v17, v19  }
0xe5: {  	[spmem:s25] =	stream.strided.scatter [tilespmem:s19], [sflag:$0x2], $0xC00, s18, s17, $0x38;
	[tilespmem:$0x1F800] =	vst v63  }
0xe6: {  	_ =	swait.ge [sflag:s16], $0xC00  }
0xe7: {  	[sflag:s16] =	ssyncset.done $0x0  }
0xe8: {  	v19 =	vadd.s32 s24, v1;
	[sflag:s16] =	ssyncadd.s32 $0xFFFFF400  }
0xe9: {  	v19 =	vor.u32 v18, v19;
	v16 =	vld.idx.msk [tilespmem:v16+s3+$0x0], $0xffff  }
0xea: {  	v19 =	vor.u32 v17, v19;
	_ =	sdelay $0x2  }
0xeb: {  	s23 =	simm.s32 $0x6C20  }
0xec: {  	[tilespmem:s23+$0xFFFFFFE0] =	vst v16;
	v16 =	vadd.s32 s24, v2  }
0xed: {  	v19 =	vld.idx.msk [tilespmem:v19+s3+$0x0], $0xffff;
	v16 =	vor.u32 v18, v16  }
0xee: {  	v16 =	vor.u32 v17, v16;
	_ =	sdelay $0x3  }
0xef: {  	[tilespmem:s23+$0xFFFFFFF0] =	vst v19  }
0xf0: {  	v19 =	vld.idx.msk [tilespmem:v16+s3+$0x0], $0xffff;
	v16 =	vadd.s32 s24, v3  }
0xf1: {  	v16 =	vor.u32 v18, v16  }
0xf2: {  	v16 =	vor.u32 v17, v16;
	_ =	sdelay $0x2  }
0xf3: {  	s26 =	simm.s32 $0x91  }
0xf4: {  	s25 =	simm.s32 $0x92;
	s24 =	sand.u32 $0xFFFFFFE0, s26;
	v17 =	vmov s26;
	[tilespmem:s23+$0x0] =	vst v19  }
.LBB2_8:
0xf5: {  	p0 =	sne.s32 s25, $0xBF;
	v18 =	vand.u32 $0x18, v17;
	v19 =	vadd.s32 s24, v0;
	v16 =	vld.idx.msk [tilespmem:v16+s3+$0x0], $0xffff  }
0xf6: {  	v17 =	vand.u32 $0x7, v17;
	v19 =	vor.u32 v18, v19  }
0xf7: {  	v19 =	vor.u32 v17, v19;
	_ =	sdelay $0x3  }
0xf8: {  	[tilespmem:s23+$0x10] =	vst v16  }
0xf9: {  	v16 =	vld.idx.msk [tilespmem:v19+s3+$0x0], $0xffff;
	v19 =	vadd.s32 s24, v1  }
0xfa: {  	v19 =	vor.u32 v18, v19  }
0xfb: {  	v19 =	vor.u32 v17, v19;
	_ =	sdelay $0x2  }
0xfc: {  	s23 =	sadd.s32 $0x40, s23  }
0xfd: {  	[tilespmem:s23+$0xFFFFFFE0] =	vst v16  }
0xfe: {  	v16 =	vld.idx.msk [tilespmem:v19+s3+$0x0], $0xffff;
	v19 =	vadd.s32 s24, v2  }
0xff: {  	v19 =	vor.u32 v18, v19  }
0x100: {  	v19 =	vor.u32 v17, v19;
	_ =	sdelay $0x3  }
0x101: {  	[tilespmem:s23+$0xFFFFFFF0] =	vst v16  }
0x102: {  	v16 =	vadd.s32 s24, v3;
	v19 =	vld.idx.msk [tilespmem:v19+s3+$0x0], $0xffff  }
0x103: {  	v16 =	vor.u32 v18, v16  }
.Ltmp3:
0x104: {  	v16 =	vor.u32 v17, v16;
	(pc) =	sbr.rel @p0 .LBB2_8-.Ltmp3, $2  }
0x105: {  	_ =	sdelay $0x2  }
0x106: {  	s24 =	sand.u32 $0xFFFFFFE0, s25;
	v17 =	vmov s25;
	s25 =	sadd.s32 $0x1, s25;
	[tilespmem:s23+$0x0] =	vst v19  }
0x107: {  	_ =	sdelay $0x2  }
0x108: {  	v18 =	vand.u32 $0x18, v17;
	v19 =	vadd.s32 s24, v0  }
0x109: {  	v16 =	vld.idx.msk [tilespmem:v16+s3+$0x0], $0xffff;
	v17 =	vand.u32 $0x7, v17;
	v19 =	vor.u32 v18, v19  }
0x10a: {  	v19 =	vor.u32 v17, v19;
	_ =	sdelay $0x3  }
0x10b: {  	[tilespmem:s23+$0x10] =	vst v16;
	v16 =	vadd.s32 s24, v1  }
0x10c: {  	v16 =	vor.u32 v18, v16;
	v19 =	vld.idx.msk [tilespmem:v19+s3+$0x0], $0xffff  }
0x10d: {  	v16 =	vor.u32 v17, v16;
	_ =	sdelay $0x2  }
0x10e: {  	s23 =	sadd.s32 $0x40, s23  }
0x10f: {  	[tilespmem:s23+$0xFFFFFFE0] =	vst v19;
	v19 =	vadd.s32 s24, v2  }
0x110: {  	v16 =	vld.idx.msk [tilespmem:v16+s3+$0x0], $0xffff;
	v19 =	vor.u32 v18, v19  }
0x111: {  	v19 =	vor.u32 v17, v19;
	_ =	sdelay $0x3  }
0x112: {  	[tilespmem:s23+$0xFFFFFFF0] =	vst v16;
	v16 =	vadd.s32 s24, v3  }
0x113: {  	v19 =	vld.idx.msk [tilespmem:v19+s3+$0x0], $0xffff;
	v16 =	vor.u32 v18, v16  }
0x114: {  	v16 =	vor.u32 v17, v16;
	_ =	sdelay $0x3  }
0x115: {  	[tilespmem:s23+$0x0] =	vst v19  }
0x116: {  	s26 =	simm.s32 $0x0;
	v16 =	vld.idx.msk [tilespmem:v16+s3+$0x0], $0xffff  }
0x117: {  	s25 =	sor.u32 $0xC0, s26  }
0x118: {  	s25 =	sand.u32 $0xFFFFFFE0, s25;
	v17 =	vmov s26  }
0x119: {  	s26 =	sld [smem:$0x7EF];
	v18 =	vand.u32 $0x18, v17;
	v19 =	vadd.s32 s25, v0  }
0x11a: {  	v20 =	vand.u32 $0x7, v17;
	v17 =	vor.u32 v18, v19  }
0x11b: {  	[tilespmem:s23+$0x10] =	vst v16;
	v16 =	vor.u32 v20, v17  }
0x11c: {  	[spmem:s26] =	stream.strided.scatter [tilespmem:s19], [sflag:$0x2], $0xC00, s18, s17, $0x38;
	[tilespmem:$0x1F800] =	vst v63  }
0x11d: {  	_ =	swait.ge [sflag:s16], $0xC00  }
0x11e: {  	[sflag:s16] =	ssyncset.done $0x0  }
0x11f: {  	v17 =	vadd.s32 s25, v1;
	[sflag:s16] =	ssyncadd.s32 $0xFFFFF400  }
0x120: {  	v17 =	vor.u32 v18, v17;
	v16 =	vld.idx.msk [tilespmem:v16+s3+$0x0], $0xffff  }
0x121: {  	v17 =	vor.u32 v20, v17;
	_ =	sdelay $0x2  }
0x122: {  	s23 =	simm.s32 $0x6C20  }
0x123: {  	[tilespmem:s23+$0xFFFFFFE0] =	vst v16;
	v16 =	vadd.s32 s25, v2  }
0x124: {  	v17 =	vld.idx.msk [tilespmem:v17+s3+$0x0], $0xffff;
	v16 =	vor.u32 v18, v16  }
0x125: {  	v16 =	vor.u32 v20, v16;
	_ =	sdelay $0x3  }
0x126: {  	v19 =	vadd.s32 s25, v3;
	[tilespmem:s23+$0xFFFFFFF0] =	vst v17  }
0x127: {  	v18 =	vor.u32 v18, v19;
	v17 =	vld.idx.msk [tilespmem:v16+s3+$0x0], $0xffff  }
0x128: {  	v16 =	vor.u32 v20, v18;
	_ =	sdelay $0x1  }
0x129: {  	s24 =	simm.s32 $0x1  }
0x12a: {  	s26 =	sor.u32 $0xC0, s24;
	s25 =	simm.s32 $0x2  }
.LBB2_10:
0x12b: {  	p0 =	sne.s32 s25, $0x2F;
	v18 =	vmov s24;
	s26 =	sand.u32 $0xFFFFFFE0, s26;
	[tilespmem:s23+$0x0] =	vst v17;
	s24 =	smov.u32 s25  }
0x12c: {  	v19 =	vand.u32 $0x18, v18;
	v17 =	vadd.s32 s26, v0;
	v16 =	vld.idx.msk [tilespmem:v16+s3+$0x0], $0xffff  }
0x12d: {  	v18 =	vand.u32 $0x7, v18;
	v17 =	vor.u32 v19, v17  }
0x12e: {  	v17 =	vor.u32 v18, v17;
	_ =	sdelay $0x3  }
0x12f: {  	[tilespmem:s23+$0x10] =	vst v16  }
0x130: {  	v16 =	vld.idx.msk [tilespmem:v17+s3+$0x0], $0xffff;
	v17 =	vadd.s32 s26, v1  }
0x131: {  	v17 =	vor.u32 v19, v17  }
0x132: {  	v17 =	vor.u32 v18, v17;
	_ =	sdelay $0x2  }
0x133: {  	s23 =	sadd.s32 $0x40, s23  }
0x134: {  	[tilespmem:s23+$0xFFFFFFE0] =	vst v16  }
0x135: {  	v16 =	vld.idx.msk [tilespmem:v17+s3+$0x0], $0xffff;
	v17 =	vadd.s32 s26, v2  }
0x136: {  	v17 =	vor.u32 v19, v17  }
0x137: {  	v17 =	vor.u32 v18, v17;
	_ =	sdelay $0x3  }
0x138: {  	[tilespmem:s23+$0xFFFFFFF0] =	vst v16  }
0x139: {  	v16 =	vadd.s32 s26, v3;
	v17 =	vld.idx.msk [tilespmem:v17+s3+$0x0], $0xffff  }
.Ltmp4:
0x13a: {  	v16 =	vor.u32 v19, v16;
	(pc) =	sbr.rel @p0 .LBB2_10-.Ltmp4, $2  }
0x13b: {  	v16 =	vor.u32 v18, v16;
	_ =	sdelay $0x2  }
0x13c: {  	s25 =	sadd.s32 $0x1, s25;
	s26 =	sor.u32 $0xC0, s24  }
0x13d: {  	_ =	sdelay $0x1  }
0x13e: {  	v18 =	vmov s24;
	s26 =	sand.u32 $0xFFFFFFE0, s26  }
0x13f: {  	[tilespmem:s23+$0x0] =	vst v17;
	v17 =	vand.u32 $0x18, v18;
	v19 =	vadd.s32 s26, v0  }
0x140: {  	v16 =	vld.idx.msk [tilespmem:v16+s3+$0x0], $0xffff;
	v18 =	vand.u32 $0x7, v18;
	v19 =	vor.u32 v17, v19  }
0x141: {  	v19 =	vor.u32 v18, v19;
	_ =	sdelay $0x3  }
0x142: {  	[tilespmem:s23+$0x10] =	vst v16;
	v16 =	vadd.s32 s26, v1  }
0x143: {  	v16 =	vor.u32 v17, v16;
	v19 =	vld.idx.msk [tilespmem:v19+s3+$0x0], $0xffff  }
0x144: {  	v16 =	vor.u32 v18, v16;
	_ =	sdelay $0x2  }
0x145: {  	s25 =	sadd.s32 $0x40, s23  }
0x146: {  	[tilespmem:s25+$0xFFFFFFE0] =	vst v19;
	v19 =	vadd.s32 s26, v2  }
0x147: {  	v16 =	vld.idx.msk [tilespmem:v16+s3+$0x0], $0xffff;
	v19 =	vor.u32 v17, v19  }
0x148: {  	v19 =	vor.u32 v18, v19;
	_ =	sdelay $0x3  }
0x149: {  	[tilespmem:s25+$0xFFFFFFF0] =	vst v16;
	v16 =	vadd.s32 s26, v3  }
0x14a: {  	v19 =	vld.idx.msk [tilespmem:v19+s3+$0x0], $0xffff;
	v16 =	vor.u32 v17, v16  }
0x14b: {  	v16 =	vor.u32 v18, v16;
	_ =	sdelay $0x3  }
0x14c: {  	[tilespmem:s25+$0x0] =	vst v19  }
0x14d: {  	v16 =	vld.idx.msk [tilespmem:v16+s3+$0x0], $0xffff;
	_ =	sdelay $0x2  }
0x14e: {  	s26 =	simm.s32 $0xF0  }
0x14f: {  	v17 =	vmov s26;
	s24 =	sand.u32 $0xFFFFFFE0, s26  }
0x150: {  	v18 =	vand.u32 $0x18, v17;
	v19 =	vadd.s32 s24, v0;
	[tilespmem:s25+$0x10] =	vst v16;
	s25 =	sld [smem:$0x7F0]  }
0x151: {  	v17 =	vand.u32 $0x7, v17;
	v19 =	vor.u32 v18, v19  }
0x152: {  	v16 =	vor.u32 v17, v19  }
0x153: {  	[spmem:s25] =	stream.strided.scatter [tilespmem:s19], [sflag:$0x2], $0xC00, s18, s17, $0x38;
	[tilespmem:$0x1F800] =	vst v63  }
0x154: {  	_ =	swait.ge [sflag:s16], $0xC00  }
0x155: {  	[sflag:s16] =	ssyncset.done $0x0  }
0x156: {  	v19 =	vadd.s32 s24, v1;
	[sflag:s16] =	ssyncadd.s32 $0xFFFFF400  }
0x157: {  	v19 =	vor.u32 v18, v19;
	v16 =	vld.idx.msk [tilespmem:v16+s3+$0x0], $0xffff  }
0x158: {  	v19 =	vor.u32 v17, v19;
	_ =	sdelay $0x2  }
0x159: {  	s23 =	simm.s32 $0x6C20  }
0x15a: {  	[tilespmem:s23+$0xFFFFFFE0] =	vst v16;
	v16 =	vadd.s32 s24, v2  }
0x15b: {  	v19 =	vld.idx.msk [tilespmem:v19+s3+$0x0], $0xffff;
	v16 =	vor.u32 v18, v16  }
0x15c: {  	v16 =	vor.u32 v17, v16;
	_ =	sdelay $0x3  }
0x15d: {  	[tilespmem:s23+$0xFFFFFFF0] =	vst v19  }
0x15e: {  	v19 =	vld.idx.msk [tilespmem:v16+s3+$0x0], $0xffff;
	v16 =	vadd.s32 s24, v3  }
0x15f: {  	v16 =	vor.u32 v18, v16  }
0x160: {  	v16 =	vor.u32 v17, v16;
	_ =	sdelay $0x2  }
0x161: {  	s26 =	simm.s32 $0xF1  }
0x162: {  	s25 =	simm.s32 $0xF2;
	s24 =	sand.u32 $0xFFFFFFE0, s26;
	v17 =	vmov s26;
	[tilespmem:s23+$0x0] =	vst v19  }
.LBB2_12:
0x163: {  	p0 =	sne.s32 s25, $0x11F;
	v18 =	vand.u32 $0x18, v17;
	v19 =	vadd.s32 s24, v0;
	v16 =	vld.idx.msk [tilespmem:v16+s3+$0x0], $0xffff  }
0x164: {  	v17 =	vand.u32 $0x7, v17;
	v19 =	vor.u32 v18, v19  }
0x165: {  	v19 =	vor.u32 v17, v19;
	_ =	sdelay $0x3  }
0x166: {  	[tilespmem:s23+$0x10] =	vst v16  }
0x167: {  	v16 =	vld.idx.msk [tilespmem:v19+s3+$0x0], $0xffff;
	v19 =	vadd.s32 s24, v1  }
0x168: {  	v19 =	vor.u32 v18, v19  }
0x169: {  	v19 =	vor.u32 v17, v19;
	_ =	sdelay $0x2  }
0x16a: {  	s23 =	sadd.s32 $0x40, s23  }
0x16b: {  	[tilespmem:s23+$0xFFFFFFE0] =	vst v16  }
0x16c: {  	v16 =	vld.idx.msk [tilespmem:v19+s3+$0x0], $0xffff;
	v19 =	vadd.s32 s24, v2  }
0x16d: {  	v19 =	vor.u32 v18, v19  }
0x16e: {  	v19 =	vor.u32 v17, v19;
	_ =	sdelay $0x3  }
0x16f: {  	[tilespmem:s23+$0xFFFFFFF0] =	vst v16  }
0x170: {  	v16 =	vadd.s32 s24, v3;
	v19 =	vld.idx.msk [tilespmem:v19+s3+$0x0], $0xffff  }
0x171: {  	v16 =	vor.u32 v18, v16  }
.Ltmp5:
0x172: {  	v16 =	vor.u32 v17, v16;
	(pc) =	sbr.rel @p0 .LBB2_12-.Ltmp5, $2  }
0x173: {  	_ =	sdelay $0x2  }
0x174: {  	s24 =	sand.u32 $0xFFFFFFE0, s25;
	v17 =	vmov s25;
	s25 =	sadd.s32 $0x1, s25;
	[tilespmem:s23+$0x0] =	vst v19  }
0x175: {  	_ =	sdelay $0x2  }
0x176: {  	v18 =	vand.u32 $0x18, v17;
	v19 =	vadd.s32 s24, v0  }
0x177: {  	v16 =	vld.idx.msk [tilespmem:v16+s3+$0x0], $0xffff;
	v17 =	vand.u32 $0x7, v17;
	v19 =	vor.u32 v18, v19  }
0x178: {  	v19 =	vor.u32 v17, v19;
	_ =	sdelay $0x3  }
0x179: {  	[tilespmem:s23+$0x10] =	vst v16;
	v16 =	vadd.s32 s24, v1  }
0x17a: {  	v16 =	vor.u32 v18, v16;
	v19 =	vld.idx.msk [tilespmem:v19+s3+$0x0], $0xffff  }
0x17b: {  	v16 =	vor.u32 v17, v16;
	_ =	sdelay $0x2  }
0x17c: {  	s23 =	sadd.s32 $0x40, s23  }
0x17d: {  	[tilespmem:s23+$0xFFFFFFE0] =	vst v19;
	v19 =	vadd.s32 s24, v2  }
0x17e: {  	v16 =	vld.idx.msk [tilespmem:v16+s3+$0x0], $0xffff;
	v19 =	vor.u32 v18, v19  }
0x17f: {  	v19 =	vor.u32 v17, v19;
	_ =	sdelay $0x3  }
0x180: {  	[tilespmem:s23+$0xFFFFFFF0] =	vst v16;
	v16 =	vadd.s32 s24, v3  }
0x181: {  	v19 =	vld.idx.msk [tilespmem:v19+s3+$0x0], $0xffff;
	v16 =	vor.u32 v18, v16  }
0x182: {  	v16 =	vor.u32 v17, v16;
	_ =	sdelay $0x3  }
0x183: {  	[tilespmem:s23+$0x0] =	vst v19  }
0x184: {  	v16 =	vld.idx.msk [tilespmem:v16+s3+$0x0], $0xffff  }
0x185: {  	s26 =	simm.s32 $0x0;
	s25 =	simm.s32 $0x120  }
0x186: {  	s25 =	sand.u32 $0xFFFFFFE0, s25;
	v17 =	vmov s26  }
0x187: {  	s26 =	sld [smem:$0x7F1];
	v18 =	vand.u32 $0x18, v17;
	v19 =	vadd.s32 s25, v0  }
0x188: {  	v20 =	vand.u32 $0x7, v17;
	v17 =	vor.u32 v18, v19  }
0x189: {  	[tilespmem:s23+$0x10] =	vst v16;
	v16 =	vor.u32 v20, v17  }
0x18a: {  	[spmem:s26] =	stream.strided.scatter [tilespmem:s19], [sflag:$0x2], $0xC00, s18, s17, $0x38;
	[tilespmem:$0x1F800] =	vst v63  }
0x18b: {  	_ =	swait.ge [sflag:s16], $0xC00  }
0x18c: {  	[sflag:s16] =	ssyncset.done $0x0  }
0x18d: {  	v17 =	vadd.s32 s25, v1;
	[sflag:s16] =	ssyncadd.s32 $0xFFFFF400  }
0x18e: {  	v17 =	vor.u32 v18, v17;
	v16 =	vld.idx.msk [tilespmem:v16+s3+$0x0], $0xffff  }
0x18f: {  	v17 =	vor.u32 v20, v17;
	_ =	sdelay $0x2  }
0x190: {  	s23 =	simm.s32 $0x6C20  }
0x191: {  	[tilespmem:s23+$0xFFFFFFE0] =	vst v16;
	v16 =	vadd.s32 s25, v2  }
0x192: {  	v17 =	vld.idx.msk [tilespmem:v17+s3+$0x0], $0xffff;
	v16 =	vor.u32 v18, v16  }
0x193: {  	v16 =	vor.u32 v20, v16;
	_ =	sdelay $0x3  }
0x194: {  	v19 =	vadd.s32 s25, v3;
	[tilespmem:s23+$0xFFFFFFF0] =	vst v17  }
0x195: {  	v18 =	vor.u32 v18, v19;
	v17 =	vld.idx.msk [tilespmem:v16+s3+$0x0], $0xffff  }
0x196: {  	v16 =	vor.u32 v20, v18;
	_ =	sdelay $0x2  }
0x197: {  	s24 =	simm.s32 $0x1;
	s26 =	simm.s32 $0x121;
	s25 =	simm.s32 $0x2  }
.LBB2_14:
0x198: {  	p0 =	sne.s32 s25, $0x2F;
	v18 =	vmov s24;
	s26 =	sand.u32 $0xFFFFFFE0, s26;
	[tilespmem:s23+$0x0] =	vst v17;
	s24 =	smov.u32 s25  }
0x199: {  	v19 =	vand.u32 $0x18, v18;
	v17 =	vadd.s32 s26, v0;
	v16 =	vld.idx.msk [tilespmem:v16+s3+$0x0], $0xffff  }
0x19a: {  	v18 =	vand.u32 $0x7, v18;
	v17 =	vor.u32 v19, v17  }
0x19b: {  	v17 =	vor.u32 v18, v17;
	_ =	sdelay $0x3  }
0x19c: {  	[tilespmem:s23+$0x10] =	vst v16  }
0x19d: {  	v16 =	vld.idx.msk [tilespmem:v17+s3+$0x0], $0xffff;
	v17 =	vadd.s32 s26, v1  }
0x19e: {  	v17 =	vor.u32 v19, v17  }
0x19f: {  	v17 =	vor.u32 v18, v17;
	_ =	sdelay $0x2  }
0x1a0: {  	s23 =	sadd.s32 $0x40, s23  }
0x1a1: {  	[tilespmem:s23+$0xFFFFFFE0] =	vst v16  }
0x1a2: {  	v16 =	vld.idx.msk [tilespmem:v17+s3+$0x0], $0xffff;
	v17 =	vadd.s32 s26, v2  }
0x1a3: {  	v17 =	vor.u32 v19, v17  }
0x1a4: {  	v17 =	vor.u32 v18, v17;
	_ =	sdelay $0x3  }
0x1a5: {  	[tilespmem:s23+$0xFFFFFFF0] =	vst v16  }
0x1a6: {  	v16 =	vadd.s32 s26, v3;
	v17 =	vld.idx.msk [tilespmem:v17+s3+$0x0], $0xffff  }
.Ltmp6:
0x1a7: {  	v16 =	vor.u32 v19, v16;
	(pc) =	sbr.rel @p0 .LBB2_14-.Ltmp6, $2  }
0x1a8: {  	v16 =	vor.u32 v18, v16;
	_ =	sdelay $0x2  }
0x1a9: {  	s25 =	sadd.s32 $0x1, s25;
	s26 =	sadd.s32 $0x120, s24  }
0x1aa: {  	_ =	sdelay $0x1  }
0x1ab: {  	v18 =	vmov s24;
	s26 =	sand.u32 $0xFFFFFFE0, s26  }
0x1ac: {  	[tilespmem:s23+$0x0] =	vst v17;
	v17 =	vand.u32 $0x18, v18;
	v19 =	vadd.s32 s26, v0  }
0x1ad: {  	v16 =	vld.idx.msk [tilespmem:v16+s3+$0x0], $0xffff;
	v18 =	vand.u32 $0x7, v18;
	v19 =	vor.u32 v17, v19  }
0x1ae: {  	v19 =	vor.u32 v18, v19;
	_ =	sdelay $0x3  }
0x1af: {  	[tilespmem:s23+$0x10] =	vst v16;
	v16 =	vadd.s32 s26, v1  }
0x1b0: {  	v16 =	vor.u32 v17, v16;
	v19 =	vld.idx.msk [tilespmem:v19+s3+$0x0], $0xffff  }
0x1b1: {  	v16 =	vor.u32 v18, v16;
	_ =	sdelay $0x2  }
0x1b2: {  	s25 =	sadd.s32 $0x40, s23  }
0x1b3: {  	[tilespmem:s25+$0xFFFFFFE0] =	vst v19;
	v19 =	vadd.s32 s26, v2  }
0x1b4: {  	v16 =	vld.idx.msk [tilespmem:v16+s3+$0x0], $0xffff;
	v19 =	vor.u32 v17, v19  }
0x1b5: {  	v19 =	vor.u32 v18, v19;
	_ =	sdelay $0x3  }
0x1b6: {  	[tilespmem:s25+$0xFFFFFFF0] =	vst v16;
	v16 =	vadd.s32 s26, v3  }
0x1b7: {  	v19 =	vld.idx.msk [tilespmem:v19+s3+$0x0], $0xffff;
	v16 =	vor.u32 v17, v16  }
0x1b8: {  	v16 =	vor.u32 v18, v16;
	_ =	sdelay $0x3  }
0x1b9: {  	[tilespmem:s25+$0x0] =	vst v19  }
0x1ba: {  	v16 =	vld.idx.msk [tilespmem:v16+s3+$0x0], $0xffff;
	_ =	sdelay $0x2  }
0x1bb: {  	s26 =	simm.s32 $0x150  }
0x1bc: {  	v17 =	vmov s26;
	s24 =	sand.u32 $0xFFFFFFE0, s26  }
0x1bd: {  	v18 =	vand.u32 $0x18, v17;
	v19 =	vadd.s32 s24, v0;
	[tilespmem:s25+$0x10] =	vst v16;
	s25 =	sld [smem:$0x7F2]  }
0x1be: {  	v17 =	vand.u32 $0x7, v17;
	v19 =	vor.u32 v18, v19  }
0x1bf: {  	v16 =	vor.u32 v17, v19  }
0x1c0: {  	[spmem:s25] =	stream.strided.scatter [tilespmem:s19], [sflag:$0x2], $0xC00, s18, s17, $0x38;
	[tilespmem:$0x1F800] =	vst v63  }
0x1c1: {  	_ =	swait.ge [sflag:s16], $0xC00  }
0x1c2: {  	[sflag:s16] =	ssyncset.done $0x0  }
0x1c3: {  	v19 =	vadd.s32 s24, v1;
	[sflag:s16] =	ssyncadd.s32 $0xFFFFF400  }
0x1c4: {  	v19 =	vor.u32 v18, v19;
	v16 =	vld.idx.msk [tilespmem:v16+s3+$0x0], $0xffff  }
0x1c5: {  	v19 =	vor.u32 v17, v19;
	_ =	sdelay $0x2  }
0x1c6: {  	s23 =	simm.s32 $0x6C20  }
0x1c7: {  	[tilespmem:s23+$0xFFFFFFE0] =	vst v16;
	v16 =	vadd.s32 s24, v2  }
0x1c8: {  	v19 =	vld.idx.msk [tilespmem:v19+s3+$0x0], $0xffff;
	v16 =	vor.u32 v18, v16  }
0x1c9: {  	v16 =	vor.u32 v17, v16;
	_ =	sdelay $0x3  }
0x1ca: {  	[tilespmem:s23+$0xFFFFFFF0] =	vst v19  }
0x1cb: {  	v19 =	vld.idx.msk [tilespmem:v16+s3+$0x0], $0xffff;
	v16 =	vadd.s32 s24, v3  }
0x1cc: {  	v16 =	vor.u32 v18, v16  }
0x1cd: {  	v16 =	vor.u32 v17, v16;
	_ =	sdelay $0x2  }
0x1ce: {  	s26 =	simm.s32 $0x151  }
0x1cf: {  	s25 =	simm.s32 $0x152;
	s24 =	sand.u32 $0xFFFFFFE0, s26;
	v17 =	vmov s26;
	[tilespmem:s23+$0x0] =	vst v19  }
.LBB2_16:
0x1d0: {  	p0 =	sne.s32 s25, $0x17F;
	v18 =	vand.u32 $0x18, v17;
	v19 =	vadd.s32 s24, v0;
	v16 =	vld.idx.msk [tilespmem:v16+s3+$0x0], $0xffff  }
0x1d1: {  	v17 =	vand.u32 $0x7, v17;
	v19 =	vor.u32 v18, v19  }
0x1d2: {  	v19 =	vor.u32 v17, v19;
	_ =	sdelay $0x3  }
0x1d3: {  	[tilespmem:s23+$0x10] =	vst v16  }
0x1d4: {  	v16 =	vld.idx.msk [tilespmem:v19+s3+$0x0], $0xffff;
	v19 =	vadd.s32 s24, v1  }
0x1d5: {  	v19 =	vor.u32 v18, v19  }
0x1d6: {  	v19 =	vor.u32 v17, v19;
	_ =	sdelay $0x2  }
0x1d7: {  	s23 =	sadd.s32 $0x40, s23  }
0x1d8: {  	[tilespmem:s23+$0xFFFFFFE0] =	vst v16  }
0x1d9: {  	v16 =	vld.idx.msk [tilespmem:v19+s3+$0x0], $0xffff;
	v19 =	vadd.s32 s24, v2  }
0x1da: {  	v19 =	vor.u32 v18, v19  }
0x1db: {  	v19 =	vor.u32 v17, v19;
	_ =	sdelay $0x3  }
0x1dc: {  	[tilespmem:s23+$0xFFFFFFF0] =	vst v16  }
0x1dd: {  	v16 =	vadd.s32 s24, v3;
	v19 =	vld.idx.msk [tilespmem:v19+s3+$0x0], $0xffff  }
0x1de: {  	v16 =	vor.u32 v18, v16  }
.Ltmp7:
0x1df: {  	v16 =	vor.u32 v17, v16;
	(pc) =	sbr.rel @p0 .LBB2_16-.Ltmp7, $2  }
0x1e0: {  	_ =	sdelay $0x2  }
0x1e1: {  	s24 =	sand.u32 $0xFFFFFFE0, s25;
	v17 =	vmov s25;
	s25 =	sadd.s32 $0x1, s25;
	[tilespmem:s23+$0x0] =	vst v19  }
0x1e2: {  	_ =	sdelay $0x2  }
0x1e3: {  	v18 =	vand.u32 $0x18, v17;
	v19 =	vadd.s32 s24, v0  }
0x1e4: {  	v16 =	vld.idx.msk [tilespmem:v16+s3+$0x0], $0xffff;
	v17 =	vand.u32 $0x7, v17;
	v19 =	vor.u32 v18, v19  }
0x1e5: {  	v19 =	vor.u32 v17, v19;
	_ =	sdelay $0x3  }
0x1e6: {  	[tilespmem:s23+$0x10] =	vst v16;
	v16 =	vadd.s32 s24, v1  }
0x1e7: {  	v16 =	vor.u32 v18, v16;
	v19 =	vld.idx.msk [tilespmem:v19+s3+$0x0], $0xffff  }
0x1e8: {  	v16 =	vor.u32 v17, v16;
	_ =	sdelay $0x2  }
0x1e9: {  	s25 =	sadd.s32 $0x40, s23  }
0x1ea: {  	[tilespmem:s25+$0xFFFFFFE0] =	vst v19;
	v19 =	vadd.s32 s24, v2  }
0x1eb: {  	v16 =	vld.idx.msk [tilespmem:v16+s3+$0x0], $0xffff;
	v19 =	vor.u32 v18, v19  }
0x1ec: {  	v19 =	vor.u32 v17, v19;
	_ =	sdelay $0x3  }
0x1ed: {  	[tilespmem:s25+$0xFFFFFFF0] =	vst v16;
	v16 =	vadd.s32 s24, v3  }
0x1ee: {  	v19 =	vld.idx.msk [tilespmem:v19+s3+$0x0], $0xffff;
	v16 =	vor.u32 v18, v16  }
0x1ef: {  	v16 =	vor.u32 v17, v16;
	_ =	sdelay $0x3  }
0x1f0: {  	[tilespmem:s25+$0x0] =	vst v19  }
0x1f1: {  	v16 =	vld.idx.msk [tilespmem:v16+s3+$0x0], $0xffff;
	_ =	sdelay $0x2  }
0x1f2: {  	s26 =	simm.s32 $0x0  }
0x1f3: {  	s24 =	sand.u32 $0xFFFFFFE0, s26;
	v17 =	vmov s26  }
0x1f4: {  	v18 =	vand.u32 $0x18, v17;
	v19 =	vadd.s32 s24, v4;
	[tilespmem:s25+$0x10] =	vst v16;
	s25 =	sld [smem:$0x7F3]  }
0x1f5: {  	v17 =	vand.u32 $0x7, v17;
	v19 =	vor.u32 v18, v19  }
0x1f6: {  	v16 =	vor.u32 v17, v19  }
0x1f7: {  	[spmem:s25] =	stream.strided.scatter [tilespmem:s19], [sflag:$0x2], $0xC00, s18, s17, $0x38;
	[tilespmem:$0x1F800] =	vst v63  }
0x1f8: {  	_ =	swait.ge [sflag:s16], $0xC00  }
0x1f9: {  	[sflag:s16] =	ssyncset.done $0x0  }
0x1fa: {  	v19 =	vadd.s32 s24, v5;
	[sflag:s16] =	ssyncadd.s32 $0xFFFFF400  }
0x1fb: {  	v19 =	vor.u32 v18, v19;
	v16 =	vld.idx.msk [tilespmem:v16+s3+$0x0], $0xffff  }
0x1fc: {  	v19 =	vor.u32 v17, v19;
	_ =	sdelay $0x2  }
0x1fd: {  	s23 =	simm.s32 $0x6C20  }
0x1fe: {  	[tilespmem:s23+$0xFFFFFFE0] =	vst v16;
	v16 =	vadd.s32 s24, v6  }
0x1ff: {  	v19 =	vld.idx.msk [tilespmem:v19+s3+$0x0], $0xffff;
	v16 =	vor.u32 v18, v16  }
0x200: {  	v16 =	vor.u32 v17, v16;
	_ =	sdelay $0x3  }
0x201: {  	[tilespmem:s23+$0xFFFFFFF0] =	vst v19  }
0x202: {  	v19 =	vld.idx.msk [tilespmem:v16+s3+$0x0], $0xffff;
	v16 =	vadd.s32 s24, v7  }
0x203: {  	v16 =	vor.u32 v18, v16  }
0x204: {  	v16 =	vor.u32 v17, v16;
	_ =	sdelay $0x2  }
0x205: {  	s26 =	simm.s32 $0x1  }
0x206: {  	s25 =	simm.s32 $0x2;
	s24 =	sand.u32 $0xFFFFFFE0, s26;
	v17 =	vmov s26;
	[tilespmem:s23+$0x0] =	vst v19  }
.LBB2_18:
0x207: {  	p0 =	sne.s32 s25, $0x2F;
	v18 =	vand.u32 $0x18, v17;
	v19 =	vadd.s32 s24, v4;
	v16 =	vld.idx.msk [tilespmem:v16+s3+$0x0], $0xffff  }
0x208: {  	v17 =	vand.u32 $0x7, v17;
	v19 =	vor.u32 v18, v19  }
0x209: {  	v19 =	vor.u32 v17, v19;
	_ =	sdelay $0x3  }
0x20a: {  	[tilespmem:s23+$0x10] =	vst v16  }
0x20b: {  	v16 =	vld.idx.msk [tilespmem:v19+s3+$0x0], $0xffff;
	v19 =	vadd.s32 s24, v5  }
0x20c: {  	v19 =	vor.u32 v18, v19  }
0x20d: {  	v19 =	vor.u32 v17, v19;
	_ =	sdelay $0x2  }
0x20e: {  	s23 =	sadd.s32 $0x40, s23  }
0x20f: {  	[tilespmem:s23+$0xFFFFFFE0] =	vst v16  }
0x210: {  	v16 =	vld.idx.msk [tilespmem:v19+s3+$0x0], $0xffff;
	v19 =	vadd.s32 s24, v6  }
0x211: {  	v19 =	vor.u32 v18, v19  }
0x212: {  	v19 =	vor.u32 v17, v19;
	_ =	sdelay $0x3  }
0x213: {  	[tilespmem:s23+$0xFFFFFFF0] =	vst v16  }
0x214: {  	v16 =	vadd.s32 s24, v7;
	v19 =	vld.idx.msk [tilespmem:v19+s3+$0x0], $0xffff  }
0x215: {  	v16 =	vor.u32 v18, v16  }
.Ltmp8:
0x216: {  	v16 =	vor.u32 v17, v16;
	(pc) =	sbr.rel @p0 .LBB2_18-.Ltmp8, $2  }
0x217: {  	_ =	sdelay $0x2  }
0x218: {  	s24 =	sand.u32 $0xFFFFFFE0, s25;
	v17 =	vmov s25;
	s25 =	sadd.s32 $0x1, s25;
	[tilespmem:s23+$0x0] =	vst v19  }
0x219: {  	_ =	sdelay $0x2  }
0x21a: {  	v18 =	vand.u32 $0x18, v17;
	v19 =	vadd.s32 s24, v4  }
0x21b: {  	v16 =	vld.idx.msk [tilespmem:v16+s3+$0x0], $0xffff;
	v17 =	vand.u32 $0x7, v17;
	v19 =	vor.u32 v18, v19  }
0x21c: {  	v19 =	vor.u32 v17, v19;
	_ =	sdelay $0x3  }
0x21d: {  	[tilespmem:s23+$0x10] =	vst v16;
	v16 =	vadd.s32 s24, v5  }
0x21e: {  	v16 =	vor.u32 v18, v16;
	v19 =	vld.idx.msk [tilespmem:v19+s3+$0x0], $0xffff  }
0x21f: {  	v16 =	vor.u32 v17, v16;
	_ =	sdelay $0x2  }
0x220: {  	s25 =	sadd.s32 $0x40, s23  }
0x221: {  	[tilespmem:s25+$0xFFFFFFE0] =	vst v19;
	v19 =	vadd.s32 s24, v6  }
0x222: {  	v16 =	vld.idx.msk [tilespmem:v16+s3+$0x0], $0xffff;
	v19 =	vor.u32 v18, v19  }
0x223: {  	v19 =	vor.u32 v17, v19;
	_ =	sdelay $0x3  }
0x224: {  	[tilespmem:s25+$0xFFFFFFF0] =	vst v16;
	v16 =	vadd.s32 s24, v7  }
0x225: {  	v19 =	vld.idx.msk [tilespmem:v19+s3+$0x0], $0xffff;
	v16 =	vor.u32 v18, v16  }
0x226: {  	v16 =	vor.u32 v17, v16;
	_ =	sdelay $0x3  }
0x227: {  	[tilespmem:s25+$0x0] =	vst v19  }
0x228: {  	v16 =	vld.idx.msk [tilespmem:v16+s3+$0x0], $0xffff;
	_ =	sdelay $0x2  }
0x229: {  	s26 =	simm.s32 $0x30  }
0x22a: {  	s24 =	sand.u32 $0xFFFFFFE0, s26;
	v17 =	vmov s26  }
0x22b: {  	v18 =	vand.u32 $0x18, v17;
	v19 =	vadd.s32 s24, v4;
	[tilespmem:s25+$0x10] =	vst v16;
	s25 =	sld [smem:$0x7F4]  }
0x22c: {  	v17 =	vand.u32 $0x7, v17;
	v19 =	vor.u32 v18, v19  }
0x22d: {  	v16 =	vor.u32 v17, v19  }
0x22e: {  	[spmem:s25] =	stream.strided.scatter [tilespmem:s19], [sflag:$0x2], $0xC00, s18, s17, $0x38;
	[tilespmem:$0x1F800] =	vst v63  }
0x22f: {  	_ =	swait.ge [sflag:s16], $0xC00  }
0x230: {  	[sflag:s16] =	ssyncset.done $0x0  }
0x231: {  	v19 =	vadd.s32 s24, v5;
	[sflag:s16] =	ssyncadd.s32 $0xFFFFF400  }
0x232: {  	v19 =	vor.u32 v18, v19;
	v16 =	vld.idx.msk [tilespmem:v16+s3+$0x0], $0xffff  }
0x233: {  	v19 =	vor.u32 v17, v19;
	_ =	sdelay $0x2  }
0x234: {  	s23 =	simm.s32 $0x6C20  }
0x235: {  	[tilespmem:s23+$0xFFFFFFE0] =	vst v16;
	v16 =	vadd.s32 s24, v6  }
0x236: {  	v19 =	vld.idx.msk [tilespmem:v19+s3+$0x0], $0xffff;
	v16 =	vor.u32 v18, v16  }
0x237: {  	v16 =	vor.u32 v17, v16;
	_ =	sdelay $0x3  }
0x238: {  	[tilespmem:s23+$0xFFFFFFF0] =	vst v19  }
0x239: {  	v19 =	vld.idx.msk [tilespmem:v16+s3+$0x0], $0xffff;
	v16 =	vadd.s32 s24, v7  }
0x23a: {  	v16 =	vor.u32 v18, v16  }
0x23b: {  	v16 =	vor.u32 v17, v16;
	_ =	sdelay $0x2  }
0x23c: {  	s26 =	simm.s32 $0x31  }
0x23d: {  	s25 =	simm.s32 $0x32;
	s24 =	sand.u32 $0xFFFFFFE0, s26;
	v17 =	vmov s26;
	[tilespmem:s23+$0x0] =	vst v19  }
.LBB2_20:
0x23e: {  	p0 =	sne.s32 s25, $0x5F;
	v18 =	vand.u32 $0x18, v17;
	v19 =	vadd.s32 s24, v4;
	v16 =	vld.idx.msk [tilespmem:v16+s3+$0x0], $0xffff  }
0x23f: {  	v17 =	vand.u32 $0x7, v17;
	v19 =	vor.u32 v18, v19  }
0x240: {  	v19 =	vor.u32 v17, v19;
	_ =	sdelay $0x3  }
0x241: {  	[tilespmem:s23+$0x10] =	vst v16  }
0x242: {  	v16 =	vld.idx.msk [tilespmem:v19+s3+$0x0], $0xffff;
	v19 =	vadd.s32 s24, v5  }
0x243: {  	v19 =	vor.u32 v18, v19  }
0x244: {  	v19 =	vor.u32 v17, v19;
	_ =	sdelay $0x2  }
0x245: {  	s23 =	sadd.s32 $0x40, s23  }
0x246: {  	[tilespmem:s23+$0xFFFFFFE0] =	vst v16  }
0x247: {  	v16 =	vld.idx.msk [tilespmem:v19+s3+$0x0], $0xffff;
	v19 =	vadd.s32 s24, v6  }
0x248: {  	v19 =	vor.u32 v18, v19  }
0x249: {  	v19 =	vor.u32 v17, v19;
	_ =	sdelay $0x3  }
0x24a: {  	[tilespmem:s23+$0xFFFFFFF0] =	vst v16  }
0x24b: {  	v16 =	vadd.s32 s24, v7;
	v19 =	vld.idx.msk [tilespmem:v19+s3+$0x0], $0xffff  }
0x24c: {  	v16 =	vor.u32 v18, v16  }
.Ltmp9:
0x24d: {  	v16 =	vor.u32 v17, v16;
	(pc) =	sbr.rel @p0 .LBB2_20-.Ltmp9, $2  }
0x24e: {  	_ =	sdelay $0x2  }
0x24f: {  	s24 =	sand.u32 $0xFFFFFFE0, s25;
	v17 =	vmov s25;
	s25 =	sadd.s32 $0x1, s25;
	[tilespmem:s23+$0x0] =	vst v19  }
0x250: {  	_ =	sdelay $0x2  }
0x251: {  	v18 =	vand.u32 $0x18, v17;
	v19 =	vadd.s32 s24, v4  }
0x252: {  	v16 =	vld.idx.msk [tilespmem:v16+s3+$0x0], $0xffff;
	v17 =	vand.u32 $0x7, v17;
	v19 =	vor.u32 v18, v19  }
0x253: {  	v19 =	vor.u32 v17, v19;
	_ =	sdelay $0x3  }
0x254: {  	[tilespmem:s23+$0x10] =	vst v16;
	v16 =	vadd.s32 s24, v5  }
0x255: {  	v16 =	vor.u32 v18, v16;
	v19 =	vld.idx.msk [tilespmem:v19+s3+$0x0], $0xffff  }
0x256: {  	v16 =	vor.u32 v17, v16;
	_ =	sdelay $0x2  }
0x257: {  	s23 =	sadd.s32 $0x40, s23  }
0x258: {  	[tilespmem:s23+$0xFFFFFFE0] =	vst v19;
	v19 =	vadd.s32 s24, v6  }
0x259: {  	v16 =	vld.idx.msk [tilespmem:v16+s3+$0x0], $0xffff;
	v19 =	vor.u32 v18, v19  }
0x25a: {  	v19 =	vor.u32 v17, v19;
	_ =	sdelay $0x3  }
0x25b: {  	[tilespmem:s23+$0xFFFFFFF0] =	vst v16;
	v16 =	vadd.s32 s24, v7  }
0x25c: {  	v19 =	vld.idx.msk [tilespmem:v19+s3+$0x0], $0xffff;
	v16 =	vor.u32 v18, v16  }
0x25d: {  	v16 =	vor.u32 v17, v16;
	_ =	sdelay $0x3  }
0x25e: {  	[tilespmem:s23+$0x0] =	vst v19  }
0x25f: {  	v16 =	vld.idx.msk [tilespmem:v16+s3+$0x0], $0xffff  }
0x260: {  	s26 =	simm.s32 $0x0;
	s25 =	simm.s32 $0x60  }
0x261: {  	s25 =	sand.u32 $0xFFFFFFE0, s25;
	v17 =	vmov s26  }
0x262: {  	s26 =	sld [smem:$0x7F5];
	v18 =	vand.u32 $0x18, v17;
	v19 =	vadd.s32 s25, v4  }
0x263: {  	v20 =	vand.u32 $0x7, v17;
	v17 =	vor.u32 v18, v19  }
0x264: {  	[tilespmem:s23+$0x10] =	vst v16;
	v16 =	vor.u32 v20, v17  }
0x265: {  	[spmem:s26] =	stream.strided.scatter [tilespmem:s19], [sflag:$0x2], $0xC00, s18, s17, $0x38;
	[tilespmem:$0x1F800] =	vst v63  }
0x266: {  	_ =	swait.ge [sflag:s16], $0xC00  }
0x267: {  	[sflag:s16] =	ssyncset.done $0x0  }
0x268: {  	v17 =	vadd.s32 s25, v5;
	[sflag:s16] =	ssyncadd.s32 $0xFFFFF400  }
0x269: {  	v17 =	vor.u32 v18, v17;
	v16 =	vld.idx.msk [tilespmem:v16+s3+$0x0], $0xffff  }
0x26a: {  	v17 =	vor.u32 v20, v17;
	_ =	sdelay $0x2  }
0x26b: {  	s23 =	simm.s32 $0x6C20  }
0x26c: {  	[tilespmem:s23+$0xFFFFFFE0] =	vst v16;
	v16 =	vadd.s32 s25, v6  }
0x26d: {  	v17 =	vld.idx.msk [tilespmem:v17+s3+$0x0], $0xffff;
	v16 =	vor.u32 v18, v16  }
0x26e: {  	v16 =	vor.u32 v20, v16;
	_ =	sdelay $0x3  }
0x26f: {  	v19 =	vadd.s32 s25, v7;
	[tilespmem:s23+$0xFFFFFFF0] =	vst v17  }
0x270: {  	v18 =	vor.u32 v18, v19;
	v17 =	vld.idx.msk [tilespmem:v16+s3+$0x0], $0xffff  }
0x271: {  	v16 =	vor.u32 v20, v18;
	_ =	sdelay $0x2  }
0x272: {  	s24 =	simm.s32 $0x1;
	s26 =	simm.s32 $0x61;
	s25 =	simm.s32 $0x2  }
.LBB2_22:
0x273: {  	p0 =	sne.s32 s25, $0x2F;
	v18 =	vmov s24;
	s26 =	sand.u32 $0xFFFFFFE0, s26;
	[tilespmem:s23+$0x0] =	vst v17;
	s24 =	smov.u32 s25  }
0x274: {  	v19 =	vand.u32 $0x18, v18;
	v17 =	vadd.s32 s26, v4;
	v16 =	vld.idx.msk [tilespmem:v16+s3+$0x0], $0xffff  }
0x275: {  	v18 =	vand.u32 $0x7, v18;
	v17 =	vor.u32 v19, v17  }
0x276: {  	v17 =	vor.u32 v18, v17;
	_ =	sdelay $0x3  }
0x277: {  	[tilespmem:s23+$0x10] =	vst v16  }
0x278: {  	v16 =	vld.idx.msk [tilespmem:v17+s3+$0x0], $0xffff;
	v17 =	vadd.s32 s26, v5  }
0x279: {  	v17 =	vor.u32 v19, v17  }
0x27a: {  	v17 =	vor.u32 v18, v17;
	_ =	sdelay $0x2  }
0x27b: {  	s23 =	sadd.s32 $0x40, s23  }
0x27c: {  	[tilespmem:s23+$0xFFFFFFE0] =	vst v16  }
0x27d: {  	v16 =	vld.idx.msk [tilespmem:v17+s3+$0x0], $0xffff;
	v17 =	vadd.s32 s26, v6  }
0x27e: {  	v17 =	vor.u32 v19, v17  }
0x27f: {  	v17 =	vor.u32 v18, v17;
	_ =	sdelay $0x3  }
0x280: {  	[tilespmem:s23+$0xFFFFFFF0] =	vst v16  }
0x281: {  	v16 =	vadd.s32 s26, v7;
	v17 =	vld.idx.msk [tilespmem:v17+s3+$0x0], $0xffff  }
.Ltmp10:
0x282: {  	v16 =	vor.u32 v19, v16;
	(pc) =	sbr.rel @p0 .LBB2_22-.Ltmp10, $2  }
0x283: {  	v16 =	vor.u32 v18, v16;
	_ =	sdelay $0x2  }
0x284: {  	s25 =	sadd.s32 $0x1, s25;
	s26 =	sadd.s32 $0x60, s24  }
0x285: {  	_ =	sdelay $0x1  }
0x286: {  	v18 =	vmov s24;
	s26 =	sand.u32 $0xFFFFFFE0, s26  }
0x287: {  	[tilespmem:s23+$0x0] =	vst v17;
	v17 =	vand.u32 $0x18, v18;
	v19 =	vadd.s32 s26, v4  }
0x288: {  	v16 =	vld.idx.msk [tilespmem:v16+s3+$0x0], $0xffff;
	v18 =	vand.u32 $0x7, v18;
	v19 =	vor.u32 v17, v19  }
0x289: {  	v19 =	vor.u32 v18, v19;
	_ =	sdelay $0x3  }
0x28a: {  	[tilespmem:s23+$0x10] =	vst v16;
	v16 =	vadd.s32 s26, v5  }
0x28b: {  	v16 =	vor.u32 v17, v16;
	v19 =	vld.idx.msk [tilespmem:v19+s3+$0x0], $0xffff  }
0x28c: {  	v16 =	vor.u32 v18, v16;
	_ =	sdelay $0x2  }
0x28d: {  	s25 =	sadd.s32 $0x40, s23  }
0x28e: {  	[tilespmem:s25+$0xFFFFFFE0] =	vst v19;
	v19 =	vadd.s32 s26, v6  }
0x28f: {  	v16 =	vld.idx.msk [tilespmem:v16+s3+$0x0], $0xffff;
	v19 =	vor.u32 v17, v19  }
0x290: {  	v19 =	vor.u32 v18, v19;
	_ =	sdelay $0x3  }
0x291: {  	[tilespmem:s25+$0xFFFFFFF0] =	vst v16;
	v16 =	vadd.s32 s26, v7  }
0x292: {  	v19 =	vld.idx.msk [tilespmem:v19+s3+$0x0], $0xffff;
	v16 =	vor.u32 v17, v16  }
0x293: {  	v16 =	vor.u32 v18, v16;
	_ =	sdelay $0x3  }
0x294: {  	[tilespmem:s25+$0x0] =	vst v19  }
0x295: {  	v16 =	vld.idx.msk [tilespmem:v16+s3+$0x0], $0xffff;
	_ =	sdelay $0x2  }
0x296: {  	s26 =	simm.s32 $0x90  }
0x297: {  	v17 =	vmov s26;
	s24 =	sand.u32 $0xFFFFFFE0, s26  }
0x298: {  	v18 =	vand.u32 $0x18, v17;
	v19 =	vadd.s32 s24, v4;
	[tilespmem:s25+$0x10] =	vst v16;
	s25 =	sld [smem:$0x7F6]  }
0x299: {  	v17 =	vand.u32 $0x7, v17;
	v19 =	vor.u32 v18, v19  }
0x29a: {  	v16 =	vor.u32 v17, v19  }
0x29b: {  	[spmem:s25] =	stream.strided.scatter [tilespmem:s19], [sflag:$0x2], $0xC00, s18, s17, $0x38;
	[tilespmem:$0x1F800] =	vst v63  }
0x29c: {  	_ =	swait.ge [sflag:s16], $0xC00  }
0x29d: {  	[sflag:s16] =	ssyncset.done $0x0  }
0x29e: {  	v19 =	vadd.s32 s24, v5;
	[sflag:s16] =	ssyncadd.s32 $0xFFFFF400  }
0x29f: {  	v19 =	vor.u32 v18, v19;
	v16 =	vld.idx.msk [tilespmem:v16+s3+$0x0], $0xffff  }
0x2a0: {  	v19 =	vor.u32 v17, v19;
	_ =	sdelay $0x2  }
0x2a1: {  	s23 =	simm.s32 $0x6C20  }
0x2a2: {  	[tilespmem:s23+$0xFFFFFFE0] =	vst v16;
	v16 =	vadd.s32 s24, v6  }
0x2a3: {  	v19 =	vld.idx.msk [tilespmem:v19+s3+$0x0], $0xffff;
	v16 =	vor.u32 v18, v16  }
0x2a4: {  	v16 =	vor.u32 v17, v16;
	_ =	sdelay $0x3  }
0x2a5: {  	[tilespmem:s23+$0xFFFFFFF0] =	vst v19  }
0x2a6: {  	v19 =	vld.idx.msk [tilespmem:v16+s3+$0x0], $0xffff;
	v16 =	vadd.s32 s24, v7  }
0x2a7: {  	v16 =	vor.u32 v18, v16  }
0x2a8: {  	v16 =	vor.u32 v17, v16;
	_ =	sdelay $0x2  }
0x2a9: {  	s26 =	simm.s32 $0x91  }
0x2aa: {  	s25 =	simm.s32 $0x92;
	s24 =	sand.u32 $0xFFFFFFE0, s26;
	v17 =	vmov s26;
	[tilespmem:s23+$0x0] =	vst v19  }
.LBB2_24:
0x2ab: {  	p0 =	sne.s32 s25, $0xBF;
	v18 =	vand.u32 $0x18, v17;
	v19 =	vadd.s32 s24, v4;
	v16 =	vld.idx.msk [tilespmem:v16+s3+$0x0], $0xffff  }
0x2ac: {  	v17 =	vand.u32 $0x7, v17;
	v19 =	vor.u32 v18, v19  }
0x2ad: {  	v19 =	vor.u32 v17, v19;
	_ =	sdelay $0x3  }
0x2ae: {  	[tilespmem:s23+$0x10] =	vst v16  }
0x2af: {  	v16 =	vld.idx.msk [tilespmem:v19+s3+$0x0], $0xffff;
	v19 =	vadd.s32 s24, v5  }
0x2b0: {  	v19 =	vor.u32 v18, v19  }
0x2b1: {  	v19 =	vor.u32 v17, v19;
	_ =	sdelay $0x2  }
0x2b2: {  	s23 =	sadd.s32 $0x40, s23  }
0x2b3: {  	[tilespmem:s23+$0xFFFFFFE0] =	vst v16  }
0x2b4: {  	v16 =	vld.idx.msk [tilespmem:v19+s3+$0x0], $0xffff;
	v19 =	vadd.s32 s24, v6  }
0x2b5: {  	v19 =	vor.u32 v18, v19  }
0x2b6: {  	v19 =	vor.u32 v17, v19;
	_ =	sdelay $0x3  }
0x2b7: {  	[tilespmem:s23+$0xFFFFFFF0] =	vst v16  }
0x2b8: {  	v16 =	vadd.s32 s24, v7;
	v19 =	vld.idx.msk [tilespmem:v19+s3+$0x0], $0xffff  }
0x2b9: {  	v16 =	vor.u32 v18, v16  }
.Ltmp11:
0x2ba: {  	v16 =	vor.u32 v17, v16;
	(pc) =	sbr.rel @p0 .LBB2_24-.Ltmp11, $2  }
0x2bb: {  	_ =	sdelay $0x2  }
0x2bc: {  	s24 =	sand.u32 $0xFFFFFFE0, s25;
	v17 =	vmov s25;
	s25 =	sadd.s32 $0x1, s25;
	[tilespmem:s23+$0x0] =	vst v19  }
0x2bd: {  	_ =	sdelay $0x2  }
0x2be: {  	v18 =	vand.u32 $0x18, v17;
	v19 =	vadd.s32 s24, v4  }
0x2bf: {  	v16 =	vld.idx.msk [tilespmem:v16+s3+$0x0], $0xffff;
	v17 =	vand.u32 $0x7, v17;
	v19 =	vor.u32 v18, v19  }
0x2c0: {  	v19 =	vor.u32 v17, v19;
	_ =	sdelay $0x3  }
0x2c1: {  	[tilespmem:s23+$0x10] =	vst v16;
	v16 =	vadd.s32 s24, v5  }
0x2c2: {  	v16 =	vor.u32 v18, v16;
	v19 =	vld.idx.msk [tilespmem:v19+s3+$0x0], $0xffff  }
0x2c3: {  	v16 =	vor.u32 v17, v16;
	_ =	sdelay $0x2  }
0x2c4: {  	s23 =	sadd.s32 $0x40, s23  }
0x2c5: {  	[tilespmem:s23+$0xFFFFFFE0] =	vst v19;
	v19 =	vadd.s32 s24, v6  }
0x2c6: {  	v16 =	vld.idx.msk [tilespmem:v16+s3+$0x0], $0xffff;
	v19 =	vor.u32 v18, v19  }
0x2c7: {  	v19 =	vor.u32 v17, v19;
	_ =	sdelay $0x3  }
0x2c8: {  	[tilespmem:s23+$0xFFFFFFF0] =	vst v16;
	v16 =	vadd.s32 s24, v7  }
0x2c9: {  	v19 =	vld.idx.msk [tilespmem:v19+s3+$0x0], $0xffff;
	v16 =	vor.u32 v18, v16  }
0x2ca: {  	v16 =	vor.u32 v17, v16;
	_ =	sdelay $0x3  }
0x2cb: {  	[tilespmem:s23+$0x0] =	vst v19  }
0x2cc: {  	s26 =	simm.s32 $0x0;
	v16 =	vld.idx.msk [tilespmem:v16+s3+$0x0], $0xffff  }
0x2cd: {  	s25 =	sor.u32 $0xC0, s26  }
0x2ce: {  	s25 =	sand.u32 $0xFFFFFFE0, s25;
	v17 =	vmov s26  }
0x2cf: {  	s26 =	sld [smem:$0x7F7];
	v18 =	vand.u32 $0x18, v17;
	v19 =	vadd.s32 s25, v4  }
0x2d0: {  	v20 =	vand.u32 $0x7, v17;
	v17 =	vor.u32 v18, v19  }
0x2d1: {  	[tilespmem:s23+$0x10] =	vst v16;
	v16 =	vor.u32 v20, v17  }
0x2d2: {  	[spmem:s26] =	stream.strided.scatter [tilespmem:s19], [sflag:$0x2], $0xC00, s18, s17, $0x38;
	[tilespmem:$0x1F800] =	vst v63  }
0x2d3: {  	_ =	swait.ge [sflag:s16], $0xC00  }
0x2d4: {  	[sflag:s16] =	ssyncset.done $0x0  }
0x2d5: {  	v17 =	vadd.s32 s25, v5;
	[sflag:s16] =	ssyncadd.s32 $0xFFFFF400  }
0x2d6: {  	v17 =	vor.u32 v18, v17;
	v16 =	vld.idx.msk [tilespmem:v16+s3+$0x0], $0xffff  }
0x2d7: {  	v17 =	vor.u32 v20, v17;
	_ =	sdelay $0x2  }
0x2d8: {  	s23 =	simm.s32 $0x6C20  }
0x2d9: {  	[tilespmem:s23+$0xFFFFFFE0] =	vst v16;
	v16 =	vadd.s32 s25, v6  }
0x2da: {  	v17 =	vld.idx.msk [tilespmem:v17+s3+$0x0], $0xffff;
	v16 =	vor.u32 v18, v16  }
0x2db: {  	v16 =	vor.u32 v20, v16;
	_ =	sdelay $0x3  }
0x2dc: {  	v19 =	vadd.s32 s25, v7;
	[tilespmem:s23+$0xFFFFFFF0] =	vst v17  }
0x2dd: {  	v18 =	vor.u32 v18, v19;
	v17 =	vld.idx.msk [tilespmem:v16+s3+$0x0], $0xffff  }
0x2de: {  	v16 =	vor.u32 v20, v18;
	_ =	sdelay $0x1  }
0x2df: {  	s24 =	simm.s32 $0x1  }
0x2e0: {  	s26 =	sor.u32 $0xC0, s24;
	s25 =	simm.s32 $0x2  }
.LBB2_26:
0x2e1: {  	p0 =	sne.s32 s25, $0x2F;
	v18 =	vmov s24;
	s26 =	sand.u32 $0xFFFFFFE0, s26;
	[tilespmem:s23+$0x0] =	vst v17;
	s24 =	smov.u32 s25  }
0x2e2: {  	v19 =	vand.u32 $0x18, v18;
	v17 =	vadd.s32 s26, v4;
	v16 =	vld.idx.msk [tilespmem:v16+s3+$0x0], $0xffff  }
0x2e3: {  	v18 =	vand.u32 $0x7, v18;
	v17 =	vor.u32 v19, v17  }
0x2e4: {  	v17 =	vor.u32 v18, v17;
	_ =	sdelay $0x3  }
0x2e5: {  	[tilespmem:s23+$0x10] =	vst v16  }
0x2e6: {  	v16 =	vld.idx.msk [tilespmem:v17+s3+$0x0], $0xffff;
	v17 =	vadd.s32 s26, v5  }
0x2e7: {  	v17 =	vor.u32 v19, v17  }
0x2e8: {  	v17 =	vor.u32 v18, v17;
	_ =	sdelay $0x2  }
0x2e9: {  	s23 =	sadd.s32 $0x40, s23  }
0x2ea: {  	[tilespmem:s23+$0xFFFFFFE0] =	vst v16  }
0x2eb: {  	v16 =	vld.idx.msk [tilespmem:v17+s3+$0x0], $0xffff;
	v17 =	vadd.s32 s26, v6  }
0x2ec: {  	v17 =	vor.u32 v19, v17  }
0x2ed: {  	v17 =	vor.u32 v18, v17;
	_ =	sdelay $0x3  }
0x2ee: {  	[tilespmem:s23+$0xFFFFFFF0] =	vst v16  }
0x2ef: {  	v16 =	vadd.s32 s26, v7;
	v17 =	vld.idx.msk [tilespmem:v17+s3+$0x0], $0xffff  }
.Ltmp12:
0x2f0: {  	v16 =	vor.u32 v19, v16;
	(pc) =	sbr.rel @p0 .LBB2_26-.Ltmp12, $2  }
0x2f1: {  	v16 =	vor.u32 v18, v16;
	_ =	sdelay $0x2  }
0x2f2: {  	s25 =	sadd.s32 $0x1, s25;
	s26 =	sor.u32 $0xC0, s24  }
0x2f3: {  	_ =	sdelay $0x1  }
0x2f4: {  	v18 =	vmov s24;
	s26 =	sand.u32 $0xFFFFFFE0, s26  }
0x2f5: {  	[tilespmem:s23+$0x0] =	vst v17;
	v17 =	vand.u32 $0x18, v18;
	v19 =	vadd.s32 s26, v4  }
0x2f6: {  	v16 =	vld.idx.msk [tilespmem:v16+s3+$0x0], $0xffff;
	v18 =	vand.u32 $0x7, v18;
	v19 =	vor.u32 v17, v19  }
0x2f7: {  	v19 =	vor.u32 v18, v19;
	_ =	sdelay $0x3  }
0x2f8: {  	[tilespmem:s23+$0x10] =	vst v16;
	v16 =	vadd.s32 s26, v5  }
0x2f9: {  	v16 =	vor.u32 v17, v16;
	v19 =	vld.idx.msk [tilespmem:v19+s3+$0x0], $0xffff  }
0x2fa: {  	v16 =	vor.u32 v18, v16;
	_ =	sdelay $0x2  }
0x2fb: {  	s25 =	sadd.s32 $0x40, s23  }
0x2fc: {  	[tilespmem:s25+$0xFFFFFFE0] =	vst v19;
	v19 =	vadd.s32 s26, v6  }
0x2fd: {  	v16 =	vld.idx.msk [tilespmem:v16+s3+$0x0], $0xffff;
	v19 =	vor.u32 v17, v19  }
0x2fe: {  	v19 =	vor.u32 v18, v19;
	_ =	sdelay $0x3  }
0x2ff: {  	[tilespmem:s25+$0xFFFFFFF0] =	vst v16;
	v16 =	vadd.s32 s26, v7  }
0x300: {  	v19 =	vld.idx.msk [tilespmem:v19+s3+$0x0], $0xffff;
	v16 =	vor.u32 v17, v16  }
0x301: {  	v16 =	vor.u32 v18, v16;
	_ =	sdelay $0x3  }
0x302: {  	[tilespmem:s25+$0x0] =	vst v19  }
0x303: {  	v16 =	vld.idx.msk [tilespmem:v16+s3+$0x0], $0xffff;
	_ =	sdelay $0x2  }
0x304: {  	s26 =	simm.s32 $0xF0  }
0x305: {  	v17 =	vmov s26;
	s24 =	sand.u32 $0xFFFFFFE0, s26  }
0x306: {  	v18 =	vand.u32 $0x18, v17;
	v19 =	vadd.s32 s24, v4;
	[tilespmem:s25+$0x10] =	vst v16;
	s25 =	sld [smem:$0x7F8]  }
0x307: {  	v17 =	vand.u32 $0x7, v17;
	v19 =	vor.u32 v18, v19  }
0x308: {  	v16 =	vor.u32 v17, v19  }
0x309: {  	[spmem:s25] =	stream.strided.scatter [tilespmem:s19], [sflag:$0x2], $0xC00, s18, s17, $0x38;
	[tilespmem:$0x1F800] =	vst v63  }
0x30a: {  	_ =	swait.ge [sflag:s16], $0xC00  }
0x30b: {  	[sflag:s16] =	ssyncset.done $0x0  }
0x30c: {  	v19 =	vadd.s32 s24, v5;
	[sflag:s16] =	ssyncadd.s32 $0xFFFFF400  }
0x30d: {  	v19 =	vor.u32 v18, v19;
	v16 =	vld.idx.msk [tilespmem:v16+s3+$0x0], $0xffff  }
0x30e: {  	v19 =	vor.u32 v17, v19;
	_ =	sdelay $0x2  }
0x30f: {  	s23 =	simm.s32 $0x6C20  }
0x310: {  	[tilespmem:s23+$0xFFFFFFE0] =	vst v16;
	v16 =	vadd.s32 s24, v6  }
0x311: {  	v19 =	vld.idx.msk [tilespmem:v19+s3+$0x0], $0xffff;
	v16 =	vor.u32 v18, v16  }
0x312: {  	v16 =	vor.u32 v17, v16;
	_ =	sdelay $0x3  }
0x313: {  	[tilespmem:s23+$0xFFFFFFF0] =	vst v19  }
0x314: {  	v19 =	vld.idx.msk [tilespmem:v16+s3+$0x0], $0xffff;
	v16 =	vadd.s32 s24, v7  }
0x315: {  	v16 =	vor.u32 v18, v16  }
0x316: {  	v16 =	vor.u32 v17, v16;
	_ =	sdelay $0x2  }
0x317: {  	s26 =	simm.s32 $0xF1  }
0x318: {  	s25 =	simm.s32 $0xF2;
	s24 =	sand.u32 $0xFFFFFFE0, s26;
	v17 =	vmov s26;
	[tilespmem:s23+$0x0] =	vst v19  }
.LBB2_28:
0x319: {  	p0 =	sne.s32 s25, $0x11F;
	v18 =	vand.u32 $0x18, v17;
	v19 =	vadd.s32 s24, v4;
	v16 =	vld.idx.msk [tilespmem:v16+s3+$0x0], $0xffff  }
0x31a: {  	v17 =	vand.u32 $0x7, v17;
	v19 =	vor.u32 v18, v19  }
0x31b: {  	v19 =	vor.u32 v17, v19;
	_ =	sdelay $0x3  }
0x31c: {  	[tilespmem:s23+$0x10] =	vst v16  }
0x31d: {  	v16 =	vld.idx.msk [tilespmem:v19+s3+$0x0], $0xffff;
	v19 =	vadd.s32 s24, v5  }
0x31e: {  	v19 =	vor.u32 v18, v19  }
0x31f: {  	v19 =	vor.u32 v17, v19;
	_ =	sdelay $0x2  }
0x320: {  	s23 =	sadd.s32 $0x40, s23  }
0x321: {  	[tilespmem:s23+$0xFFFFFFE0] =	vst v16  }
0x322: {  	v16 =	vld.idx.msk [tilespmem:v19+s3+$0x0], $0xffff;
	v19 =	vadd.s32 s24, v6  }
0x323: {  	v19 =	vor.u32 v18, v19  }
0x324: {  	v19 =	vor.u32 v17, v19;
	_ =	sdelay $0x3  }
0x325: {  	[tilespmem:s23+$0xFFFFFFF0] =	vst v16  }
0x326: {  	v16 =	vadd.s32 s24, v7;
	v19 =	vld.idx.msk [tilespmem:v19+s3+$0x0], $0xffff  }
0x327: {  	v16 =	vor.u32 v18, v16  }
.Ltmp13:
0x328: {  	v16 =	vor.u32 v17, v16;
	(pc) =	sbr.rel @p0 .LBB2_28-.Ltmp13, $2  }
0x329: {  	_ =	sdelay $0x2  }
0x32a: {  	s24 =	sand.u32 $0xFFFFFFE0, s25;
	v17 =	vmov s25;
	s25 =	sadd.s32 $0x1, s25;
	[tilespmem:s23+$0x0] =	vst v19  }
0x32b: {  	_ =	sdelay $0x2  }
0x32c: {  	v18 =	vand.u32 $0x18, v17;
	v19 =	vadd.s32 s24, v4  }
0x32d: {  	v16 =	vld.idx.msk [tilespmem:v16+s3+$0x0], $0xffff;
	v17 =	vand.u32 $0x7, v17;
	v19 =	vor.u32 v18, v19  }
0x32e: {  	v19 =	vor.u32 v17, v19;
	_ =	sdelay $0x3  }
0x32f: {  	[tilespmem:s23+$0x10] =	vst v16;
	v16 =	vadd.s32 s24, v5  }
0x330: {  	v16 =	vor.u32 v18, v16;
	v19 =	vld.idx.msk [tilespmem:v19+s3+$0x0], $0xffff  }
0x331: {  	v16 =	vor.u32 v17, v16;
	_ =	sdelay $0x2  }
0x332: {  	s23 =	sadd.s32 $0x40, s23  }
0x333: {  	[tilespmem:s23+$0xFFFFFFE0] =	vst v19;
	v19 =	vadd.s32 s24, v6  }
0x334: {  	v16 =	vld.idx.msk [tilespmem:v16+s3+$0x0], $0xffff;
	v19 =	vor.u32 v18, v19  }
0x335: {  	v19 =	vor.u32 v17, v19;
	_ =	sdelay $0x3  }
0x336: {  	[tilespmem:s23+$0xFFFFFFF0] =	vst v16;
	v16 =	vadd.s32 s24, v7  }
0x337: {  	v19 =	vld.idx.msk [tilespmem:v19+s3+$0x0], $0xffff;
	v16 =	vor.u32 v18, v16  }
0x338: {  	v16 =	vor.u32 v17, v16;
	_ =	sdelay $0x3  }
0x339: {  	[tilespmem:s23+$0x0] =	vst v19  }
0x33a: {  	v16 =	vld.idx.msk [tilespmem:v16+s3+$0x0], $0xffff  }
0x33b: {  	s26 =	simm.s32 $0x0;
	s25 =	simm.s32 $0x120  }
0x33c: {  	s25 =	sand.u32 $0xFFFFFFE0, s25;
	v17 =	vmov s26  }
0x33d: {  	s26 =	sld [smem:$0x7F9];
	v18 =	vand.u32 $0x18, v17;
	v19 =	vadd.s32 s25, v4  }
0x33e: {  	v20 =	vand.u32 $0x7, v17;
	v17 =	vor.u32 v18, v19  }
0x33f: {  	[tilespmem:s23+$0x10] =	vst v16;
	v16 =	vor.u32 v20, v17  }
0x340: {  	[spmem:s26] =	stream.strided.scatter [tilespmem:s19], [sflag:$0x2], $0xC00, s18, s17, $0x38;
	[tilespmem:$0x1F800] =	vst v63  }
0x341: {  	_ =	swait.ge [sflag:s16], $0xC00  }
0x342: {  	[sflag:s16] =	ssyncset.done $0x0  }
0x343: {  	v17 =	vadd.s32 s25, v5;
	[sflag:s16] =	ssyncadd.s32 $0xFFFFF400  }
0x344: {  	v17 =	vor.u32 v18, v17;
	v16 =	vld.idx.msk [tilespmem:v16+s3+$0x0], $0xffff  }
0x345: {  	v17 =	vor.u32 v20, v17;
	_ =	sdelay $0x2  }
0x346: {  	s23 =	simm.s32 $0x6C20  }
0x347: {  	[tilespmem:s23+$0xFFFFFFE0] =	vst v16;
	v16 =	vadd.s32 s25, v6  }
0x348: {  	v17 =	vld.idx.msk [tilespmem:v17+s3+$0x0], $0xffff;
	v16 =	vor.u32 v18, v16  }
0x349: {  	v16 =	vor.u32 v20, v16;
	_ =	sdelay $0x3  }
0x34a: {  	v19 =	vadd.s32 s25, v7;
	[tilespmem:s23+$0xFFFFFFF0] =	vst v17  }
0x34b: {  	v18 =	vor.u32 v18, v19;
	v17 =	vld.idx.msk [tilespmem:v16+s3+$0x0], $0xffff  }
0x34c: {  	v16 =	vor.u32 v20, v18;
	_ =	sdelay $0x2  }
0x34d: {  	s24 =	simm.s32 $0x1;
	s26 =	simm.s32 $0x121;
	s25 =	simm.s32 $0x2  }
.LBB2_30:
0x34e: {  	p0 =	sne.s32 s25, $0x2F;
	v18 =	vmov s24;
	s26 =	sand.u32 $0xFFFFFFE0, s26;
	[tilespmem:s23+$0x0] =	vst v17;
	s24 =	smov.u32 s25  }
0x34f: {  	v19 =	vand.u32 $0x18, v18;
	v17 =	vadd.s32 s26, v4;
	v16 =	vld.idx.msk [tilespmem:v16+s3+$0x0], $0xffff  }
0x350: {  	v18 =	vand.u32 $0x7, v18;
	v17 =	vor.u32 v19, v17  }
0x351: {  	v17 =	vor.u32 v18, v17;
	_ =	sdelay $0x3  }
0x352: {  	[tilespmem:s23+$0x10] =	vst v16  }
0x353: {  	v16 =	vld.idx.msk [tilespmem:v17+s3+$0x0], $0xffff;
	v17 =	vadd.s32 s26, v5  }
0x354: {  	v17 =	vor.u32 v19, v17  }
0x355: {  	v17 =	vor.u32 v18, v17;
	_ =	sdelay $0x2  }
0x356: {  	s23 =	sadd.s32 $0x40, s23  }
0x357: {  	[tilespmem:s23+$0xFFFFFFE0] =	vst v16  }
0x358: {  	v16 =	vld.idx.msk [tilespmem:v17+s3+$0x0], $0xffff;
	v17 =	vadd.s32 s26, v6  }
0x359: {  	v17 =	vor.u32 v19, v17  }
0x35a: {  	v17 =	vor.u32 v18, v17;
	_ =	sdelay $0x3  }
0x35b: {  	[tilespmem:s23+$0xFFFFFFF0] =	vst v16  }
0x35c: {  	v16 =	vadd.s32 s26, v7;
	v17 =	vld.idx.msk [tilespmem:v17+s3+$0x0], $0xffff  }
.Ltmp14:
0x35d: {  	v16 =	vor.u32 v19, v16;
	(pc) =	sbr.rel @p0 .LBB2_30-.Ltmp14, $2  }
0x35e: {  	v16 =	vor.u32 v18, v16;
	_ =	sdelay $0x2  }
0x35f: {  	s25 =	sadd.s32 $0x1, s25;
	s26 =	sadd.s32 $0x120, s24  }
0x360: {  	_ =	sdelay $0x1  }
0x361: {  	v18 =	vmov s24;
	s26 =	sand.u32 $0xFFFFFFE0, s26  }
0x362: {  	[tilespmem:s23+$0x0] =	vst v17;
	v17 =	vand.u32 $0x18, v18;
	v19 =	vadd.s32 s26, v4  }
0x363: {  	v16 =	vld.idx.msk [tilespmem:v16+s3+$0x0], $0xffff;
	v18 =	vand.u32 $0x7, v18;
	v19 =	vor.u32 v17, v19  }
0x364: {  	v19 =	vor.u32 v18, v19;
	_ =	sdelay $0x3  }
0x365: {  	[tilespmem:s23+$0x10] =	vst v16;
	v16 =	vadd.s32 s26, v5  }
0x366: {  	v16 =	vor.u32 v17, v16;
	v19 =	vld.idx.msk [tilespmem:v19+s3+$0x0], $0xffff  }
0x367: {  	v16 =	vor.u32 v18, v16;
	_ =	sdelay $0x2  }
0x368: {  	s25 =	sadd.s32 $0x40, s23  }
0x369: {  	[tilespmem:s25+$0xFFFFFFE0] =	vst v19;
	v19 =	vadd.s32 s26, v6  }
0x36a: {  	v16 =	vld.idx.msk [tilespmem:v16+s3+$0x0], $0xffff;
	v19 =	vor.u32 v17, v19  }
0x36b: {  	v19 =	vor.u32 v18, v19;
	_ =	sdelay $0x3  }
0x36c: {  	[tilespmem:s25+$0xFFFFFFF0] =	vst v16;
	v16 =	vadd.s32 s26, v7  }
0x36d: {  	v19 =	vld.idx.msk [tilespmem:v19+s3+$0x0], $0xffff;
	v16 =	vor.u32 v17, v16  }
0x36e: {  	v16 =	vor.u32 v18, v16;
	_ =	sdelay $0x3  }
0x36f: {  	[tilespmem:s25+$0x0] =	vst v19  }
0x370: {  	v16 =	vld.idx.msk [tilespmem:v16+s3+$0x0], $0xffff;
	_ =	sdelay $0x2  }
0x371: {  	s26 =	simm.s32 $0x150  }
0x372: {  	v17 =	vmov s26;
	s24 =	sand.u32 $0xFFFFFFE0, s26  }
0x373: {  	v18 =	vand.u32 $0x18, v17;
	v19 =	vadd.s32 s24, v4;
	[tilespmem:s25+$0x10] =	vst v16;
	s25 =	sld [smem:$0x7FA]  }
0x374: {  	v17 =	vand.u32 $0x7, v17;
	v19 =	vor.u32 v18, v19  }
0x375: {  	v16 =	vor.u32 v17, v19  }
0x376: {  	[spmem:s25] =	stream.strided.scatter [tilespmem:s19], [sflag:$0x2], $0xC00, s18, s17, $0x38;
	[tilespmem:$0x1F800] =	vst v63  }
0x377: {  	_ =	swait.ge [sflag:s16], $0xC00  }
0x378: {  	[sflag:s16] =	ssyncset.done $0x0  }
0x379: {  	v19 =	vadd.s32 s24, v5;
	[sflag:s16] =	ssyncadd.s32 $0xFFFFF400  }
0x37a: {  	v19 =	vor.u32 v18, v19;
	v16 =	vld.idx.msk [tilespmem:v16+s3+$0x0], $0xffff  }
0x37b: {  	v19 =	vor.u32 v17, v19;
	_ =	sdelay $0x2  }
0x37c: {  	s23 =	simm.s32 $0x6C20  }
0x37d: {  	[tilespmem:s23+$0xFFFFFFE0] =	vst v16;
	v16 =	vadd.s32 s24, v6  }
0x37e: {  	v19 =	vld.idx.msk [tilespmem:v19+s3+$0x0], $0xffff;
	v16 =	vor.u32 v18, v16  }
0x37f: {  	v16 =	vor.u32 v17, v16;
	_ =	sdelay $0x3  }
0x380: {  	[tilespmem:s23+$0xFFFFFFF0] =	vst v19  }
0x381: {  	v19 =	vld.idx.msk [tilespmem:v16+s3+$0x0], $0xffff;
	v16 =	vadd.s32 s24, v7  }
0x382: {  	v16 =	vor.u32 v18, v16  }
0x383: {  	v16 =	vor.u32 v17, v16;
	_ =	sdelay $0x2  }
0x384: {  	s26 =	simm.s32 $0x151  }
0x385: {  	s25 =	simm.s32 $0x152;
	s24 =	sand.u32 $0xFFFFFFE0, s26;
	v17 =	vmov s26;
	[tilespmem:s23+$0x0] =	vst v19  }
.LBB2_32:
0x386: {  	p0 =	sne.s32 s25, $0x17F;
	v18 =	vand.u32 $0x18, v17;
	v19 =	vadd.s32 s24, v4;
	v16 =	vld.idx.msk [tilespmem:v16+s3+$0x0], $0xffff  }
0x387: {  	v17 =	vand.u32 $0x7, v17;
	v19 =	vor.u32 v18, v19  }
0x388: {  	v19 =	vor.u32 v17, v19;
	_ =	sdelay $0x3  }
0x389: {  	[tilespmem:s23+$0x10] =	vst v16  }
0x38a: {  	v16 =	vld.idx.msk [tilespmem:v19+s3+$0x0], $0xffff;
	v19 =	vadd.s32 s24, v5  }
0x38b: {  	v19 =	vor.u32 v18, v19  }
0x38c: {  	v19 =	vor.u32 v17, v19;
	_ =	sdelay $0x2  }
0x38d: {  	s23 =	sadd.s32 $0x40, s23  }
0x38e: {  	[tilespmem:s23+$0xFFFFFFE0] =	vst v16  }
0x38f: {  	v16 =	vld.idx.msk [tilespmem:v19+s3+$0x0], $0xffff;
	v19 =	vadd.s32 s24, v6  }
0x390: {  	v19 =	vor.u32 v18, v19  }
0x391: {  	v19 =	vor.u32 v17, v19;
	_ =	sdelay $0x3  }
0x392: {  	[tilespmem:s23+$0xFFFFFFF0] =	vst v16  }
0x393: {  	v16 =	vadd.s32 s24, v7;
	v19 =	vld.idx.msk [tilespmem:v19+s3+$0x0], $0xffff  }
0x394: {  	v16 =	vor.u32 v18, v16  }
.Ltmp15:
0x395: {  	v16 =	vor.u32 v17, v16;
	(pc) =	sbr.rel @p0 .LBB2_32-.Ltmp15, $2  }
0x396: {  	_ =	sdelay $0x2  }
0x397: {  	s24 =	sand.u32 $0xFFFFFFE0, s25;
	v17 =	vmov s25;
	s25 =	sadd.s32 $0x1, s25;
	[tilespmem:s23+$0x0] =	vst v19  }
0x398: {  	_ =	sdelay $0x2  }
0x399: {  	v18 =	vand.u32 $0x18, v17;
	v19 =	vadd.s32 s24, v4  }
0x39a: {  	v16 =	vld.idx.msk [tilespmem:v16+s3+$0x0], $0xffff;
	v17 =	vand.u32 $0x7, v17;
	v19 =	vor.u32 v18, v19  }
0x39b: {  	v19 =	vor.u32 v17, v19;
	_ =	sdelay $0x3  }
0x39c: {  	[tilespmem:s23+$0x10] =	vst v16;
	v16 =	vadd.s32 s24, v5  }
0x39d: {  	v16 =	vor.u32 v18, v16;
	v19 =	vld.idx.msk [tilespmem:v19+s3+$0x0], $0xffff  }
0x39e: {  	v16 =	vor.u32 v17, v16;
	_ =	sdelay $0x2  }
0x39f: {  	s25 =	sadd.s32 $0x40, s23  }
0x3a0: {  	[tilespmem:s25+$0xFFFFFFE0] =	vst v19;
	v19 =	vadd.s32 s24, v6  }
0x3a1: {  	v16 =	vld.idx.msk [tilespmem:v16+s3+$0x0], $0xffff;
	v19 =	vor.u32 v18, v19  }
0x3a2: {  	v19 =	vor.u32 v17, v19;
	_ =	sdelay $0x3  }
0x3a3: {  	[tilespmem:s25+$0xFFFFFFF0] =	vst v16;
	v16 =	vadd.s32 s24, v7  }
0x3a4: {  	v19 =	vld.idx.msk [tilespmem:v19+s3+$0x0], $0xffff;
	v16 =	vor.u32 v18, v16  }
0x3a5: {  	v16 =	vor.u32 v17, v16;
	_ =	sdelay $0x3  }
0x3a6: {  	[tilespmem:s25+$0x0] =	vst v19  }
0x3a7: {  	v16 =	vld.idx.msk [tilespmem:v16+s3+$0x0], $0xffff;
	_ =	sdelay $0x2  }
0x3a8: {  	s26 =	simm.s32 $0x0  }
0x3a9: {  	s24 =	sand.u32 $0xFFFFFFE0, s26;
	v17 =	vmov s26  }
0x3aa: {  	v18 =	vand.u32 $0x18, v17;
	v19 =	vadd.s32 s24, v8;
	[tilespmem:s25+$0x10] =	vst v16;
	s25 =	sld [smem:$0x7FB]  }
0x3ab: {  	v17 =	vand.u32 $0x7, v17;
	v19 =	vor.u32 v18, v19  }
0x3ac: {  	v16 =	vor.u32 v17, v19  }
0x3ad: {  	[spmem:s25] =	stream.strided.scatter [tilespmem:s19], [sflag:$0x2], $0xC00, s18, s17, $0x38;
	[tilespmem:$0x1F800] =	vst v63  }
0x3ae: {  	_ =	swait.ge [sflag:s16], $0xC00  }
0x3af: {  	[sflag:s16] =	ssyncset.done $0x0  }
0x3b0: {  	v19 =	vadd.s32 s24, v9;
	[sflag:s16] =	ssyncadd.s32 $0xFFFFF400  }
0x3b1: {  	v19 =	vor.u32 v18, v19;
	v16 =	vld.idx.msk [tilespmem:v16+s3+$0x0], $0xffff  }
0x3b2: {  	v19 =	vor.u32 v17, v19;
	_ =	sdelay $0x2  }
0x3b3: {  	s23 =	simm.s32 $0x6C20  }
0x3b4: {  	[tilespmem:s23+$0xFFFFFFE0] =	vst v16;
	v16 =	vadd.s32 s24, v10  }
0x3b5: {  	v19 =	vld.idx.msk [tilespmem:v19+s3+$0x0], $0xffff;
	v16 =	vor.u32 v18, v16  }
0x3b6: {  	v16 =	vor.u32 v17, v16;
	_ =	sdelay $0x3  }
0x3b7: {  	[tilespmem:s23+$0xFFFFFFF0] =	vst v19  }
0x3b8: {  	v19 =	vld.idx.msk [tilespmem:v16+s3+$0x0], $0xffff;
	v16 =	vadd.s32 s24, v11  }
0x3b9: {  	v16 =	vor.u32 v18, v16  }
0x3ba: {  	v16 =	vor.u32 v17, v16;
	_ =	sdelay $0x2  }
0x3bb: {  	s26 =	simm.s32 $0x1  }
0x3bc: {  	s25 =	simm.s32 $0x2;
	s24 =	sand.u32 $0xFFFFFFE0, s26;
	v17 =	vmov s26;
	[tilespmem:s23+$0x0] =	vst v19  }
.LBB2_34:
0x3bd: {  	p0 =	sne.s32 s25, $0x2F;
	v18 =	vand.u32 $0x18, v17;
	v19 =	vadd.s32 s24, v8;
	v16 =	vld.idx.msk [tilespmem:v16+s3+$0x0], $0xffff  }
0x3be: {  	v17 =	vand.u32 $0x7, v17;
	v19 =	vor.u32 v18, v19  }
0x3bf: {  	v19 =	vor.u32 v17, v19;
	_ =	sdelay $0x3  }
0x3c0: {  	[tilespmem:s23+$0x10] =	vst v16  }
0x3c1: {  	v16 =	vld.idx.msk [tilespmem:v19+s3+$0x0], $0xffff;
	v19 =	vadd.s32 s24, v9  }
0x3c2: {  	v19 =	vor.u32 v18, v19  }
0x3c3: {  	v19 =	vor.u32 v17, v19;
	_ =	sdelay $0x2  }
0x3c4: {  	s23 =	sadd.s32 $0x40, s23  }
0x3c5: {  	[tilespmem:s23+$0xFFFFFFE0] =	vst v16  }
0x3c6: {  	v16 =	vld.idx.msk [tilespmem:v19+s3+$0x0], $0xffff;
	v19 =	vadd.s32 s24, v10  }
0x3c7: {  	v19 =	vor.u32 v18, v19  }
0x3c8: {  	v19 =	vor.u32 v17, v19;
	_ =	sdelay $0x3  }
0x3c9: {  	[tilespmem:s23+$0xFFFFFFF0] =	vst v16  }
0x3ca: {  	v16 =	vadd.s32 s24, v11;
	v19 =	vld.idx.msk [tilespmem:v19+s3+$0x0], $0xffff  }
0x3cb: {  	v16 =	vor.u32 v18, v16  }
.Ltmp16:
0x3cc: {  	v16 =	vor.u32 v17, v16;
	(pc) =	sbr.rel @p0 .LBB2_34-.Ltmp16, $2  }
0x3cd: {  	_ =	sdelay $0x2  }
0x3ce: {  	s24 =	sand.u32 $0xFFFFFFE0, s25;
	v17 =	vmov s25;
	s25 =	sadd.s32 $0x1, s25;
	[tilespmem:s23+$0x0] =	vst v19  }
0x3cf: {  	_ =	sdelay $0x2  }
0x3d0: {  	v18 =	vand.u32 $0x18, v17;
	v19 =	vadd.s32 s24, v8  }
0x3d1: {  	v16 =	vld.idx.msk [tilespmem:v16+s3+$0x0], $0xffff;
	v17 =	vand.u32 $0x7, v17;
	v19 =	vor.u32 v18, v19  }
0x3d2: {  	v19 =	vor.u32 v17, v19;
	_ =	sdelay $0x3  }
0x3d3: {  	[tilespmem:s23+$0x10] =	vst v16;
	v16 =	vadd.s32 s24, v9  }
0x3d4: {  	v16 =	vor.u32 v18, v16;
	v19 =	vld.idx.msk [tilespmem:v19+s3+$0x0], $0xffff  }
0x3d5: {  	v16 =	vor.u32 v17, v16;
	_ =	sdelay $0x2  }
0x3d6: {  	s25 =	sadd.s32 $0x40, s23  }
0x3d7: {  	[tilespmem:s25+$0xFFFFFFE0] =	vst v19;
	v19 =	vadd.s32 s24, v10  }
0x3d8: {  	v16 =	vld.idx.msk [tilespmem:v16+s3+$0x0], $0xffff;
	v19 =	vor.u32 v18, v19  }
0x3d9: {  	v19 =	vor.u32 v17, v19;
	_ =	sdelay $0x3  }
0x3da: {  	[tilespmem:s25+$0xFFFFFFF0] =	vst v16;
	v16 =	vadd.s32 s24, v11  }
0x3db: {  	v19 =	vld.idx.msk [tilespmem:v19+s3+$0x0], $0xffff;
	v16 =	vor.u32 v18, v16  }
0x3dc: {  	v16 =	vor.u32 v17, v16;
	_ =	sdelay $0x3  }
0x3dd: {  	[tilespmem:s25+$0x0] =	vst v19  }
0x3de: {  	v16 =	vld.idx.msk [tilespmem:v16+s3+$0x0], $0xffff;
	_ =	sdelay $0x2  }
0x3df: {  	s26 =	simm.s32 $0x30  }
0x3e0: {  	s24 =	sand.u32 $0xFFFFFFE0, s26;
	v17 =	vmov s26  }
0x3e1: {  	v18 =	vand.u32 $0x18, v17;
	v19 =	vadd.s32 s24, v8;
	[tilespmem:s25+$0x10] =	vst v16;
	s25 =	sld [smem:$0x7FC]  }
0x3e2: {  	v17 =	vand.u32 $0x7, v17;
	v19 =	vor.u32 v18, v19  }
0x3e3: {  	v16 =	vor.u32 v17, v19  }
0x3e4: {  	[spmem:s25] =	stream.strided.scatter [tilespmem:s19], [sflag:$0x2], $0xC00, s18, s17, $0x38;
	[tilespmem:$0x1F800] =	vst v63  }
0x3e5: {  	_ =	swait.ge [sflag:s16], $0xC00  }
0x3e6: {  	[sflag:s16] =	ssyncset.done $0x0  }
0x3e7: {  	v19 =	vadd.s32 s24, v9;
	[sflag:s16] =	ssyncadd.s32 $0xFFFFF400  }
0x3e8: {  	v19 =	vor.u32 v18, v19;
	v16 =	vld.idx.msk [tilespmem:v16+s3+$0x0], $0xffff  }
0x3e9: {  	v19 =	vor.u32 v17, v19;
	_ =	sdelay $0x2  }
0x3ea: {  	s23 =	simm.s32 $0x6C20  }
0x3eb: {  	[tilespmem:s23+$0xFFFFFFE0] =	vst v16;
	v16 =	vadd.s32 s24, v10  }
0x3ec: {  	v19 =	vld.idx.msk [tilespmem:v19+s3+$0x0], $0xffff;
	v16 =	vor.u32 v18, v16  }
0x3ed: {  	v16 =	vor.u32 v17, v16;
	_ =	sdelay $0x3  }
0x3ee: {  	[tilespmem:s23+$0xFFFFFFF0] =	vst v19  }
0x3ef: {  	v19 =	vld.idx.msk [tilespmem:v16+s3+$0x0], $0xffff;
	v16 =	vadd.s32 s24, v11  }
0x3f0: {  	v16 =	vor.u32 v18, v16  }
0x3f1: {  	v16 =	vor.u32 v17, v16;
	_ =	sdelay $0x2  }
0x3f2: {  	s26 =	simm.s32 $0x31  }
0x3f3: {  	s25 =	simm.s32 $0x32;
	s24 =	sand.u32 $0xFFFFFFE0, s26;
	v17 =	vmov s26;
	[tilespmem:s23+$0x0] =	vst v19  }
.LBB2_36:
0x3f4: {  	p0 =	sne.s32 s25, $0x5F;
	v18 =	vand.u32 $0x18, v17;
	v19 =	vadd.s32 s24, v8;
	v16 =	vld.idx.msk [tilespmem:v16+s3+$0x0], $0xffff  }
0x3f5: {  	v17 =	vand.u32 $0x7, v17;
	v19 =	vor.u32 v18, v19  }
0x3f6: {  	v19 =	vor.u32 v17, v19;
	_ =	sdelay $0x3  }
0x3f7: {  	[tilespmem:s23+$0x10] =	vst v16  }
0x3f8: {  	v16 =	vld.idx.msk [tilespmem:v19+s3+$0x0], $0xffff;
	v19 =	vadd.s32 s24, v9  }
0x3f9: {  	v19 =	vor.u32 v18, v19  }
0x3fa: {  	v19 =	vor.u32 v17, v19;
	_ =	sdelay $0x2  }
0x3fb: {  	s23 =	sadd.s32 $0x40, s23  }
0x3fc: {  	[tilespmem:s23+$0xFFFFFFE0] =	vst v16  }
0x3fd: {  	v16 =	vld.idx.msk [tilespmem:v19+s3+$0x0], $0xffff;
	v19 =	vadd.s32 s24, v10  }
0x3fe: {  	v19 =	vor.u32 v18, v19  }
0x3ff: {  	v19 =	vor.u32 v17, v19;
	_ =	sdelay $0x3  }
0x400: {  	[tilespmem:s23+$0xFFFFFFF0] =	vst v16  }
0x401: {  	v16 =	vadd.s32 s24, v11;
	v19 =	vld.idx.msk [tilespmem:v19+s3+$0x0], $0xffff  }
0x402: {  	v16 =	vor.u32 v18, v16  }
.Ltmp17:
0x403: {  	v16 =	vor.u32 v17, v16;
	(pc) =	sbr.rel @p0 .LBB2_36-.Ltmp17, $2  }
0x404: {  	_ =	sdelay $0x2  }
0x405: {  	s24 =	sand.u32 $0xFFFFFFE0, s25;
	v17 =	vmov s25;
	s25 =	sadd.s32 $0x1, s25;
	[tilespmem:s23+$0x0] =	vst v19  }
0x406: {  	_ =	sdelay $0x2  }
0x407: {  	v18 =	vand.u32 $0x18, v17;
	v19 =	vadd.s32 s24, v8  }
0x408: {  	v16 =	vld.idx.msk [tilespmem:v16+s3+$0x0], $0xffff;
	v17 =	vand.u32 $0x7, v17;
	v19 =	vor.u32 v18, v19  }
0x409: {  	v19 =	vor.u32 v17, v19;
	_ =	sdelay $0x3  }
0x40a: {  	[tilespmem:s23+$0x10] =	vst v16;
	v16 =	vadd.s32 s24, v9  }
0x40b: {  	v16 =	vor.u32 v18, v16;
	v19 =	vld.idx.msk [tilespmem:v19+s3+$0x0], $0xffff  }
0x40c: {  	v16 =	vor.u32 v17, v16;
	_ =	sdelay $0x2  }
0x40d: {  	s23 =	sadd.s32 $0x40, s23  }
0x40e: {  	[tilespmem:s23+$0xFFFFFFE0] =	vst v19;
	v19 =	vadd.s32 s24, v10  }
0x40f: {  	v16 =	vld.idx.msk [tilespmem:v16+s3+$0x0], $0xffff;
	v19 =	vor.u32 v18, v19  }
0x410: {  	v19 =	vor.u32 v17, v19;
	_ =	sdelay $0x3  }
0x411: {  	[tilespmem:s23+$0xFFFFFFF0] =	vst v16;
	v16 =	vadd.s32 s24, v11  }
0x412: {  	v19 =	vld.idx.msk [tilespmem:v19+s3+$0x0], $0xffff;
	v16 =	vor.u32 v18, v16  }
0x413: {  	v16 =	vor.u32 v17, v16;
	_ =	sdelay $0x3  }
0x414: {  	[tilespmem:s23+$0x0] =	vst v19  }
0x415: {  	v16 =	vld.idx.msk [tilespmem:v16+s3+$0x0], $0xffff  }
0x416: {  	s26 =	simm.s32 $0x0;
	s25 =	simm.s32 $0x60  }
0x417: {  	s25 =	sand.u32 $0xFFFFFFE0, s25;
	v17 =	vmov s26  }
0x418: {  	s26 =	sld [smem:$0x7FD];
	v18 =	vand.u32 $0x18, v17;
	v19 =	vadd.s32 s25, v8  }
0x419: {  	v20 =	vand.u32 $0x7, v17;
	v17 =	vor.u32 v18, v19  }
0x41a: {  	[tilespmem:s23+$0x10] =	vst v16;
	v16 =	vor.u32 v20, v17  }
0x41b: {  	[spmem:s26] =	stream.strided.scatter [tilespmem:s19], [sflag:$0x2], $0xC00, s18, s17, $0x38;
	[tilespmem:$0x1F800] =	vst v63  }
0x41c: {  	_ =	swait.ge [sflag:s16], $0xC00  }
0x41d: {  	[sflag:s16] =	ssyncset.done $0x0  }
0x41e: {  	v17 =	vadd.s32 s25, v9;
	[sflag:s16] =	ssyncadd.s32 $0xFFFFF400  }
0x41f: {  	v17 =	vor.u32 v18, v17;
	v16 =	vld.idx.msk [tilespmem:v16+s3+$0x0], $0xffff  }
0x420: {  	v17 =	vor.u32 v20, v17;
	_ =	sdelay $0x2  }
0x421: {  	s23 =	simm.s32 $0x6C20  }
0x422: {  	[tilespmem:s23+$0xFFFFFFE0] =	vst v16;
	v16 =	vadd.s32 s25, v10  }
0x423: {  	v17 =	vld.idx.msk [tilespmem:v17+s3+$0x0], $0xffff;
	v16 =	vor.u32 v18, v16  }
0x424: {  	v16 =	vor.u32 v20, v16;
	_ =	sdelay $0x3  }
0x425: {  	v19 =	vadd.s32 s25, v11;
	[tilespmem:s23+$0xFFFFFFF0] =	vst v17  }
0x426: {  	v18 =	vor.u32 v18, v19;
	v17 =	vld.idx.msk [tilespmem:v16+s3+$0x0], $0xffff  }
0x427: {  	v16 =	vor.u32 v20, v18;
	_ =	sdelay $0x2  }
0x428: {  	s24 =	simm.s32 $0x1;
	s26 =	simm.s32 $0x61;
	s25 =	simm.s32 $0x2  }
.LBB2_38:
0x429: {  	p0 =	sne.s32 s25, $0x2F;
	v18 =	vmov s24;
	s26 =	sand.u32 $0xFFFFFFE0, s26;
	[tilespmem:s23+$0x0] =	vst v17;
	s24 =	smov.u32 s25  }
0x42a: {  	v19 =	vand.u32 $0x18, v18;
	v17 =	vadd.s32 s26, v8;
	v16 =	vld.idx.msk [tilespmem:v16+s3+$0x0], $0xffff  }
0x42b: {  	v18 =	vand.u32 $0x7, v18;
	v17 =	vor.u32 v19, v17  }
0x42c: {  	v17 =	vor.u32 v18, v17;
	_ =	sdelay $0x3  }
0x42d: {  	[tilespmem:s23+$0x10] =	vst v16  }
0x42e: {  	v16 =	vld.idx.msk [tilespmem:v17+s3+$0x0], $0xffff;
	v17 =	vadd.s32 s26, v9  }
0x42f: {  	v17 =	vor.u32 v19, v17  }
0x430: {  	v17 =	vor.u32 v18, v17;
	_ =	sdelay $0x2  }
0x431: {  	s23 =	sadd.s32 $0x40, s23  }
0x432: {  	[tilespmem:s23+$0xFFFFFFE0] =	vst v16  }
0x433: {  	v16 =	vld.idx.msk [tilespmem:v17+s3+$0x0], $0xffff;
	v17 =	vadd.s32 s26, v10  }
0x434: {  	v17 =	vor.u32 v19, v17  }
0x435: {  	v17 =	vor.u32 v18, v17;
	_ =	sdelay $0x3  }
0x436: {  	[tilespmem:s23+$0xFFFFFFF0] =	vst v16  }
0x437: {  	v16 =	vadd.s32 s26, v11;
	v17 =	vld.idx.msk [tilespmem:v17+s3+$0x0], $0xffff  }
.Ltmp18:
0x438: {  	v16 =	vor.u32 v19, v16;
	(pc) =	sbr.rel @p0 .LBB2_38-.Ltmp18, $2  }
0x439: {  	v16 =	vor.u32 v18, v16;
	_ =	sdelay $0x2  }
0x43a: {  	s25 =	sadd.s32 $0x1, s25;
	s26 =	sadd.s32 $0x60, s24  }
0x43b: {  	_ =	sdelay $0x1  }
0x43c: {  	v18 =	vmov s24;
	s25 =	sand.u32 $0xFFFFFFE0, s26  }
0x43d: {  	[tilespmem:s23+$0x0] =	vst v17;
	v17 =	vand.u32 $0x18, v18;
	v19 =	vadd.s32 s25, v8  }
0x43e: {  	v16 =	vld.idx.msk [tilespmem:v16+s3+$0x0], $0xffff;
	v18 =	vand.u32 $0x7, v18;
	v19 =	vor.u32 v17, v19  }
0x43f: {  	v19 =	vor.u32 v18, v19;
	_ =	sdelay $0x3  }
0x440: {  	[tilespmem:s23+$0x10] =	vst v16;
	v16 =	vadd.s32 s25, v9  }
0x441: {  	v16 =	vor.u32 v17, v16;
	v19 =	vld.idx.msk [tilespmem:v19+s3+$0x0], $0xffff  }
0x442: {  	v16 =	vor.u32 v18, v16;
	_ =	sdelay $0x2  }
0x443: {  	s26 =	sadd.s32 $0x40, s23  }
0x444: {  	[tilespmem:s26+$0xFFFFFFE0] =	vst v19;
	v19 =	vadd.s32 s25, v10  }
0x445: {  	v16 =	vld.idx.msk [tilespmem:v16+s3+$0x0], $0xffff;
	v19 =	vor.u32 v17, v19  }
0x446: {  	v19 =	vor.u32 v18, v19;
	_ =	sdelay $0x3  }
0x447: {  	[tilespmem:s26+$0xFFFFFFF0] =	vst v16;
	v16 =	vadd.s32 s25, v11  }
0x448: {  	v19 =	vld.idx.msk [tilespmem:v19+s3+$0x0], $0xffff;
	v16 =	vor.u32 v17, v16  }
0x449: {  	v16 =	vor.u32 v18, v16;
	_ =	sdelay $0x3  }
0x44a: {  	[tilespmem:s26+$0x0] =	vst v19  }
0x44b: {  	v16 =	vld.idx.msk [tilespmem:v16+s3+$0x0], $0xffff  }
0x44c: {  	s25 =	simm.s32 $0x90  }
0x44d: {  	v17 =	vmov s25;
	s24 =	sand.u32 $0xFFFFFFE0, s25  }
0x44e: {  	v18 =	vand.u32 $0x18, v17;
	v19 =	vadd.s32 s24, v8  }
0x44f: {  	v17 =	vand.u32 $0x7, v17;
	v19 =	vor.u32 v18, v19  }
0x450: {  	[tilespmem:s26+$0x10] =	vst v16;
	v16 =	vor.u32 v17, v19  }
0x451: {  	[spmem:s29] =	stream.strided.scatter [tilespmem:s19], [sflag:$0x2], $0xC00, s18, s17, $0x38;
	[tilespmem:$0x1F800] =	vst v63  }
0x452: {  	_ =	swait.ge [sflag:s16], $0xC00  }
0x453: {  	[sflag:s16] =	ssyncset.done $0x0  }
0x454: {  	v19 =	vadd.s32 s24, v9;
	[sflag:s16] =	ssyncadd.s32 $0xFFFFF400  }
0x455: {  	v19 =	vor.u32 v18, v19;
	v16 =	vld.idx.msk [tilespmem:v16+s3+$0x0], $0xffff  }
0x456: {  	v19 =	vor.u32 v17, v19;
	_ =	sdelay $0x2  }
0x457: {  	s23 =	simm.s32 $0x6C20  }
0x458: {  	[tilespmem:s23+$0xFFFFFFE0] =	vst v16;
	v16 =	vadd.s32 s24, v10  }
0x459: {  	v19 =	vld.idx.msk [tilespmem:v19+s3+$0x0], $0xffff;
	v16 =	vor.u32 v18, v16  }
0x45a: {  	v16 =	vor.u32 v17, v16;
	_ =	sdelay $0x3  }
0x45b: {  	[tilespmem:s23+$0xFFFFFFF0] =	vst v19  }
0x45c: {  	v19 =	vld.idx.msk [tilespmem:v16+s3+$0x0], $0xffff;
	v16 =	vadd.s32 s24, v11  }
0x45d: {  	v16 =	vor.u32 v18, v16  }
0x45e: {  	v16 =	vor.u32 v17, v16;
	_ =	sdelay $0x2  }
0x45f: {  	s26 =	simm.s32 $0x91  }
0x460: {  	s25 =	simm.s32 $0x92;
	s24 =	sand.u32 $0xFFFFFFE0, s26;
	v17 =	vmov s26;
	[tilespmem:s23+$0x0] =	vst v19  }
.LBB2_40:
0x461: {  	p0 =	sne.s32 s25, $0xBF;
	v18 =	vand.u32 $0x18, v17;
	v19 =	vadd.s32 s24, v8;
	v16 =	vld.idx.msk [tilespmem:v16+s3+$0x0], $0xffff  }
0x462: {  	v17 =	vand.u32 $0x7, v17;
	v19 =	vor.u32 v18, v19  }
0x463: {  	v19 =	vor.u32 v17, v19;
	_ =	sdelay $0x3  }
0x464: {  	[tilespmem:s23+$0x10] =	vst v16  }
0x465: {  	v16 =	vld.idx.msk [tilespmem:v19+s3+$0x0], $0xffff;
	v19 =	vadd.s32 s24, v9  }
0x466: {  	v19 =	vor.u32 v18, v19  }
0x467: {  	v19 =	vor.u32 v17, v19;
	_ =	sdelay $0x2  }
0x468: {  	s23 =	sadd.s32 $0x40, s23  }
0x469: {  	[tilespmem:s23+$0xFFFFFFE0] =	vst v16  }
0x46a: {  	v16 =	vld.idx.msk [tilespmem:v19+s3+$0x0], $0xffff;
	v19 =	vadd.s32 s24, v10  }
0x46b: {  	v19 =	vor.u32 v18, v19  }
0x46c: {  	v19 =	vor.u32 v17, v19;
	_ =	sdelay $0x3  }
0x46d: {  	[tilespmem:s23+$0xFFFFFFF0] =	vst v16  }
0x46e: {  	v16 =	vadd.s32 s24, v11;
	v19 =	vld.idx.msk [tilespmem:v19+s3+$0x0], $0xffff  }
0x46f: {  	v16 =	vor.u32 v18, v16  }
.Ltmp19:
0x470: {  	v16 =	vor.u32 v17, v16;
	(pc) =	sbr.rel @p0 .LBB2_40-.Ltmp19, $2  }
0x471: {  	_ =	sdelay $0x2  }
0x472: {  	s24 =	sand.u32 $0xFFFFFFE0, s25;
	v17 =	vmov s25;
	s25 =	sadd.s32 $0x1, s25;
	[tilespmem:s23+$0x0] =	vst v19  }
0x473: {  	_ =	sdelay $0x2  }
0x474: {  	v18 =	vand.u32 $0x18, v17;
	v19 =	vadd.s32 s24, v8  }
0x475: {  	v16 =	vld.idx.msk [tilespmem:v16+s3+$0x0], $0xffff;
	v17 =	vand.u32 $0x7, v17;
	v19 =	vor.u32 v18, v19  }
0x476: {  	v19 =	vor.u32 v17, v19;
	_ =	sdelay $0x3  }
0x477: {  	[tilespmem:s23+$0x10] =	vst v16;
	v16 =	vadd.s32 s24, v9  }
0x478: {  	v16 =	vor.u32 v18, v16;
	v19 =	vld.idx.msk [tilespmem:v19+s3+$0x0], $0xffff  }
0x479: {  	v16 =	vor.u32 v17, v16;
	_ =	sdelay $0x2  }
0x47a: {  	s23 =	sadd.s32 $0x40, s23  }
0x47b: {  	[tilespmem:s23+$0xFFFFFFE0] =	vst v19;
	v19 =	vadd.s32 s24, v10  }
0x47c: {  	v16 =	vld.idx.msk [tilespmem:v16+s3+$0x0], $0xffff;
	v19 =	vor.u32 v18, v19  }
0x47d: {  	v19 =	vor.u32 v17, v19;
	_ =	sdelay $0x3  }
0x47e: {  	[tilespmem:s23+$0xFFFFFFF0] =	vst v16;
	v16 =	vadd.s32 s24, v11  }
0x47f: {  	v19 =	vld.idx.msk [tilespmem:v19+s3+$0x0], $0xffff;
	v16 =	vor.u32 v18, v16  }
0x480: {  	v16 =	vor.u32 v17, v16;
	_ =	sdelay $0x3  }
0x481: {  	[tilespmem:s23+$0x0] =	vst v19  }
0x482: {  	s26 =	simm.s32 $0x0;
	v16 =	vld.idx.msk [tilespmem:v16+s3+$0x0], $0xffff  }
0x483: {  	s25 =	sor.u32 $0xC0, s26  }
0x484: {  	v17 =	vmov s26;
	s26 =	sand.u32 $0xFFFFFFE0, s25  }
0x485: {  	v18 =	vand.u32 $0x18, v17;
	v19 =	vadd.s32 s26, v8  }
0x486: {  	v20 =	vand.u32 $0x7, v17;
	v17 =	vor.u32 v18, v19  }
0x487: {  	[tilespmem:s23+$0x10] =	vst v16;
	v16 =	vor.u32 v20, v17  }
0x488: {  	[spmem:s30] =	stream.strided.scatter [tilespmem:s19], [sflag:$0x2], $0xC00, s18, s17, $0x38;
	[tilespmem:$0x1F800] =	vst v63  }
0x489: {  	_ =	swait.ge [sflag:s16], $0xC00  }
0x48a: {  	[sflag:s16] =	ssyncset.done $0x0  }
0x48b: {  	v17 =	vadd.s32 s26, v9;
	[sflag:s16] =	ssyncadd.s32 $0xFFFFF400  }
0x48c: {  	v17 =	vor.u32 v18, v17;
	v16 =	vld.idx.msk [tilespmem:v16+s3+$0x0], $0xffff  }
0x48d: {  	v17 =	vor.u32 v20, v17;
	_ =	sdelay $0x2  }
0x48e: {  	s23 =	simm.s32 $0x6C20  }
0x48f: {  	[tilespmem:s23+$0xFFFFFFE0] =	vst v16;
	v16 =	vadd.s32 s26, v10  }
0x490: {  	v17 =	vld.idx.msk [tilespmem:v17+s3+$0x0], $0xffff;
	v16 =	vor.u32 v18, v16  }
0x491: {  	v16 =	vor.u32 v20, v16;
	_ =	sdelay $0x3  }
0x492: {  	v19 =	vadd.s32 s26, v11;
	[tilespmem:s23+$0xFFFFFFF0] =	vst v17  }
0x493: {  	v18 =	vor.u32 v18, v19;
	v17 =	vld.idx.msk [tilespmem:v16+s3+$0x0], $0xffff  }
0x494: {  	v16 =	vor.u32 v20, v18;
	_ =	sdelay $0x1  }
0x495: {  	s24 =	simm.s32 $0x1  }
0x496: {  	s25 =	simm.s32 $0x2;
	s26 =	sor.u32 $0xC0, s24  }
.LBB2_42:
0x497: {  	p0 =	sne.s32 s25, $0x2F;
	v18 =	vmov s24;
	s26 =	sand.u32 $0xFFFFFFE0, s26;
	[tilespmem:s23+$0x0] =	vst v17;
	s24 =	smov.u32 s25  }
0x498: {  	v19 =	vand.u32 $0x18, v18;
	v17 =	vadd.s32 s26, v8;
	v16 =	vld.idx.msk [tilespmem:v16+s3+$0x0], $0xffff  }
0x499: {  	v18 =	vand.u32 $0x7, v18;
	v17 =	vor.u32 v19, v17  }
0x49a: {  	v17 =	vor.u32 v18, v17;
	_ =	sdelay $0x3  }
0x49b: {  	[tilespmem:s23+$0x10] =	vst v16  }
0x49c: {  	v16 =	vld.idx.msk [tilespmem:v17+s3+$0x0], $0xffff;
	v17 =	vadd.s32 s26, v9  }
0x49d: {  	v17 =	vor.u32 v19, v17  }
0x49e: {  	v17 =	vor.u32 v18, v17;
	_ =	sdelay $0x2  }
0x49f: {  	s23 =	sadd.s32 $0x40, s23  }
0x4a0: {  	[tilespmem:s23+$0xFFFFFFE0] =	vst v16  }
0x4a1: {  	v16 =	vld.idx.msk [tilespmem:v17+s3+$0x0], $0xffff;
	v17 =	vadd.s32 s26, v10  }
0x4a2: {  	v17 =	vor.u32 v19, v17  }
0x4a3: {  	v17 =	vor.u32 v18, v17;
	_ =	sdelay $0x3  }
0x4a4: {  	[tilespmem:s23+$0xFFFFFFF0] =	vst v16  }
0x4a5: {  	v16 =	vadd.s32 s26, v11;
	v17 =	vld.idx.msk [tilespmem:v17+s3+$0x0], $0xffff  }
.Ltmp20:
0x4a6: {  	v16 =	vor.u32 v19, v16;
	(pc) =	sbr.rel @p0 .LBB2_42-.Ltmp20, $2  }
0x4a7: {  	v16 =	vor.u32 v18, v16;
	_ =	sdelay $0x2  }
0x4a8: {  	s25 =	sadd.s32 $0x1, s25;
	s26 =	sor.u32 $0xC0, s24  }
0x4a9: {  	_ =	sdelay $0x1  }
0x4aa: {  	v18 =	vmov s24;
	s25 =	sand.u32 $0xFFFFFFE0, s26  }
0x4ab: {  	[tilespmem:s23+$0x0] =	vst v17;
	v17 =	vand.u32 $0x18, v18;
	v19 =	vadd.s32 s25, v8  }
0x4ac: {  	v16 =	vld.idx.msk [tilespmem:v16+s3+$0x0], $0xffff;
	v18 =	vand.u32 $0x7, v18;
	v19 =	vor.u32 v17, v19  }
0x4ad: {  	v19 =	vor.u32 v18, v19;
	_ =	sdelay $0x3  }
0x4ae: {  	[tilespmem:s23+$0x10] =	vst v16;
	v16 =	vadd.s32 s25, v9  }
0x4af: {  	v16 =	vor.u32 v17, v16;
	v19 =	vld.idx.msk [tilespmem:v19+s3+$0x0], $0xffff  }
0x4b0: {  	v16 =	vor.u32 v18, v16;
	_ =	sdelay $0x2  }
0x4b1: {  	s26 =	sadd.s32 $0x40, s23  }
0x4b2: {  	[tilespmem:s26+$0xFFFFFFE0] =	vst v19;
	v19 =	vadd.s32 s25, v10  }
0x4b3: {  	v16 =	vld.idx.msk [tilespmem:v16+s3+$0x0], $0xffff;
	v19 =	vor.u32 v17, v19  }
0x4b4: {  	v19 =	vor.u32 v18, v19;
	_ =	sdelay $0x3  }
0x4b5: {  	[tilespmem:s26+$0xFFFFFFF0] =	vst v16;
	v16 =	vadd.s32 s25, v11  }
0x4b6: {  	v19 =	vld.idx.msk [tilespmem:v19+s3+$0x0], $0xffff;
	v16 =	vor.u32 v17, v16  }
0x4b7: {  	v16 =	vor.u32 v18, v16;
	_ =	sdelay $0x3  }
0x4b8: {  	[tilespmem:s26+$0x0] =	vst v19  }
0x4b9: {  	v16 =	vld.idx.msk [tilespmem:v16+s3+$0x0], $0xffff  }
0x4ba: {  	s25 =	simm.s32 $0xF0  }
0x4bb: {  	v17 =	vmov s25;
	s24 =	sand.u32 $0xFFFFFFE0, s25  }
0x4bc: {  	v18 =	vand.u32 $0x18, v17;
	v19 =	vadd.s32 s24, v8  }
0x4bd: {  	v17 =	vand.u32 $0x7, v17;
	v19 =	vor.u32 v18, v19  }
0x4be: {  	[tilespmem:s26+$0x10] =	vst v16;
	v16 =	vor.u32 v17, v19  }
0x4bf: {  	[spmem:s31] =	stream.strided.scatter [tilespmem:s19], [sflag:$0x2], $0xC00, s18, s17, $0x38;
	[tilespmem:$0x1F800] =	vst v63  }
0x4c0: {  	_ =	swait.ge [sflag:s16], $0xC00  }
0x4c1: {  	[sflag:s16] =	ssyncset.done $0x0  }
0x4c2: {  	v19 =	vadd.s32 s24, v9;
	[sflag:s16] =	ssyncadd.s32 $0xFFFFF400  }
0x4c3: {  	v19 =	vor.u32 v18, v19;
	v16 =	vld.idx.msk [tilespmem:v16+s3+$0x0], $0xffff  }
0x4c4: {  	v19 =	vor.u32 v17, v19;
	_ =	sdelay $0x2  }
0x4c5: {  	s23 =	simm.s32 $0x6C20  }
0x4c6: {  	[tilespmem:s23+$0xFFFFFFE0] =	vst v16;
	v16 =	vadd.s32 s24, v10  }
0x4c7: {  	v19 =	vld.idx.msk [tilespmem:v19+s3+$0x0], $0xffff;
	v16 =	vor.u32 v18, v16  }
0x4c8: {  	v16 =	vor.u32 v17, v16;
	_ =	sdelay $0x3  }
0x4c9: {  	[tilespmem:s23+$0xFFFFFFF0] =	vst v19  }
0x4ca: {  	v19 =	vld.idx.msk [tilespmem:v16+s3+$0x0], $0xffff;
	v16 =	vadd.s32 s24, v11  }
0x4cb: {  	v16 =	vor.u32 v18, v16  }
0x4cc: {  	v16 =	vor.u32 v17, v16;
	_ =	sdelay $0x2  }
0x4cd: {  	s26 =	simm.s32 $0xF1  }
0x4ce: {  	s25 =	simm.s32 $0xF2;
	s24 =	sand.u32 $0xFFFFFFE0, s26;
	v17 =	vmov s26;
	[tilespmem:s23+$0x0] =	vst v19  }
.LBB2_44:
0x4cf: {  	p0 =	sne.s32 s25, $0x11F;
	v18 =	vand.u32 $0x18, v17;
	v19 =	vadd.s32 s24, v8;
	v16 =	vld.idx.msk [tilespmem:v16+s3+$0x0], $0xffff  }
0x4d0: {  	v17 =	vand.u32 $0x7, v17;
	v19 =	vor.u32 v18, v19  }
0x4d1: {  	v19 =	vor.u32 v17, v19;
	_ =	sdelay $0x3  }
0x4d2: {  	[tilespmem:s23+$0x10] =	vst v16  }
0x4d3: {  	v16 =	vld.idx.msk [tilespmem:v19+s3+$0x0], $0xffff;
	v19 =	vadd.s32 s24, v9  }
0x4d4: {  	v19 =	vor.u32 v18, v19  }
0x4d5: {  	v19 =	vor.u32 v17, v19;
	_ =	sdelay $0x2  }
0x4d6: {  	s23 =	sadd.s32 $0x40, s23  }
0x4d7: {  	[tilespmem:s23+$0xFFFFFFE0] =	vst v16  }
0x4d8: {  	v16 =	vld.idx.msk [tilespmem:v19+s3+$0x0], $0xffff;
	v19 =	vadd.s32 s24, v10  }
0x4d9: {  	v19 =	vor.u32 v18, v19  }
0x4da: {  	v19 =	vor.u32 v17, v19;
	_ =	sdelay $0x3  }
0x4db: {  	[tilespmem:s23+$0xFFFFFFF0] =	vst v16  }
0x4dc: {  	v16 =	vadd.s32 s24, v11;
	v19 =	vld.idx.msk [tilespmem:v19+s3+$0x0], $0xffff  }
0x4dd: {  	v16 =	vor.u32 v18, v16  }
.Ltmp21:
0x4de: {  	v16 =	vor.u32 v17, v16;
	(pc) =	sbr.rel @p0 .LBB2_44-.Ltmp21, $2  }
0x4df: {  	_ =	sdelay $0x2  }
0x4e0: {  	s24 =	sand.u32 $0xFFFFFFE0, s25;
	v17 =	vmov s25;
	s25 =	sadd.s32 $0x1, s25;
	[tilespmem:s23+$0x0] =	vst v19  }
0x4e1: {  	_ =	sdelay $0x2  }
0x4e2: {  	v18 =	vand.u32 $0x18, v17;
	v19 =	vadd.s32 s24, v8  }
0x4e3: {  	v16 =	vld.idx.msk [tilespmem:v16+s3+$0x0], $0xffff;
	v17 =	vand.u32 $0x7, v17;
	v19 =	vor.u32 v18, v19  }
0x4e4: {  	v19 =	vor.u32 v17, v19;
	_ =	sdelay $0x3  }
0x4e5: {  	[tilespmem:s23+$0x10] =	vst v16;
	v16 =	vadd.s32 s24, v9  }
0x4e6: {  	v16 =	vor.u32 v18, v16;
	v19 =	vld.idx.msk [tilespmem:v19+s3+$0x0], $0xffff  }
0x4e7: {  	v16 =	vor.u32 v17, v16;
	_ =	sdelay $0x2  }
0x4e8: {  	s23 =	sadd.s32 $0x40, s23  }
0x4e9: {  	[tilespmem:s23+$0xFFFFFFE0] =	vst v19;
	v19 =	vadd.s32 s24, v10  }
0x4ea: {  	v16 =	vld.idx.msk [tilespmem:v16+s3+$0x0], $0xffff;
	v19 =	vor.u32 v18, v19  }
0x4eb: {  	v19 =	vor.u32 v17, v19;
	_ =	sdelay $0x3  }
0x4ec: {  	[tilespmem:s23+$0xFFFFFFF0] =	vst v16;
	v16 =	vadd.s32 s24, v11  }
0x4ed: {  	v19 =	vld.idx.msk [tilespmem:v19+s3+$0x0], $0xffff;
	v16 =	vor.u32 v18, v16  }
0x4ee: {  	v16 =	vor.u32 v17, v16;
	_ =	sdelay $0x3  }
0x4ef: {  	[tilespmem:s23+$0x0] =	vst v19  }
0x4f0: {  	v16 =	vld.idx.msk [tilespmem:v16+s3+$0x0], $0xffff  }
0x4f1: {  	s26 =	simm.s32 $0x0;
	s25 =	simm.s32 $0x120  }
0x4f2: {  	v17 =	vmov s26;
	s26 =	sand.u32 $0xFFFFFFE0, s25  }
0x4f3: {  	v18 =	vand.u32 $0x18, v17;
	v19 =	vadd.s32 s26, v8  }
0x4f4: {  	v20 =	vand.u32 $0x7, v17;
	v17 =	vor.u32 v18, v19  }
0x4f5: {  	[tilespmem:s23+$0x10] =	vst v16;
	v16 =	vor.u32 v20, v17  }
0x4f6: {  	[spmem:s0] =	stream.strided.scatter [tilespmem:s19], [sflag:$0x2], $0xC00, s18, s17, $0x38;
	[tilespmem:$0x1F800] =	vst v63  }
0x4f7: {  	_ =	swait.ge [sflag:s16], $0xC00  }
0x4f8: {  	[sflag:s16] =	ssyncset.done $0x0  }
0x4f9: {  	v17 =	vadd.s32 s26, v9;
	[sflag:s16] =	ssyncadd.s32 $0xFFFFF400  }
0x4fa: {  	v17 =	vor.u32 v18, v17;
	v16 =	vld.idx.msk [tilespmem:v16+s3+$0x0], $0xffff  }
0x4fb: {  	v17 =	vor.u32 v20, v17;
	_ =	sdelay $0x2  }
0x4fc: {  	s23 =	simm.s32 $0x6C20  }
0x4fd: {  	[tilespmem:s23+$0xFFFFFFE0] =	vst v16;
	v16 =	vadd.s32 s26, v10  }
0x4fe: {  	v17 =	vld.idx.msk [tilespmem:v17+s3+$0x0], $0xffff;
	v16 =	vor.u32 v18, v16  }
0x4ff: {  	v16 =	vor.u32 v20, v16;
	_ =	sdelay $0x3  }
0x500: {  	v19 =	vadd.s32 s26, v11;
	[tilespmem:s23+$0xFFFFFFF0] =	vst v17  }
0x501: {  	v18 =	vor.u32 v18, v19;
	v17 =	vld.idx.msk [tilespmem:v16+s3+$0x0], $0xffff  }
0x502: {  	v16 =	vor.u32 v20, v18;
	_ =	sdelay $0x2  }
0x503: {  	s24 =	simm.s32 $0x1;
	s25 =	simm.s32 $0x2;
	s26 =	simm.s32 $0x121  }
.LBB2_46:
0x504: {  	p0 =	sne.s32 s25, $0x2F;
	v18 =	vmov s24;
	s26 =	sand.u32 $0xFFFFFFE0, s26;
	[tilespmem:s23+$0x0] =	vst v17;
	s24 =	smov.u32 s25  }
0x505: {  	v19 =	vand.u32 $0x18, v18;
	v17 =	vadd.s32 s26, v8;
	v16 =	vld.idx.msk [tilespmem:v16+s3+$0x0], $0xffff  }
0x506: {  	v18 =	vand.u32 $0x7, v18;
	v17 =	vor.u32 v19, v17  }
0x507: {  	v17 =	vor.u32 v18, v17;
	_ =	sdelay $0x3  }
0x508: {  	[tilespmem:s23+$0x10] =	vst v16  }
0x509: {  	v16 =	vld.idx.msk [tilespmem:v17+s3+$0x0], $0xffff;
	v17 =	vadd.s32 s26, v9  }
0x50a: {  	v17 =	vor.u32 v19, v17  }
0x50b: {  	v17 =	vor.u32 v18, v17;
	_ =	sdelay $0x2  }
0x50c: {  	s23 =	sadd.s32 $0x40, s23  }
0x50d: {  	[tilespmem:s23+$0xFFFFFFE0] =	vst v16  }
0x50e: {  	v16 =	vld.idx.msk [tilespmem:v17+s3+$0x0], $0xffff;
	v17 =	vadd.s32 s26, v10  }
0x50f: {  	v17 =	vor.u32 v19, v17  }
0x510: {  	v17 =	vor.u32 v18, v17;
	_ =	sdelay $0x3  }
0x511: {  	[tilespmem:s23+$0xFFFFFFF0] =	vst v16  }
0x512: {  	v16 =	vadd.s32 s26, v11;
	v17 =	vld.idx.msk [tilespmem:v17+s3+$0x0], $0xffff  }
.Ltmp22:
0x513: {  	v16 =	vor.u32 v19, v16;
	(pc) =	sbr.rel @p0 .LBB2_46-.Ltmp22, $2  }
0x514: {  	v16 =	vor.u32 v18, v16;
	_ =	sdelay $0x2  }
0x515: {  	s25 =	sadd.s32 $0x1, s25;
	s26 =	sadd.s32 $0x120, s24  }
0x516: {  	_ =	sdelay $0x1  }
0x517: {  	v18 =	vmov s24;
	s25 =	sand.u32 $0xFFFFFFE0, s26  }
0x518: {  	[tilespmem:s23+$0x0] =	vst v17;
	v17 =	vand.u32 $0x18, v18;
	v19 =	vadd.s32 s25, v8  }
0x519: {  	v16 =	vld.idx.msk [tilespmem:v16+s3+$0x0], $0xffff;
	v18 =	vand.u32 $0x7, v18;
	v19 =	vor.u32 v17, v19  }
0x51a: {  	v19 =	vor.u32 v18, v19;
	_ =	sdelay $0x3  }
0x51b: {  	[tilespmem:s23+$0x10] =	vst v16;
	v16 =	vadd.s32 s25, v9  }
0x51c: {  	v16 =	vor.u32 v17, v16;
	v19 =	vld.idx.msk [tilespmem:v19+s3+$0x0], $0xffff  }
0x51d: {  	v16 =	vor.u32 v18, v16;
	_ =	sdelay $0x2  }
0x51e: {  	s26 =	sadd.s32 $0x40, s23  }
0x51f: {  	[tilespmem:s26+$0xFFFFFFE0] =	vst v19;
	v19 =	vadd.s32 s25, v10  }
0x520: {  	v16 =	vld.idx.msk [tilespmem:v16+s3+$0x0], $0xffff;
	v19 =	vor.u32 v17, v19  }
0x521: {  	v19 =	vor.u32 v18, v19;
	_ =	sdelay $0x3  }
0x522: {  	[tilespmem:s26+$0xFFFFFFF0] =	vst v16;
	v16 =	vadd.s32 s25, v11  }
0x523: {  	v19 =	vld.idx.msk [tilespmem:v19+s3+$0x0], $0xffff;
	v16 =	vor.u32 v17, v16  }
0x524: {  	v16 =	vor.u32 v18, v16;
	_ =	sdelay $0x3  }
0x525: {  	[tilespmem:s26+$0x0] =	vst v19  }
0x526: {  	v16 =	vld.idx.msk [tilespmem:v16+s3+$0x0], $0xffff  }
0x527: {  	s25 =	simm.s32 $0x150  }
0x528: {  	v17 =	vmov s25;
	s24 =	sand.u32 $0xFFFFFFE0, s25  }
0x529: {  	v18 =	vand.u32 $0x18, v17;
	v19 =	vadd.s32 s24, v8  }
0x52a: {  	v17 =	vand.u32 $0x7, v17;
	v19 =	vor.u32 v18, v19  }
0x52b: {  	[tilespmem:s26+$0x10] =	vst v16;
	v16 =	vor.u32 v17, v19  }
0x52c: {  	[spmem:s1] =	stream.strided.scatter [tilespmem:s19], [sflag:$0x2], $0xC00, s18, s17, $0x38;
	[tilespmem:$0x1F800] =	vst v63  }
0x52d: {  	_ =	swait.ge [sflag:s16], $0xC00  }
0x52e: {  	[sflag:s16] =	ssyncset.done $0x0  }
0x52f: {  	v19 =	vadd.s32 s24, v9;
	[sflag:s16] =	ssyncadd.s32 $0xFFFFF400  }
0x530: {  	v19 =	vor.u32 v18, v19;
	v16 =	vld.idx.msk [tilespmem:v16+s3+$0x0], $0xffff  }
0x531: {  	v19 =	vor.u32 v17, v19;
	_ =	sdelay $0x2  }
0x532: {  	s23 =	simm.s32 $0x6C20  }
0x533: {  	[tilespmem:s23+$0xFFFFFFE0] =	vst v16;
	v16 =	vadd.s32 s24, v10  }
0x534: {  	v19 =	vld.idx.msk [tilespmem:v19+s3+$0x0], $0xffff;
	v16 =	vor.u32 v18, v16  }
0x535: {  	v16 =	vor.u32 v17, v16;
	_ =	sdelay $0x3  }
0x536: {  	[tilespmem:s23+$0xFFFFFFF0] =	vst v19  }
0x537: {  	v19 =	vld.idx.msk [tilespmem:v16+s3+$0x0], $0xffff;
	v16 =	vadd.s32 s24, v11  }
0x538: {  	v16 =	vor.u32 v18, v16  }
0x539: {  	v16 =	vor.u32 v17, v16;
	_ =	sdelay $0x2  }
0x53a: {  	s26 =	simm.s32 $0x151  }
0x53b: {  	s25 =	simm.s32 $0x152;
	s24 =	sand.u32 $0xFFFFFFE0, s26;
	v17 =	vmov s26;
	[tilespmem:s23+$0x0] =	vst v19  }
.LBB2_48:
0x53c: {  	p0 =	sne.s32 s25, $0x17F;
	v18 =	vand.u32 $0x18, v17;
	v19 =	vadd.s32 s24, v8;
	v16 =	vld.idx.msk [tilespmem:v16+s3+$0x0], $0xffff  }
0x53d: {  	v17 =	vand.u32 $0x7, v17;
	v19 =	vor.u32 v18, v19  }
0x53e: {  	v19 =	vor.u32 v17, v19;
	_ =	sdelay $0x3  }
0x53f: {  	[tilespmem:s23+$0x10] =	vst v16  }
0x540: {  	v16 =	vld.idx.msk [tilespmem:v19+s3+$0x0], $0xffff;
	v19 =	vadd.s32 s24, v9  }
0x541: {  	v19 =	vor.u32 v18, v19  }
0x542: {  	v19 =	vor.u32 v17, v19;
	_ =	sdelay $0x2  }
0x543: {  	s23 =	sadd.s32 $0x40, s23  }
0x544: {  	[tilespmem:s23+$0xFFFFFFE0] =	vst v16  }
0x545: {  	v16 =	vld.idx.msk [tilespmem:v19+s3+$0x0], $0xffff;
	v19 =	vadd.s32 s24, v10  }
0x546: {  	v19 =	vor.u32 v18, v19  }
0x547: {  	v19 =	vor.u32 v17, v19;
	_ =	sdelay $0x3  }
0x548: {  	[tilespmem:s23+$0xFFFFFFF0] =	vst v16  }
0x549: {  	v16 =	vadd.s32 s24, v11;
	v19 =	vld.idx.msk [tilespmem:v19+s3+$0x0], $0xffff  }
0x54a: {  	v16 =	vor.u32 v18, v16  }
.Ltmp23:
0x54b: {  	v16 =	vor.u32 v17, v16;
	(pc) =	sbr.rel @p0 .LBB2_48-.Ltmp23, $2  }
0x54c: {  	_ =	sdelay $0x2  }
0x54d: {  	s24 =	sand.u32 $0xFFFFFFE0, s25;
	v17 =	vmov s25;
	s25 =	sadd.s32 $0x1, s25;
	[tilespmem:s23+$0x0] =	vst v19  }
0x54e: {  	_ =	sdelay $0x2  }
0x54f: {  	v18 =	vand.u32 $0x18, v17;
	v19 =	vadd.s32 s24, v8  }
0x550: {  	v16 =	vld.idx.msk [tilespmem:v16+s3+$0x0], $0xffff;
	v17 =	vand.u32 $0x7, v17;
	v19 =	vor.u32 v18, v19  }
0x551: {  	v19 =	vor.u32 v17, v19;
	_ =	sdelay $0x3  }
0x552: {  	[tilespmem:s23+$0x10] =	vst v16;
	v16 =	vadd.s32 s24, v9  }
0x553: {  	v16 =	vor.u32 v18, v16;
	v19 =	vld.idx.msk [tilespmem:v19+s3+$0x0], $0xffff  }
0x554: {  	v16 =	vor.u32 v17, v16;
	_ =	sdelay $0x2  }
0x555: {  	s26 =	sadd.s32 $0x40, s23  }
0x556: {  	[tilespmem:s26+$0xFFFFFFE0] =	vst v19;
	v19 =	vadd.s32 s24, v10  }
0x557: {  	v16 =	vld.idx.msk [tilespmem:v16+s3+$0x0], $0xffff;
	v19 =	vor.u32 v18, v19  }
0x558: {  	v19 =	vor.u32 v17, v19;
	_ =	sdelay $0x3  }
0x559: {  	[tilespmem:s26+$0xFFFFFFF0] =	vst v16;
	v16 =	vadd.s32 s24, v11  }
0x55a: {  	v19 =	vld.idx.msk [tilespmem:v19+s3+$0x0], $0xffff;
	v16 =	vor.u32 v18, v16  }
0x55b: {  	v16 =	vor.u32 v17, v16;
	_ =	sdelay $0x3  }
0x55c: {  	[tilespmem:s26+$0x0] =	vst v19  }
0x55d: {  	v16 =	vld.idx.msk [tilespmem:v16+s3+$0x0], $0xffff  }
0x55e: {  	s25 =	simm.s32 $0x0  }
0x55f: {  	s24 =	sand.u32 $0xFFFFFFE0, s25;
	v17 =	vmov s25  }
0x560: {  	v18 =	vand.u32 $0x18, v17;
	v19 =	vadd.s32 s24, v12  }
0x561: {  	v17 =	vand.u32 $0x7, v17;
	v19 =	vor.u32 v18, v19  }
0x562: {  	[tilespmem:s26+$0x10] =	vst v16;
	v16 =	vor.u32 v17, v19  }
0x563: {  	[spmem:s4] =	stream.strided.scatter [tilespmem:s19], [sflag:$0x2], $0xC00, s18, s17, $0x38;
	[tilespmem:$0x1F800] =	vst v63  }
0x564: {  	_ =	swait.ge [sflag:s16], $0xC00  }
0x565: {  	[sflag:s16] =	ssyncset.done $0x0  }
0x566: {  	v19 =	vadd.s32 s24, v13;
	[sflag:s16] =	ssyncadd.s32 $0xFFFFF400  }
0x567: {  	v19 =	vor.u32 v18, v19;
	v16 =	vld.idx.msk [tilespmem:v16+s3+$0x0], $0xffff  }
0x568: {  	v19 =	vor.u32 v17, v19;
	_ =	sdelay $0x2  }
0x569: {  	s23 =	simm.s32 $0x6C20  }
0x56a: {  	[tilespmem:s23+$0xFFFFFFE0] =	vst v16;
	v16 =	vadd.s32 s24, v14  }
0x56b: {  	v19 =	vld.idx.msk [tilespmem:v19+s3+$0x0], $0xffff;
	v16 =	vor.u32 v18, v16  }
0x56c: {  	v16 =	vor.u32 v17, v16;
	_ =	sdelay $0x3  }
0x56d: {  	[tilespmem:s23+$0xFFFFFFF0] =	vst v19  }
0x56e: {  	v19 =	vld.idx.msk [tilespmem:v16+s3+$0x0], $0xffff;
	v16 =	vadd.s32 s24, v15  }
0x56f: {  	v16 =	vor.u32 v18, v16  }
0x570: {  	v16 =	vor.u32 v17, v16;
	_ =	sdelay $0x2  }
0x571: {  	s26 =	simm.s32 $0x1  }
0x572: {  	s25 =	simm.s32 $0x2;
	s24 =	sand.u32 $0xFFFFFFE0, s26;
	v17 =	vmov s26;
	[tilespmem:s23+$0x0] =	vst v19  }
.LBB2_50:
0x573: {  	p0 =	sne.s32 s25, $0x2F;
	v18 =	vand.u32 $0x18, v17;
	v19 =	vadd.s32 s24, v12;
	v16 =	vld.idx.msk [tilespmem:v16+s3+$0x0], $0xffff  }
0x574: {  	v17 =	vand.u32 $0x7, v17;
	v19 =	vor.u32 v18, v19  }
0x575: {  	v19 =	vor.u32 v17, v19;
	_ =	sdelay $0x3  }
0x576: {  	[tilespmem:s23+$0x10] =	vst v16  }
0x577: {  	v16 =	vld.idx.msk [tilespmem:v19+s3+$0x0], $0xffff;
	v19 =	vadd.s32 s24, v13  }
0x578: {  	v19 =	vor.u32 v18, v19  }
0x579: {  	v19 =	vor.u32 v17, v19;
	_ =	sdelay $0x2  }
0x57a: {  	s23 =	sadd.s32 $0x40, s23  }
0x57b: {  	[tilespmem:s23+$0xFFFFFFE0] =	vst v16  }
0x57c: {  	v16 =	vld.idx.msk [tilespmem:v19+s3+$0x0], $0xffff;
	v19 =	vadd.s32 s24, v14  }
0x57d: {  	v19 =	vor.u32 v18, v19  }
0x57e: {  	v19 =	vor.u32 v17, v19;
	_ =	sdelay $0x3  }
0x57f: {  	[tilespmem:s23+$0xFFFFFFF0] =	vst v16  }
0x580: {  	v16 =	vadd.s32 s24, v15;
	v19 =	vld.idx.msk [tilespmem:v19+s3+$0x0], $0xffff  }
0x581: {  	v16 =	vor.u32 v18, v16  }
.Ltmp24:
0x582: {  	v16 =	vor.u32 v17, v16;
	(pc) =	sbr.rel @p0 .LBB2_50-.Ltmp24, $2  }
0x583: {  	_ =	sdelay $0x2  }
0x584: {  	s24 =	sand.u32 $0xFFFFFFE0, s25;
	v17 =	vmov s25;
	s25 =	sadd.s32 $0x1, s25;
	[tilespmem:s23+$0x0] =	vst v19  }
0x585: {  	_ =	sdelay $0x2  }
0x586: {  	v18 =	vand.u32 $0x18, v17;
	v19 =	vadd.s32 s24, v12  }
0x587: {  	v16 =	vld.idx.msk [tilespmem:v16+s3+$0x0], $0xffff;
	v17 =	vand.u32 $0x7, v17;
	v19 =	vor.u32 v18, v19  }
0x588: {  	v19 =	vor.u32 v17, v19;
	_ =	sdelay $0x3  }
0x589: {  	[tilespmem:s23+$0x10] =	vst v16;
	v16 =	vadd.s32 s24, v13  }
0x58a: {  	v16 =	vor.u32 v18, v16;
	v19 =	vld.idx.msk [tilespmem:v19+s3+$0x0], $0xffff  }
0x58b: {  	v16 =	vor.u32 v17, v16;
	_ =	sdelay $0x2  }
0x58c: {  	s26 =	sadd.s32 $0x40, s23  }
0x58d: {  	[tilespmem:s26+$0xFFFFFFE0] =	vst v19;
	v19 =	vadd.s32 s24, v14  }
0x58e: {  	v16 =	vld.idx.msk [tilespmem:v16+s3+$0x0], $0xffff;
	v19 =	vor.u32 v18, v19  }
0x58f: {  	v19 =	vor.u32 v17, v19;
	_ =	sdelay $0x3  }
0x590: {  	[tilespmem:s26+$0xFFFFFFF0] =	vst v16;
	v16 =	vadd.s32 s24, v15  }
0x591: {  	v19 =	vld.idx.msk [tilespmem:v19+s3+$0x0], $0xffff;
	v16 =	vor.u32 v18, v16  }
0x592: {  	v16 =	vor.u32 v17, v16;
	_ =	sdelay $0x3  }
0x593: {  	[tilespmem:s26+$0x0] =	vst v19  }
0x594: {  	v16 =	vld.idx.msk [tilespmem:v16+s3+$0x0], $0xffff  }
0x595: {  	s25 =	simm.s32 $0x30  }
0x596: {  	s24 =	sand.u32 $0xFFFFFFE0, s25;
	v17 =	vmov s25  }
0x597: {  	v18 =	vand.u32 $0x18, v17;
	v19 =	vadd.s32 s24, v12  }
0x598: {  	v17 =	vand.u32 $0x7, v17;
	v19 =	vor.u32 v18, v19  }
0x599: {  	[tilespmem:s26+$0x10] =	vst v16;
	v16 =	vor.u32 v17, v19  }
0x59a: {  	[spmem:s7] =	stream.strided.scatter [tilespmem:s19], [sflag:$0x2], $0xC00, s18, s17, $0x38;
	[tilespmem:$0x1F800] =	vst v63  }
0x59b: {  	_ =	swait.ge [sflag:s16], $0xC00  }
0x59c: {  	[sflag:s16] =	ssyncset.done $0x0  }
0x59d: {  	v19 =	vadd.s32 s24, v13;
	[sflag:s16] =	ssyncadd.s32 $0xFFFFF400  }
0x59e: {  	v19 =	vor.u32 v18, v19;
	v16 =	vld.idx.msk [tilespmem:v16+s3+$0x0], $0xffff  }
0x59f: {  	v19 =	vor.u32 v17, v19;
	_ =	sdelay $0x2  }
0x5a0: {  	s23 =	simm.s32 $0x6C20  }
0x5a1: {  	[tilespmem:s23+$0xFFFFFFE0] =	vst v16;
	v16 =	vadd.s32 s24, v14  }
0x5a2: {  	v19 =	vld.idx.msk [tilespmem:v19+s3+$0x0], $0xffff;
	v16 =	vor.u32 v18, v16  }
0x5a3: {  	v16 =	vor.u32 v17, v16;
	_ =	sdelay $0x3  }
0x5a4: {  	[tilespmem:s23+$0xFFFFFFF0] =	vst v19  }
0x5a5: {  	v19 =	vld.idx.msk [tilespmem:v16+s3+$0x0], $0xffff;
	v16 =	vadd.s32 s24, v15  }
0x5a6: {  	v16 =	vor.u32 v18, v16  }
0x5a7: {  	v16 =	vor.u32 v17, v16;
	_ =	sdelay $0x2  }
0x5a8: {  	s26 =	simm.s32 $0x31  }
0x5a9: {  	s25 =	simm.s32 $0x32;
	s24 =	sand.u32 $0xFFFFFFE0, s26;
	v17 =	vmov s26;
	[tilespmem:s23+$0x0] =	vst v19  }
.LBB2_52:
0x5aa: {  	p0 =	sne.s32 s25, $0x5F;
	v18 =	vand.u32 $0x18, v17;
	v19 =	vadd.s32 s24, v12;
	v16 =	vld.idx.msk [tilespmem:v16+s3+$0x0], $0xffff  }
0x5ab: {  	v17 =	vand.u32 $0x7, v17;
	v19 =	vor.u32 v18, v19  }
0x5ac: {  	v19 =	vor.u32 v17, v19;
	_ =	sdelay $0x3  }
0x5ad: {  	[tilespmem:s23+$0x10] =	vst v16  }
0x5ae: {  	v16 =	vld.idx.msk [tilespmem:v19+s3+$0x0], $0xffff;
	v19 =	vadd.s32 s24, v13  }
0x5af: {  	v19 =	vor.u32 v18, v19  }
0x5b0: {  	v19 =	vor.u32 v17, v19;
	_ =	sdelay $0x2  }
0x5b1: {  	s23 =	sadd.s32 $0x40, s23  }
0x5b2: {  	[tilespmem:s23+$0xFFFFFFE0] =	vst v16  }
0x5b3: {  	v16 =	vld.idx.msk [tilespmem:v19+s3+$0x0], $0xffff;
	v19 =	vadd.s32 s24, v14  }
0x5b4: {  	v19 =	vor.u32 v18, v19  }
0x5b5: {  	v19 =	vor.u32 v17, v19;
	_ =	sdelay $0x3  }
0x5b6: {  	[tilespmem:s23+$0xFFFFFFF0] =	vst v16  }
0x5b7: {  	v16 =	vadd.s32 s24, v15;
	v19 =	vld.idx.msk [tilespmem:v19+s3+$0x0], $0xffff  }
0x5b8: {  	v16 =	vor.u32 v18, v16  }
.Ltmp25:
0x5b9: {  	v16 =	vor.u32 v17, v16;
	(pc) =	sbr.rel @p0 .LBB2_52-.Ltmp25, $2  }
0x5ba: {  	_ =	sdelay $0x2  }
0x5bb: {  	s24 =	sand.u32 $0xFFFFFFE0, s25;
	v17 =	vmov s25;
	s25 =	sadd.s32 $0x1, s25;
	[tilespmem:s23+$0x0] =	vst v19  }
0x5bc: {  	_ =	sdelay $0x2  }
0x5bd: {  	v18 =	vand.u32 $0x18, v17;
	v19 =	vadd.s32 s24, v12  }
0x5be: {  	v16 =	vld.idx.msk [tilespmem:v16+s3+$0x0], $0xffff;
	v17 =	vand.u32 $0x7, v17;
	v19 =	vor.u32 v18, v19  }
0x5bf: {  	v19 =	vor.u32 v17, v19;
	_ =	sdelay $0x3  }
0x5c0: {  	[tilespmem:s23+$0x10] =	vst v16;
	v16 =	vadd.s32 s24, v13  }
0x5c1: {  	v16 =	vor.u32 v18, v16;
	v19 =	vld.idx.msk [tilespmem:v19+s3+$0x0], $0xffff  }
0x5c2: {  	v16 =	vor.u32 v17, v16;
	_ =	sdelay $0x2  }
0x5c3: {  	s23 =	sadd.s32 $0x40, s23  }
0x5c4: {  	[tilespmem:s23+$0xFFFFFFE0] =	vst v19;
	v19 =	vadd.s32 s24, v14  }
0x5c5: {  	v16 =	vld.idx.msk [tilespmem:v16+s3+$0x0], $0xffff;
	v19 =	vor.u32 v18, v19  }
0x5c6: {  	v19 =	vor.u32 v17, v19;
	_ =	sdelay $0x3  }
0x5c7: {  	[tilespmem:s23+$0xFFFFFFF0] =	vst v16;
	v16 =	vadd.s32 s24, v15  }
0x5c8: {  	v19 =	vld.idx.msk [tilespmem:v19+s3+$0x0], $0xffff;
	v16 =	vor.u32 v18, v16  }
0x5c9: {  	v16 =	vor.u32 v17, v16;
	_ =	sdelay $0x3  }
0x5ca: {  	[tilespmem:s23+$0x0] =	vst v19  }
0x5cb: {  	v16 =	vld.idx.msk [tilespmem:v16+s3+$0x0], $0xffff  }
0x5cc: {  	s26 =	simm.s32 $0x0;
	s25 =	simm.s32 $0x60  }
0x5cd: {  	v17 =	vmov s26;
	s26 =	sand.u32 $0xFFFFFFE0, s25  }
0x5ce: {  	v18 =	vand.u32 $0x18, v17;
	v19 =	vadd.s32 s26, v12  }
0x5cf: {  	v20 =	vand.u32 $0x7, v17;
	v17 =	vor.u32 v18, v19  }
0x5d0: {  	[tilespmem:s23+$0x10] =	vst v16;
	v16 =	vor.u32 v20, v17  }
0x5d1: {  	[spmem:s8] =	stream.strided.scatter [tilespmem:s19], [sflag:$0x2], $0xC00, s18, s17, $0x38;
	[tilespmem:$0x1F800] =	vst v63  }
0x5d2: {  	_ =	swait.ge [sflag:s16], $0xC00  }
0x5d3: {  	[sflag:s16] =	ssyncset.done $0x0  }
0x5d4: {  	v17 =	vadd.s32 s26, v13;
	[sflag:s16] =	ssyncadd.s32 $0xFFFFF400  }
0x5d5: {  	v17 =	vor.u32 v18, v17;
	v16 =	vld.idx.msk [tilespmem:v16+s3+$0x0], $0xffff  }
0x5d6: {  	v17 =	vor.u32 v20, v17;
	_ =	sdelay $0x2  }
0x5d7: {  	s23 =	simm.s32 $0x6C20  }
0x5d8: {  	[tilespmem:s23+$0xFFFFFFE0] =	vst v16;
	v16 =	vadd.s32 s26, v14  }
0x5d9: {  	v17 =	vld.idx.msk [tilespmem:v17+s3+$0x0], $0xffff;
	v16 =	vor.u32 v18, v16  }
0x5da: {  	v16 =	vor.u32 v20, v16;
	_ =	sdelay $0x3  }
0x5db: {  	v19 =	vadd.s32 s26, v15;
	[tilespmem:s23+$0xFFFFFFF0] =	vst v17  }
0x5dc: {  	v18 =	vor.u32 v18, v19;
	v17 =	vld.idx.msk [tilespmem:v16+s3+$0x0], $0xffff  }
0x5dd: {  	v16 =	vor.u32 v20, v18;
	_ =	sdelay $0x2  }
0x5de: {  	s24 =	simm.s32 $0x1;
	s25 =	simm.s32 $0x2;
	s26 =	simm.s32 $0x61  }
.LBB2_54:
0x5df: {  	p0 =	sne.s32 s25, $0x2F;
	v18 =	vmov s24;
	s26 =	sand.u32 $0xFFFFFFE0, s26;
	[tilespmem:s23+$0x0] =	vst v17;
	s24 =	smov.u32 s25  }
0x5e0: {  	v19 =	vand.u32 $0x18, v18;
	v17 =	vadd.s32 s26, v12;
	v16 =	vld.idx.msk [tilespmem:v16+s3+$0x0], $0xffff  }
0x5e1: {  	v18 =	vand.u32 $0x7, v18;
	v17 =	vor.u32 v19, v17  }
0x5e2: {  	v17 =	vor.u32 v18, v17;
	_ =	sdelay $0x3  }
0x5e3: {  	[tilespmem:s23+$0x10] =	vst v16  }
0x5e4: {  	v16 =	vld.idx.msk [tilespmem:v17+s3+$0x0], $0xffff;
	v17 =	vadd.s32 s26, v13  }
0x5e5: {  	v17 =	vor.u32 v19, v17  }
0x5e6: {  	v17 =	vor.u32 v18, v17;
	_ =	sdelay $0x2  }
0x5e7: {  	s23 =	sadd.s32 $0x40, s23  }
0x5e8: {  	[tilespmem:s23+$0xFFFFFFE0] =	vst v16  }
0x5e9: {  	v16 =	vld.idx.msk [tilespmem:v17+s3+$0x0], $0xffff;
	v17 =	vadd.s32 s26, v14  }
0x5ea: {  	v17 =	vor.u32 v19, v17  }
0x5eb: {  	v17 =	vor.u32 v18, v17;
	_ =	sdelay $0x3  }
0x5ec: {  	[tilespmem:s23+$0xFFFFFFF0] =	vst v16  }
0x5ed: {  	v16 =	vadd.s32 s26, v15;
	v17 =	vld.idx.msk [tilespmem:v17+s3+$0x0], $0xffff  }
.Ltmp26:
0x5ee: {  	v16 =	vor.u32 v19, v16;
	(pc) =	sbr.rel @p0 .LBB2_54-.Ltmp26, $2  }
0x5ef: {  	v16 =	vor.u32 v18, v16;
	_ =	sdelay $0x2  }
0x5f0: {  	s25 =	sadd.s32 $0x1, s25;
	s26 =	sadd.s32 $0x60, s24  }
0x5f1: {  	_ =	sdelay $0x1  }
0x5f2: {  	v18 =	vmov s24;
	s25 =	sand.u32 $0xFFFFFFE0, s26  }
0x5f3: {  	[tilespmem:s23+$0x0] =	vst v17;
	v17 =	vand.u32 $0x18, v18;
	v19 =	vadd.s32 s25, v12  }
0x5f4: {  	v16 =	vld.idx.msk [tilespmem:v16+s3+$0x0], $0xffff;
	v18 =	vand.u32 $0x7, v18;
	v19 =	vor.u32 v17, v19  }
0x5f5: {  	v19 =	vor.u32 v18, v19;
	_ =	sdelay $0x3  }
0x5f6: {  	[tilespmem:s23+$0x10] =	vst v16;
	v16 =	vadd.s32 s25, v13  }
0x5f7: {  	v16 =	vor.u32 v17, v16;
	v19 =	vld.idx.msk [tilespmem:v19+s3+$0x0], $0xffff  }
0x5f8: {  	v16 =	vor.u32 v18, v16;
	_ =	sdelay $0x2  }
0x5f9: {  	s26 =	sadd.s32 $0x40, s23  }
0x5fa: {  	[tilespmem:s26+$0xFFFFFFE0] =	vst v19;
	v19 =	vadd.s32 s25, v14  }
0x5fb: {  	v16 =	vld.idx.msk [tilespmem:v16+s3+$0x0], $0xffff;
	v19 =	vor.u32 v17, v19  }
0x5fc: {  	v19 =	vor.u32 v18, v19;
	_ =	sdelay $0x3  }
0x5fd: {  	[tilespmem:s26+$0xFFFFFFF0] =	vst v16;
	v16 =	vadd.s32 s25, v15  }
0x5fe: {  	v19 =	vld.idx.msk [tilespmem:v19+s3+$0x0], $0xffff;
	v16 =	vor.u32 v17, v16  }
0x5ff: {  	v16 =	vor.u32 v18, v16;
	_ =	sdelay $0x3  }
0x600: {  	[tilespmem:s26+$0x0] =	vst v19  }
0x601: {  	v16 =	vld.idx.msk [tilespmem:v16+s3+$0x0], $0xffff  }
0x602: {  	s25 =	simm.s32 $0x90  }
0x603: {  	v17 =	vmov s25;
	s24 =	sand.u32 $0xFFFFFFE0, s25  }
0x604: {  	v18 =	vand.u32 $0x18, v17;
	v19 =	vadd.s32 s24, v12  }
0x605: {  	v17 =	vand.u32 $0x7, v17;
	v19 =	vor.u32 v18, v19  }
0x606: {  	[tilespmem:s26+$0x10] =	vst v16;
	v16 =	vor.u32 v17, v19  }
0x607: {  	[spmem:s9] =	stream.strided.scatter [tilespmem:s19], [sflag:$0x2], $0xC00, s18, s17, $0x38;
	[tilespmem:$0x1F800] =	vst v63  }
0x608: {  	_ =	swait.ge [sflag:s16], $0xC00  }
0x609: {  	[sflag:s16] =	ssyncset.done $0x0  }
0x60a: {  	v19 =	vadd.s32 s24, v13;
	[sflag:s16] =	ssyncadd.s32 $0xFFFFF400  }
0x60b: {  	v19 =	vor.u32 v18, v19;
	v16 =	vld.idx.msk [tilespmem:v16+s3+$0x0], $0xffff  }
0x60c: {  	v19 =	vor.u32 v17, v19;
	_ =	sdelay $0x2  }
0x60d: {  	s23 =	simm.s32 $0x6C20  }
0x60e: {  	[tilespmem:s23+$0xFFFFFFE0] =	vst v16;
	v16 =	vadd.s32 s24, v14  }
0x60f: {  	v19 =	vld.idx.msk [tilespmem:v19+s3+$0x0], $0xffff;
	v16 =	vor.u32 v18, v16  }
0x610: {  	v16 =	vor.u32 v17, v16;
	_ =	sdelay $0x3  }
0x611: {  	[tilespmem:s23+$0xFFFFFFF0] =	vst v19  }
0x612: {  	v19 =	vld.idx.msk [tilespmem:v16+s3+$0x0], $0xffff;
	v16 =	vadd.s32 s24, v15  }
0x613: {  	v16 =	vor.u32 v18, v16  }
0x614: {  	v16 =	vor.u32 v17, v16;
	_ =	sdelay $0x2  }
0x615: {  	s26 =	simm.s32 $0x91  }
0x616: {  	s25 =	simm.s32 $0x92;
	s24 =	sand.u32 $0xFFFFFFE0, s26;
	v17 =	vmov s26;
	[tilespmem:s23+$0x0] =	vst v19  }
.LBB2_56:
0x617: {  	p0 =	sne.s32 s25, $0xBF;
	v18 =	vand.u32 $0x18, v17;
	v19 =	vadd.s32 s24, v12;
	v16 =	vld.idx.msk [tilespmem:v16+s3+$0x0], $0xffff  }
0x618: {  	v17 =	vand.u32 $0x7, v17;
	v19 =	vor.u32 v18, v19  }
0x619: {  	v19 =	vor.u32 v17, v19;
	_ =	sdelay $0x3  }
0x61a: {  	[tilespmem:s23+$0x10] =	vst v16  }
0x61b: {  	v16 =	vld.idx.msk [tilespmem:v19+s3+$0x0], $0xffff;
	v19 =	vadd.s32 s24, v13  }
0x61c: {  	v19 =	vor.u32 v18, v19  }
0x61d: {  	v19 =	vor.u32 v17, v19;
	_ =	sdelay $0x2  }
0x61e: {  	s23 =	sadd.s32 $0x40, s23  }
0x61f: {  	[tilespmem:s23+$0xFFFFFFE0] =	vst v16  }
0x620: {  	v16 =	vld.idx.msk [tilespmem:v19+s3+$0x0], $0xffff;
	v19 =	vadd.s32 s24, v14  }
0x621: {  	v19 =	vor.u32 v18, v19  }
0x622: {  	v19 =	vor.u32 v17, v19;
	_ =	sdelay $0x3  }
0x623: {  	[tilespmem:s23+$0xFFFFFFF0] =	vst v16  }
0x624: {  	v16 =	vadd.s32 s24, v15;
	v19 =	vld.idx.msk [tilespmem:v19+s3+$0x0], $0xffff  }
0x625: {  	v16 =	vor.u32 v18, v16  }
.Ltmp27:
0x626: {  	v16 =	vor.u32 v17, v16;
	(pc) =	sbr.rel @p0 .LBB2_56-.Ltmp27, $2  }
0x627: {  	_ =	sdelay $0x2  }
0x628: {  	s24 =	sand.u32 $0xFFFFFFE0, s25;
	v17 =	vmov s25;
	s25 =	sadd.s32 $0x1, s25;
	[tilespmem:s23+$0x0] =	vst v19  }
0x629: {  	_ =	sdelay $0x2  }
0x62a: {  	v18 =	vand.u32 $0x18, v17;
	v19 =	vadd.s32 s24, v12  }
0x62b: {  	v16 =	vld.idx.msk [tilespmem:v16+s3+$0x0], $0xffff;
	v17 =	vand.u32 $0x7, v17;
	v19 =	vor.u32 v18, v19  }
0x62c: {  	v19 =	vor.u32 v17, v19;
	_ =	sdelay $0x3  }
0x62d: {  	[tilespmem:s23+$0x10] =	vst v16;
	v16 =	vadd.s32 s24, v13  }
0x62e: {  	v16 =	vor.u32 v18, v16;
	v19 =	vld.idx.msk [tilespmem:v19+s3+$0x0], $0xffff  }
0x62f: {  	v16 =	vor.u32 v17, v16;
	_ =	sdelay $0x2  }
0x630: {  	s23 =	sadd.s32 $0x40, s23  }
0x631: {  	[tilespmem:s23+$0xFFFFFFE0] =	vst v19;
	v19 =	vadd.s32 s24, v14  }
0x632: {  	v16 =	vld.idx.msk [tilespmem:v16+s3+$0x0], $0xffff;
	v19 =	vor.u32 v18, v19  }
0x633: {  	v19 =	vor.u32 v17, v19;
	_ =	sdelay $0x3  }
0x634: {  	[tilespmem:s23+$0xFFFFFFF0] =	vst v16;
	v16 =	vadd.s32 s24, v15  }
0x635: {  	v19 =	vld.idx.msk [tilespmem:v19+s3+$0x0], $0xffff;
	v16 =	vor.u32 v18, v16  }
0x636: {  	v16 =	vor.u32 v17, v16;
	_ =	sdelay $0x3  }
0x637: {  	[tilespmem:s23+$0x0] =	vst v19  }
0x638: {  	s26 =	simm.s32 $0x0;
	v16 =	vld.idx.msk [tilespmem:v16+s3+$0x0], $0xffff  }
0x639: {  	s25 =	sor.u32 $0xC0, s26  }
0x63a: {  	v17 =	vmov s26;
	s26 =	sand.u32 $0xFFFFFFE0, s25  }
0x63b: {  	v18 =	vand.u32 $0x18, v17;
	v19 =	vadd.s32 s26, v12  }
0x63c: {  	v20 =	vand.u32 $0x7, v17;
	v17 =	vor.u32 v18, v19  }
0x63d: {  	[tilespmem:s23+$0x10] =	vst v16;
	v16 =	vor.u32 v20, v17  }
0x63e: {  	[spmem:s10] =	stream.strided.scatter [tilespmem:s19], [sflag:$0x2], $0xC00, s18, s17, $0x38;
	[tilespmem:$0x1F800] =	vst v63  }
0x63f: {  	_ =	swait.ge [sflag:s16], $0xC00  }
0x640: {  	[sflag:s16] =	ssyncset.done $0x0  }
0x641: {  	v17 =	vadd.s32 s26, v13;
	[sflag:s16] =	ssyncadd.s32 $0xFFFFF400  }
0x642: {  	v17 =	vor.u32 v18, v17;
	v16 =	vld.idx.msk [tilespmem:v16+s3+$0x0], $0xffff  }
0x643: {  	v17 =	vor.u32 v20, v17;
	_ =	sdelay $0x2  }
0x644: {  	s23 =	simm.s32 $0x6C20  }
0x645: {  	[tilespmem:s23+$0xFFFFFFE0] =	vst v16;
	v16 =	vadd.s32 s26, v14  }
0x646: {  	v17 =	vld.idx.msk [tilespmem:v17+s3+$0x0], $0xffff;
	v16 =	vor.u32 v18, v16  }
0x647: {  	v16 =	vor.u32 v20, v16;
	_ =	sdelay $0x3  }
0x648: {  	v19 =	vadd.s32 s26, v15;
	[tilespmem:s23+$0xFFFFFFF0] =	vst v17  }
0x649: {  	v18 =	vor.u32 v18, v19;
	v17 =	vld.idx.msk [tilespmem:v16+s3+$0x0], $0xffff  }
0x64a: {  	v16 =	vor.u32 v20, v18;
	_ =	sdelay $0x1  }
0x64b: {  	s24 =	simm.s32 $0x1  }
0x64c: {  	s25 =	simm.s32 $0x2;
	s26 =	sor.u32 $0xC0, s24  }
.LBB2_58:
0x64d: {  	p0 =	sne.s32 s25, $0x2F;
	v18 =	vmov s24;
	s26 =	sand.u32 $0xFFFFFFE0, s26;
	[tilespmem:s23+$0x0] =	vst v17;
	s24 =	smov.u32 s25  }
0x64e: {  	v19 =	vand.u32 $0x18, v18;
	v17 =	vadd.s32 s26, v12;
	v16 =	vld.idx.msk [tilespmem:v16+s3+$0x0], $0xffff  }
0x64f: {  	v18 =	vand.u32 $0x7, v18;
	v17 =	vor.u32 v19, v17  }
0x650: {  	v17 =	vor.u32 v18, v17;
	_ =	sdelay $0x3  }
0x651: {  	[tilespmem:s23+$0x10] =	vst v16  }
0x652: {  	v16 =	vld.idx.msk [tilespmem:v17+s3+$0x0], $0xffff;
	v17 =	vadd.s32 s26, v13  }
0x653: {  	v17 =	vor.u32 v19, v17  }
0x654: {  	v17 =	vor.u32 v18, v17;
	_ =	sdelay $0x2  }
0x655: {  	s23 =	sadd.s32 $0x40, s23  }
0x656: {  	[tilespmem:s23+$0xFFFFFFE0] =	vst v16  }
0x657: {  	v16 =	vld.idx.msk [tilespmem:v17+s3+$0x0], $0xffff;
	v17 =	vadd.s32 s26, v14  }
0x658: {  	v17 =	vor.u32 v19, v17  }
0x659: {  	v17 =	vor.u32 v18, v17;
	_ =	sdelay $0x3  }
0x65a: {  	[tilespmem:s23+$0xFFFFFFF0] =	vst v16  }
0x65b: {  	v16 =	vadd.s32 s26, v15;
	v17 =	vld.idx.msk [tilespmem:v17+s3+$0x0], $0xffff  }
.Ltmp28:
0x65c: {  	v16 =	vor.u32 v19, v16;
	(pc) =	sbr.rel @p0 .LBB2_58-.Ltmp28, $2  }
0x65d: {  	v16 =	vor.u32 v18, v16;
	_ =	sdelay $0x2  }
0x65e: {  	s25 =	sadd.s32 $0x1, s25;
	s26 =	sor.u32 $0xC0, s24  }
0x65f: {  	_ =	sdelay $0x1  }
0x660: {  	v18 =	vmov s24;
	s25 =	sand.u32 $0xFFFFFFE0, s26  }
0x661: {  	[tilespmem:s23+$0x0] =	vst v17;
	v17 =	vand.u32 $0x18, v18;
	v19 =	vadd.s32 s25, v12  }
0x662: {  	v16 =	vld.idx.msk [tilespmem:v16+s3+$0x0], $0xffff;
	v18 =	vand.u32 $0x7, v18;
	v19 =	vor.u32 v17, v19  }
0x663: {  	v19 =	vor.u32 v18, v19;
	_ =	sdelay $0x3  }
0x664: {  	[tilespmem:s23+$0x10] =	vst v16;
	v16 =	vadd.s32 s25, v13  }
0x665: {  	v16 =	vor.u32 v17, v16;
	v19 =	vld.idx.msk [tilespmem:v19+s3+$0x0], $0xffff  }
0x666: {  	v16 =	vor.u32 v18, v16;
	_ =	sdelay $0x2  }
0x667: {  	s26 =	sadd.s32 $0x40, s23  }
0x668: {  	[tilespmem:s26+$0xFFFFFFE0] =	vst v19;
	v19 =	vadd.s32 s25, v14  }
0x669: {  	v16 =	vld.idx.msk [tilespmem:v16+s3+$0x0], $0xffff;
	v19 =	vor.u32 v17, v19  }
0x66a: {  	v19 =	vor.u32 v18, v19;
	_ =	sdelay $0x3  }
0x66b: {  	[tilespmem:s26+$0xFFFFFFF0] =	vst v16;
	v16 =	vadd.s32 s25, v15  }
0x66c: {  	v19 =	vld.idx.msk [tilespmem:v19+s3+$0x0], $0xffff;
	v16 =	vor.u32 v17, v16  }
0x66d: {  	v16 =	vor.u32 v18, v16;
	_ =	sdelay $0x3  }
0x66e: {  	[tilespmem:s26+$0x0] =	vst v19  }
0x66f: {  	v16 =	vld.idx.msk [tilespmem:v16+s3+$0x0], $0xffff  }
0x670: {  	s25 =	simm.s32 $0xF0  }
0x671: {  	v17 =	vmov s25;
	s24 =	sand.u32 $0xFFFFFFE0, s25  }
0x672: {  	v18 =	vand.u32 $0x18, v17;
	v19 =	vadd.s32 s24, v12  }
0x673: {  	v17 =	vand.u32 $0x7, v17;
	v19 =	vor.u32 v18, v19  }
0x674: {  	[tilespmem:s26+$0x10] =	vst v16;
	v16 =	vor.u32 v17, v19  }
0x675: {  	[spmem:s11] =	stream.strided.scatter [tilespmem:s19], [sflag:$0x2], $0xC00, s18, s17, $0x38;
	[tilespmem:$0x1F800] =	vst v63  }
0x676: {  	_ =	swait.ge [sflag:s16], $0xC00  }
0x677: {  	[sflag:s16] =	ssyncset.done $0x0  }
0x678: {  	v19 =	vadd.s32 s24, v13;
	[sflag:s16] =	ssyncadd.s32 $0xFFFFF400  }
0x679: {  	v19 =	vor.u32 v18, v19;
	v16 =	vld.idx.msk [tilespmem:v16+s3+$0x0], $0xffff  }
0x67a: {  	v19 =	vor.u32 v17, v19;
	_ =	sdelay $0x2  }
0x67b: {  	s23 =	simm.s32 $0x6C20  }
0x67c: {  	[tilespmem:s23+$0xFFFFFFE0] =	vst v16;
	v16 =	vadd.s32 s24, v14  }
0x67d: {  	v19 =	vld.idx.msk [tilespmem:v19+s3+$0x0], $0xffff;
	v16 =	vor.u32 v18, v16  }
0x67e: {  	v16 =	vor.u32 v17, v16;
	_ =	sdelay $0x3  }
0x67f: {  	[tilespmem:s23+$0xFFFFFFF0] =	vst v19  }
0x680: {  	v19 =	vld.idx.msk [tilespmem:v16+s3+$0x0], $0xffff;
	v16 =	vadd.s32 s24, v15  }
0x681: {  	v16 =	vor.u32 v18, v16  }
0x682: {  	v16 =	vor.u32 v17, v16;
	_ =	sdelay $0x2  }
0x683: {  	s26 =	simm.s32 $0xF1  }
0x684: {  	s25 =	simm.s32 $0xF2;
	s24 =	sand.u32 $0xFFFFFFE0, s26;
	v17 =	vmov s26;
	[tilespmem:s23+$0x0] =	vst v19  }
.LBB2_60:
0x685: {  	p0 =	sne.s32 s25, $0x11F;
	v18 =	vand.u32 $0x18, v17;
	v19 =	vadd.s32 s24, v12;
	v16 =	vld.idx.msk [tilespmem:v16+s3+$0x0], $0xffff  }
0x686: {  	v17 =	vand.u32 $0x7, v17;
	v19 =	vor.u32 v18, v19  }
0x687: {  	v19 =	vor.u32 v17, v19;
	_ =	sdelay $0x3  }
0x688: {  	[tilespmem:s23+$0x10] =	vst v16  }
0x689: {  	v16 =	vld.idx.msk [tilespmem:v19+s3+$0x0], $0xffff;
	v19 =	vadd.s32 s24, v13  }
0x68a: {  	v19 =	vor.u32 v18, v19  }
0x68b: {  	v19 =	vor.u32 v17, v19;
	_ =	sdelay $0x2  }
0x68c: {  	s23 =	sadd.s32 $0x40, s23  }
0x68d: {  	[tilespmem:s23+$0xFFFFFFE0] =	vst v16  }
0x68e: {  	v16 =	vld.idx.msk [tilespmem:v19+s3+$0x0], $0xffff;
	v19 =	vadd.s32 s24, v14  }
0x68f: {  	v19 =	vor.u32 v18, v19  }
0x690: {  	v19 =	vor.u32 v17, v19;
	_ =	sdelay $0x3  }
0x691: {  	[tilespmem:s23+$0xFFFFFFF0] =	vst v16  }
0x692: {  	v16 =	vadd.s32 s24, v15;
	v19 =	vld.idx.msk [tilespmem:v19+s3+$0x0], $0xffff  }
0x693: {  	v16 =	vor.u32 v18, v16  }
.Ltmp29:
0x694: {  	v16 =	vor.u32 v17, v16;
	(pc) =	sbr.rel @p0 .LBB2_60-.Ltmp29, $2  }
0x695: {  	_ =	sdelay $0x2  }
0x696: {  	s24 =	sand.u32 $0xFFFFFFE0, s25;
	v17 =	vmov s25;
	s25 =	sadd.s32 $0x1, s25;
	[tilespmem:s23+$0x0] =	vst v19  }
0x697: {  	_ =	sdelay $0x2  }
0x698: {  	v18 =	vand.u32 $0x18, v17;
	v19 =	vadd.s32 s24, v12  }
0x699: {  	v16 =	vld.idx.msk [tilespmem:v16+s3+$0x0], $0xffff;
	v17 =	vand.u32 $0x7, v17;
	v19 =	vor.u32 v18, v19  }
0x69a: {  	v19 =	vor.u32 v17, v19;
	_ =	sdelay $0x3  }
0x69b: {  	[tilespmem:s23+$0x10] =	vst v16;
	v16 =	vadd.s32 s24, v13  }
0x69c: {  	v16 =	vor.u32 v18, v16;
	v19 =	vld.idx.msk [tilespmem:v19+s3+$0x0], $0xffff  }
0x69d: {  	v16 =	vor.u32 v17, v16;
	_ =	sdelay $0x2  }
0x69e: {  	s23 =	sadd.s32 $0x40, s23  }
0x69f: {  	[tilespmem:s23+$0xFFFFFFE0] =	vst v19;
	v19 =	vadd.s32 s24, v14  }
0x6a0: {  	v16 =	vld.idx.msk [tilespmem:v16+s3+$0x0], $0xffff;
	v19 =	vor.u32 v18, v19  }
0x6a1: {  	v19 =	vor.u32 v17, v19;
	_ =	sdelay $0x3  }
0x6a2: {  	[tilespmem:s23+$0xFFFFFFF0] =	vst v16;
	v16 =	vadd.s32 s24, v15  }
0x6a3: {  	v19 =	vld.idx.msk [tilespmem:v19+s3+$0x0], $0xffff;
	v16 =	vor.u32 v18, v16  }
0x6a4: {  	v16 =	vor.u32 v17, v16;
	_ =	sdelay $0x3  }
0x6a5: {  	[tilespmem:s23+$0x0] =	vst v19  }
0x6a6: {  	v16 =	vld.idx.msk [tilespmem:v16+s3+$0x0], $0xffff  }
0x6a7: {  	s26 =	simm.s32 $0x0;
	s25 =	simm.s32 $0x120  }
0x6a8: {  	v17 =	vmov s26;
	s26 =	sand.u32 $0xFFFFFFE0, s25  }
0x6a9: {  	v18 =	vand.u32 $0x18, v17;
	v19 =	vadd.s32 s26, v12  }
0x6aa: {  	v20 =	vand.u32 $0x7, v17;
	v17 =	vor.u32 v18, v19  }
0x6ab: {  	[tilespmem:s23+$0x10] =	vst v16;
	v16 =	vor.u32 v20, v17  }
0x6ac: {  	[spmem:s12] =	stream.strided.scatter [tilespmem:s19], [sflag:$0x2], $0xC00, s18, s17, $0x38;
	[tilespmem:$0x1F800] =	vst v63  }
0x6ad: {  	_ =	swait.ge [sflag:s16], $0xC00  }
0x6ae: {  	[sflag:s16] =	ssyncset.done $0x0  }
0x6af: {  	v17 =	vadd.s32 s26, v13;
	[sflag:s16] =	ssyncadd.s32 $0xFFFFF400  }
0x6b0: {  	v17 =	vor.u32 v18, v17;
	v16 =	vld.idx.msk [tilespmem:v16+s3+$0x0], $0xffff  }
0x6b1: {  	v17 =	vor.u32 v20, v17;
	_ =	sdelay $0x2  }
0x6b2: {  	s23 =	simm.s32 $0x6C20  }
0x6b3: {  	[tilespmem:s23+$0xFFFFFFE0] =	vst v16;
	v16 =	vadd.s32 s26, v14  }
0x6b4: {  	v17 =	vld.idx.msk [tilespmem:v17+s3+$0x0], $0xffff;
	v16 =	vor.u32 v18, v16  }
0x6b5: {  	v16 =	vor.u32 v20, v16;
	_ =	sdelay $0x3  }
0x6b6: {  	v19 =	vadd.s32 s26, v15;
	[tilespmem:s23+$0xFFFFFFF0] =	vst v17  }
0x6b7: {  	v18 =	vor.u32 v18, v19;
	v17 =	vld.idx.msk [tilespmem:v16+s3+$0x0], $0xffff  }
0x6b8: {  	v16 =	vor.u32 v20, v18;
	_ =	sdelay $0x2  }
0x6b9: {  	s24 =	simm.s32 $0x1;
	s25 =	simm.s32 $0x2;
	s26 =	simm.s32 $0x121  }
.LBB2_62:
0x6ba: {  	p0 =	sne.s32 s25, $0x2F;
	v18 =	vmov s24;
	s26 =	sand.u32 $0xFFFFFFE0, s26;
	[tilespmem:s23+$0x0] =	vst v17;
	s24 =	smov.u32 s25  }
0x6bb: {  	v19 =	vand.u32 $0x18, v18;
	v17 =	vadd.s32 s26, v12;
	v16 =	vld.idx.msk [tilespmem:v16+s3+$0x0], $0xffff  }
0x6bc: {  	v18 =	vand.u32 $0x7, v18;
	v17 =	vor.u32 v19, v17  }
0x6bd: {  	v17 =	vor.u32 v18, v17;
	_ =	sdelay $0x3  }
0x6be: {  	[tilespmem:s23+$0x10] =	vst v16  }
0x6bf: {  	v16 =	vld.idx.msk [tilespmem:v17+s3+$0x0], $0xffff;
	v17 =	vadd.s32 s26, v13  }
0x6c0: {  	v17 =	vor.u32 v19, v17  }
0x6c1: {  	v17 =	vor.u32 v18, v17;
	_ =	sdelay $0x2  }
0x6c2: {  	s23 =	sadd.s32 $0x40, s23  }
0x6c3: {  	[tilespmem:s23+$0xFFFFFFE0] =	vst v16  }
0x6c4: {  	v16 =	vld.idx.msk [tilespmem:v17+s3+$0x0], $0xffff;
	v17 =	vadd.s32 s26, v14  }
0x6c5: {  	v17 =	vor.u32 v19, v17  }
0x6c6: {  	v17 =	vor.u32 v18, v17;
	_ =	sdelay $0x3  }
0x6c7: {  	[tilespmem:s23+$0xFFFFFFF0] =	vst v16  }
0x6c8: {  	v16 =	vadd.s32 s26, v15;
	v17 =	vld.idx.msk [tilespmem:v17+s3+$0x0], $0xffff  }
.Ltmp30:
0x6c9: {  	v16 =	vor.u32 v19, v16;
	(pc) =	sbr.rel @p0 .LBB2_62-.Ltmp30, $2  }
0x6ca: {  	v16 =	vor.u32 v18, v16;
	_ =	sdelay $0x2  }
0x6cb: {  	s25 =	sadd.s32 $0x1, s25;
	s26 =	sadd.s32 $0x120, s24  }
0x6cc: {  	_ =	sdelay $0x1  }
0x6cd: {  	v18 =	vmov s24;
	s25 =	sand.u32 $0xFFFFFFE0, s26  }
0x6ce: {  	[tilespmem:s23+$0x0] =	vst v17;
	v17 =	vand.u32 $0x18, v18;
	v19 =	vadd.s32 s25, v12  }
0x6cf: {  	v16 =	vld.idx.msk [tilespmem:v16+s3+$0x0], $0xffff;
	v18 =	vand.u32 $0x7, v18;
	v19 =	vor.u32 v17, v19  }
0x6d0: {  	v19 =	vor.u32 v18, v19;
	_ =	sdelay $0x3  }
0x6d1: {  	[tilespmem:s23+$0x10] =	vst v16;
	v16 =	vadd.s32 s25, v13  }
0x6d2: {  	v16 =	vor.u32 v17, v16;
	v19 =	vld.idx.msk [tilespmem:v19+s3+$0x0], $0xffff  }
0x6d3: {  	v16 =	vor.u32 v18, v16;
	_ =	sdelay $0x2  }
0x6d4: {  	s26 =	sadd.s32 $0x40, s23  }
0x6d5: {  	[tilespmem:s26+$0xFFFFFFE0] =	vst v19;
	v19 =	vadd.s32 s25, v14  }
0x6d6: {  	v16 =	vld.idx.msk [tilespmem:v16+s3+$0x0], $0xffff;
	v19 =	vor.u32 v17, v19  }
0x6d7: {  	v19 =	vor.u32 v18, v19;
	_ =	sdelay $0x3  }
0x6d8: {  	[tilespmem:s26+$0xFFFFFFF0] =	vst v16;
	v16 =	vadd.s32 s25, v15  }
0x6d9: {  	v19 =	vld.idx.msk [tilespmem:v19+s3+$0x0], $0xffff;
	v16 =	vor.u32 v17, v16  }
0x6da: {  	v16 =	vor.u32 v18, v16;
	_ =	sdelay $0x3  }
0x6db: {  	[tilespmem:s26+$0x0] =	vst v19  }
0x6dc: {  	v16 =	vld.idx.msk [tilespmem:v16+s3+$0x0], $0xffff  }
0x6dd: {  	s25 =	simm.s32 $0x150  }
0x6de: {  	v17 =	vmov s25;
	s24 =	sand.u32 $0xFFFFFFE0, s25  }
0x6df: {  	v18 =	vand.u32 $0x18, v17;
	v19 =	vadd.s32 s24, v12  }
0x6e0: {  	v17 =	vand.u32 $0x7, v17;
	v19 =	vor.u32 v18, v19  }
0x6e1: {  	[tilespmem:s26+$0x10] =	vst v16;
	v16 =	vor.u32 v17, v19  }
0x6e2: {  	[spmem:s13] =	stream.strided.scatter [tilespmem:s19], [sflag:$0x2], $0xC00, s18, s17, $0x38;
	[tilespmem:$0x1F800] =	vst v63  }
0x6e3: {  	_ =	swait.ge [sflag:s16], $0xC00  }
0x6e4: {  	[sflag:s16] =	ssyncset.done $0x0  }
0x6e5: {  	v19 =	vadd.s32 s24, v13;
	[sflag:s16] =	ssyncadd.s32 $0xFFFFF400  }
0x6e6: {  	v19 =	vor.u32 v18, v19;
	v16 =	vld.idx.msk [tilespmem:v16+s3+$0x0], $0xffff  }
0x6e7: {  	v19 =	vor.u32 v17, v19;
	_ =	sdelay $0x2  }
0x6e8: {  	s23 =	simm.s32 $0x6C20  }
0x6e9: {  	[tilespmem:s23+$0xFFFFFFE0] =	vst v16;
	v16 =	vadd.s32 s24, v14  }
0x6ea: {  	v19 =	vld.idx.msk [tilespmem:v19+s3+$0x0], $0xffff;
	v16 =	vor.u32 v18, v16  }
0x6eb: {  	v16 =	vor.u32 v17, v16;
	_ =	sdelay $0x3  }
0x6ec: {  	[tilespmem:s23+$0xFFFFFFF0] =	vst v19  }
0x6ed: {  	v19 =	vld.idx.msk [tilespmem:v16+s3+$0x0], $0xffff;
	v16 =	vadd.s32 s24, v15  }
0x6ee: {  	v16 =	vor.u32 v18, v16  }
0x6ef: {  	v16 =	vor.u32 v17, v16;
	_ =	sdelay $0x2  }
0x6f0: {  	s26 =	simm.s32 $0x151  }
0x6f1: {  	s25 =	simm.s32 $0x152;
	s24 =	sand.u32 $0xFFFFFFE0, s26;
	v17 =	vmov s26;
	[tilespmem:s23+$0x0] =	vst v19  }
.LBB2_64:
0x6f2: {  	p0 =	sne.s32 s25, $0x17F;
	v18 =	vand.u32 $0x18, v17;
	v19 =	vadd.s32 s24, v12;
	v16 =	vld.idx.msk [tilespmem:v16+s3+$0x0], $0xffff  }
0x6f3: {  	v17 =	vand.u32 $0x7, v17;
	v19 =	vor.u32 v18, v19  }
0x6f4: {  	v19 =	vor.u32 v17, v19;
	_ =	sdelay $0x3  }
0x6f5: {  	[tilespmem:s23+$0x10] =	vst v16  }
0x6f6: {  	v16 =	vld.idx.msk [tilespmem:v19+s3+$0x0], $0xffff;
	v19 =	vadd.s32 s24, v13  }
0x6f7: {  	v19 =	vor.u32 v18, v19  }
0x6f8: {  	v19 =	vor.u32 v17, v19;
	_ =	sdelay $0x2  }
0x6f9: {  	s23 =	sadd.s32 $0x40, s23  }
0x6fa: {  	[tilespmem:s23+$0xFFFFFFE0] =	vst v16  }
0x6fb: {  	v16 =	vld.idx.msk [tilespmem:v19+s3+$0x0], $0xffff;
	v19 =	vadd.s32 s24, v14  }
0x6fc: {  	v19 =	vor.u32 v18, v19  }
0x6fd: {  	v19 =	vor.u32 v17, v19;
	_ =	sdelay $0x3  }
0x6fe: {  	[tilespmem:s23+$0xFFFFFFF0] =	vst v16  }
0x6ff: {  	v16 =	vadd.s32 s24, v15;
	v19 =	vld.idx.msk [tilespmem:v19+s3+$0x0], $0xffff  }
0x700: {  	v16 =	vor.u32 v18, v16  }
.Ltmp31:
0x701: {  	v16 =	vor.u32 v17, v16;
	(pc) =	sbr.rel @p0 .LBB2_64-.Ltmp31, $2  }
0x702: {  	_ =	sdelay $0x2  }
0x703: {  	s24 =	sand.u32 $0xFFFFFFE0, s25;
	v17 =	vmov s25;
	s25 =	sadd.s32 $0x1, s25;
	[tilespmem:s23+$0x0] =	vst v19  }
0x704: {  	_ =	sdelay $0x2  }
0x705: {  	v18 =	vand.u32 $0x18, v17;
	v19 =	vadd.s32 s24, v12  }
0x706: {  	v16 =	vld.idx.msk [tilespmem:v16+s3+$0x0], $0xffff;
	v17 =	vand.u32 $0x7, v17;
	v19 =	vor.u32 v18, v19  }
0x707: {  	v19 =	vor.u32 v17, v19;
	_ =	sdelay $0x3  }
0x708: {  	[tilespmem:s23+$0x10] =	vst v16;
	v16 =	vadd.s32 s24, v13  }
0x709: {  	v16 =	vor.u32 v18, v16;
	v19 =	vld.idx.msk [tilespmem:v19+s3+$0x0], $0xffff  }
0x70a: {  	v16 =	vor.u32 v17, v16;
	_ =	sdelay $0x2  }
0x70b: {  	s25 =	sadd.s32 $0x40, s23  }
0x70c: {  	v63 =	vadd.s32 s24, v14;
	[tilespmem:s25+$0xFFFFFFE0] =	vst v19  }
0x70d: {  	v19 =	vor.u32 v18, v63;
	v16 =	vld.idx.msk [tilespmem:v16+s3+$0x0], $0xffff  }
0x70e: {  	v19 =	vor.u32 v17, v19;
	_ =	sdelay $0x3  }
0x70f: {  	v20 =	vadd.s32 s24, v15;
	[tilespmem:s25+$0xFFFFFFF0] =	vst v16  }
0x710: {  	v18 =	vor.u32 v18, v20;
	v16 =	vld.idx.msk [tilespmem:v19+s3+$0x0], $0xffff  }
0x711: {  	v17 =	vor.u32 v17, v18;
	_ =	sdelay $0x3  }
0x712: {  	[tilespmem:s25+$0x0] =	vst v16  }
0x713: {  	v16 =	vld.idx.msk [tilespmem:v17+s3+$0x0], $0xffff;
	_ =	sdelay $0x4  }
0x714: {  	[tilespmem:s25+$0x10] =	vst v16  }
0x715: {  	[spmem:s14] =	stream.strided.scatter [tilespmem:s19], [sflag:$0x2], $0xC00, s18, s17, $0x38;
	[tilespmem:$0x1F800] =	vst v63  }
0x716: {  	_ =	swait.ge [sflag:s16], $0xC00  }
0x717: {  	[sflag:s16] =	ssyncset.done $0x0  }
0x718: {  	[sflag:s16] =	ssyncadd.s32 $0xFFFFF400  }
0x719: {  	[bflag:$0x0] =	sbarrier.arrive $0xFFFF  }
0x71a: {  	s26 =	sor.u32 $0x1C01, s2;
	s25 =	rddreg [dreg:$0x14]  }
0x71b: {  	[hbm:s28@s17], [sflag:s26] =	dma.strided [spmem:s25@s6], $0x6000, s20, $0x10   }
0x71c: {  	s24 =	rddreg [dreg:$0x15]  }
0x71d: {  	[hbm:s15@s17], [sflag:s26] =	dma.strided [spmem:s24@s6], $0x6000, s20, $0x10   }
0x71e: {  	s24 =	rddreg [dreg:$0x5]  }
0x71f: {  	s25 =	rddreg [dreg:$0x16]  }
0x720: {  	[hbm:s24@s17], [sflag:s26] =	dma.strided [spmem:s25@s6], $0x6000, s20, $0x10   }
0x721: {  	s24 =	rddreg [dreg:$0x6]  }
0x722: {  	s25 =	rddreg [dreg:$0x17]  }
0x723: {  	[hbm:s24@s17], [sflag:s26] =	dma.strided [spmem:s25@s6], $0x6000, s20, $0x10   }
0x724: {  	s24 =	rddreg [dreg:$0x7]  }
0x725: {  	s25 =	rddreg [dreg:$0x18]  }
0x726: {  	[hbm:s24@s17], [sflag:s26] =	dma.strided [spmem:s25@s6], $0x6000, s20, $0x10   }
0x727: {  	s24 =	rddreg [dreg:$0x8]  }
0x728: {  	s25 =	rddreg [dreg:$0x19]  }
0x729: {  	[hbm:s24@s17], [sflag:s26] =	dma.strided [spmem:s25@s6], $0x6000, s20, $0x10   }
0x72a: {  	s24 =	rddreg [dreg:$0x9]  }
0x72b: {  	s25 =	rddreg [dreg:$0x1a]  }
0x72c: {  	[hbm:s24@s17], [sflag:s26] =	dma.strided [spmem:s25@s6], $0x6000, s20, $0x10   }
0x72d: {  	s24 =	rddreg [dreg:$0xa]  }
0x72e: {  	s25 =	rddreg [dreg:$0x1b]  }
0x72f: {  	[hbm:s24@s17], [sflag:s26] =	dma.strided [spmem:s25@s6], $0x6000, s20, $0x10   }
0x730: {  	s24 =	rddreg [dreg:$0xb]  }
0x731: {  	s25 =	rddreg [dreg:$0x1c]  }
0x732: {  	[hbm:s24@s17], [sflag:s26] =	dma.strided [spmem:s25@s6], $0x6000, s20, $0x10   }
0x733: {  	s24 =	rddreg [dreg:$0xc]  }
0x734: {  	s25 =	rddreg [dreg:$0x1d]  }
0x735: {  	[hbm:s24@s17], [sflag:s26] =	dma.strided [spmem:s25@s6], $0x6000, s20, $0x10   }
0x736: {  	s24 =	rddreg [dreg:$0xd]  }
0x737: {  	s25 =	rddreg [dreg:$0x1e]  }
0x738: {  	[hbm:s24@s17], [sflag:s26] =	dma.strided [spmem:s25@s6], $0x6000, s20, $0x10   }
0x739: {  	s24 =	rddreg [dreg:$0xe]  }
0x73a: {  	s25 =	rddreg [dreg:$0x1f]  }
0x73b: {  	[hbm:s24@s17], [sflag:s26] =	dma.strided [spmem:s25@s6], $0x6000, s20, $0x10   }
0x73c: {  	s25 =	sld [smem:$0x7E9];
	_ =	sdelay $0x1  }
0x73d: {  	s24 =	rddreg [dreg:$0xf]  }
0x73e: {  	[hbm:s24@s17], [sflag:s26] =	dma.strided [spmem:s25@s6], $0x6000, s20, $0x10   }
0x73f: {  	s25 =	sld [smem:$0x7EA];
	_ =	sdelay $0x1  }
0x740: {  	s24 =	rddreg [dreg:$0x10]  }
0x741: {  	[hbm:s24@s17], [sflag:s26] =	dma.strided [spmem:s25@s6], $0x6000, s20, $0x10   }
0x742: {  	s25 =	sld [smem:$0x7EB];
	_ =	sdelay $0x1  }
0x743: {  	s24 =	rddreg [dreg:$0x11]  }
0x744: {  	[hbm:s24@s17], [sflag:s26] =	dma.strided [spmem:s25@s6], $0x6000, s20, $0x10   }
0x745: {  	s25 =	sld [smem:$0x7EC];
	_ =	sdelay $0x1  }
0x746: {  	s24 =	rddreg [dreg:$0x12]  }
0x747: {  	[hbm:s24@s17], [sflag:s26] =	dma.strided [spmem:s25@s6], $0x6000, s20, $0x10   }
0x748: {  	_ =	swait.ge [sflag:s21], $0x6000  }
0x749: {  	[sflag:s21] =	ssyncset.done $0x0  }
0x74a: {  	[sflag:s21] =	ssyncadd.s32 $0xFFFFA000  }
0x74b: {  	_ =	swait.ge [sflag:s21], $0x6000  }
0x74c: {  	[sflag:s21] =	ssyncset.done $0x0  }
0x74d: {  	[sflag:s21] =	ssyncadd.s32 $0xFFFFA000  }
0x74e: {  	_ =	swait.ge [sflag:s21], $0x6000  }
0x74f: {  	[sflag:s21] =	ssyncset.done $0x0  }
0x750: {  	[sflag:s21] =	ssyncadd.s32 $0xFFFFA000  }
0x751: {  	_ =	swait.ge [sflag:s21], $0x6000  }
0x752: {  	[sflag:s21] =	ssyncset.done $0x0  }
0x753: {  	[sflag:s21] =	ssyncadd.s32 $0xFFFFA000  }
0x754: {  	_ =	swait.ge [sflag:s21], $0x6000  }
0x755: {  	[sflag:s21] =	ssyncset.done $0x0  }
0x756: {  	[sflag:s21] =	ssyncadd.s32 $0xFFFFA000  }
0x757: {  	_ =	swait.ge [sflag:s21], $0x6000  }
0x758: {  	[sflag:s21] =	ssyncset.done $0x0  }
0x759: {  	[sflag:s21] =	ssyncadd.s32 $0xFFFFA000  }
0x75a: {  	_ =	swait.ge [sflag:s21], $0x6000  }
0x75b: {  	[sflag:s21] =	ssyncset.done $0x0  }
0x75c: {  	[sflag:s21] =	ssyncadd.s32 $0xFFFFA000  }
0x75d: {  	_ =	swait.ge [sflag:s21], $0x6000  }
0x75e: {  	[sflag:s21] =	ssyncset.done $0x0  }
0x75f: {  	[sflag:s21] =	ssyncadd.s32 $0xFFFFA000  }
0x760: {  	_ =	swait.ge [sflag:s21], $0x6000  }
0x761: {  	[sflag:s21] =	ssyncset.done $0x0  }
0x762: {  	[sflag:s21] =	ssyncadd.s32 $0xFFFFA000  }
0x763: {  	_ =	swait.ge [sflag:s21], $0x6000  }
0x764: {  	[sflag:s21] =	ssyncset.done $0x0  }
0x765: {  	[sflag:s21] =	ssyncadd.s32 $0xFFFFA000  }
0x766: {  	_ =	swait.ge [sflag:s21], $0x6000  }
0x767: {  	[sflag:s21] =	ssyncset.done $0x0  }
0x768: {  	[sflag:s21] =	ssyncadd.s32 $0xFFFFA000  }
0x769: {  	_ =	swait.ge [sflag:s21], $0x6000  }
0x76a: {  	[sflag:s21] =	ssyncset.done $0x0  }
0x76b: {  	[sflag:s21] =	ssyncadd.s32 $0xFFFFA000  }
0x76c: {  	_ =	swait.ge [sflag:s21], $0x6000  }
0x76d: {  	[sflag:s21] =	ssyncset.done $0x0  }
0x76e: {  	[sflag:s21] =	ssyncadd.s32 $0xFFFFA000  }
0x76f: {  	_ =	swait.ge [sflag:s21], $0x6000  }
0x770: {  	[sflag:s21] =	ssyncset.done $0x0  }
0x771: {  	[sflag:s21] =	ssyncadd.s32 $0xFFFFA000  }
0x772: {  	_ =	swait.ge [sflag:s21], $0x6000  }
0x773: {  	[sflag:s21] =	ssyncset.done $0x0  }
0x774: {  	[sflag:s21] =	ssyncadd.s32 $0xFFFFA000  }
0x775: {  	_ =	swait.ge [sflag:s21], $0x6000  }
0x776: {  	s22 =	sadd.s32 $0x1, s22;
	s26 =	rddreg [dreg:$0x13]  }
0x777: {  	p0 =	sne.s32 s22, s26  }
.Ltmp32:
0x778: {  	_ = 	snop;
	(pc) =	sbr.rel @p0 .LBB2_1-.Ltmp32, $3  }
0x779: {  	_ =	sdelay $0x1  }
0x77a: {  	[sflag:s21] =	ssyncset.done $0x0  }
0x77b: {  	[sflag:s21] =	ssyncadd.s32 $0xFFFFA000  }
0x77c: {  	_ =	sfence.sel $0x180000  }
0x77d: {  	[bflag:$0x0] =	sbarrier.arrive $0xFFFF  }
0x77e: {  	_ =	strace $0x90000047  }
0x77f: {  	s0 =	stileid.u32;
	[bflag:$0x2] =	sbarrier.arrive $0xFFFF  }
0x780: {  	p0 =	sne.s32 s0, $0x0;
	s0 =	rddreg [dreg:$0x3]  }
0x781: {  	s0 =	sadd.s32 @!p0 $0x100000, s0  }
0x782: {  	[sflag:s0] =	ssyncadd.tile.s32 @!p0 $0x1;
	_ =	shalt  }
.Lfunc_end2:
_tile_overlayer_lowered:
.L_overlay_start_2:
0x783: {  	(tag) =	ssettag $0x2  }
0x784: {  	s0 =	rddreg [dreg:$0x0];
	s2 =	stileid.u32  }
0x785: {  	s1 =	rddreg [dreg:$0x1];
	p0 =	sne.s32 s2, $0x0  }
0x786: {  	s3 =	rddreg [dreg:$0x2];
	[bflag:$0x3] =	sbarrier.arrive $0xFFFF;
	s2 =	simm.s32 @!p0 $0x1C02  }
0x787: {  	[timem:s3], [sflag:s2] =	dma.local @!p0 [hbm:s0], s1  }
0x788: {  	s0 =	simm.s32 @!p0 $0x2  }
0x789: {  	_ =	swait.ge @!p0 [sflag:s0], s1  }
0x78a: {  	s1 =	ssub.s32 @!p0 $0x0, s1;
	[sflag:s0] =	ssyncset.done @!p0 $0x0  }
0x78b: {  	[sflag:s0] =	ssyncadd.s32 @!p0 s1  }
0x78c: {  	[bflag:$0x3] =	sbarrier.arrive $0xFFFF  }
0x78d: {  	_ =	shalt  }

</sc_bundles>
